<compile_context>
chip_gen: v7x
topology: tpu7x:2x2x1
jax: 0.10.2.dev20260603
libtpu: 0.0.44.dev20260713+nightly
codegen_flags: <defaults>
</compile_context>

<pallas_src>
import functools

import jax
import jax.numpy as jnp
from jax import lax
from jax.experimental import pallas as pl
from jax.experimental.pallas import tpu as pltpu
from jax.experimental.pallas import tpu_sc as plsc

N_NODES = 10000
E = 320000
D = 128
HID = 16
NREL = 5

NC, NS = 2, 16
NW = NC * NS
EPW = E // NW
CH = 80
NCHUNK = EPW // CH
NBUF = 5
NJ = NCHUNK // NBUF

BT2 = 4000
NBT = E // 2 // BT2

HIMASK = -65536


def _sc_gather_mul(x, row, col):
    mesh = plsc.VectorSubcoreMesh(
        core_axis_name="c", subcore_axis_name="s", num_cores=NC, num_subcores=NS)

    @functools.partial(
        pl.kernel,
        out_type=jax.ShapeDtypeStruct((E // 2, D), jnp.int32),
        mesh=mesh,
        compiler_params=pltpu.CompilerParams(
            needs_layout_passes=False, use_tc_tiling_on_sc=False),
        scratch_types=[
            pltpu.VMEM((EPW,), jnp.int32),
            pltpu.VMEM((EPW,), jnp.int32),
            [pltpu.VMEM((CH, D // 2), jnp.int32) for _ in range(NBUF)],
            [pltpu.VMEM((CH, D // 2), jnp.int32) for _ in range(NBUF)],
            [pltpu.VMEM((CH // 2, D), jnp.int32) for _ in range(NBUF)],
            [pltpu.SemaphoreType.DMA for _ in range(NBUF)],
            [pltpu.SemaphoreType.DMA for _ in range(NBUF)],
            [pltpu.SemaphoreType.DMA for _ in range(NBUF)],
        ],
    )
    def k(x_hbm, row_hbm, col_hbm, y_hbm, idxr, idxc, xi, xj, yb, smr, smc,
          sst):
        wid = lax.axis_index("s") * NC + lax.axis_index("c")
        base = pl.multiple_of(wid * EPW, EPW)
        pltpu.sync_copy(row_hbm.at[pl.ds(base, EPW)], idxr)
        pltpu.sync_copy(col_hbm.at[pl.ds(base, EPW)], idxc)

        def fire(ci, b):
            off = pl.multiple_of(ci * CH, CH)
            pltpu.async_copy(x_hbm.at[idxr.at[pl.ds(off, CH)]], xi[b], smr[b])
            pltpu.async_copy(x_hbm.at[idxc.at[pl.ds(off, CH)]], xj[b], smc[b])

        def gwait(b):
            pltpu.make_async_copy(x_hbm.at[idxr.at[pl.ds(0, CH)]], xi[b],
                                  smr[b]).wait()
            pltpu.make_async_copy(x_hbm.at[idxc.at[pl.ds(0, CH)]], xj[b],
                                  smc[b]).wait()

        def swait(b):
            pltpu.make_async_copy(yb[b], y_hbm.at[pl.ds(0, CH // 2)],
                                  sst[b]).wait()

        for b in range(NBUF - 1):
            fire(b, b)

        def outer(j, carry):
            for b in range(NBUF):
                ci = j * NBUF + b
                gwait(b)

                def rowmul(r2, c2):
                    for half in range(2):
                        r = r2 * 2 + half
                        for kk in range(D // 32):
                            s = pl.ds(kk * 16, 16)
                            vi = xi[b][r, s]
                            vj = xj[b][r, s]
                            a0 = plsc.bitcast(vi << 16, jnp.float32)
                            b0 = plsc.bitcast(vj << 16, jnp.float32)
                            a1 = plsc.bitcast(vi & HIMASK, jnp.float32)
                            b1 = plsc.bitcast(vj & HIMASK, jnp.float32)
                            p0 = plsc.bitcast(a0 * b0, jnp.int32)
                            p1 = plsc.bitcast(a1 * b1, jnp.int32)
                            q0 = lax.shift_right_logical(p0 + 0x8000, 16)
                            q1 = (p1 + 0x8000) & HIMASK
                            yb[b][r2, pl.ds(half * 64 + kk * 16, 16)] = (
                                q0 | q1)
                    return c2

                lax.fori_loop(0, CH // 2, rowmul, 0, unroll=2)
                off = pl.multiple_of(ci * CH, CH)
                pltpu.async_copy(yb[b],
                                 y_hbm.at[pl.ds((base + off) // 2, CH // 2)],
                                 sst[b])
                nb = (b + NBUF - 1) % NBUF
                if b == 0:
                    @pl.when(j > 0)
                    def _():
                        swait(nb)
                    fire(ci + NBUF - 1, nb)
                else:
                    @pl.when(j < NJ - 1)
                    def _():
                        swait(nb)
                        fire(ci + NBUF - 1, nb)
            return carry

        lax.fori_loop(0, NJ, outer, 0)
        for b in range(NBUF):
            swait(b)

    return k(x, row, col)


def _tc_mlp(y32, c4, rel2, W0a, wc, b0r, Wf, bf):
    def body(y_ref, c4_ref, rel_ref, W0a_ref, wc_ref, b0_ref, Wf_ref,
             bf_ref, ones_ref, o_ref):
        v = y_ref[...]
        ylo = lax.bitcast_convert_type(v << 16, jnp.float32)
        yhi = lax.bitcast_convert_type(v & HIMASK, jnp.float32)
        ylo = ylo.astype(jnp.bfloat16)
        yhi = yhi.astype(jnp.bfloat16)
        cc = c4_ref[...]
        rel = rel_ref[...]
        outs = []
        for half in range(2):
            sl = slice(half * 64, half * 64 + 64)
            yb = jnp.concatenate([ylo[:, sl], yhi[:, sl]], axis=1)
            c = cc[:, 2 * half:2 * half + 1] * cc[:, 2 * half + 1:2 * half + 2]
            h = jnp.dot(yb, W0a_ref[...], preferred_element_type=jnp.float32)
            h = jnp.maximum(h + c * wc_ref[...] + b0_ref[...], 0.0)
            o5 = jnp.dot(h, Wf_ref[...], preferred_element_type=jnp.float32)
            o5 = o5 + bf_ref[...]
            onehot = (rel[:, half:half + 1]
                      == lax.broadcasted_iota(jnp.int32, (1, NREL), 1))
            sel = o5 * onehot.astype(jnp.float32)
            outs.append(jnp.dot(sel, ones_ref[...],
                                preferred_element_type=jnp.float32))
        o_ref[...] = jnp.concatenate(outs, axis=1)

    ones5 = jnp.ones((NREL, 1), jnp.float32)
    return pl.pallas_call(
        body,
        grid=(NBT,),
        in_specs=[
            pl.BlockSpec((BT2, D), lambda i: (i, 0)),
            pl.BlockSpec((BT2, 4), lambda i: (i, 0)),
            pl.BlockSpec((BT2, 2), lambda i: (i, 0)),
            pl.BlockSpec((D, HID), lambda i: (0, 0)),
            pl.BlockSpec((1, HID), lambda i: (0, 0)),
            pl.BlockSpec((1, HID), lambda i: (0, 0)),
            pl.BlockSpec((HID, NREL), lambda i: (0, 0)),
            pl.BlockSpec((1, NREL), lambda i: (0, 0)),
            pl.BlockSpec((NREL, 1), lambda i: (0, 0)),
        ],
        out_specs=pl.BlockSpec((BT2, 2), lambda i: (i, 0)),
        out_shape=jax.ShapeDtypeStruct((E // 2, 2), jnp.float32),
    )(y32, c4, rel2, W0a, wc, b0r, Wf, bf, ones5)


def kernel(x, edge_index, relations, concs, W0, b0, Wr, br):
    row = edge_index[:, 0]
    col = edge_index[:, 1]
    x32 = lax.bitcast_convert_type(
        x.astype(jnp.bfloat16).reshape(N_NODES, D // 2, 2), jnp.int32)
    y32 = _sc_gather_mul(x32, row, col)
    W0ab = W0[:D].astype(jnp.bfloat16)
    W0a = jnp.concatenate([W0ab[0::2], W0ab[1::2]], axis=0)
    wc = W0[D:D + 1, :]
    Wf = Wr[:, :, 0].T
    bf = br[:, 0][None, :]
    out2 = _tc_mlp(y32, concs.reshape(E // 2, 4), relations.reshape(E // 2, 2),
                   W0a, wc, b0[None, :], Wf, bf)
    return out2.reshape(E, 1)

# --- scband reference (transcript-rebuilt; emitter-appended) ---
"""Pipeline reference for scband-gnn-71880572665947 (READ-ONLY COPY).

The authoritative reference and input builder live on the scoring server;
editing this copy changes nothing except your own understanding.
"""

import jax, jax.numpy as jnp
import numpy as np

N_NODES = 10000
N_EDGES = 320000
D_FEAT = 128
HID = 16
N_REL = 5
LIN_IN = D_FEAT + 1  # hadamard aggr: embed_size + 1 = 129


def setup_inputs(seed: int = 0) -> dict:
    key = jax.random.key(seed)
    ks = jax.random.split(key, 8)
    x = jax.random.normal(ks[0], (N_NODES, D_FEAT), dtype=jnp.float32)
    edge_index = jax.random.randint(ks[1], (N_EDGES, 2), 0, N_NODES, dtype=jnp.int32)
    relations = jax.random.randint(ks[2], (N_EDGES,), 0, N_REL, dtype=jnp.int32)
    concs = jax.random.uniform(ks[3], (N_EDGES, 2), dtype=jnp.float32)
    # RelationAwareMLP params: shared layer [LIN_IN -> HID], then
    # relation-specific final layer [HID -> 1] (one weight set per relation).
    W0 = jax.random.normal(ks[4], (LIN_IN, HID), dtype=jnp.float32) / np.sqrt(LIN_IN)
    b0 = jnp.zeros((HID,), dtype=jnp.float32)
    Wr = jax.random.normal(ks[5], (N_REL, HID, 1), dtype=jnp.float32) / np.sqrt(HID)
    br = jnp.zeros((N_REL, 1), dtype=jnp.float32)
    return {"x": x, "edge_index": edge_index, "relations": relations, "concs": concs,
            "W0": W0, "b0": b0, "Wr": Wr, "br": br}


def reference(x, edge_index, relations, concs, W0, b0, Wr, br):
    # No GCN conv layers (gcn_channels has length 1 -> zero convs built).
    # row, col = edge_index.t()
    row = edge_index[:, 0]
    col = edge_index[:, 1]
    # gather node embeddings per edge and append per-endpoint concentrations
    x_i = jnp.concatenate([jnp.take(x, row, axis=0), concs[:, 0:1]], axis=1)
    x_j = jnp.concatenate([jnp.take(x, col, axis=0), concs[:, 1:2]], axis=1)
    # hadamard aggregation
    z = x_i * x_j  # [E, 129]
    # RelationAwareMLP: shared linear + relu (dropout rate 0 -> identity)
    h = jax.nn.relu(z @ W0 + b0)  # [E, HID]
    # relation-specific final layer: gather per-edge weights by relation id
    Wg = jnp.take(Wr, relations, axis=0)  # [E, HID, 1]
    bg = jnp.take(br, relations, axis=0)  # [E, 1]
    out = jnp.einsum('ei,eio->eo', h, Wg) + bg  # [E, 1]
    return out

if __name__ == "__main__":
    import jax
    _d = setup_inputs()
    print(jax.jit(kernel)(*tuple(_d.values())))

</pallas_src>

<mosaic_0001>
#map = affine_map<(d0, d1) -> (0, 0)>
#map1 = affine_map<(d0, d1) -> (0)>
module attributes {stable_mosaic.version = 14 : i64} {
  func.func @k(%arg0: i32, %arg1: i32, %arg2: memref<10000x64xi32, #tpu.memory_space<hbm>>, %arg3: memref<320000xi32, #tpu.memory_space<hbm>>, %arg4: memref<320000xi32, #tpu.memory_space<hbm>>, %arg5: memref<160000x128xi32, #tpu.memory_space<hbm>>, %arg6: memref<10000xi32, #tpu.memory_space<vmem>>, %arg7: memref<10000xi32, #tpu.memory_space<vmem>>, %arg8: memref<80x64xi32, #tpu.memory_space<vmem>>, %arg9: memref<80x64xi32, #tpu.memory_space<vmem>>, %arg10: memref<80x64xi32, #tpu.memory_space<vmem>>, %arg11: memref<80x64xi32, #tpu.memory_space<vmem>>, %arg12: memref<80x64xi32, #tpu.memory_space<vmem>>, %arg13: memref<80x64xi32, #tpu.memory_space<vmem>>, %arg14: memref<80x64xi32, #tpu.memory_space<vmem>>, %arg15: memref<80x64xi32, #tpu.memory_space<vmem>>, %arg16: memref<80x64xi32, #tpu.memory_space<vmem>>, %arg17: memref<80x64xi32, #tpu.memory_space<vmem>>, %arg18: memref<40x128xi32, #tpu.memory_space<vmem>>, %arg19: memref<40x128xi32, #tpu.memory_space<vmem>>, %arg20: memref<40x128xi32, #tpu.memory_space<vmem>>, %arg21: memref<40x128xi32, #tpu.memory_space<vmem>>, %arg22: memref<40x128xi32, #tpu.memory_space<vmem>>, %arg23: memref<!tpu.dma_semaphore, #tpu.memory_space<semaphore_mem>>, %arg24: memref<!tpu.dma_semaphore, #tpu.memory_space<semaphore_mem>>, %arg25: memref<!tpu.dma_semaphore, #tpu.memory_space<semaphore_mem>>, %arg26: memref<!tpu.dma_semaphore, #tpu.memory_space<semaphore_mem>>, %arg27: memref<!tpu.dma_semaphore, #tpu.memory_space<semaphore_mem>>, %arg28: memref<!tpu.dma_semaphore, #tpu.memory_space<semaphore_mem>>, %arg29: memref<!tpu.dma_semaphore, #tpu.memory_space<semaphore_mem>>, %arg30: memref<!tpu.dma_semaphore, #tpu.memory_space<semaphore_mem>>, %arg31: memref<!tpu.dma_semaphore, #tpu.memory_space<semaphore_mem>>, %arg32: memref<!tpu.dma_semaphore, #tpu.memory_space<semaphore_mem>>, %arg33: memref<!tpu.dma_semaphore, #tpu.memory_space<semaphore_mem>>, %arg34: memref<!tpu.dma_semaphore, #tpu.memory_space<semaphore_mem>>, %arg35: memref<!tpu.dma_semaphore, #tpu.memory_space<semaphore_mem>>, %arg36: memref<!tpu.dma_semaphore, #tpu.memory_space<semaphore_mem>>, %arg37: memref<!tpu.dma_semaphore, #tpu.memory_space<semaphore_mem>>) attributes {dimension_semantics = [#tpu.dimension_semantics<core_parallel>, #tpu.dimension_semantics<subcore_parallel>], iteration_bounds = array<i64: 2, 16>, scalar_prefetch = 0 : i64, scratch_operands = 32 : i64, tpu.core_type = #tpu.core_type<sc_vector_subcore>, window_params = [{transform_indices = #map}, {transform_indices = #map1}, {transform_indices = #map1}, {transform_indices = #map}]} {
    %mul3A = arith.constant 2 : i32
    %mul3A_0 = arith.muli %arg1, %mul3A : i32
    %add3A = arith.addi %mul3A_0, %arg0 : i32
    %mul3A_1 = arith.constant 10000 : i32
    %mul3A_2 = arith.muli %add3A, %mul3A_1 : i32
    %multiple_of3A = tpu.assume_multiple %mul3A_2, 10000 : i32
    "tpu.region"() ({
      %run_scoped3A = tpu.sem_alloc : memref<!tpu.dma_semaphore, #tpu.memory_space<semaphore_mem>>
      %dma_start3A_76 = tpu.memref_slice %arg3[%multiple_of3A] : memref<320000xi32, #tpu.memory_space<hbm>> -> memref<10000xi32, #tpu.memory_space<hbm>>
      %dma_start3A_77 = tpu.memref_slice %arg3[%multiple_of3A] : memref<320000xi32, #tpu.memory_space<hbm>> -> memref<10000xi32, #tpu.memory_space<hbm>>
      tpu.enqueue_dma source(%dma_start3A_77 : memref<10000xi32, #tpu.memory_space<hbm>>) target(%arg6 : memref<10000xi32, #tpu.memory_space<vmem>>) target_semaphore(%run_scoped3A : memref<!tpu.dma_semaphore, #tpu.memory_space<semaphore_mem>>)
      %dma_wait3A_78 = tpu.memref_slice %arg3[%multiple_of3A] : memref<320000xi32, #tpu.memory_space<hbm>> -> memref<10000xi32, #tpu.memory_space<hbm>>
      %dma_wait3A_79 = tpu.memref_slice %arg3[%multiple_of3A] : memref<320000xi32, #tpu.memory_space<hbm>> -> memref<10000xi32, #tpu.memory_space<hbm>>
      tpu.wait_dma2 semaphore(%run_scoped3A : memref<!tpu.dma_semaphore, #tpu.memory_space<semaphore_mem>>) src(%dma_wait3A_79 : memref<10000xi32, #tpu.memory_space<hbm>>) dst(%arg6 : memref<10000xi32, #tpu.memory_space<vmem>>)
      tpu.yield
    }) : () -> ()
    "tpu.region"() ({
      %run_scoped3A = tpu.sem_alloc : memref<!tpu.dma_semaphore, #tpu.memory_space<semaphore_mem>>
      %dma_start3A_76 = tpu.memref_slice %arg4[%multiple_of3A] : memref<320000xi32, #tpu.memory_space<hbm>> -> memref<10000xi32, #tpu.memory_space<hbm>>
      %dma_start3A_77 = tpu.memref_slice %arg4[%multiple_of3A] : memref<320000xi32, #tpu.memory_space<hbm>> -> memref<10000xi32, #tpu.memory_space<hbm>>
      tpu.enqueue_dma source(%dma_start3A_77 : memref<10000xi32, #tpu.memory_space<hbm>>) target(%arg7 : memref<10000xi32, #tpu.memory_space<vmem>>) target_semaphore(%run_scoped3A : memref<!tpu.dma_semaphore, #tpu.memory_space<semaphore_mem>>)
      %dma_wait3A_78 = tpu.memref_slice %arg4[%multiple_of3A] : memref<320000xi32, #tpu.memory_space<hbm>> -> memref<10000xi32, #tpu.memory_space<hbm>>
      %dma_wait3A_79 = tpu.memref_slice %arg4[%multiple_of3A] : memref<320000xi32, #tpu.memory_space<hbm>> -> memref<10000xi32, #tpu.memory_space<hbm>>
      tpu.wait_dma2 semaphore(%run_scoped3A : memref<!tpu.dma_semaphore, #tpu.memory_space<semaphore_mem>>) src(%dma_wait3A_79 : memref<10000xi32, #tpu.memory_space<hbm>>) dst(%arg7 : memref<10000xi32, #tpu.memory_space<vmem>>)
      tpu.yield
    }) : () -> ()
    %multiple_of3A_3 = arith.constant 0 : i32
    %multiple_of3A_4 = tpu.assume_multiple %multiple_of3A_3, 80 : i32
    %dma_start3A = tpu.memref_slice %arg6[%multiple_of3A_4] : memref<10000xi32, #tpu.memory_space<vmem>> -> memref<80xi32, #tpu.memory_space<vmem>>
    %dma_start3A_5 = arith.constant 0 : i32
    %dma_start3A_6 = arith.constant 0 : i32
    %dma_start3A_7 = tpu.memref_slice %arg2[%dma_start3A_5, %dma_start3A_6] : memref<10000x64xi32, #tpu.memory_space<hbm>> -> memref<10000x64xi32, #tpu.memory_space<hbm>>
    tpu.enqueue_indirect_dma source(%dma_start3A_7 : memref<10000x64xi32, #tpu.memory_space<hbm>>) target(%arg8 : memref<80x64xi32, #tpu.memory_space<vmem>>) offsets(%dma_start3A : memref<80xi32, #tpu.memory_space<vmem>>) semaphore(%arg23 : memref<!tpu.dma_semaphore, #tpu.memory_space<semaphore_mem>>)
    %dma_start3A_8 = tpu.memref_slice %arg7[%multiple_of3A_4] : memref<10000xi32, #tpu.memory_space<vmem>> -> memref<80xi32, #tpu.memory_space<vmem>>
    %dma_start3A_9 = arith.constant 0 : i32
    %dma_start3A_10 = arith.constant 0 : i32
    %dma_start3A_11 = tpu.memref_slice %arg2[%dma_start3A_9, %dma_start3A_10] : memref<10000x64xi32, #tpu.memory_space<hbm>> -> memref<10000x64xi32, #tpu.memory_space<hbm>>
    tpu.enqueue_indirect_dma source(%dma_start3A_11 : memref<10000x64xi32, #tpu.memory_space<hbm>>) target(%arg13 : memref<80x64xi32, #tpu.memory_space<vmem>>) offsets(%dma_start3A_8 : memref<80xi32, #tpu.memory_space<vmem>>) semaphore(%arg28 : memref<!tpu.dma_semaphore, #tpu.memory_space<semaphore_mem>>)
    %multiple_of3A_12 = arith.constant 80 : i32
    %multiple_of3A_13 = tpu.assume_multiple %multiple_of3A_12, 80 : i32
    %dma_start3A_14 = tpu.memref_slice %arg6[%multiple_of3A_13] : memref<10000xi32, #tpu.memory_space<vmem>> -> memref<80xi32, #tpu.memory_space<vmem>>
    %dma_start3A_15 = arith.constant 0 : i32
    %dma_start3A_16 = arith.constant 0 : i32
    %dma_start3A_17 = tpu.memref_slice %arg2[%dma_start3A_15, %dma_start3A_16] : memref<10000x64xi32, #tpu.memory_space<hbm>> -> memref<10000x64xi32, #tpu.memory_space<hbm>>
    tpu.enqueue_indirect_dma source(%dma_start3A_17 : memref<10000x64xi32, #tpu.memory_space<hbm>>) target(%arg9 : memref<80x64xi32, #tpu.memory_space<vmem>>) offsets(%dma_start3A_14 : memref<80xi32, #tpu.memory_space<vmem>>) semaphore(%arg24 : memref<!tpu.dma_semaphore, #tpu.memory_space<semaphore_mem>>)
    %dma_start3A_18 = tpu.memref_slice %arg7[%multiple_of3A_13] : memref<10000xi32, #tpu.memory_space<vmem>> -> memref<80xi32, #tpu.memory_space<vmem>>
    %dma_start3A_19 = arith.constant 0 : i32
    %dma_start3A_20 = arith.constant 0 : i32
    %dma_start3A_21 = tpu.memref_slice %arg2[%dma_start3A_19, %dma_start3A_20] : memref<10000x64xi32, #tpu.memory_space<hbm>> -> memref<10000x64xi32, #tpu.memory_space<hbm>>
    tpu.enqueue_indirect_dma source(%dma_start3A_21 : memref<10000x64xi32, #tpu.memory_space<hbm>>) target(%arg14 : memref<80x64xi32, #tpu.memory_space<vmem>>) offsets(%dma_start3A_18 : memref<80xi32, #tpu.memory_space<vmem>>) semaphore(%arg29 : memref<!tpu.dma_semaphore, #tpu.memory_space<semaphore_mem>>)
    %multiple_of3A_22 = arith.constant 160 : i32
    %multiple_of3A_23 = tpu.assume_multiple %multiple_of3A_22, 80 : i32
    %dma_start3A_24 = tpu.memref_slice %arg6[%multiple_of3A_23] : memref<10000xi32, #tpu.memory_space<vmem>> -> memref<80xi32, #tpu.memory_space<vmem>>
    %dma_start3A_25 = arith.constant 0 : i32
    %dma_start3A_26 = arith.constant 0 : i32
    %dma_start3A_27 = tpu.memref_slice %arg2[%dma_start3A_25, %dma_start3A_26] : memref<10000x64xi32, #tpu.memory_space<hbm>> -> memref<10000x64xi32, #tpu.memory_space<hbm>>
    tpu.enqueue_indirect_dma source(%dma_start3A_27 : memref<10000x64xi32, #tpu.memory_space<hbm>>) target(%arg10 : memref<80x64xi32, #tpu.memory_space<vmem>>) offsets(%dma_start3A_24 : memref<80xi32, #tpu.memory_space<vmem>>) semaphore(%arg25 : memref<!tpu.dma_semaphore, #tpu.memory_space<semaphore_mem>>)
    %dma_start3A_28 = tpu.memref_slice %arg7[%multiple_of3A_23] : memref<10000xi32, #tpu.memory_space<vmem>> -> memref<80xi32, #tpu.memory_space<vmem>>
    %dma_start3A_29 = arith.constant 0 : i32
    %dma_start3A_30 = arith.constant 0 : i32
    %dma_start3A_31 = tpu.memref_slice %arg2[%dma_start3A_29, %dma_start3A_30] : memref<10000x64xi32, #tpu.memory_space<hbm>> -> memref<10000x64xi32, #tpu.memory_space<hbm>>
    tpu.enqueue_indirect_dma source(%dma_start3A_31 : memref<10000x64xi32, #tpu.memory_space<hbm>>) target(%arg15 : memref<80x64xi32, #tpu.memory_space<vmem>>) offsets(%dma_start3A_28 : memref<80xi32, #tpu.memory_space<vmem>>) semaphore(%arg30 : memref<!tpu.dma_semaphore, #tpu.memory_space<semaphore_mem>>)
    %multiple_of3A_32 = arith.constant 240 : i32
    %multiple_of3A_33 = tpu.assume_multiple %multiple_of3A_32, 80 : i32
    %dma_start3A_34 = tpu.memref_slice %arg6[%multiple_of3A_33] : memref<10000xi32, #tpu.memory_space<vmem>> -> memref<80xi32, #tpu.memory_space<vmem>>
    %dma_start3A_35 = arith.constant 0 : i32
    %dma_start3A_36 = arith.constant 0 : i32
    %dma_start3A_37 = tpu.memref_slice %arg2[%dma_start3A_35, %dma_start3A_36] : memref<10000x64xi32, #tpu.memory_space<hbm>> -> memref<10000x64xi32, #tpu.memory_space<hbm>>
    tpu.enqueue_indirect_dma source(%dma_start3A_37 : memref<10000x64xi32, #tpu.memory_space<hbm>>) target(%arg11 : memref<80x64xi32, #tpu.memory_space<vmem>>) offsets(%dma_start3A_34 : memref<80xi32, #tpu.memory_space<vmem>>) semaphore(%arg26 : memref<!tpu.dma_semaphore, #tpu.memory_space<semaphore_mem>>)
    %dma_start3A_38 = tpu.memref_slice %arg7[%multiple_of3A_33] : memref<10000xi32, #tpu.memory_space<vmem>> -> memref<80xi32, #tpu.memory_space<vmem>>
    %dma_start3A_39 = arith.constant 0 : i32
    %dma_start3A_40 = arith.constant 0 : i32
    %dma_start3A_41 = tpu.memref_slice %arg2[%dma_start3A_39, %dma_start3A_40] : memref<10000x64xi32, #tpu.memory_space<hbm>> -> memref<10000x64xi32, #tpu.memory_space<hbm>>
    tpu.enqueue_indirect_dma source(%dma_start3A_41 : memref<10000x64xi32, #tpu.memory_space<hbm>>) target(%arg16 : memref<80x64xi32, #tpu.memory_space<vmem>>) offsets(%dma_start3A_38 : memref<80xi32, #tpu.memory_space<vmem>>) semaphore(%arg31 : memref<!tpu.dma_semaphore, #tpu.memory_space<semaphore_mem>>)
    %scan3A = arith.constant 0 : i32
    %scan3A_42 = arith.constant 0 : i32
    %scan3A_43 = arith.constant 25 : i32
    %scan3A_44 = arith.addi %scan3A_42, %scan3A_43 : i32
    %scan3A_45 = arith.constant 1 : i32
    scf.for %scan3A_76 = %scan3A_42 to %scan3A_44 step %scan3A_45  : i32 {
      %mul3A_77 = arith.constant 5 : i32
      %mul3A_78 = arith.muli %scan3A_76, %mul3A_77 : i32
      %add3A_79 = arith.constant 0 : i32
      %add3A_80 = arith.addi %mul3A_78, %add3A_79 : i32
      %dma_wait3A_81 = arith.constant 0 : i32
      %dma_wait3A_82 = tpu.memref_slice %arg6[%dma_wait3A_81] : memref<10000xi32, #tpu.memory_space<vmem>> -> memref<80xi32, #tpu.memory_space<vmem>>
      %dma_wait3A_83 = arith.constant 0 : i32
      %dma_wait3A_84 = arith.constant 0 : i32
      %dma_wait3A_85 = tpu.memref_slice %arg2[%dma_wait3A_83, %dma_wait3A_84] : memref<10000x64xi32, #tpu.memory_space<hbm>> -> memref<10000x64xi32, #tpu.memory_space<hbm>>
      tpu.wait_indirect_dma semaphore(%arg23 : memref<!tpu.dma_semaphore, #tpu.memory_space<semaphore_mem>>) src(%dma_wait3A_85 : memref<10000x64xi32, #tpu.memory_space<hbm>>) dst(%arg8 : memref<80x64xi32, #tpu.memory_space<vmem>>)
      %dma_wait3A_86 = arith.constant 0 : i32
      %dma_wait3A_87 = tpu.memref_slice %arg7[%dma_wait3A_86] : memref<10000xi32, #tpu.memory_space<vmem>> -> memref<80xi32, #tpu.memory_space<vmem>>
      %dma_wait3A_88 = arith.constant 0 : i32
      %dma_wait3A_89 = arith.constant 0 : i32
      %dma_wait3A_90 = tpu.memref_slice %arg2[%dma_wait3A_88, %dma_wait3A_89] : memref<10000x64xi32, #tpu.memory_space<hbm>> -> memref<10000x64xi32, #tpu.memory_space<hbm>>
      tpu.wait_indirect_dma semaphore(%arg28 : memref<!tpu.dma_semaphore, #tpu.memory_space<semaphore_mem>>) src(%dma_wait3A_90 : memref<10000x64xi32, #tpu.memory_space<hbm>>) dst(%arg13 : memref<80x64xi32, #tpu.memory_space<vmem>>)
      %scan3A_91 = arith.constant 0 : i32
      %scan3A_92 = arith.constant 0 : i32
      %scan3A_93 = arith.constant 40 : i32
      %scan3A_94 = arith.addi %scan3A_92, %scan3A_93 : i32
      %scan3A_95 = arith.constant 2 : i32
      scf.for %scan3A_365 = %scan3A_92 to %scan3A_94 step %scan3A_95  : i32 {
        %mul3A_366 = arith.constant 2 : i32
        %mul3A_367 = arith.muli %scan3A_365, %mul3A_366 : i32
        %add3A_368 = arith.constant 0 : i32
        %add3A_369 = arith.addi %mul3A_367, %add3A_368 : i32
        %get3A = arith.index_cast %add3A_369 : i32 to index
        %get3A_370 = arith.constant 0 : index
        %get3A_371 = tpu.vector_load %arg8[%get3A, %get3A_370] {strides = array<i32>} : memref<80x64xi32, #tpu.memory_space<vmem>>, vector<16xi32>,
        %get3A_372 = arith.index_cast %add3A_369 : i32 to index
        %get3A_373 = arith.constant 0 : index
        %get3A_374 = tpu.vector_load %arg13[%get3A_372, %get3A_373] {strides = array<i32>} : memref<80x64xi32, #tpu.memory_space<vmem>>, vector<16xi32>,
        %shift_left3A = arith.constant 16 : i32
        %shift_left3A_375 = vector.broadcast %shift_left3A : i32 to vector<16xi32>
        %shift_left3A_376 = arith.shli %get3A_371, %shift_left3A_375 : vector<16xi32>
        %bitcast3A = vector.bitcast %shift_left3A_376 : vector<16xi32> to vector<16xf32>
        %shift_left3A_377 = arith.constant 16 : i32
        %shift_left3A_378 = vector.broadcast %shift_left3A_377 : i32 to vector<16xi32>
        %shift_left3A_379 = arith.shli %get3A_374, %shift_left3A_378 : vector<16xi32>
        %bitcast3A_380 = vector.bitcast %shift_left3A_379 : vector<16xi32> to vector<16xf32>
        %and3A_381 = arith.constant -65536 : i32
        %and3A_382 = vector.broadcast %and3A_381 : i32 to vector<16xi32>
        %and3A_383 = arith.andi %get3A_371, %and3A_382 : vector<16xi32>
        %bitcast3A_384 = vector.bitcast %and3A_383 : vector<16xi32> to vector<16xf32>
        %and3A_385 = arith.constant -65536 : i32
        %and3A_386 = vector.broadcast %and3A_385 : i32 to vector<16xi32>
        %and3A_387 = arith.andi %get3A_374, %and3A_386 : vector<16xi32>
        %bitcast3A_388 = vector.bitcast %and3A_387 : vector<16xi32> to vector<16xf32>
        %mul3A_389 = arith.mulf %bitcast3A, %bitcast3A_380 : vector<16xf32>
        %bitcast3A_390 = vector.bitcast %mul3A_389 : vector<16xf32> to vector<16xi32>
        %mul3A_391 = arith.mulf %bitcast3A_384, %bitcast3A_388 : vector<16xf32>
        %bitcast3A_392 = vector.bitcast %mul3A_391 : vector<16xf32> to vector<16xi32>
        %add3A_393 = arith.constant 32768 : i32
        %add3A_394 = vector.broadcast %add3A_393 : i32 to vector<16xi32>
        %add3A_395 = arith.addi %bitcast3A_390, %add3A_394 : vector<16xi32>
        %shift_right_logical3A = arith.constant 16 : i32
        %shift_right_logical3A_396 = vector.broadcast %shift_right_logical3A : i32 to vector<16xi32>
        %shift_right_logical3A_397 = arith.shrui %add3A_395, %shift_right_logical3A_396 : vector<16xi32>
        %add3A_398 = arith.constant 32768 : i32
        %add3A_399 = vector.broadcast %add3A_398 : i32 to vector<16xi32>
        %add3A_400 = arith.addi %bitcast3A_392, %add3A_399 : vector<16xi32>
        %and3A_401 = arith.constant -65536 : i32
        %and3A_402 = vector.broadcast %and3A_401 : i32 to vector<16xi32>
        %and3A_403 = arith.andi %add3A_400, %and3A_402 : vector<16xi32>
        %or3A = arith.ori %shift_right_logical3A_397, %and3A_403 : vector<16xi32>
        %swap3A = arith.index_cast %scan3A_365 : i32 to index
        %swap3A_404 = arith.constant 0 : index
        %swap3A_405 = tpu.vector_load %arg18[%swap3A, %swap3A_404] {strides = array<i32>} : memref<40x128xi32, #tpu.memory_space<vmem>>, vector<16xi32>,
        tpu.vector_store %arg18[%swap3A, %swap3A_404], %or3A {strides = array<i32>} : memref<40x128xi32, #tpu.memory_space<vmem>>, vector<16xi32>,
        %get3A_406 = arith.index_cast %add3A_369 : i32 to index
        %get3A_407 = arith.constant 16 : index
        %get3A_408 = tpu.vector_load %arg8[%get3A_406, %get3A_407] {strides = array<i32>} : memref<80x64xi32, #tpu.memory_space<vmem>>, vector<16xi32>,
        %get3A_409 = arith.index_cast %add3A_369 : i32 to index
        %get3A_410 = arith.constant 16 : index
        %get3A_411 = tpu.vector_load %arg13[%get3A_409, %get3A_410] {strides = array<i32>} : memref<80x64xi32, #tpu.memory_space<vmem>>, vector<16xi32>,
        %shift_left3A_412 = arith.constant 16 : i32
        %shift_left3A_413 = vector.broadcast %shift_left3A_412 : i32 to vector<16xi32>
        %shift_left3A_414 = arith.shli %get3A_408, %shift_left3A_413 : vector<16xi32>
        %bitcast3A_415 = vector.bitcast %shift_left3A_414 : vector<16xi32> to vector<16xf32>
        %shift_left3A_416 = arith.constant 16 : i32
        %shift_left3A_417 = vector.broadcast %shift_left3A_416 : i32 to vector<16xi32>
        %shift_left3A_418 = arith.shli %get3A_411, %shift_left3A_417 : vector<16xi32>
        %bitcast3A_419 = vector.bitcast %shift_left3A_418 : vector<16xi32> to vector<16xf32>
        %and3A_420 = arith.constant -65536 : i32
        %and3A_421 = vector.broadcast %and3A_420 : i32 to vector<16xi32>
        %and3A_422 = arith.andi %get3A_408, %and3A_421 : vector<16xi32>
        %bitcast3A_423 = vector.bitcast %and3A_422 : vector<16xi32> to vector<16xf32>
        %and3A_424 = arith.constant -65536 : i32
        %and3A_425 = vector.broadcast %and3A_424 : i32 to vector<16xi32>
        %and3A_426 = arith.andi %get3A_411, %and3A_425 : vector<16xi32>
        %bitcast3A_427 = vector.bitcast %and3A_426 : vector<16xi32> to vector<16xf32>
        %mul3A_428 = arith.mulf %bitcast3A_415, %bitcast3A_419 : vector<16xf32>
        %bitcast3A_429 = vector.bitcast %mul3A_428 : vector<16xf32> to vector<16xi32>
        %mul3A_430 = arith.mulf %bitcast3A_423, %bitcast3A_427 : vector<16xf32>
        %bitcast3A_431 = vector.bitcast %mul3A_430 : vector<16xf32> to vector<16xi32>
        %add3A_432 = arith.constant 32768 : i32
        %add3A_433 = vector.broadcast %add3A_432 : i32 to vector<16xi32>
        %add3A_434 = arith.addi %bitcast3A_429, %add3A_433 : vector<16xi32>
        %shift_right_logical3A_435 = arith.constant 16 : i32
        %shift_right_logical3A_436 = vector.broadcast %shift_right_logical3A_435 : i32 to vector<16xi32>
        %shift_right_logical3A_437 = arith.shrui %add3A_434, %shift_right_logical3A_436 : vector<16xi32>
        %add3A_438 = arith.constant 32768 : i32
        %add3A_439 = vector.broadcast %add3A_438 : i32 to vector<16xi32>
        %add3A_440 = arith.addi %bitcast3A_431, %add3A_439 : vector<16xi32>
        %and3A_441 = arith.constant -65536 : i32
        %and3A_442 = vector.broadcast %and3A_441 : i32 to vector<16xi32>
        %and3A_443 = arith.andi %add3A_440, %and3A_442 : vector<16xi32>
        %or3A_444 = arith.ori %shift_right_logical3A_437, %and3A_443 : vector<16xi32>
        %swap3A_445 = arith.index_cast %scan3A_365 : i32 to index
        %swap3A_446 = arith.constant 16 : index
        %swap3A_447 = tpu.vector_load %arg18[%swap3A_445, %swap3A_446] {strides = array<i32>} : memref<40x128xi32, #tpu.memory_space<vmem>>, vector<16xi32>,
        tpu.vector_store %arg18[%swap3A_445, %swap3A_446], %or3A_444 {strides = array<i32>} : memref<40x128xi32, #tpu.memory_space<vmem>>, vector<16xi32>,
        %get3A_448 = arith.index_cast %add3A_369 : i32 to index
        %get3A_449 = arith.constant 32 : index
        %get3A_450 = tpu.vector_load %arg8[%get3A_448, %get3A_449] {strides = array<i32>} : memref<80x64xi32, #tpu.memory_space<vmem>>, vector<16xi32>,
        %get3A_451 = arith.index_cast %add3A_369 : i32 to index
        %get3A_452 = arith.constant 32 : index
        %get3A_453 = tpu.vector_load %arg13[%get3A_451, %get3A_452] {strides = array<i32>} : memref<80x64xi32, #tpu.memory_space<vmem>>, vector<16xi32>,
        %shift_left3A_454 = arith.constant 16 : i32
        %shift_left3A_455 = vector.broadcast %shift_left3A_454 : i32 to vector<16xi32>
        %shift_left3A_456 = arith.shli %get3A_450, %shift_left3A_455 : vector<16xi32>
        %bitcast3A_457 = vector.bitcast %shift_left3A_456 : vector<16xi32> to vector<16xf32>
        %shift_left3A_458 = arith.constant 16 : i32
        %shift_left3A_459 = vector.broadcast %shift_left3A_458 : i32 to vector<16xi32>
        %shift_left3A_460 = arith.shli %get3A_453, %shift_left3A_459 : vector<16xi32>
        %bitcast3A_461 = vector.bitcast %shift_left3A_460 : vector<16xi32> to vector<16xf32>
        %and3A_462 = arith.constant -65536 : i32
        %and3A_463 = vector.broadcast %and3A_462 : i32 to vector<16xi32>
        %and3A_464 = arith.andi %get3A_450, %and3A_463 : vector<16xi32>
        %bitcast3A_465 = vector.bitcast %and3A_464 : vector<16xi32> to vector<16xf32>
        %and3A_466 = arith.constant -65536 : i32
        %and3A_467 = vector.broadcast %and3A_466 : i32 to vector<16xi32>
        %and3A_468 = arith.andi %get3A_453, %and3A_467 : vector<16xi32>
        %bitcast3A_469 = vector.bitcast %and3A_468 : vector<16xi32> to vector<16xf32>
        %mul3A_470 = arith.mulf %bitcast3A_457, %bitcast3A_461 : vector<16xf32>
        %bitcast3A_471 = vector.bitcast %mul3A_470 : vector<16xf32> to vector<16xi32>
        %mul3A_472 = arith.mulf %bitcast3A_465, %bitcast3A_469 : vector<16xf32>
        %bitcast3A_473 = vector.bitcast %mul3A_472 : vector<16xf32> to vector<16xi32>
        %add3A_474 = arith.constant 32768 : i32
        %add3A_475 = vector.broadcast %add3A_474 : i32 to vector<16xi32>
        %add3A_476 = arith.addi %bitcast3A_471, %add3A_475 : vector<16xi32>
        %shift_right_logical3A_477 = arith.constant 16 : i32
        %shift_right_logical3A_478 = vector.broadcast %shift_right_logical3A_477 : i32 to vector<16xi32>
        %shift_right_logical3A_479 = arith.shrui %add3A_476, %shift_right_logical3A_478 : vector<16xi32>
        %add3A_480 = arith.constant 32768 : i32
        %add3A_481 = vector.broadcast %add3A_480 : i32 to vector<16xi32>
        %add3A_482 = arith.addi %bitcast3A_473, %add3A_481 : vector<16xi32>
        %and3A_483 = arith.constant -65536 : i32
        %and3A_484 = vector.broadcast %and3A_483 : i32 to vector<16xi32>
        %and3A_485 = arith.andi %add3A_482, %and3A_484 : vector<16xi32>
        %or3A_486 = arith.ori %shift_right_logical3A_479, %and3A_485 : vector<16xi32>
        %swap3A_487 = arith.index_cast %scan3A_365 : i32 to index
        %swap3A_488 = arith.constant 32 : index
        %swap3A_489 = tpu.vector_load %arg18[%swap3A_487, %swap3A_488] {strides = array<i32>} : memref<40x128xi32, #tpu.memory_space<vmem>>, vector<16xi32>,
        tpu.vector_store %arg18[%swap3A_487, %swap3A_488], %or3A_486 {strides = array<i32>} : memref<40x128xi32, #tpu.memory_space<vmem>>, vector<16xi32>,
        %get3A_490 = arith.index_cast %add3A_369 : i32 to index
        %get3A_491 = arith.constant 48 : index
        %get3A_492 = tpu.vector_load %arg8[%get3A_490, %get3A_491] {strides = array<i32>} : memref<80x64xi32, #tpu.memory_space<vmem>>, vector<16xi32>,
        %get3A_493 = arith.index_cast %add3A_369 : i32 to index
        %get3A_494 = arith.constant 48 : index
        %get3A_495 = tpu.vector_load %arg13[%get3A_493, %get3A_494] {strides = array<i32>} : memref<80x64xi32, #tpu.memory_space<vmem>>, vector<16xi32>,
        %shift_left3A_496 = arith.constant 16 : i32
        %shift_left3A_497 = vector.broadcast %shift_left3A_496 : i32 to vector<16xi32>
        %shift_left3A_498 = arith.shli %get3A_492, %shift_left3A_497 : vector<16xi32>
        %bitcast3A_499 = vector.bitcast %shift_left3A_498 : vector<16xi32> to vector<16xf32>
        %shift_left3A_500 = arith.constant 16 : i32
        %shift_left3A_501 = vector.broadcast %shift_left3A_500 : i32 to vector<16xi32>
        %shift_left3A_502 = arith.shli %get3A_495, %shift_left3A_501 : vector<16xi32>
        %bitcast3A_503 = vector.bitcast %shift_left3A_502 : vector<16xi32> to vector<16xf32>
        %and3A_504 = arith.constant -65536 : i32
        %and3A_505 = vector.broadcast %and3A_504 : i32 to vector<16xi32>
        %and3A_506 = arith.andi %get3A_492, %and3A_505 : vector<16xi32>
        %bitcast3A_507 = vector.bitcast %and3A_506 : vector<16xi32> to vector<16xf32>
        %and3A_508 = arith.constant -65536 : i32
        %and3A_509 = vector.broadcast %and3A_508 : i32 to vector<16xi32>
        %and3A_510 = arith.andi %get3A_495, %and3A_509 : vector<16xi32>
        %bitcast3A_511 = vector.bitcast %and3A_510 : vector<16xi32> to vector<16xf32>
        %mul3A_512 = arith.mulf %bitcast3A_499, %bitcast3A_503 : vector<16xf32>
        %bitcast3A_513 = vector.bitcast %mul3A_512 : vector<16xf32> to vector<16xi32>
        %mul3A_514 = arith.mulf %bitcast3A_507, %bitcast3A_511 : vector<16xf32>
        %bitcast3A_515 = vector.bitcast %mul3A_514 : vector<16xf32> to vector<16xi32>
        %add3A_516 = arith.constant 32768 : i32
        %add3A_517 = vector.broadcast %add3A_516 : i32 to vector<16xi32>
        %add3A_518 = arith.addi %bitcast3A_513, %add3A_517 : vector<16xi32>
        %shift_right_logical3A_519 = arith.constant 16 : i32
        %shift_right_logical3A_520 = vector.broadcast %shift_right_logical3A_519 : i32 to vector<16xi32>
        %shift_right_logical3A_521 = arith.shrui %add3A_518, %shift_right_logical3A_520 : vector<16xi32>
        %add3A_522 = arith.constant 32768 : i32
        %add3A_523 = vector.broadcast %add3A_522 : i32 to vector<16xi32>
        %add3A_524 = arith.addi %bitcast3A_515, %add3A_523 : vector<16xi32>
        %and3A_525 = arith.constant -65536 : i32
        %and3A_526 = vector.broadcast %and3A_525 : i32 to vector<16xi32>
        %and3A_527 = arith.andi %add3A_524, %and3A_526 : vector<16xi32>
        %or3A_528 = arith.ori %shift_right_logical3A_521, %and3A_527 : vector<16xi32>
        %swap3A_529 = arith.index_cast %scan3A_365 : i32 to index
        %swap3A_530 = arith.constant 48 : index
        %swap3A_531 = tpu.vector_load %arg18[%swap3A_529, %swap3A_530] {strides = array<i32>} : memref<40x128xi32, #tpu.memory_space<vmem>>, vector<16xi32>,
        tpu.vector_store %arg18[%swap3A_529, %swap3A_530], %or3A_528 {strides = array<i32>} : memref<40x128xi32, #tpu.memory_space<vmem>>, vector<16xi32>,
        %mul3A_532 = arith.constant 2 : i32
        %mul3A_533 = arith.muli %scan3A_365, %mul3A_532 : i32
        %add3A_534 = arith.constant 1 : i32
        %add3A_535 = arith.addi %mul3A_533, %add3A_534 : i32
        %get3A_536 = arith.index_cast %add3A_535 : i32 to index
        %get3A_537 = arith.constant 0 : index
        %get3A_538 = tpu.vector_load %arg8[%get3A_536, %get3A_537] {strides = array<i32>} : memref<80x64xi32, #tpu.memory_space<vmem>>, vector<16xi32>,
        %get3A_539 = arith.index_cast %add3A_535 : i32 to index
        %get3A_540 = arith.constant 0 : index
        %get3A_541 = tpu.vector_load %arg13[%get3A_539, %get3A_540] {strides = array<i32>} : memref<80x64xi32, #tpu.memory_space<vmem>>, vector<16xi32>,
        %shift_left3A_542 = arith.constant 16 : i32
        %shift_left3A_543 = vector.broadcast %shift_left3A_542 : i32 to vector<16xi32>
        %shift_left3A_544 = arith.shli %get3A_538, %shift_left3A_543 : vector<16xi32>
        %bitcast3A_545 = vector.bitcast %shift_left3A_544 : vector<16xi32> to vector<16xf32>
        %shift_left3A_546 = arith.constant 16 : i32
        %shift_left3A_547 = vector.broadcast %shift_left3A_546 : i32 to vector<16xi32>
        %shift_left3A_548 = arith.shli %get3A_541, %shift_left3A_547 : vector<16xi32>
        %bitcast3A_549 = vector.bitcast %shift_left3A_548 : vector<16xi32> to vector<16xf32>
        %and3A_550 = arith.constant -65536 : i32
        %and3A_551 = vector.broadcast %and3A_550 : i32 to vector<16xi32>
        %and3A_552 = arith.andi %get3A_538, %and3A_551 : vector<16xi32>
        %bitcast3A_553 = vector.bitcast %and3A_552 : vector<16xi32> to vector<16xf32>
        %and3A_554 = arith.constant -65536 : i32
        %and3A_555 = vector.broadcast %and3A_554 : i32 to vector<16xi32>
        %and3A_556 = arith.andi %get3A_541, %and3A_555 : vector<16xi32>
        %bitcast3A_557 = vector.bitcast %and3A_556 : vector<16xi32> to vector<16xf32>
        %mul3A_558 = arith.mulf %bitcast3A_545, %bitcast3A_549 : vector<16xf32>
        %bitcast3A_559 = vector.bitcast %mul3A_558 : vector<16xf32> to vector<16xi32>
        %mul3A_560 = arith.mulf %bitcast3A_553, %bitcast3A_557 : vector<16xf32>
        %bitcast3A_561 = vector.bitcast %mul3A_560 : vector<16xf32> to vector<16xi32>
        %add3A_562 = arith.constant 32768 : i32
        %add3A_563 = vector.broadcast %add3A_562 : i32 to vector<16xi32>
        %add3A_564 = arith.addi %bitcast3A_559, %add3A_563 : vector<16xi32>
        %shift_right_logical3A_565 = arith.constant 16 : i32
        %shift_right_logical3A_566 = vector.broadcast %shift_right_logical3A_565 : i32 to vector<16xi32>
        %shift_right_logical3A_567 = arith.shrui %add3A_564, %shift_right_logical3A_566 : vector<16xi32>
        %add3A_568 = arith.constant 32768 : i32
        %add3A_569 = vector.broadcast %add3A_568 : i32 to vector<16xi32>
        %add3A_570 = arith.addi %bitcast3A_561, %add3A_569 : vector<16xi32>
        %and3A_571 = arith.constant -65536 : i32
        %and3A_572 = vector.broadcast %and3A_571 : i32 to vector<16xi32>
        %and3A_573 = arith.andi %add3A_570, %and3A_572 : vector<16xi32>
        %or3A_574 = arith.ori %shift_right_logical3A_567, %and3A_573 : vector<16xi32>
        %swap3A_575 = arith.index_cast %scan3A_365 : i32 to index
        %swap3A_576 = arith.constant 64 : index
        %swap3A_577 = tpu.vector_load %arg18[%swap3A_575, %swap3A_576] {strides = array<i32>} : memref<40x128xi32, #tpu.memory_space<vmem>>, vector<16xi32>,
        tpu.vector_store %arg18[%swap3A_575, %swap3A_576], %or3A_574 {strides = array<i32>} : memref<40x128xi32, #tpu.memory_space<vmem>>, vector<16xi32>,
        %get3A_578 = arith.index_cast %add3A_535 : i32 to index
        %get3A_579 = arith.constant 16 : index
        %get3A_580 = tpu.vector_load %arg8[%get3A_578, %get3A_579] {strides = array<i32>} : memref<80x64xi32, #tpu.memory_space<vmem>>, vector<16xi32>,
        %get3A_581 = arith.index_cast %add3A_535 : i32 to index
        %get3A_582 = arith.constant 16 : index
        %get3A_583 = tpu.vector_load %arg13[%get3A_581, %get3A_582] {strides = array<i32>} : memref<80x64xi32, #tpu.memory_space<vmem>>, vector<16xi32>,
        %shift_left3A_584 = arith.constant 16 : i32
        %shift_left3A_585 = vector.broadcast %shift_left3A_584 : i32 to vector<16xi32>
        %shift_left3A_586 = arith.shli %get3A_580, %shift_left3A_585 : vector<16xi32>
        %bitcast3A_587 = vector.bitcast %shift_left3A_586 : vector<16xi32> to vector<16xf32>
        %shift_left3A_588 = arith.constant 16 : i32
        %shift_left3A_589 = vector.broadcast %shift_left3A_588 : i32 to vector<16xi32>
        %shift_left3A_590 = arith.shli %get3A_583, %shift_left3A_589 : vector<16xi32>
        %bitcast3A_591 = vector.bitcast %shift_left3A_590 : vector<16xi32> to vector<16xf32>
        %and3A_592 = arith.constant -65536 : i32
        %and3A_593 = vector.broadcast %and3A_592 : i32 to vector<16xi32>
        %and3A_594 = arith.andi %get3A_580, %and3A_593 : vector<16xi32>
        %bitcast3A_595 = vector.bitcast %and3A_594 : vector<16xi32> to vector<16xf32>
        %and3A_596 = arith.constant -65536 : i32
        %and3A_597 = vector.broadcast %and3A_596 : i32 to vector<16xi32>
        %and3A_598 = arith.andi %get3A_583, %and3A_597 : vector<16xi32>
        %bitcast3A_599 = vector.bitcast %and3A_598 : vector<16xi32> to vector<16xf32>
        %mul3A_600 = arith.mulf %bitcast3A_587, %bitcast3A_591 : vector<16xf32>
        %bitcast3A_601 = vector.bitcast %mul3A_600 : vector<16xf32> to vector<16xi32>
        %mul3A_602 = arith.mulf %bitcast3A_595, %bitcast3A_599 : vector<16xf32>
        %bitcast3A_603 = vector.bitcast %mul3A_602 : vector<16xf32> to vector<16xi32>
        %add3A_604 = arith.constant 32768 : i32
        %add3A_605 = vector.broadcast %add3A_604 : i32 to vector<16xi32>
        %add3A_606 = arith.addi %bitcast3A_601, %add3A_605 : vector<16xi32>
        %shift_right_logical3A_607 = arith.constant 16 : i32
        %shift_right_logical3A_608 = vector.broadcast %shift_right_logical3A_607 : i32 to vector<16xi32>
        %shift_right_logical3A_609 = arith.shrui %add3A_606, %shift_right_logical3A_608 : vector<16xi32>
        %add3A_610 = arith.constant 32768 : i32
        %add3A_611 = vector.broadcast %add3A_610 : i32 to vector<16xi32>
        %add3A_612 = arith.addi %bitcast3A_603, %add3A_611 : vector<16xi32>
        %and3A_613 = arith.constant -65536 : i32
        %and3A_614 = vector.broadcast %and3A_613 : i32 to vector<16xi32>
        %and3A_615 = arith.andi %add3A_612, %and3A_614 : vector<16xi32>
        %or3A_616 = arith.ori %shift_right_logical3A_609, %and3A_615 : vector<16xi32>
        %swap3A_617 = arith.index_cast %scan3A_365 : i32 to index
        %swap3A_618 = arith.constant 80 : index
        %swap3A_619 = tpu.vector_load %arg18[%swap3A_617, %swap3A_618] {strides = array<i32>} : memref<40x128xi32, #tpu.memory_space<vmem>>, vector<16xi32>,
        tpu.vector_store %arg18[%swap3A_617, %swap3A_618], %or3A_616 {strides = array<i32>} : memref<40x128xi32, #tpu.memory_space<vmem>>, vector<16xi32>,
        %get3A_620 = arith.index_cast %add3A_535 : i32 to index
        %get3A_621 = arith.constant 32 : index
        %get3A_622 = tpu.vector_load %arg8[%get3A_620, %get3A_621] {strides = array<i32>} : memref<80x64xi32, #tpu.memory_space<vmem>>, vector<16xi32>,
        %get3A_623 = arith.index_cast %add3A_535 : i32 to index
        %get3A_624 = arith.constant 32 : index
        %get3A_625 = tpu.vector_load %arg13[%get3A_623, %get3A_624] {strides = array<i32>} : memref<80x64xi32, #tpu.memory_space<vmem>>, vector<16xi32>,
        %shift_left3A_626 = arith.constant 16 : i32
        %shift_left3A_627 = vector.broadcast %shift_left3A_626 : i32 to vector<16xi32>
        %shift_left3A_628 = arith.shli %get3A_622, %shift_left3A_627 : vector<16xi32>
        %bitcast3A_629 = vector.bitcast %shift_left3A_628 : vector<16xi32> to vector<16xf32>
        %shift_left3A_630 = arith.constant 16 : i32
        %shift_left3A_631 = vector.broadcast %shift_left3A_630 : i32 to vector<16xi32>
        %shift_left3A_632 = arith.shli %get3A_625, %shift_left3A_631 : vector<16xi32>
        %bitcast3A_633 = vector.bitcast %shift_left3A_632 : vector<16xi32> to vector<16xf32>
        %and3A_634 = arith.constant -65536 : i32
        %and3A_635 = vector.broadcast %and3A_634 : i32 to vector<16xi32>
        %and3A_636 = arith.andi %get3A_622, %and3A_635 : vector<16xi32>
        %bitcast3A_637 = vector.bitcast %and3A_636 : vector<16xi32> to vector<16xf32>
        %and3A_638 = arith.constant -65536 : i32
        %and3A_639 = vector.broadcast %and3A_638 : i32 to vector<16xi32>
        %and3A_640 = arith.andi %get3A_625, %and3A_639 : vector<16xi32>
        %bitcast3A_641 = vector.bitcast %and3A_640 : vector<16xi32> to vector<16xf32>
        %mul3A_642 = arith.mulf %bitcast3A_629, %bitcast3A_633 : vector<16xf32>
        %bitcast3A_643 = vector.bitcast %mul3A_642 : vector<16xf32> to vector<16xi32>
        %mul3A_644 = arith.mulf %bitcast3A_637, %bitcast3A_641 : vector<16xf32>
        %bitcast3A_645 = vector.bitcast %mul3A_644 : vector<16xf32> to vector<16xi32>
        %add3A_646 = arith.constant 32768 : i32
        %add3A_647 = vector.broadcast %add3A_646 : i32 to vector<16xi32>
        %add3A_648 = arith.addi %bitcast3A_643, %add3A_647 : vector<16xi32>
        %shift_right_logical3A_649 = arith.constant 16 : i32
        %shift_right_logical3A_650 = vector.broadcast %shift_right_logical3A_649 : i32 to vector<16xi32>
        %shift_right_logical3A_651 = arith.shrui %add3A_648, %shift_right_logical3A_650 : vector<16xi32>
        %add3A_652 = arith.constant 32768 : i32
        %add3A_653 = vector.broadcast %add3A_652 : i32 to vector<16xi32>
        %add3A_654 = arith.addi %bitcast3A_645, %add3A_653 : vector<16xi32>
        %and3A_655 = arith.constant -65536 : i32
        %and3A_656 = vector.broadcast %and3A_655 : i32 to vector<16xi32>
        %and3A_657 = arith.andi %add3A_654, %and3A_656 : vector<16xi32>
        %or3A_658 = arith.ori %shift_right_logical3A_651, %and3A_657 : vector<16xi32>
        %swap3A_659 = arith.index_cast %scan3A_365 : i32 to index
        %swap3A_660 = arith.constant 96 : index
        %swap3A_661 = tpu.vector_load %arg18[%swap3A_659, %swap3A_660] {strides = array<i32>} : memref<40x128xi32, #tpu.memory_space<vmem>>, vector<16xi32>,
        tpu.vector_store %arg18[%swap3A_659, %swap3A_660], %or3A_658 {strides = array<i32>} : memref<40x128xi32, #tpu.memory_space<vmem>>, vector<16xi32>,
        %get3A_662 = arith.index_cast %add3A_535 : i32 to index
        %get3A_663 = arith.constant 48 : index
        %get3A_664 = tpu.vector_load %arg8[%get3A_662, %get3A_663] {strides = array<i32>} : memref<80x64xi32, #tpu.memory_space<vmem>>, vector<16xi32>,
        %get3A_665 = arith.index_cast %add3A_535 : i32 to index
        %get3A_666 = arith.constant 48 : index
        %get3A_667 = tpu.vector_load %arg13[%get3A_665, %get3A_666] {strides = array<i32>} : memref<80x64xi32, #tpu.memory_space<vmem>>, vector<16xi32>,
        %shift_left3A_668 = arith.constant 16 : i32
        %shift_left3A_669 = vector.broadcast %shift_left3A_668 : i32 to vector<16xi32>
        %shift_left3A_670 = arith.shli %get3A_664, %shift_left3A_669 : vector<16xi32>
        %bitcast3A_671 = vector.bitcast %shift_left3A_670 : vector<16xi32> to vector<16xf32>
        %shift_left3A_672 = arith.constant 16 : i32
        %shift_left3A_673 = vector.broadcast %shift_left3A_672 : i32 to vector<16xi32>
        %shift_left3A_674 = arith.shli %get3A_667, %shift_left3A_673 : vector<16xi32>
        %bitcast3A_675 = vector.bitcast %shift_left3A_674 : vector<16xi32> to vector<16xf32>
        %and3A_676 = arith.constant -65536 : i32
        %and3A_677 = vector.broadcast %and3A_676 : i32 to vector<16xi32>
        %and3A_678 = arith.andi %get3A_664, %and3A_677 : vector<16xi32>
        %bitcast3A_679 = vector.bitcast %and3A_678 : vector<16xi32> to vector<16xf32>
        %and3A_680 = arith.constant -65536 : i32
        %and3A_681 = vector.broadcast %and3A_680 : i32 to vector<16xi32>
        %and3A_682 = arith.andi %get3A_667, %and3A_681 : vector<16xi32>
        %bitcast3A_683 = vector.bitcast %and3A_682 : vector<16xi32> to vector<16xf32>
        %mul3A_684 = arith.mulf %bitcast3A_671, %bitcast3A_675 : vector<16xf32>
        %bitcast3A_685 = vector.bitcast %mul3A_684 : vector<16xf32> to vector<16xi32>
        %mul3A_686 = arith.mulf %bitcast3A_679, %bitcast3A_683 : vector<16xf32>
        %bitcast3A_687 = vector.bitcast %mul3A_686 : vector<16xf32> to vector<16xi32>
        %add3A_688 = arith.constant 32768 : i32
        %add3A_689 = vector.broadcast %add3A_688 : i32 to vector<16xi32>
        %add3A_690 = arith.addi %bitcast3A_685, %add3A_689 : vector<16xi32>
        %shift_right_logical3A_691 = arith.constant 16 : i32
        %shift_right_logical3A_692 = vector.broadcast %shift_right_logical3A_691 : i32 to vector<16xi32>
        %shift_right_logical3A_693 = arith.shrui %add3A_690, %shift_right_logical3A_692 : vector<16xi32>
        %add3A_694 = arith.constant 32768 : i32
        %add3A_695 = vector.broadcast %add3A_694 : i32 to vector<16xi32>
        %add3A_696 = arith.addi %bitcast3A_687, %add3A_695 : vector<16xi32>
        %and3A_697 = arith.constant -65536 : i32
        %and3A_698 = vector.broadcast %and3A_697 : i32 to vector<16xi32>
        %and3A_699 = arith.andi %add3A_696, %and3A_698 : vector<16xi32>
        %or3A_700 = arith.ori %shift_right_logical3A_693, %and3A_699 : vector<16xi32>
        %swap3A_701 = arith.index_cast %scan3A_365 : i32 to index
        %swap3A_702 = arith.constant 112 : index
        %swap3A_703 = tpu.vector_load %arg18[%swap3A_701, %swap3A_702] {strides = array<i32>} : memref<40x128xi32, #tpu.memory_space<vmem>>, vector<16xi32>,
        tpu.vector_store %arg18[%swap3A_701, %swap3A_702], %or3A_700 {strides = array<i32>} : memref<40x128xi32, #tpu.memory_space<vmem>>, vector<16xi32>,
        %scan3A_704 = arith.constant 1 : i32
        %scan3A_705 = arith.addi %scan3A_365, %scan3A_704 : i32
        %mul3A_706 = arith.constant 2 : i32
        %mul3A_707 = arith.muli %scan3A_705, %mul3A_706 : i32
        %add3A_708 = arith.constant 0 : i32
        %add3A_709 = arith.addi %mul3A_707, %add3A_708 : i32
        %get3A_710 = arith.index_cast %add3A_709 : i32 to index
        %get3A_711 = arith.constant 0 : index
        %get3A_712 = tpu.vector_load %arg8[%get3A_710, %get3A_711] {strides = array<i32>} : memref<80x64xi32, #tpu.memory_space<vmem>>, vector<16xi32>,
        %get3A_713 = arith.index_cast %add3A_709 : i32 to index
        %get3A_714 = arith.constant 0 : index
        %get3A_715 = tpu.vector_load %arg13[%get3A_713, %get3A_714] {strides = array<i32>} : memref<80x64xi32, #tpu.memory_space<vmem>>, vector<16xi32>,
        %shift_left3A_716 = arith.constant 16 : i32
        %shift_left3A_717 = vector.broadcast %shift_left3A_716 : i32 to vector<16xi32>
        %shift_left3A_718 = arith.shli %get3A_712, %shift_left3A_717 : vector<16xi32>
        %bitcast3A_719 = vector.bitcast %shift_left3A_718 : vector<16xi32> to vector<16xf32>
        %shift_left3A_720 = arith.constant 16 : i32
        %shift_left3A_721 = vector.broadcast %shift_left3A_720 : i32 to vector<16xi32>
        %shift_left3A_722 = arith.shli %get3A_715, %shift_left3A_721 : vector<16xi32>
        %bitcast3A_723 = vector.bitcast %shift_left3A_722 : vector<16xi32> to vector<16xf32>
        %and3A_724 = arith.constant -65536 : i32
        %and3A_725 = vector.broadcast %and3A_724 : i32 to vector<16xi32>
        %and3A_726 = arith.andi %get3A_712, %and3A_725 : vector<16xi32>
        %bitcast3A_727 = vector.bitcast %and3A_726 : vector<16xi32> to vector<16xf32>
        %and3A_728 = arith.constant -65536 : i32
        %and3A_729 = vector.broadcast %and3A_728 : i32 to vector<16xi32>
        %and3A_730 = arith.andi %get3A_715, %and3A_729 : vector<16xi32>
        %bitcast3A_731 = vector.bitcast %and3A_730 : vector<16xi32> to vector<16xf32>
        %mul3A_732 = arith.mulf %bitcast3A_719, %bitcast3A_723 : vector<16xf32>
        %bitcast3A_733 = vector.bitcast %mul3A_732 : vector<16xf32> to vector<16xi32>
        %mul3A_734 = arith.mulf %bitcast3A_727, %bitcast3A_731 : vector<16xf32>
        %bitcast3A_735 = vector.bitcast %mul3A_734 : vector<16xf32> to vector<16xi32>
        %add3A_736 = arith.constant 32768 : i32
        %add3A_737 = vector.broadcast %add3A_736 : i32 to vector<16xi32>
        %add3A_738 = arith.addi %bitcast3A_733, %add3A_737 : vector<16xi32>
        %shift_right_logical3A_739 = arith.constant 16 : i32
        %shift_right_logical3A_740 = vector.broadcast %shift_right_logical3A_739 : i32 to vector<16xi32>
        %shift_right_logical3A_741 = arith.shrui %add3A_738, %shift_right_logical3A_740 : vector<16xi32>
        %add3A_742 = arith.constant 32768 : i32
        %add3A_743 = vector.broadcast %add3A_742 : i32 to vector<16xi32>
        %add3A_744 = arith.addi %bitcast3A_735, %add3A_743 : vector<16xi32>
        %and3A_745 = arith.constant -65536 : i32
        %and3A_746 = vector.broadcast %and3A_745 : i32 to vector<16xi32>
        %and3A_747 = arith.andi %add3A_744, %and3A_746 : vector<16xi32>
        %or3A_748 = arith.ori %shift_right_logical3A_741, %and3A_747 : vector<16xi32>
        %swap3A_749 = arith.index_cast %scan3A_705 : i32 to index
        %swap3A_750 = arith.constant 0 : index
        %swap3A_751 = tpu.vector_load %arg18[%swap3A_749, %swap3A_750] {strides = array<i32>} : memref<40x128xi32, #tpu.memory_space<vmem>>, vector<16xi32>,
        tpu.vector_store %arg18[%swap3A_749, %swap3A_750], %or3A_748 {strides = array<i32>} : memref<40x128xi32, #tpu.memory_space<vmem>>, vector<16xi32>,
        %get3A_752 = arith.index_cast %add3A_709 : i32 to index
        %get3A_753 = arith.constant 16 : index
        %get3A_754 = tpu.vector_load %arg8[%get3A_752, %get3A_753] {strides = array<i32>} : memref<80x64xi32, #tpu.memory_space<vmem>>, vector<16xi32>,
        %get3A_755 = arith.index_cast %add3A_709 : i32 to index
        %get3A_756 = arith.constant 16 : index
        %get3A_757 = tpu.vector_load %arg13[%get3A_755, %get3A_756] {strides = array<i32>} : memref<80x64xi32, #tpu.memory_space<vmem>>, vector<16xi32>,
        %shift_left3A_758 = arith.constant 16 : i32
        %shift_left3A_759 = vector.broadcast %shift_left3A_758 : i32 to vector<16xi32>
        %shift_left3A_760 = arith.shli %get3A_754, %shift_left3A_759 : vector<16xi32>
        %bitcast3A_761 = vector.bitcast %shift_left3A_760 : vector<16xi32> to vector<16xf32>
        %shift_left3A_762 = arith.constant 16 : i32
        %shift_left3A_763 = vector.broadcast %shift_left3A_762 : i32 to vector<16xi32>
        %shift_left3A_764 = arith.shli %get3A_757, %shift_left3A_763 : vector<16xi32>
        %bitcast3A_765 = vector.bitcast %shift_left3A_764 : vector<16xi32> to vector<16xf32>
        %and3A_766 = arith.constant -65536 : i32
        %and3A_767 = vector.broadcast %and3A_766 : i32 to vector<16xi32>
        %and3A_768 = arith.andi %get3A_754, %and3A_767 : vector<16xi32>
        %bitcast3A_769 = vector.bitcast %and3A_768 : vector<16xi32> to vector<16xf32>
        %and3A_770 = arith.constant -65536 : i32
        %and3A_771 = vector.broadcast %and3A_770 : i32 to vector<16xi32>
        %and3A_772 = arith.andi %get3A_757, %and3A_771 : vector<16xi32>
        %bitcast3A_773 = vector.bitcast %and3A_772 : vector<16xi32> to vector<16xf32>
        %mul3A_774 = arith.mulf %bitcast3A_761, %bitcast3A_765 : vector<16xf32>
        %bitcast3A_775 = vector.bitcast %mul3A_774 : vector<16xf32> to vector<16xi32>
        %mul3A_776 = arith.mulf %bitcast3A_769, %bitcast3A_773 : vector<16xf32>
        %bitcast3A_777 = vector.bitcast %mul3A_776 : vector<16xf32> to vector<16xi32>
        %add3A_778 = arith.constant 32768 : i32
        %add3A_779 = vector.broadcast %add3A_778 : i32 to vector<16xi32>
        %add3A_780 = arith.addi %bitcast3A_775, %add3A_779 : vector<16xi32>
        %shift_right_logical3A_781 = arith.constant 16 : i32
        %shift_right_logical3A_782 = vector.broadcast %shift_right_logical3A_781 : i32 to vector<16xi32>
        %shift_right_logical3A_783 = arith.shrui %add3A_780, %shift_right_logical3A_782 : vector<16xi32>
        %add3A_784 = arith.constant 32768 : i32
        %add3A_785 = vector.broadcast %add3A_784 : i32 to vector<16xi32>
        %add3A_786 = arith.addi %bitcast3A_777, %add3A_785 : vector<16xi32>
        %and3A_787 = arith.constant -65536 : i32
        %and3A_788 = vector.broadcast %and3A_787 : i32 to vector<16xi32>
        %and3A_789 = arith.andi %add3A_786, %and3A_788 : vector<16xi32>
        %or3A_790 = arith.ori %shift_right_logical3A_783, %and3A_789 : vector<16xi32>
        %swap3A_791 = arith.index_cast %scan3A_705 : i32 to index
        %swap3A_792 = arith.constant 16 : index
        %swap3A_793 = tpu.vector_load %arg18[%swap3A_791, %swap3A_792] {strides = array<i32>} : memref<40x128xi32, #tpu.memory_space<vmem>>, vector<16xi32>,
        tpu.vector_store %arg18[%swap3A_791, %swap3A_792], %or3A_790 {strides = array<i32>} : memref<40x128xi32, #tpu.memory_space<vmem>>, vector<16xi32>,
        %get3A_794 = arith.index_cast %add3A_709 : i32 to index
        %get3A_795 = arith.constant 32 : index
        %get3A_796 = tpu.vector_load %arg8[%get3A_794, %get3A_795] {strides = array<i32>} : memref<80x64xi32, #tpu.memory_space<vmem>>, vector<16xi32>,
        %get3A_797 = arith.index_cast %add3A_709 : i32 to index
        %get3A_798 = arith.constant 32 : index
        %get3A_799 = tpu.vector_load %arg13[%get3A_797, %get3A_798] {strides = array<i32>} : memref<80x64xi32, #tpu.memory_space<vmem>>, vector<16xi32>,
        %shift_left3A_800 = arith.constant 16 : i32
        %shift_left3A_801 = vector.broadcast %shift_left3A_800 : i32 to vector<16xi32>
        %shift_left3A_802 = arith.shli %get3A_796, %shift_left3A_801 : vector<16xi32>
        %bitcast3A_803 = vector.bitcast %shift_left3A_802 : vector<16xi32> to vector<16xf32>
        %shift_left3A_804 = arith.constant 16 : i32
        %shift_left3A_805 = vector.broadcast %shift_left3A_804 : i32 to vector<16xi32>
        %shift_left3A_806 = arith.shli %get3A_799, %shift_left3A_805 : vector<16xi32>
        %bitcast3A_807 = vector.bitcast %shift_left3A_806 : vector<16xi32> to vector<16xf32>
        %and3A_808 = arith.constant -65536 : i32
        %and3A_809 = vector.broadcast %and3A_808 : i32 to vector<16xi32>
        %and3A_810 = arith.andi %get3A_796, %and3A_809 : vector<16xi32>
        %bitcast3A_811 = vector.bitcast %and3A_810 : vector<16xi32> to vector<16xf32>
        %and3A_812 = arith.constant -65536 : i32
        %and3A_813 = vector.broadcast %and3A_812 : i32 to vector<16xi32>
        %and3A_814 = arith.andi %get3A_799, %and3A_813 : vector<16xi32>
        %bitcast3A_815 = vector.bitcast %and3A_814 : vector<16xi32> to vector<16xf32>
        %mul3A_816 = arith.mulf %bitcast3A_803, %bitcast3A_807 : vector<16xf32>
        %bitcast3A_817 = vector.bitcast %mul3A_816 : vector<16xf32> to vector<16xi32>
        %mul3A_818 = arith.mulf %bitcast3A_811, %bitcast3A_815 : vector<16xf32>
        %bitcast3A_819 = vector.bitcast %mul3A_818 : vector<16xf32> to vector<16xi32>
        %add3A_820 = arith.constant 32768 : i32
        %add3A_821 = vector.broadcast %add3A_820 : i32 to vector<16xi32>
        %add3A_822 = arith.addi %bitcast3A_817, %add3A_821 : vector<16xi32>
        %shift_right_logical3A_823 = arith.constant 16 : i32
        %shift_right_logical3A_824 = vector.broadcast %shift_right_logical3A_823 : i32 to vector<16xi32>
        %shift_right_logical3A_825 = arith.shrui %add3A_822, %shift_right_logical3A_824 : vector<16xi32>
        %add3A_826 = arith.constant 32768 : i32
        %add3A_827 = vector.broadcast %add3A_826 : i32 to vector<16xi32>
        %add3A_828 = arith.addi %bitcast3A_819, %add3A_827 : vector<16xi32>
        %and3A_829 = arith.constant -65536 : i32
        %and3A_830 = vector.broadcast %and3A_829 : i32 to vector<16xi32>
        %and3A_831 = arith.andi %add3A_828, %and3A_830 : vector<16xi32>
        %or3A_832 = arith.ori %shift_right_logical3A_825, %and3A_831 : vector<16xi32>
        %swap3A_833 = arith.index_cast %scan3A_705 : i32 to index
        %swap3A_834 = arith.constant 32 : index
        %swap3A_835 = tpu.vector_load %arg18[%swap3A_833, %swap3A_834] {strides = array<i32>} : memref<40x128xi32, #tpu.memory_space<vmem>>, vector<16xi32>,
        tpu.vector_store %arg18[%swap3A_833, %swap3A_834], %or3A_832 {strides = array<i32>} : memref<40x128xi32, #tpu.memory_space<vmem>>, vector<16xi32>,
        %get3A_836 = arith.index_cast %add3A_709 : i32 to index
        %get3A_837 = arith.constant 48 : index
        %get3A_838 = tpu.vector_load %arg8[%get3A_836, %get3A_837] {strides = array<i32>} : memref<80x64xi32, #tpu.memory_space<vmem>>, vector<16xi32>,
        %get3A_839 = arith.index_cast %add3A_709 : i32 to index
        %get3A_840 = arith.constant 48 : index
        %get3A_841 = tpu.vector_load %arg13[%get3A_839, %get3A_840] {strides = array<i32>} : memref<80x64xi32, #tpu.memory_space<vmem>>, vector<16xi32>,
        %shift_left3A_842 = arith.constant 16 : i32
        %shift_left3A_843 = vector.broadcast %shift_left3A_842 : i32 to vector<16xi32>
        %shift_left3A_844 = arith.shli %get3A_838, %shift_left3A_843 : vector<16xi32>
        %bitcast3A_845 = vector.bitcast %shift_left3A_844 : vector<16xi32> to vector<16xf32>
        %shift_left3A_846 = arith.constant 16 : i32
        %shift_left3A_847 = vector.broadcast %shift_left3A_846 : i32 to vector<16xi32>
        %shift_left3A_848 = arith.shli %get3A_841, %shift_left3A_847 : vector<16xi32>
        %bitcast3A_849 = vector.bitcast %shift_left3A_848 : vector<16xi32> to vector<16xf32>
        %and3A_850 = arith.constant -65536 : i32
        %and3A_851 = vector.broadcast %and3A_850 : i32 to vector<16xi32>
        %and3A_852 = arith.andi %get3A_838, %and3A_851 : vector<16xi32>
        %bitcast3A_853 = vector.bitcast %and3A_852 : vector<16xi32> to vector<16xf32>
        %and3A_854 = arith.constant -65536 : i32
        %and3A_855 = vector.broadcast %and3A_854 : i32 to vector<16xi32>
        %and3A_856 = arith.andi %get3A_841, %and3A_855 : vector<16xi32>
        %bitcast3A_857 = vector.bitcast %and3A_856 : vector<16xi32> to vector<16xf32>
        %mul3A_858 = arith.mulf %bitcast3A_845, %bitcast3A_849 : vector<16xf32>
        %bitcast3A_859 = vector.bitcast %mul3A_858 : vector<16xf32> to vector<16xi32>
        %mul3A_860 = arith.mulf %bitcast3A_853, %bitcast3A_857 : vector<16xf32>
        %bitcast3A_861 = vector.bitcast %mul3A_860 : vector<16xf32> to vector<16xi32>
        %add3A_862 = arith.constant 32768 : i32
        %add3A_863 = vector.broadcast %add3A_862 : i32 to vector<16xi32>
        %add3A_864 = arith.addi %bitcast3A_859, %add3A_863 : vector<16xi32>
        %shift_right_logical3A_865 = arith.constant 16 : i32
        %shift_right_logical3A_866 = vector.broadcast %shift_right_logical3A_865 : i32 to vector<16xi32>
        %shift_right_logical3A_867 = arith.shrui %add3A_864, %shift_right_logical3A_866 : vector<16xi32>
        %add3A_868 = arith.constant 32768 : i32
        %add3A_869 = vector.broadcast %add3A_868 : i32 to vector<16xi32>
        %add3A_870 = arith.addi %bitcast3A_861, %add3A_869 : vector<16xi32>
        %and3A_871 = arith.constant -65536 : i32
        %and3A_872 = vector.broadcast %and3A_871 : i32 to vector<16xi32>
        %and3A_873 = arith.andi %add3A_870, %and3A_872 : vector<16xi32>
        %or3A_874 = arith.ori %shift_right_logical3A_867, %and3A_873 : vector<16xi32>
        %swap3A_875 = arith.index_cast %scan3A_705 : i32 to index
        %swap3A_876 = arith.constant 48 : index
        %swap3A_877 = tpu.vector_load %arg18[%swap3A_875, %swap3A_876] {strides = array<i32>} : memref<40x128xi32, #tpu.memory_space<vmem>>, vector<16xi32>,
        tpu.vector_store %arg18[%swap3A_875, %swap3A_876], %or3A_874 {strides = array<i32>} : memref<40x128xi32, #tpu.memory_space<vmem>>, vector<16xi32>,
        %mul3A_878 = arith.constant 2 : i32
        %mul3A_879 = arith.muli %scan3A_705, %mul3A_878 : i32
        %add3A_880 = arith.constant 1 : i32
        %add3A_881 = arith.addi %mul3A_879, %add3A_880 : i32
        %get3A_882 = arith.index_cast %add3A_881 : i32 to index
        %get3A_883 = arith.constant 0 : index
        %get3A_884 = tpu.vector_load %arg8[%get3A_882, %get3A_883] {strides = array<i32>} : memref<80x64xi32, #tpu.memory_space<vmem>>, vector<16xi32>,
        %get3A_885 = arith.index_cast %add3A_881 : i32 to index
        %get3A_886 = arith.constant 0 : index
        %get3A_887 = tpu.vector_load %arg13[%get3A_885, %get3A_886] {strides = array<i32>} : memref<80x64xi32, #tpu.memory_space<vmem>>, vector<16xi32>,
        %shift_left3A_888 = arith.constant 16 : i32
        %shift_left3A_889 = vector.broadcast %shift_left3A_888 : i32 to vector<16xi32>
        %shift_left3A_890 = arith.shli %get3A_884, %shift_left3A_889 : vector<16xi32>
        %bitcast3A_891 = vector.bitcast %shift_left3A_890 : vector<16xi32> to vector<16xf32>
        %shift_left3A_892 = arith.constant 16 : i32
        %shift_left3A_893 = vector.broadcast %shift_left3A_892 : i32 to vector<16xi32>
        %shift_left3A_894 = arith.shli %get3A_887, %shift_left3A_893 : vector<16xi32>
        %bitcast3A_895 = vector.bitcast %shift_left3A_894 : vector<16xi32> to vector<16xf32>
        %and3A_896 = arith.constant -65536 : i32
        %and3A_897 = vector.broadcast %and3A_896 : i32 to vector<16xi32>
        %and3A_898 = arith.andi %get3A_884, %and3A_897 : vector<16xi32>
        %bitcast3A_899 = vector.bitcast %and3A_898 : vector<16xi32> to vector<16xf32>
        %and3A_900 = arith.constant -65536 : i32
        %and3A_901 = vector.broadcast %and3A_900 : i32 to vector<16xi32>
        %and3A_902 = arith.andi %get3A_887, %and3A_901 : vector<16xi32>
        %bitcast3A_903 = vector.bitcast %and3A_902 : vector<16xi32> to vector<16xf32>
        %mul3A_904 = arith.mulf %bitcast3A_891, %bitcast3A_895 : vector<16xf32>
        %bitcast3A_905 = vector.bitcast %mul3A_904 : vector<16xf32> to vector<16xi32>
        %mul3A_906 = arith.mulf %bitcast3A_899, %bitcast3A_903 : vector<16xf32>
        %bitcast3A_907 = vector.bitcast %mul3A_906 : vector<16xf32> to vector<16xi32>
        %add3A_908 = arith.constant 32768 : i32
        %add3A_909 = vector.broadcast %add3A_908 : i32 to vector<16xi32>
        %add3A_910 = arith.addi %bitcast3A_905, %add3A_909 : vector<16xi32>
        %shift_right_logical3A_911 = arith.constant 16 : i32
        %shift_right_logical3A_912 = vector.broadcast %shift_right_logical3A_911 : i32 to vector<16xi32>
        %shift_right_logical3A_913 = arith.shrui %add3A_910, %shift_right_logical3A_912 : vector<16xi32>
        %add3A_914 = arith.constant 32768 : i32
        %add3A_915 = vector.broadcast %add3A_914 : i32 to vector<16xi32>
        %add3A_916 = arith.addi %bitcast3A_907, %add3A_915 : vector<16xi32>
        %and3A_917 = arith.constant -65536 : i32
        %and3A_918 = vector.broadcast %and3A_917 : i32 to vector<16xi32>
        %and3A_919 = arith.andi %add3A_916, %and3A_918 : vector<16xi32>
        %or3A_920 = arith.ori %shift_right_logical3A_913, %and3A_919 : vector<16xi32>
        %swap3A_921 = arith.index_cast %scan3A_705 : i32 to index
        %swap3A_922 = arith.constant 64 : index
        %swap3A_923 = tpu.vector_load %arg18[%swap3A_921, %swap3A_922] {strides = array<i32>} : memref<40x128xi32, #tpu.memory_space<vmem>>, vector<16xi32>,
        tpu.vector_store %arg18[%swap3A_921, %swap3A_922], %or3A_920 {strides = array<i32>} : memref<40x128xi32, #tpu.memory_space<vmem>>, vector<16xi32>,
        %get3A_924 = arith.index_cast %add3A_881 : i32 to index
        %get3A_925 = arith.constant 16 : index
        %get3A_926 = tpu.vector_load %arg8[%get3A_924, %get3A_925] {strides = array<i32>} : memref<80x64xi32, #tpu.memory_space<vmem>>, vector<16xi32>,
        %get3A_927 = arith.index_cast %add3A_881 : i32 to index
        %get3A_928 = arith.constant 16 : index
        %get3A_929 = tpu.vector_load %arg13[%get3A_927, %get3A_928] {strides = array<i32>} : memref<80x64xi32, #tpu.memory_space<vmem>>, vector<16xi32>,
        %shift_left3A_930 = arith.constant 16 : i32
        %shift_left3A_931 = vector.broadcast %shift_left3A_930 : i32 to vector<16xi32>
        %shift_left3A_932 = arith.shli %get3A_926, %shift_left3A_931 : vector<16xi32>
        %bitcast3A_933 = vector.bitcast %shift_left3A_932 : vector<16xi32> to vector<16xf32>
        %shift_left3A_934 = arith.constant 16 : i32
        %shift_left3A_935 = vector.broadcast %shift_left3A_934 : i32 to vector<16xi32>
        %shift_left3A_936 = arith.shli %get3A_929, %shift_left3A_935 : vector<16xi32>
        %bitcast3A_937 = vector.bitcast %shift_left3A_936 : vector<16xi32> to vector<16xf32>
        %and3A_938 = arith.constant -65536 : i32
        %and3A_939 = vector.broadcast %and3A_938 : i32 to vector<16xi32>
        %and3A_940 = arith.andi %get3A_926, %and3A_939 : vector<16xi32>
        %bitcast3A_941 = vector.bitcast %and3A_940 : vector<16xi32> to vector<16xf32>
        %and3A_942 = arith.constant -65536 : i32
        %and3A_943 = vector.broadcast %and3A_942 : i32 to vector<16xi32>
        %and3A_944 = arith.andi %get3A_929, %and3A_943 : vector<16xi32>
        %bitcast3A_945 = vector.bitcast %and3A_944 : vector<16xi32> to vector<16xf32>
        %mul3A_946 = arith.mulf %bitcast3A_933, %bitcast3A_937 : vector<16xf32>
        %bitcast3A_947 = vector.bitcast %mul3A_946 : vector<16xf32> to vector<16xi32>
        %mul3A_948 = arith.mulf %bitcast3A_941, %bitcast3A_945 : vector<16xf32>
        %bitcast3A_949 = vector.bitcast %mul3A_948 : vector<16xf32> to vector<16xi32>
        %add3A_950 = arith.constant 32768 : i32
        %add3A_951 = vector.broadcast %add3A_950 : i32 to vector<16xi32>
        %add3A_952 = arith.addi %bitcast3A_947, %add3A_951 : vector<16xi32>
        %shift_right_logical3A_953 = arith.constant 16 : i32
        %shift_right_logical3A_954 = vector.broadcast %shift_right_logical3A_953 : i32 to vector<16xi32>
        %shift_right_logical3A_955 = arith.shrui %add3A_952, %shift_right_logical3A_954 : vector<16xi32>
        %add3A_956 = arith.constant 32768 : i32
        %add3A_957 = vector.broadcast %add3A_956 : i32 to vector<16xi32>
        %add3A_958 = arith.addi %bitcast3A_949, %add3A_957 : vector<16xi32>
        %and3A_959 = arith.constant -65536 : i32
        %and3A_960 = vector.broadcast %and3A_959 : i32 to vector<16xi32>
        %and3A_961 = arith.andi %add3A_958, %and3A_960 : vector<16xi32>
        %or3A_962 = arith.ori %shift_right_logical3A_955, %and3A_961 : vector<16xi32>
        %swap3A_963 = arith.index_cast %scan3A_705 : i32 to index
        %swap3A_964 = arith.constant 80 : index
        %swap3A_965 = tpu.vector_load %arg18[%swap3A_963, %swap3A_964] {strides = array<i32>} : memref<40x128xi32, #tpu.memory_space<vmem>>, vector<16xi32>,
        tpu.vector_store %arg18[%swap3A_963, %swap3A_964], %or3A_962 {strides = array<i32>} : memref<40x128xi32, #tpu.memory_space<vmem>>, vector<16xi32>,
        %get3A_966 = arith.index_cast %add3A_881 : i32 to index
        %get3A_967 = arith.constant 32 : index
        %get3A_968 = tpu.vector_load %arg8[%get3A_966, %get3A_967] {strides = array<i32>} : memref<80x64xi32, #tpu.memory_space<vmem>>, vector<16xi32>,
        %get3A_969 = arith.index_cast %add3A_881 : i32 to index
        %get3A_970 = arith.constant 32 : index
        %get3A_971 = tpu.vector_load %arg13[%get3A_969, %get3A_970] {strides = array<i32>} : memref<80x64xi32, #tpu.memory_space<vmem>>, vector<16xi32>,
        %shift_left3A_972 = arith.constant 16 : i32
        %shift_left3A_973 = vector.broadcast %shift_left3A_972 : i32 to vector<16xi32>
        %shift_left3A_974 = arith.shli %get3A_968, %shift_left3A_973 : vector<16xi32>
        %bitcast3A_975 = vector.bitcast %shift_left3A_974 : vector<16xi32> to vector<16xf32>
        %shift_left3A_976 = arith.constant 16 : i32
        %shift_left3A_977 = vector.broadcast %shift_left3A_976 : i32 to vector<16xi32>
        %shift_left3A_978 = arith.shli %get3A_971, %shift_left3A_977 : vector<16xi32>
        %bitcast3A_979 = vector.bitcast %shift_left3A_978 : vector<16xi32> to vector<16xf32>
        %and3A_980 = arith.constant -65536 : i32
        %and3A_981 = vector.broadcast %and3A_980 : i32 to vector<16xi32>
        %and3A_982 = arith.andi %get3A_968, %and3A_981 : vector<16xi32>
        %bitcast3A_983 = vector.bitcast %and3A_982 : vector<16xi32> to vector<16xf32>
        %and3A_984 = arith.constant -65536 : i32
        %and3A_985 = vector.broadcast %and3A_984 : i32 to vector<16xi32>
        %and3A_986 = arith.andi %get3A_971, %and3A_985 : vector<16xi32>
        %bitcast3A_987 = vector.bitcast %and3A_986 : vector<16xi32> to vector<16xf32>
        %mul3A_988 = arith.mulf %bitcast3A_975, %bitcast3A_979 : vector<16xf32>
        %bitcast3A_989 = vector.bitcast %mul3A_988 : vector<16xf32> to vector<16xi32>
        %mul3A_990 = arith.mulf %bitcast3A_983, %bitcast3A_987 : vector<16xf32>
        %bitcast3A_991 = vector.bitcast %mul3A_990 : vector<16xf32> to vector<16xi32>
        %add3A_992 = arith.constant 32768 : i32
        %add3A_993 = vector.broadcast %add3A_992 : i32 to vector<16xi32>
        %add3A_994 = arith.addi %bitcast3A_989, %add3A_993 : vector<16xi32>
        %shift_right_logical3A_995 = arith.constant 16 : i32
        %shift_right_logical3A_996 = vector.broadcast %shift_right_logical3A_995 : i32 to vector<16xi32>
        %shift_right_logical3A_997 = arith.shrui %add3A_994, %shift_right_logical3A_996 : vector<16xi32>
        %add3A_998 = arith.constant 32768 : i32
        %add3A_999 = vector.broadcast %add3A_998 : i32 to vector<16xi32>
        %add3A_1000 = arith.addi %bitcast3A_991, %add3A_999 : vector<16xi32>
        %and3A_1001 = arith.constant -65536 : i32
        %and3A_1002 = vector.broadcast %and3A_1001 : i32 to vector<16xi32>
        %and3A_1003 = arith.andi %add3A_1000, %and3A_1002 : vector<16xi32>
        %or3A_1004 = arith.ori %shift_right_logical3A_997, %and3A_1003 : vector<16xi32>
        %swap3A_1005 = arith.index_cast %scan3A_705 : i32 to index
        %swap3A_1006 = arith.constant 96 : index
        %swap3A_1007 = tpu.vector_load %arg18[%swap3A_1005, %swap3A_1006] {strides = array<i32>} : memref<40x128xi32, #tpu.memory_space<vmem>>, vector<16xi32>,
        tpu.vector_store %arg18[%swap3A_1005, %swap3A_1006], %or3A_1004 {strides = array<i32>} : memref<40x128xi32, #tpu.memory_space<vmem>>, vector<16xi32>,
        %get3A_1008 = arith.index_cast %add3A_881 : i32 to index
        %get3A_1009 = arith.constant 48 : index
        %get3A_1010 = tpu.vector_load %arg8[%get3A_1008, %get3A_1009] {strides = array<i32>} : memref<80x64xi32, #tpu.memory_space<vmem>>, vector<16xi32>,
        %get3A_1011 = arith.index_cast %add3A_881 : i32 to index
        %get3A_1012 = arith.constant 48 : index
        %get3A_1013 = tpu.vector_load %arg13[%get3A_1011, %get3A_1012] {strides = array<i32>} : memref<80x64xi32, #tpu.memory_space<vmem>>, vector<16xi32>,
        %shift_left3A_1014 = arith.constant 16 : i32
        %shift_left3A_1015 = vector.broadcast %shift_left3A_1014 : i32 to vector<16xi32>
        %shift_left3A_1016 = arith.shli %get3A_1010, %shift_left3A_1015 : vector<16xi32>
        %bitcast3A_1017 = vector.bitcast %shift_left3A_1016 : vector<16xi32> to vector<16xf32>
        %shift_left3A_1018 = arith.constant 16 : i32
        %shift_left3A_1019 = vector.broadcast %shift_left3A_1018 : i32 to vector<16xi32>
        %shift_left3A_1020 = arith.shli %get3A_1013, %shift_left3A_1019 : vector<16xi32>
        %bitcast3A_1021 = vector.bitcast %shift_left3A_1020 : vector<16xi32> to vector<16xf32>
        %and3A_1022 = arith.constant -65536 : i32
        %and3A_1023 = vector.broadcast %and3A_1022 : i32 to vector<16xi32>
        %and3A_1024 = arith.andi %get3A_1010, %and3A_1023 : vector<16xi32>
        %bitcast3A_1025 = vector.bitcast %and3A_1024 : vector<16xi32> to vector<16xf32>
        %and3A_1026 = arith.constant -65536 : i32
        %and3A_1027 = vector.broadcast %and3A_1026 : i32 to vector<16xi32>
        %and3A_1028 = arith.andi %get3A_1013, %and3A_1027 : vector<16xi32>
        %bitcast3A_1029 = vector.bitcast %and3A_1028 : vector<16xi32> to vector<16xf32>
        %mul3A_1030 = arith.mulf %bitcast3A_1017, %bitcast3A_1021 : vector<16xf32>
        %bitcast3A_1031 = vector.bitcast %mul3A_1030 : vector<16xf32> to vector<16xi32>
        %mul3A_1032 = arith.mulf %bitcast3A_1025, %bitcast3A_1029 : vector<16xf32>
        %bitcast3A_1033 = vector.bitcast %mul3A_1032 : vector<16xf32> to vector<16xi32>
        %add3A_1034 = arith.constant 32768 : i32
        %add3A_1035 = vector.broadcast %add3A_1034 : i32 to vector<16xi32>
        %add3A_1036 = arith.addi %bitcast3A_1031, %add3A_1035 : vector<16xi32>
        %shift_right_logical3A_1037 = arith.constant 16 : i32
        %shift_right_logical3A_1038 = vector.broadcast %shift_right_logical3A_1037 : i32 to vector<16xi32>
        %shift_right_logical3A_1039 = arith.shrui %add3A_1036, %shift_right_logical3A_1038 : vector<16xi32>
        %add3A_1040 = arith.constant 32768 : i32
        %add3A_1041 = vector.broadcast %add3A_1040 : i32 to vector<16xi32>
        %add3A_1042 = arith.addi %bitcast3A_1033, %add3A_1041 : vector<16xi32>
        %and3A_1043 = arith.constant -65536 : i32
        %and3A_1044 = vector.broadcast %and3A_1043 : i32 to vector<16xi32>
        %and3A_1045 = arith.andi %add3A_1042, %and3A_1044 : vector<16xi32>
        %or3A_1046 = arith.ori %shift_right_logical3A_1039, %and3A_1045 : vector<16xi32>
        %swap3A_1047 = arith.index_cast %scan3A_705 : i32 to index
        %swap3A_1048 = arith.constant 112 : index
        %swap3A_1049 = tpu.vector_load %arg18[%swap3A_1047, %swap3A_1048] {strides = array<i32>} : memref<40x128xi32, #tpu.memory_space<vmem>>, vector<16xi32>,
        tpu.vector_store %arg18[%swap3A_1047, %swap3A_1048], %or3A_1046 {strides = array<i32>} : memref<40x128xi32, #tpu.memory_space<vmem>>, vector<16xi32>,
      }
      %scan3A_96 = arith.constant 40 : i32
      %mul3A_97 = arith.constant 80 : i32
      %mul3A_98 = arith.muli %add3A_80, %mul3A_97 : i32
      %multiple_of3A_99 = tpu.assume_multiple %mul3A_98, 80 : i32
      %add3A_100 = arith.addi %multiple_of3A, %multiple_of3A_99 : i32
      %jit3A = arith.constant 2 : i32
      %div3A = arith.divsi %add3A_100, %jit3A : i32
      %sign3A = arith.constant 0 : i32
      %sign3A_101 = arith.cmpi sgt, %add3A_100, %sign3A : i32
      %sign3A_102 = arith.extui %sign3A_101 : i1 to i32
      %sign3A_103 = arith.constant 0 : i32
      %sign3A_104 = arith.cmpi slt, %add3A_100, %sign3A_103 : i32
      %sign3A_105 = arith.extui %sign3A_104 : i1 to i32
      %sign3A_106 = arith.subi %sign3A_102, %sign3A_105 : i32
      %sign3A_107 = arith.constant 0 : i32
      %sign3A_108 = arith.cmpi sgt, %jit3A, %sign3A_107 : i32
      %sign3A_109 = arith.extui %sign3A_108 : i1 to i32
      %sign3A_110 = arith.constant 0 : i32
      %sign3A_111 = arith.cmpi slt, %jit3A, %sign3A_110 : i32
      %sign3A_112 = arith.extui %sign3A_111 : i1 to i32
      %sign3A_113 = arith.subi %sign3A_109, %sign3A_112 : i32
      %ne3A = arith.cmpi ne, %sign3A_106, %sign3A_113 : i32
      %rem3A = arith.remsi %add3A_100, %jit3A : i32
      %ne3A_114 = arith.constant 0 : i32
      %ne3A_115 = arith.cmpi ne, %rem3A, %ne3A_114 : i32
      %and3A = arith.andi %ne3A, %ne3A_115 : i1
      %sub3A = arith.constant 1 : i32
      %sub3A_116 = arith.subi %div3A, %sub3A : i32
      %select_n3A = arith.select %and3A, %sub3A_116, %div3A : i32
      %dma_start3A_117 = arith.constant 0 : i32
      %dma_start3A_118 = tpu.memref_slice %arg5[%select_n3A, %dma_start3A_117] : memref<160000x128xi32, #tpu.memory_space<hbm>> -> memref<40x128xi32, #tpu.memory_space<hbm>>
      %dma_start3A_119 = arith.constant 0 : i32
      %dma_start3A_120 = tpu.memref_slice %arg5[%select_n3A, %dma_start3A_119] : memref<160000x128xi32, #tpu.memory_space<hbm>> -> memref<40x128xi32, #tpu.memory_space<hbm>>
      tpu.enqueue_dma source(%arg18 : memref<40x128xi32, #tpu.memory_space<vmem>>) target(%dma_start3A_120 : memref<40x128xi32, #tpu.memory_space<hbm>>) target_semaphore(%arg33 : memref<!tpu.dma_semaphore, #tpu.memory_space<semaphore_mem>>)
      %gt3A = arith.constant 0 : i32
      %gt3A_121 = arith.cmpi sgt, %scan3A_76, %gt3A : i32
      %convert_element_type3A = arith.extui %gt3A_121 : i1 to i32
      %cond3A = arith.constant 0 : i32
      %cond3A_122 = arith.cmpi ne, %convert_element_type3A, %cond3A : i32
      scf.if %cond3A_122 {
        %dma_wait3A_365 = arith.constant 0 : i32
        %dma_wait3A_366 = arith.constant 0 : i32
        %dma_wait3A_367 = tpu.memref_slice %arg5[%dma_wait3A_365, %dma_wait3A_366] : memref<160000x128xi32, #tpu.memory_space<hbm>> -> memref<40x128xi32, #tpu.memory_space<hbm>>
        %dma_wait3A_368 = arith.constant 0 : i32
        %dma_wait3A_369 = arith.constant 0 : i32
        %dma_wait3A_370 = tpu.memref_slice %arg5[%dma_wait3A_368, %dma_wait3A_369] : memref<160000x128xi32, #tpu.memory_space<hbm>> -> memref<40x128xi32, #tpu.memory_space<hbm>>
        tpu.wait_dma2 semaphore(%arg37 : memref<!tpu.dma_semaphore, #tpu.memory_space<semaphore_mem>>) src(%arg22 : memref<40x128xi32, #tpu.memory_space<vmem>>) dst(%dma_wait3A_370 : memref<40x128xi32, #tpu.memory_space<hbm>>)
      } else {
      }
      %add3A_123 = arith.constant 5 : i32
      %add3A_124 = arith.addi %add3A_80, %add3A_123 : i32
      %sub3A_125 = arith.constant 1 : i32
      %sub3A_126 = arith.subi %add3A_124, %sub3A_125 : i32
      %mul3A_127 = arith.constant 80 : i32
      %mul3A_128 = arith.muli %sub3A_126, %mul3A_127 : i32
      %multiple_of3A_129 = tpu.assume_multiple %mul3A_128, 80 : i32
      %dma_start3A_130 = tpu.memref_slice %arg6[%multiple_of3A_129] : memref<10000xi32, #tpu.memory_space<vmem>> -> memref<80xi32, #tpu.memory_space<vmem>>
      %dma_start3A_131 = arith.constant 0 : i32
      %dma_start3A_132 = arith.constant 0 : i32
      %dma_start3A_133 = tpu.memref_slice %arg2[%dma_start3A_131, %dma_start3A_132] : memref<10000x64xi32, #tpu.memory_space<hbm>> -> memref<10000x64xi32, #tpu.memory_space<hbm>>
      tpu.enqueue_indirect_dma source(%dma_start3A_133 : memref<10000x64xi32, #tpu.memory_space<hbm>>) target(%arg12 : memref<80x64xi32, #tpu.memory_space<vmem>>) offsets(%dma_start3A_130 : memref<80xi32, #tpu.memory_space<vmem>>) semaphore(%arg27 : memref<!tpu.dma_semaphore, #tpu.memory_space<semaphore_mem>>)
      %dma_start3A_134 = tpu.memref_slice %arg7[%multiple_of3A_129] : memref<10000xi32, #tpu.memory_space<vmem>> -> memref<80xi32, #tpu.memory_space<vmem>>
      %dma_start3A_135 = arith.constant 0 : i32
      %dma_start3A_136 = arith.constant 0 : i32
      %dma_start3A_137 = tpu.memref_slice %arg2[%dma_start3A_135, %dma_start3A_136] : memref<10000x64xi32, #tpu.memory_space<hbm>> -> memref<10000x64xi32, #tpu.memory_space<hbm>>
      tpu.enqueue_indirect_dma source(%dma_start3A_137 : memref<10000x64xi32, #tpu.memory_space<hbm>>) target(%arg17 : memref<80x64xi32, #tpu.memory_space<vmem>>) offsets(%dma_start3A_134 : memref<80xi32, #tpu.memory_space<vmem>>) semaphore(%arg32 : memref<!tpu.dma_semaphore, #tpu.memory_space<semaphore_mem>>)
      %mul3A_138 = arith.constant 5 : i32
      %mul3A_139 = arith.muli %scan3A_76, %mul3A_138 : i32
      %add3A_140 = arith.constant 1 : i32
      %add3A_141 = arith.addi %mul3A_139, %add3A_140 : i32
      %dma_wait3A_142 = arith.constant 0 : i32
      %dma_wait3A_143 = tpu.memref_slice %arg6[%dma_wait3A_142] : memref<10000xi32, #tpu.memory_space<vmem>> -> memref<80xi32, #tpu.memory_space<vmem>>
      %dma_wait3A_144 = arith.constant 0 : i32
      %dma_wait3A_145 = arith.constant 0 : i32
      %dma_wait3A_146 = tpu.memref_slice %arg2[%dma_wait3A_144, %dma_wait3A_145] : memref<10000x64xi32, #tpu.memory_space<hbm>> -> memref<10000x64xi32, #tpu.memory_space<hbm>>
      tpu.wait_indirect_dma semaphore(%arg24 : memref<!tpu.dma_semaphore, #tpu.memory_space<semaphore_mem>>) src(%dma_wait3A_146 : memref<10000x64xi32, #tpu.memory_space<hbm>>) dst(%arg9 : memref<80x64xi32, #tpu.memory_space<vmem>>)
      %dma_wait3A_147 = arith.constant 0 : i32
      %dma_wait3A_148 = tpu.memref_slice %arg7[%dma_wait3A_147] : memref<10000xi32, #tpu.memory_space<vmem>> -> memref<80xi32, #tpu.memory_space<vmem>>
      %dma_wait3A_149 = arith.constant 0 : i32
      %dma_wait3A_150 = arith.constant 0 : i32
      %dma_wait3A_151 = tpu.memref_slice %arg2[%dma_wait3A_149, %dma_wait3A_150] : memref<10000x64xi32, #tpu.memory_space<hbm>> -> memref<10000x64xi32, #tpu.memory_space<hbm>>
      tpu.wait_indirect_dma semaphore(%arg29 : memref<!tpu.dma_semaphore, #tpu.memory_space<semaphore_mem>>) src(%dma_wait3A_151 : memref<10000x64xi32, #tpu.memory_space<hbm>>) dst(%arg14 : memref<80x64xi32, #tpu.memory_space<vmem>>)
      %scan3A_152 = arith.constant 0 : i32
      %scan3A_153 = arith.constant 0 : i32
      %scan3A_154 = arith.constant 40 : i32
      %scan3A_155 = arith.addi %scan3A_153, %scan3A_154 : i32
      %scan3A_156 = arith.constant 2 : i32
      scf.for %scan3A_365 = %scan3A_153 to %scan3A_155 step %scan3A_156  : i32 {
        %mul3A_366 = arith.constant 2 : i32
        %mul3A_367 = arith.muli %scan3A_365, %mul3A_366 : i32
        %add3A_368 = arith.constant 0 : i32
        %add3A_369 = arith.addi %mul3A_367, %add3A_368 : i32
        %get3A = arith.index_cast %add3A_369 : i32 to index
        %get3A_370 = arith.constant 0 : index
        %get3A_371 = tpu.vector_load %arg9[%get3A, %get3A_370] {strides = array<i32>} : memref<80x64xi32, #tpu.memory_space<vmem>>, vector<16xi32>,
        %get3A_372 = arith.index_cast %add3A_369 : i32 to index
        %get3A_373 = arith.constant 0 : index
        %get3A_374 = tpu.vector_load %arg14[%get3A_372, %get3A_373] {strides = array<i32>} : memref<80x64xi32, #tpu.memory_space<vmem>>, vector<16xi32>,
        %shift_left3A = arith.constant 16 : i32
        %shift_left3A_375 = vector.broadcast %shift_left3A : i32 to vector<16xi32>
        %shift_left3A_376 = arith.shli %get3A_371, %shift_left3A_375 : vector<16xi32>
        %bitcast3A = vector.bitcast %shift_left3A_376 : vector<16xi32> to vector<16xf32>
        %shift_left3A_377 = arith.constant 16 : i32
        %shift_left3A_378 = vector.broadcast %shift_left3A_377 : i32 to vector<16xi32>
        %shift_left3A_379 = arith.shli %get3A_374, %shift_left3A_378 : vector<16xi32>
        %bitcast3A_380 = vector.bitcast %shift_left3A_379 : vector<16xi32> to vector<16xf32>
        %and3A_381 = arith.constant -65536 : i32
        %and3A_382 = vector.broadcast %and3A_381 : i32 to vector<16xi32>
        %and3A_383 = arith.andi %get3A_371, %and3A_382 : vector<16xi32>
        %bitcast3A_384 = vector.bitcast %and3A_383 : vector<16xi32> to vector<16xf32>
        %and3A_385 = arith.constant -65536 : i32
        %and3A_386 = vector.broadcast %and3A_385 : i32 to vector<16xi32>
        %and3A_387 = arith.andi %get3A_374, %and3A_386 : vector<16xi32>
        %bitcast3A_388 = vector.bitcast %and3A_387 : vector<16xi32> to vector<16xf32>
        %mul3A_389 = arith.mulf %bitcast3A, %bitcast3A_380 : vector<16xf32>
        %bitcast3A_390 = vector.bitcast %mul3A_389 : vector<16xf32> to vector<16xi32>
        %mul3A_391 = arith.mulf %bitcast3A_384, %bitcast3A_388 : vector<16xf32>
        %bitcast3A_392 = vector.bitcast %mul3A_391 : vector<16xf32> to vector<16xi32>
        %add3A_393 = arith.constant 32768 : i32
        %add3A_394 = vector.broadcast %add3A_393 : i32 to vector<16xi32>
        %add3A_395 = arith.addi %bitcast3A_390, %add3A_394 : vector<16xi32>
        %shift_right_logical3A = arith.constant 16 : i32
        %shift_right_logical3A_396 = vector.broadcast %shift_right_logical3A : i32 to vector<16xi32>
        %shift_right_logical3A_397 = arith.shrui %add3A_395, %shift_right_logical3A_396 : vector<16xi32>
        %add3A_398 = arith.constant 32768 : i32
        %add3A_399 = vector.broadcast %add3A_398 : i32 to vector<16xi32>
        %add3A_400 = arith.addi %bitcast3A_392, %add3A_399 : vector<16xi32>
        %and3A_401 = arith.constant -65536 : i32
        %and3A_402 = vector.broadcast %and3A_401 : i32 to vector<16xi32>
        %and3A_403 = arith.andi %add3A_400, %and3A_402 : vector<16xi32>
        %or3A = arith.ori %shift_right_logical3A_397, %and3A_403 : vector<16xi32>
        %swap3A = arith.index_cast %scan3A_365 : i32 to index
        %swap3A_404 = arith.constant 0 : index
        %swap3A_405 = tpu.vector_load %arg19[%swap3A, %swap3A_404] {strides = array<i32>} : memref<40x128xi32, #tpu.memory_space<vmem>>, vector<16xi32>,
        tpu.vector_store %arg19[%swap3A, %swap3A_404], %or3A {strides = array<i32>} : memref<40x128xi32, #tpu.memory_space<vmem>>, vector<16xi32>,
        %get3A_406 = arith.index_cast %add3A_369 : i32 to index
        %get3A_407 = arith.constant 16 : index
        %get3A_408 = tpu.vector_load %arg9[%get3A_406, %get3A_407] {strides = array<i32>} : memref<80x64xi32, #tpu.memory_space<vmem>>, vector<16xi32>,
        %get3A_409 = arith.index_cast %add3A_369 : i32 to index
        %get3A_410 = arith.constant 16 : index
        %get3A_411 = tpu.vector_load %arg14[%get3A_409, %get3A_410] {strides = array<i32>} : memref<80x64xi32, #tpu.memory_space<vmem>>, vector<16xi32>,
        %shift_left3A_412 = arith.constant 16 : i32
        %shift_left3A_413 = vector.broadcast %shift_left3A_412 : i32 to vector<16xi32>
        %shift_left3A_414 = arith.shli %get3A_408, %shift_left3A_413 : vector<16xi32>
        %bitcast3A_415 = vector.bitcast %shift_left3A_414 : vector<16xi32> to vector<16xf32>
        %shift_left3A_416 = arith.constant 16 : i32
        %shift_left3A_417 = vector.broadcast %shift_left3A_416 : i32 to vector<16xi32>
        %shift_left3A_418 = arith.shli %get3A_411, %shift_left3A_417 : vector<16xi32>
        %bitcast3A_419 = vector.bitcast %shift_left3A_418 : vector<16xi32> to vector<16xf32>
        %and3A_420 = arith.constant -65536 : i32
        %and3A_421 = vector.broadcast %and3A_420 : i32 to vector<16xi32>
        %and3A_422 = arith.andi %get3A_408, %and3A_421 : vector<16xi32>
        %bitcast3A_423 = vector.bitcast %and3A_422 : vector<16xi32> to vector<16xf32>
        %and3A_424 = arith.constant -65536 : i32
        %and3A_425 = vector.broadcast %and3A_424 : i32 to vector<16xi32>
        %and3A_426 = arith.andi %get3A_411, %and3A_425 : vector<16xi32>
        %bitcast3A_427 = vector.bitcast %and3A_426 : vector<16xi32> to vector<16xf32>
        %mul3A_428 = arith.mulf %bitcast3A_415, %bitcast3A_419 : vector<16xf32>
        %bitcast3A_429 = vector.bitcast %mul3A_428 : vector<16xf32> to vector<16xi32>
        %mul3A_430 = arith.mulf %bitcast3A_423, %bitcast3A_427 : vector<16xf32>
        %bitcast3A_431 = vector.bitcast %mul3A_430 : vector<16xf32> to vector<16xi32>
        %add3A_432 = arith.constant 32768 : i32
        %add3A_433 = vector.broadcast %add3A_432 : i32 to vector<16xi32>
        %add3A_434 = arith.addi %bitcast3A_429, %add3A_433 : vector<16xi32>
        %shift_right_logical3A_435 = arith.constant 16 : i32
        %shift_right_logical3A_436 = vector.broadcast %shift_right_logical3A_435 : i32 to vector<16xi32>
        %shift_right_logical3A_437 = arith.shrui %add3A_434, %shift_right_logical3A_436 : vector<16xi32>
        %add3A_438 = arith.constant 32768 : i32
        %add3A_439 = vector.broadcast %add3A_438 : i32 to vector<16xi32>
        %add3A_440 = arith.addi %bitcast3A_431, %add3A_439 : vector<16xi32>
        %and3A_441 = arith.constant -65536 : i32
        %and3A_442 = vector.broadcast %and3A_441 : i32 to vector<16xi32>
        %and3A_443 = arith.andi %add3A_440, %and3A_442 : vector<16xi32>
        %or3A_444 = arith.ori %shift_right_logical3A_437, %and3A_443 : vector<16xi32>
        %swap3A_445 = arith.index_cast %scan3A_365 : i32 to index
        %swap3A_446 = arith.constant 16 : index
        %swap3A_447 = tpu.vector_load %arg19[%swap3A_445, %swap3A_446] {strides = array<i32>} : memref<40x128xi32, #tpu.memory_space<vmem>>, vector<16xi32>,
        tpu.vector_store %arg19[%swap3A_445, %swap3A_446], %or3A_444 {strides = array<i32>} : memref<40x128xi32, #tpu.memory_space<vmem>>, vector<16xi32>,
        %get3A_448 = arith.index_cast %add3A_369 : i32 to index
        %get3A_449 = arith.constant 32 : index
        %get3A_450 = tpu.vector_load %arg9[%get3A_448, %get3A_449] {strides = array<i32>} : memref<80x64xi32, #tpu.memory_space<vmem>>, vector<16xi32>,
        %get3A_451 = arith.index_cast %add3A_369 : i32 to index
        %get3A_452 = arith.constant 32 : index
        %get3A_453 = tpu.vector_load %arg14[%get3A_451, %get3A_452] {strides = array<i32>} : memref<80x64xi32, #tpu.memory_space<vmem>>, vector<16xi32>,
        %shift_left3A_454 = arith.constant 16 : i32
        %shift_left3A_455 = vector.broadcast %shift_left3A_454 : i32 to vector<16xi32>
        %shift_left3A_456 = arith.shli %get3A_450, %shift_left3A_455 : vector<16xi32>
        %bitcast3A_457 = vector.bitcast %shift_left3A_456 : vector<16xi32> to vector<16xf32>
        %shift_left3A_458 = arith.constant 16 : i32
        %shift_left3A_459 = vector.broadcast %shift_left3A_458 : i32 to vector<16xi32>
        %shift_left3A_460 = arith.shli %get3A_453, %shift_left3A_459 : vector<16xi32>
        %bitcast3A_461 = vector.bitcast %shift_left3A_460 : vector<16xi32> to vector<16xf32>
        %and3A_462 = arith.constant -65536 : i32
        %and3A_463 = vector.broadcast %and3A_462 : i32 to vector<16xi32>
        %and3A_464 = arith.andi %get3A_450, %and3A_463 : vector<16xi32>
        %bitcast3A_465 = vector.bitcast %and3A_464 : vector<16xi32> to vector<16xf32>
        %and3A_466 = arith.constant -65536 : i32
        %and3A_467 = vector.broadcast %and3A_466 : i32 to vector<16xi32>
        %and3A_468 = arith.andi %get3A_453, %and3A_467 : vector<16xi32>
        %bitcast3A_469 = vector.bitcast %and3A_468 : vector<16xi32> to vector<16xf32>
        %mul3A_470 = arith.mulf %bitcast3A_457, %bitcast3A_461 : vector<16xf32>
        %bitcast3A_471 = vector.bitcast %mul3A_470 : vector<16xf32> to vector<16xi32>
        %mul3A_472 = arith.mulf %bitcast3A_465, %bitcast3A_469 : vector<16xf32>
        %bitcast3A_473 = vector.bitcast %mul3A_472 : vector<16xf32> to vector<16xi32>
        %add3A_474 = arith.constant 32768 : i32
        %add3A_475 = vector.broadcast %add3A_474 : i32 to vector<16xi32>
        %add3A_476 = arith.addi %bitcast3A_471, %add3A_475 : vector<16xi32>
        %shift_right_logical3A_477 = arith.constant 16 : i32
        %shift_right_logical3A_478 = vector.broadcast %shift_right_logical3A_477 : i32 to vector<16xi32>
        %shift_right_logical3A_479 = arith.shrui %add3A_476, %shift_right_logical3A_478 : vector<16xi32>
        %add3A_480 = arith.constant 32768 : i32
        %add3A_481 = vector.broadcast %add3A_480 : i32 to vector<16xi32>
        %add3A_482 = arith.addi %bitcast3A_473, %add3A_481 : vector<16xi32>
        %and3A_483 = arith.constant -65536 : i32
        %and3A_484 = vector.broadcast %and3A_483 : i32 to vector<16xi32>
        %and3A_485 = arith.andi %add3A_482, %and3A_484 : vector<16xi32>
        %or3A_486 = arith.ori %shift_right_logical3A_479, %and3A_485 : vector<16xi32>
        %swap3A_487 = arith.index_cast %scan3A_365 : i32 to index
        %swap3A_488 = arith.constant 32 : index
        %swap3A_489 = tpu.vector_load %arg19[%swap3A_487, %swap3A_488] {strides = array<i32>} : memref<40x128xi32, #tpu.memory_space<vmem>>, vector<16xi32>,
        tpu.vector_store %arg19[%swap3A_487, %swap3A_488], %or3A_486 {strides = array<i32>} : memref<40x128xi32, #tpu.memory_space<vmem>>, vector<16xi32>,
        %get3A_490 = arith.index_cast %add3A_369 : i32 to index
        %get3A_491 = arith.constant 48 : index
        %get3A_492 = tpu.vector_load %arg9[%get3A_490, %get3A_491] {strides = array<i32>} : memref<80x64xi32, #tpu.memory_space<vmem>>, vector<16xi32>,
        %get3A_493 = arith.index_cast %add3A_369 : i32 to index
        %get3A_494 = arith.constant 48 : index
        %get3A_495 = tpu.vector_load %arg14[%get3A_493, %get3A_494] {strides = array<i32>} : memref<80x64xi32, #tpu.memory_space<vmem>>, vector<16xi32>,
        %shift_left3A_496 = arith.constant 16 : i32
        %shift_left3A_497 = vector.broadcast %shift_left3A_496 : i32 to vector<16xi32>
        %shift_left3A_498 = arith.shli %get3A_492, %shift_left3A_497 : vector<16xi32>
        %bitcast3A_499 = vector.bitcast %shift_left3A_498 : vector<16xi32> to vector<16xf32>
        %shift_left3A_500 = arith.constant 16 : i32
        %shift_left3A_501 = vector.broadcast %shift_left3A_500 : i32 to vector<16xi32>
        %shift_left3A_502 = arith.shli %get3A_495, %shift_left3A_501 : vector<16xi32>
        %bitcast3A_503 = vector.bitcast %shift_left3A_502 : vector<16xi32> to vector<16xf32>
        %and3A_504 = arith.constant -65536 : i32
        %and3A_505 = vector.broadcast %and3A_504 : i32 to vector<16xi32>
        %and3A_506 = arith.andi %get3A_492, %and3A_505 : vector<16xi32>
        %bitcast3A_507 = vector.bitcast %and3A_506 : vector<16xi32> to vector<16xf32>
        %and3A_508 = arith.constant -65536 : i32
        %and3A_509 = vector.broadcast %and3A_508 : i32 to vector<16xi32>
        %and3A_510 = arith.andi %get3A_495, %and3A_509 : vector<16xi32>
        %bitcast3A_511 = vector.bitcast %and3A_510 : vector<16xi32> to vector<16xf32>
        %mul3A_512 = arith.mulf %bitcast3A_499, %bitcast3A_503 : vector<16xf32>
        %bitcast3A_513 = vector.bitcast %mul3A_512 : vector<16xf32> to vector<16xi32>
        %mul3A_514 = arith.mulf %bitcast3A_507, %bitcast3A_511 : vector<16xf32>
        %bitcast3A_515 = vector.bitcast %mul3A_514 : vector<16xf32> to vector<16xi32>
        %add3A_516 = arith.constant 32768 : i32
        %add3A_517 = vector.broadcast %add3A_516 : i32 to vector<16xi32>
        %add3A_518 = arith.addi %bitcast3A_513, %add3A_517 : vector<16xi32>
        %shift_right_logical3A_519 = arith.constant 16 : i32
        %shift_right_logical3A_520 = vector.broadcast %shift_right_logical3A_519 : i32 to vector<16xi32>
        %shift_right_logical3A_521 = arith.shrui %add3A_518, %shift_right_logical3A_520 : vector<16xi32>
        %add3A_522 = arith.constant 32768 : i32
        %add3A_523 = vector.broadcast %add3A_522 : i32 to vector<16xi32>
        %add3A_524 = arith.addi %bitcast3A_515, %add3A_523 : vector<16xi32>
        %and3A_525 = arith.constant -65536 : i32
        %and3A_526 = vector.broadcast %and3A_525 : i32 to vector<16xi32>
        %and3A_527 = arith.andi %add3A_524, %and3A_526 : vector<16xi32>
        %or3A_528 = arith.ori %shift_right_logical3A_521, %and3A_527 : vector<16xi32>
        %swap3A_529 = arith.index_cast %scan3A_365 : i32 to index
        %swap3A_530 = arith.constant 48 : index
        %swap3A_531 = tpu.vector_load %arg19[%swap3A_529, %swap3A_530] {strides = array<i32>} : memref<40x128xi32, #tpu.memory_space<vmem>>, vector<16xi32>,
        tpu.vector_store %arg19[%swap3A_529, %swap3A_530], %or3A_528 {strides = array<i32>} : memref<40x128xi32, #tpu.memory_space<vmem>>, vector<16xi32>,
        %mul3A_532 = arith.constant 2 : i32
        %mul3A_533 = arith.muli %scan3A_365, %mul3A_532 : i32
        %add3A_534 = arith.constant 1 : i32
        %add3A_535 = arith.addi %mul3A_533, %add3A_534 : i32
        %get3A_536 = arith.index_cast %add3A_535 : i32 to index
        %get3A_537 = arith.constant 0 : index
        %get3A_538 = tpu.vector_load %arg9[%get3A_536, %get3A_537] {strides = array<i32>} : memref<80x64xi32, #tpu.memory_space<vmem>>, vector<16xi32>,
        %get3A_539 = arith.index_cast %add3A_535 : i32 to index
        %get3A_540 = arith.constant 0 : index
        %get3A_541 = tpu.vector_load %arg14[%get3A_539, %get3A_540] {strides = array<i32>} : memref<80x64xi32, #tpu.memory_space<vmem>>, vector<16xi32>,
        %shift_left3A_542 = arith.constant 16 : i32
        %shift_left3A_543 = vector.broadcast %shift_left3A_542 : i32 to vector<16xi32>
        %shift_left3A_544 = arith.shli %get3A_538, %shift_left3A_543 : vector<16xi32>
        %bitcast3A_545 = vector.bitcast %shift_left3A_544 : vector<16xi32> to vector<16xf32>
        %shift_left3A_546 = arith.constant 16 : i32
        %shift_left3A_547 = vector.broadcast %shift_left3A_546 : i32 to vector<16xi32>
        %shift_left3A_548 = arith.shli %get3A_541, %shift_left3A_547 : vector<16xi32>
        %bitcast3A_549 = vector.bitcast %shift_left3A_548 : vector<16xi32> to vector<16xf32>
        %and3A_550 = arith.constant -65536 : i32
        %and3A_551 = vector.broadcast %and3A_550 : i32 to vector<16xi32>
        %and3A_552 = arith.andi %get3A_538, %and3A_551 : vector<16xi32>
        %bitcast3A_553 = vector.bitcast %and3A_552 : vector<16xi32> to vector<16xf32>
        %and3A_554 = arith.constant -65536 : i32
        %and3A_555 = vector.broadcast %and3A_554 : i32 to vector<16xi32>
        %and3A_556 = arith.andi %get3A_541, %and3A_555 : vector<16xi32>
        %bitcast3A_557 = vector.bitcast %and3A_556 : vector<16xi32> to vector<16xf32>
        %mul3A_558 = arith.mulf %bitcast3A_545, %bitcast3A_549 : vector<16xf32>
        %bitcast3A_559 = vector.bitcast %mul3A_558 : vector<16xf32> to vector<16xi32>
        %mul3A_560 = arith.mulf %bitcast3A_553, %bitcast3A_557 : vector<16xf32>
        %bitcast3A_561 = vector.bitcast %mul3A_560 : vector<16xf32> to vector<16xi32>
        %add3A_562 = arith.constant 32768 : i32
        %add3A_563 = vector.broadcast %add3A_562 : i32 to vector<16xi32>
        %add3A_564 = arith.addi %bitcast3A_559, %add3A_563 : vector<16xi32>
        %shift_right_logical3A_565 = arith.constant 16 : i32
        %shift_right_logical3A_566 = vector.broadcast %shift_right_logical3A_565 : i32 to vector<16xi32>
        %shift_right_logical3A_567 = arith.shrui %add3A_564, %shift_right_logical3A_566 : vector<16xi32>
        %add3A_568 = arith.constant 32768 : i32
        %add3A_569 = vector.broadcast %add3A_568 : i32 to vector<16xi32>
        %add3A_570 = arith.addi %bitcast3A_561, %add3A_569 : vector<16xi32>
        %and3A_571 = arith.constant -65536 : i32
        %and3A_572 = vector.broadcast %and3A_571 : i32 to vector<16xi32>
        %and3A_573 = arith.andi %add3A_570, %and3A_572 : vector<16xi32>
        %or3A_574 = arith.ori %shift_right_logical3A_567, %and3A_573 : vector<16xi32>
        %swap3A_575 = arith.index_cast %scan3A_365 : i32 to index
        %swap3A_576 = arith.constant 64 : index
        %swap3A_577 = tpu.vector_load %arg19[%swap3A_575, %swap3A_576] {strides = array<i32>} : memref<40x128xi32, #tpu.memory_space<vmem>>, vector<16xi32>,
        tpu.vector_store %arg19[%swap3A_575, %swap3A_576], %or3A_574 {strides = array<i32>} : memref<40x128xi32, #tpu.memory_space<vmem>>, vector<16xi32>,
        %get3A_578 = arith.index_cast %add3A_535 : i32 to index
        %get3A_579 = arith.constant 16 : index
        %get3A_580 = tpu.vector_load %arg9[%get3A_578, %get3A_579] {strides = array<i32>} : memref<80x64xi32, #tpu.memory_space<vmem>>, vector<16xi32>,
        %get3A_581 = arith.index_cast %add3A_535 : i32 to index
        %get3A_582 = arith.constant 16 : index
        %get3A_583 = tpu.vector_load %arg14[%get3A_581, %get3A_582] {strides = array<i32>} : memref<80x64xi32, #tpu.memory_space<vmem>>, vector<16xi32>,
        %shift_left3A_584 = arith.constant 16 : i32
        %shift_left3A_585 = vector.broadcast %shift_left3A_584 : i32 to vector<16xi32>
        %shift_left3A_586 = arith.shli %get3A_580, %shift_left3A_585 : vector<16xi32>
        %bitcast3A_587 = vector.bitcast %shift_left3A_586 : vector<16xi32> to vector<16xf32>
        %shift_left3A_588 = arith.constant 16 : i32
        %shift_left3A_589 = vector.broadcast %shift_left3A_588 : i32 to vector<16xi32>
        %shift_left3A_590 = arith.shli %get3A_583, %shift_left3A_589 : vector<16xi32>
        %bitcast3A_591 = vector.bitcast %shift_left3A_590 : vector<16xi32> to vector<16xf32>
        %and3A_592 = arith.constant -65536 : i32
        %and3A_593 = vector.broadcast %and3A_592 : i32 to vector<16xi32>
        %and3A_594 = arith.andi %get3A_580, %and3A_593 : vector<16xi32>
        %bitcast3A_595 = vector.bitcast %and3A_594 : vector<16xi32> to vector<16xf32>
        %and3A_596 = arith.constant -65536 : i32
        %and3A_597 = vector.broadcast %and3A_596 : i32 to vector<16xi32>
        %and3A_598 = arith.andi %get3A_583, %and3A_597 : vector<16xi32>
        %bitcast3A_599 = vector.bitcast %and3A_598 : vector<16xi32> to vector<16xf32>
        %mul3A_600 = arith.mulf %bitcast3A_587, %bitcast3A_591 : vector<16xf32>
        %bitcast3A_601 = vector.bitcast %mul3A_600 : vector<16xf32> to vector<16xi32>
        %mul3A_602 = arith.mulf %bitcast3A_595, %bitcast3A_599 : vector<16xf32>
        %bitcast3A_603 = vector.bitcast %mul3A_602 : vector<16xf32> to vector<16xi32>
        %add3A_604 = arith.constant 32768 : i32
        %add3A_605 = vector.broadcast %add3A_604 : i32 to vector<16xi32>
        %add3A_606 = arith.addi %bitcast3A_601, %add3A_605 : vector<16xi32>
        %shift_right_logical3A_607 = arith.constant 16 : i32
        %shift_right_logical3A_608 = vector.broadcast %shift_right_logical3A_607 : i32 to vector<16xi32>
        %shift_right_logical3A_609 = arith.shrui %add3A_606, %shift_right_logical3A_608 : vector<16xi32>
        %add3A_610 = arith.constant 32768 : i32
        %add3A_611 = vector.broadcast %add3A_610 : i32 to vector<16xi32>
        %add3A_612 = arith.addi %bitcast3A_603, %add3A_611 : vector<16xi32>
        %and3A_613 = arith.constant -65536 : i32
        %and3A_614 = vector.broadcast %and3A_613 : i32 to vector<16xi32>
        %and3A_615 = arith.andi %add3A_612, %and3A_614 : vector<16xi32>
        %or3A_616 = arith.ori %shift_right_logical3A_609, %and3A_615 : vector<16xi32>
        %swap3A_617 = arith.index_cast %scan3A_365 : i32 to index
        %swap3A_618 = arith.constant 80 : index
        %swap3A_619 = tpu.vector_load %arg19[%swap3A_617, %swap3A_618] {strides = array<i32>} : memref<40x128xi32, #tpu.memory_space<vmem>>, vector<16xi32>,
        tpu.vector_store %arg19[%swap3A_617, %swap3A_618], %or3A_616 {strides = array<i32>} : memref<40x128xi32, #tpu.memory_space<vmem>>, vector<16xi32>,
        %get3A_620 = arith.index_cast %add3A_535 : i32 to index
        %get3A_621 = arith.constant 32 : index
        %get3A_622 = tpu.vector_load %arg9[%get3A_620, %get3A_621] {strides = array<i32>} : memref<80x64xi32, #tpu.memory_space<vmem>>, vector<16xi32>,
        %get3A_623 = arith.index_cast %add3A_535 : i32 to index
        %get3A_624 = arith.constant 32 : index
        %get3A_625 = tpu.vector_load %arg14[%get3A_623, %get3A_624] {strides = array<i32>} : memref<80x64xi32, #tpu.memory_space<vmem>>, vector<16xi32>,
        %shift_left3A_626 = arith.constant 16 : i32
        %shift_left3A_627 = vector.broadcast %shift_left3A_626 : i32 to vector<16xi32>
        %shift_left3A_628 = arith.shli %get3A_622, %shift_left3A_627 : vector<16xi32>
        %bitcast3A_629 = vector.bitcast %shift_left3A_628 : vector<16xi32> to vector<16xf32>
        %shift_left3A_630 = arith.constant 16 : i32
        %shift_left3A_631 = vector.broadcast %shift_left3A_630 : i32 to vector<16xi32>
        %shift_left3A_632 = arith.shli %get3A_625, %shift_left3A_631 : vector<16xi32>
        %bitcast3A_633 = vector.bitcast %shift_left3A_632 : vector<16xi32> to vector<16xf32>
        %and3A_634 = arith.constant -65536 : i32
        %and3A_635 = vector.broadcast %and3A_634 : i32 to vector<16xi32>
        %and3A_636 = arith.andi %get3A_622, %and3A_635 : vector<16xi32>
        %bitcast3A_637 = vector.bitcast %and3A_636 : vector<16xi32> to vector<16xf32>
        %and3A_638 = arith.constant -65536 : i32
        %and3A_639 = vector.broadcast %and3A_638 : i32 to vector<16xi32>
        %and3A_640 = arith.andi %get3A_625, %and3A_639 : vector<16xi32>
        %bitcast3A_641 = vector.bitcast %and3A_640 : vector<16xi32> to vector<16xf32>
        %mul3A_642 = arith.mulf %bitcast3A_629, %bitcast3A_633 : vector<16xf32>
        %bitcast3A_643 = vector.bitcast %mul3A_642 : vector<16xf32> to vector<16xi32>
        %mul3A_644 = arith.mulf %bitcast3A_637, %bitcast3A_641 : vector<16xf32>
        %bitcast3A_645 = vector.bitcast %mul3A_644 : vector<16xf32> to vector<16xi32>
        %add3A_646 = arith.constant 32768 : i32
        %add3A_647 = vector.broadcast %add3A_646 : i32 to vector<16xi32>
        %add3A_648 = arith.addi %bitcast3A_643, %add3A_647 : vector<16xi32>
        %shift_right_logical3A_649 = arith.constant 16 : i32
        %shift_right_logical3A_650 = vector.broadcast %shift_right_logical3A_649 : i32 to vector<16xi32>
        %shift_right_logical3A_651 = arith.shrui %add3A_648, %shift_right_logical3A_650 : vector<16xi32>
        %add3A_652 = arith.constant 32768 : i32
        %add3A_653 = vector.broadcast %add3A_652 : i32 to vector<16xi32>
        %add3A_654 = arith.addi %bitcast3A_645, %add3A_653 : vector<16xi32>
        %and3A_655 = arith.constant -65536 : i32
        %and3A_656 = vector.broadcast %and3A_655 : i32 to vector<16xi32>
        %and3A_657 = arith.andi %add3A_654, %and3A_656 : vector<16xi32>
        %or3A_658 = arith.ori %shift_right_logical3A_651, %and3A_657 : vector<16xi32>
        %swap3A_659 = arith.index_cast %scan3A_365 : i32 to index
        %swap3A_660 = arith.constant 96 : index
        %swap3A_661 = tpu.vector_load %arg19[%swap3A_659, %swap3A_660] {strides = array<i32>} : memref<40x128xi32, #tpu.memory_space<vmem>>, vector<16xi32>,
        tpu.vector_store %arg19[%swap3A_659, %swap3A_660], %or3A_658 {strides = array<i32>} : memref<40x128xi32, #tpu.memory_space<vmem>>, vector<16xi32>,
        %get3A_662 = arith.index_cast %add3A_535 : i32 to index
        %get3A_663 = arith.constant 48 : index
        %get3A_664 = tpu.vector_load %arg9[%get3A_662, %get3A_663] {strides = array<i32>} : memref<80x64xi32, #tpu.memory_space<vmem>>, vector<16xi32>,
        %get3A_665 = arith.index_cast %add3A_535 : i32 to index
        %get3A_666 = arith.constant 48 : index
        %get3A_667 = tpu.vector_load %arg14[%get3A_665, %get3A_666] {strides = array<i32>} : memref<80x64xi32, #tpu.memory_space<vmem>>, vector<16xi32>,
        %shift_left3A_668 = arith.constant 16 : i32
        %shift_left3A_669 = vector.broadcast %shift_left3A_668 : i32 to vector<16xi32>
        %shift_left3A_670 = arith.shli %get3A_664, %shift_left3A_669 : vector<16xi32>
        %bitcast3A_671 = vector.bitcast %shift_left3A_670 : vector<16xi32> to vector<16xf32>
        %shift_left3A_672 = arith.constant 16 : i32
        %shift_left3A_673 = vector.broadcast %shift_left3A_672 : i32 to vector<16xi32>
        %shift_left3A_674 = arith.shli %get3A_667, %shift_left3A_673 : vector<16xi32>
        %bitcast3A_675 = vector.bitcast %shift_left3A_674 : vector<16xi32> to vector<16xf32>
        %and3A_676 = arith.constant -65536 : i32
        %and3A_677 = vector.broadcast %and3A_676 : i32 to vector<16xi32>
        %and3A_678 = arith.andi %get3A_664, %and3A_677 : vector<16xi32>
        %bitcast3A_679 = vector.bitcast %and3A_678 : vector<16xi32> to vector<16xf32>
        %and3A_680 = arith.constant -65536 : i32
        %and3A_681 = vector.broadcast %and3A_680 : i32 to vector<16xi32>
        %and3A_682 = arith.andi %get3A_667, %and3A_681 : vector<16xi32>
        %bitcast3A_683 = vector.bitcast %and3A_682 : vector<16xi32> to vector<16xf32>
        %mul3A_684 = arith.mulf %bitcast3A_671, %bitcast3A_675 : vector<16xf32>
        %bitcast3A_685 = vector.bitcast %mul3A_684 : vector<16xf32> to vector<16xi32>
        %mul3A_686 = arith.mulf %bitcast3A_679, %bitcast3A_683 : vector<16xf32>
        %bitcast3A_687 = vector.bitcast %mul3A_686 : vector<16xf32> to vector<16xi32>
        %add3A_688 = arith.constant 32768 : i32
        %add3A_689 = vector.broadcast %add3A_688 : i32 to vector<16xi32>
        %add3A_690 = arith.addi %bitcast3A_685, %add3A_689 : vector<16xi32>
        %shift_right_logical3A_691 = arith.constant 16 : i32
        %shift_right_logical3A_692 = vector.broadcast %shift_right_logical3A_691 : i32 to vector<16xi32>
        %shift_right_logical3A_693 = arith.shrui %add3A_690, %shift_right_logical3A_692 : vector<16xi32>
        %add3A_694 = arith.constant 32768 : i32
        %add3A_695 = vector.broadcast %add3A_694 : i32 to vector<16xi32>
        %add3A_696 = arith.addi %bitcast3A_687, %add3A_695 : vector<16xi32>
        %and3A_697 = arith.constant -65536 : i32
        %and3A_698 = vector.broadcast %and3A_697 : i32 to vector<16xi32>
        %and3A_699 = arith.andi %add3A_696, %and3A_698 : vector<16xi32>
        %or3A_700 = arith.ori %shift_right_logical3A_693, %and3A_699 : vector<16xi32>
        %swap3A_701 = arith.index_cast %scan3A_365 : i32 to index
        %swap3A_702 = arith.constant 112 : index
        %swap3A_703 = tpu.vector_load %arg19[%swap3A_701, %swap3A_702] {strides = array<i32>} : memref<40x128xi32, #tpu.memory_space<vmem>>, vector<16xi32>,
        tpu.vector_store %arg19[%swap3A_701, %swap3A_702], %or3A_700 {strides = array<i32>} : memref<40x128xi32, #tpu.memory_space<vmem>>, vector<16xi32>,
        %scan3A_704 = arith.constant 1 : i32
        %scan3A_705 = arith.addi %scan3A_365, %scan3A_704 : i32
        %mul3A_706 = arith.constant 2 : i32
        %mul3A_707 = arith.muli %scan3A_705, %mul3A_706 : i32
        %add3A_708 = arith.constant 0 : i32
        %add3A_709 = arith.addi %mul3A_707, %add3A_708 : i32
        %get3A_710 = arith.index_cast %add3A_709 : i32 to index
        %get3A_711 = arith.constant 0 : index
        %get3A_712 = tpu.vector_load %arg9[%get3A_710, %get3A_711] {strides = array<i32>} : memref<80x64xi32, #tpu.memory_space<vmem>>, vector<16xi32>,
        %get3A_713 = arith.index_cast %add3A_709 : i32 to index
        %get3A_714 = arith.constant 0 : index
        %get3A_715 = tpu.vector_load %arg14[%get3A_713, %get3A_714] {strides = array<i32>} : memref<80x64xi32, #tpu.memory_space<vmem>>, vector<16xi32>,
        %shift_left3A_716 = arith.constant 16 : i32
        %shift_left3A_717 = vector.broadcast %shift_left3A_716 : i32 to vector<16xi32>
        %shift_left3A_718 = arith.shli %get3A_712, %shift_left3A_717 : vector<16xi32>
        %bitcast3A_719 = vector.bitcast %shift_left3A_718 : vector<16xi32> to vector<16xf32>
        %shift_left3A_720 = arith.constant 16 : i32
        %shift_left3A_721 = vector.broadcast %shift_left3A_720 : i32 to vector<16xi32>
        %shift_left3A_722 = arith.shli %get3A_715, %shift_left3A_721 : vector<16xi32>
        %bitcast3A_723 = vector.bitcast %shift_left3A_722 : vector<16xi32> to vector<16xf32>
        %and3A_724 = arith.constant -65536 : i32
        %and3A_725 = vector.broadcast %and3A_724 : i32 to vector<16xi32>
        %and3A_726 = arith.andi %get3A_712, %and3A_725 : vector<16xi32>
        %bitcast3A_727 = vector.bitcast %and3A_726 : vector<16xi32> to vector<16xf32>
        %and3A_728 = arith.constant -65536 : i32
        %and3A_729 = vector.broadcast %and3A_728 : i32 to vector<16xi32>
        %and3A_730 = arith.andi %get3A_715, %and3A_729 : vector<16xi32>
        %bitcast3A_731 = vector.bitcast %and3A_730 : vector<16xi32> to vector<16xf32>
        %mul3A_732 = arith.mulf %bitcast3A_719, %bitcast3A_723 : vector<16xf32>
        %bitcast3A_733 = vector.bitcast %mul3A_732 : vector<16xf32> to vector<16xi32>
        %mul3A_734 = arith.mulf %bitcast3A_727, %bitcast3A_731 : vector<16xf32>
        %bitcast3A_735 = vector.bitcast %mul3A_734 : vector<16xf32> to vector<16xi32>
        %add3A_736 = arith.constant 32768 : i32
        %add3A_737 = vector.broadcast %add3A_736 : i32 to vector<16xi32>
        %add3A_738 = arith.addi %bitcast3A_733, %add3A_737 : vector<16xi32>
        %shift_right_logical3A_739 = arith.constant 16 : i32
        %shift_right_logical3A_740 = vector.broadcast %shift_right_logical3A_739 : i32 to vector<16xi32>
        %shift_right_logical3A_741 = arith.shrui %add3A_738, %shift_right_logical3A_740 : vector<16xi32>
        %add3A_742 = arith.constant 32768 : i32
        %add3A_743 = vector.broadcast %add3A_742 : i32 to vector<16xi32>
        %add3A_744 = arith.addi %bitcast3A_735, %add3A_743 : vector<16xi32>
        %and3A_745 = arith.constant -65536 : i32
        %and3A_746 = vector.broadcast %and3A_745 : i32 to vector<16xi32>
        %and3A_747 = arith.andi %add3A_744, %and3A_746 : vector<16xi32>
        %or3A_748 = arith.ori %shift_right_logical3A_741, %and3A_747 : vector<16xi32>
        %swap3A_749 = arith.index_cast %scan3A_705 : i32 to index
        %swap3A_750 = arith.constant 0 : index
        %swap3A_751 = tpu.vector_load %arg19[%swap3A_749, %swap3A_750] {strides = array<i32>} : memref<40x128xi32, #tpu.memory_space<vmem>>, vector<16xi32>,
        tpu.vector_store %arg19[%swap3A_749, %swap3A_750], %or3A_748 {strides = array<i32>} : memref<40x128xi32, #tpu.memory_space<vmem>>, vector<16xi32>,
        %get3A_752 = arith.index_cast %add3A_709 : i32 to index
        %get3A_753 = arith.constant 16 : index
        %get3A_754 = tpu.vector_load %arg9[%get3A_752, %get3A_753] {strides = array<i32>} : memref<80x64xi32, #tpu.memory_space<vmem>>, vector<16xi32>,
        %get3A_755 = arith.index_cast %add3A_709 : i32 to index
        %get3A_756 = arith.constant 16 : index
        %get3A_757 = tpu.vector_load %arg14[%get3A_755, %get3A_756] {strides = array<i32>} : memref<80x64xi32, #tpu.memory_space<vmem>>, vector<16xi32>,
        %shift_left3A_758 = arith.constant 16 : i32
        %shift_left3A_759 = vector.broadcast %shift_left3A_758 : i32 to vector<16xi32>
        %shift_left3A_760 = arith.shli %get3A_754, %shift_left3A_759 : vector<16xi32>
        %bitcast3A_761 = vector.bitcast %shift_left3A_760 : vector<16xi32> to vector<16xf32>
        %shift_left3A_762 = arith.constant 16 : i32
        %shift_left3A_763 = vector.broadcast %shift_left3A_762 : i32 to vector<16xi32>
        %shift_left3A_764 = arith.shli %get3A_757, %shift_left3A_763 : vector<16xi32>
        %bitcast3A_765 = vector.bitcast %shift_left3A_764 : vector<16xi32> to vector<16xf32>
        %and3A_766 = arith.constant -65536 : i32
        %and3A_767 = vector.broadcast %and3A_766 : i32 to vector<16xi32>
        %and3A_768 = arith.andi %get3A_754, %and3A_767 : vector<16xi32>
        %bitcast3A_769 = vector.bitcast %and3A_768 : vector<16xi32> to vector<16xf32>
        %and3A_770 = arith.constant -65536 : i32
        %and3A_771 = vector.broadcast %and3A_770 : i32 to vector<16xi32>
        %and3A_772 = arith.andi %get3A_757, %and3A_771 : vector<16xi32>
        %bitcast3A_773 = vector.bitcast %and3A_772 : vector<16xi32> to vector<16xf32>
        %mul3A_774 = arith.mulf %bitcast3A_761, %bitcast3A_765 : vector<16xf32>
        %bitcast3A_775 = vector.bitcast %mul3A_774 : vector<16xf32> to vector<16xi32>
        %mul3A_776 = arith.mulf %bitcast3A_769, %bitcast3A_773 : vector<16xf32>
        %bitcast3A_777 = vector.bitcast %mul3A_776 : vector<16xf32> to vector<16xi32>
        %add3A_778 = arith.constant 32768 : i32
        %add3A_779 = vector.broadcast %add3A_778 : i32 to vector<16xi32>
        %add3A_780 = arith.addi %bitcast3A_775, %add3A_779 : vector<16xi32>
        %shift_right_logical3A_781 = arith.constant 16 : i32
        %shift_right_logical3A_782 = vector.broadcast %shift_right_logical3A_781 : i32 to vector<16xi32>
        %shift_right_logical3A_783 = arith.shrui %add3A_780, %shift_right_logical3A_782 : vector<16xi32>
        %add3A_784 = arith.constant 32768 : i32
        %add3A_785 = vector.broadcast %add3A_784 : i32 to vector<16xi32>
        %add3A_786 = arith.addi %bitcast3A_777, %add3A_785 : vector<16xi32>
        %and3A_787 = arith.constant -65536 : i32
        %and3A_788 = vector.broadcast %and3A_787 : i32 to vector<16xi32>
        %and3A_789 = arith.andi %add3A_786, %and3A_788 : vector<16xi32>
        %or3A_790 = arith.ori %shift_right_logical3A_783, %and3A_789 : vector<16xi32>
        %swap3A_791 = arith.index_cast %scan3A_705 : i32 to index
        %swap3A_792 = arith.constant 16 : index
        %swap3A_793 = tpu.vector_load %arg19[%swap3A_791, %swap3A_792] {strides = array<i32>} : memref<40x128xi32, #tpu.memory_space<vmem>>, vector<16xi32>,
        tpu.vector_store %arg19[%swap3A_791, %swap3A_792], %or3A_790 {strides = array<i32>} : memref<40x128xi32, #tpu.memory_space<vmem>>, vector<16xi32>,
        %get3A_794 = arith.index_cast %add3A_709 : i32 to index
        %get3A_795 = arith.constant 32 : index
        %get3A_796 = tpu.vector_load %arg9[%get3A_794, %get3A_795] {strides = array<i32>} : memref<80x64xi32, #tpu.memory_space<vmem>>, vector<16xi32>,
        %get3A_797 = arith.index_cast %add3A_709 : i32 to index
        %get3A_798 = arith.constant 32 : index
        %get3A_799 = tpu.vector_load %arg14[%get3A_797, %get3A_798] {strides = array<i32>} : memref<80x64xi32, #tpu.memory_space<vmem>>, vector<16xi32>,
        %shift_left3A_800 = arith.constant 16 : i32
        %shift_left3A_801 = vector.broadcast %shift_left3A_800 : i32 to vector<16xi32>
        %shift_left3A_802 = arith.shli %get3A_796, %shift_left3A_801 : vector<16xi32>
        %bitcast3A_803 = vector.bitcast %shift_left3A_802 : vector<16xi32> to vector<16xf32>
        %shift_left3A_804 = arith.constant 16 : i32
        %shift_left3A_805 = vector.broadcast %shift_left3A_804 : i32 to vector<16xi32>
        %shift_left3A_806 = arith.shli %get3A_799, %shift_left3A_805 : vector<16xi32>
        %bitcast3A_807 = vector.bitcast %shift_left3A_806 : vector<16xi32> to vector<16xf32>
        %and3A_808 = arith.constant -65536 : i32
        %and3A_809 = vector.broadcast %and3A_808 : i32 to vector<16xi32>
        %and3A_810 = arith.andi %get3A_796, %and3A_809 : vector<16xi32>
        %bitcast3A_811 = vector.bitcast %and3A_810 : vector<16xi32> to vector<16xf32>
        %and3A_812 = arith.constant -65536 : i32
        %and3A_813 = vector.broadcast %and3A_812 : i32 to vector<16xi32>
        %and3A_814 = arith.andi %get3A_799, %and3A_813 : vector<16xi32>
        %bitcast3A_815 = vector.bitcast %and3A_814 : vector<16xi32> to vector<16xf32>
        %mul3A_816 = arith.mulf %bitcast3A_803, %bitcast3A_807 : vector<16xf32>
        %bitcast3A_817 = vector.bitcast %mul3A_816 : vector<16xf32> to vector<16xi32>
        %mul3A_818 = arith.mulf %bitcast3A_811, %bitcast3A_815 : vector<16xf32>
        %bitcast3A_819 = vector.bitcast %mul3A_818 : vector<16xf32> to vector<16xi32>
        %add3A_820 = arith.constant 32768 : i32
        %add3A_821 = vector.broadcast %add3A_820 : i32 to vector<16xi32>
        %add3A_822 = arith.addi %bitcast3A_817, %add3A_821 : vector<16xi32>
        %shift_right_logical3A_823 = arith.constant 16 : i32
        %shift_right_logical3A_824 = vector.broadcast %shift_right_logical3A_823 : i32 to vector<16xi32>
        %shift_right_logical3A_825 = arith.shrui %add3A_822, %shift_right_logical3A_824 : vector<16xi32>
        %add3A_826 = arith.constant 32768 : i32
        %add3A_827 = vector.broadcast %add3A_826 : i32 to vector<16xi32>
        %add3A_828 = arith.addi %bitcast3A_819, %add3A_827 : vector<16xi32>
        %and3A_829 = arith.constant -65536 : i32
        %and3A_830 = vector.broadcast %and3A_829 : i32 to vector<16xi32>
        %and3A_831 = arith.andi %add3A_828, %and3A_830 : vector<16xi32>
        %or3A_832 = arith.ori %shift_right_logical3A_825, %and3A_831 : vector<16xi32>
        %swap3A_833 = arith.index_cast %scan3A_705 : i32 to index
        %swap3A_834 = arith.constant 32 : index
        %swap3A_835 = tpu.vector_load %arg19[%swap3A_833, %swap3A_834] {strides = array<i32>} : memref<40x128xi32, #tpu.memory_space<vmem>>, vector<16xi32>,
        tpu.vector_store %arg19[%swap3A_833, %swap3A_834], %or3A_832 {strides = array<i32>} : memref<40x128xi32, #tpu.memory_space<vmem>>, vector<16xi32>,
        %get3A_836 = arith.index_cast %add3A_709 : i32 to index
        %get3A_837 = arith.constant 48 : index
        %get3A_838 = tpu.vector_load %arg9[%get3A_836, %get3A_837] {strides = array<i32>} : memref<80x64xi32, #tpu.memory_space<vmem>>, vector<16xi32>,
        %get3A_839 = arith.index_cast %add3A_709 : i32 to index
        %get3A_840 = arith.constant 48 : index
        %get3A_841 = tpu.vector_load %arg14[%get3A_839, %get3A_840] {strides = array<i32>} : memref<80x64xi32, #tpu.memory_space<vmem>>, vector<16xi32>,
        %shift_left3A_842 = arith.constant 16 : i32
        %shift_left3A_843 = vector.broadcast %shift_left3A_842 : i32 to vector<16xi32>
        %shift_left3A_844 = arith.shli %get3A_838, %shift_left3A_843 : vector<16xi32>
        %bitcast3A_845 = vector.bitcast %shift_left3A_844 : vector<16xi32> to vector<16xf32>
        %shift_left3A_846 = arith.constant 16 : i32
        %shift_left3A_847 = vector.broadcast %shift_left3A_846 : i32 to vector<16xi32>
        %shift_left3A_848 = arith.shli %get3A_841, %shift_left3A_847 : vector<16xi32>
        %bitcast3A_849 = vector.bitcast %shift_left3A_848 : vector<16xi32> to vector<16xf32>
        %and3A_850 = arith.constant -65536 : i32
        %and3A_851 = vector.broadcast %and3A_850 : i32 to vector<16xi32>
        %and3A_852 = arith.andi %get3A_838, %and3A_851 : vector<16xi32>
        %bitcast3A_853 = vector.bitcast %and3A_852 : vector<16xi32> to vector<16xf32>
        %and3A_854 = arith.constant -65536 : i32
        %and3A_855 = vector.broadcast %and3A_854 : i32 to vector<16xi32>
        %and3A_856 = arith.andi %get3A_841, %and3A_855 : vector<16xi32>
        %bitcast3A_857 = vector.bitcast %and3A_856 : vector<16xi32> to vector<16xf32>
        %mul3A_858 = arith.mulf %bitcast3A_845, %bitcast3A_849 : vector<16xf32>
        %bitcast3A_859 = vector.bitcast %mul3A_858 : vector<16xf32> to vector<16xi32>
        %mul3A_860 = arith.mulf %bitcast3A_853, %bitcast3A_857 : vector<16xf32>
        %bitcast3A_861 = vector.bitcast %mul3A_860 : vector<16xf32> to vector<16xi32>
        %add3A_862 = arith.constant 32768 : i32
        %add3A_863 = vector.broadcast %add3A_862 : i32 to vector<16xi32>
        %add3A_864 = arith.addi %bitcast3A_859, %add3A_863 : vector<16xi32>
        %shift_right_logical3A_865 = arith.constant 16 : i32
        %shift_right_logical3A_866 = vector.broadcast %shift_right_logical3A_865 : i32 to vector<16xi32>
        %shift_right_logical3A_867 = arith.shrui %add3A_864, %shift_right_logical3A_866 : vector<16xi32>
        %add3A_868 = arith.constant 32768 : i32
        %add3A_869 = vector.broadcast %add3A_868 : i32 to vector<16xi32>
        %add3A_870 = arith.addi %bitcast3A_861, %add3A_869 : vector<16xi32>
        %and3A_871 = arith.constant -65536 : i32
        %and3A_872 = vector.broadcast %and3A_871 : i32 to vector<16xi32>
        %and3A_873 = arith.andi %add3A_870, %and3A_872 : vector<16xi32>
        %or3A_874 = arith.ori %shift_right_logical3A_867, %and3A_873 : vector<16xi32>
        %swap3A_875 = arith.index_cast %scan3A_705 : i32 to index
        %swap3A_876 = arith.constant 48 : index
        %swap3A_877 = tpu.vector_load %arg19[%swap3A_875, %swap3A_876] {strides = array<i32>} : memref<40x128xi32, #tpu.memory_space<vmem>>, vector<16xi32>,
        tpu.vector_store %arg19[%swap3A_875, %swap3A_876], %or3A_874 {strides = array<i32>} : memref<40x128xi32, #tpu.memory_space<vmem>>, vector<16xi32>,
        %mul3A_878 = arith.constant 2 : i32
        %mul3A_879 = arith.muli %scan3A_705, %mul3A_878 : i32
        %add3A_880 = arith.constant 1 : i32
        %add3A_881 = arith.addi %mul3A_879, %add3A_880 : i32
        %get3A_882 = arith.index_cast %add3A_881 : i32 to index
        %get3A_883 = arith.constant 0 : index
        %get3A_884 = tpu.vector_load %arg9[%get3A_882, %get3A_883] {strides = array<i32>} : memref<80x64xi32, #tpu.memory_space<vmem>>, vector<16xi32>,
        %get3A_885 = arith.index_cast %add3A_881 : i32 to index
        %get3A_886 = arith.constant 0 : index
        %get3A_887 = tpu.vector_load %arg14[%get3A_885, %get3A_886] {strides = array<i32>} : memref<80x64xi32, #tpu.memory_space<vmem>>, vector<16xi32>,
        %shift_left3A_888 = arith.constant 16 : i32
        %shift_left3A_889 = vector.broadcast %shift_left3A_888 : i32 to vector<16xi32>
        %shift_left3A_890 = arith.shli %get3A_884, %shift_left3A_889 : vector<16xi32>
        %bitcast3A_891 = vector.bitcast %shift_left3A_890 : vector<16xi32> to vector<16xf32>
        %shift_left3A_892 = arith.constant 16 : i32
        %shift_left3A_893 = vector.broadcast %shift_left3A_892 : i32 to vector<16xi32>
        %shift_left3A_894 = arith.shli %get3A_887, %shift_left3A_893 : vector<16xi32>
        %bitcast3A_895 = vector.bitcast %shift_left3A_894 : vector<16xi32> to vector<16xf32>
        %and3A_896 = arith.constant -65536 : i32
        %and3A_897 = vector.broadcast %and3A_896 : i32 to vector<16xi32>
        %and3A_898 = arith.andi %get3A_884, %and3A_897 : vector<16xi32>
        %bitcast3A_899 = vector.bitcast %and3A_898 : vector<16xi32> to vector<16xf32>
        %and3A_900 = arith.constant -65536 : i32
        %and3A_901 = vector.broadcast %and3A_900 : i32 to vector<16xi32>
        %and3A_902 = arith.andi %get3A_887, %and3A_901 : vector<16xi32>
        %bitcast3A_903 = vector.bitcast %and3A_902 : vector<16xi32> to vector<16xf32>
        %mul3A_904 = arith.mulf %bitcast3A_891, %bitcast3A_895 : vector<16xf32>
        %bitcast3A_905 = vector.bitcast %mul3A_904 : vector<16xf32> to vector<16xi32>
        %mul3A_906 = arith.mulf %bitcast3A_899, %bitcast3A_903 : vector<16xf32>
        %bitcast3A_907 = vector.bitcast %mul3A_906 : vector<16xf32> to vector<16xi32>
        %add3A_908 = arith.constant 32768 : i32
        %add3A_909 = vector.broadcast %add3A_908 : i32 to vector<16xi32>
        %add3A_910 = arith.addi %bitcast3A_905, %add3A_909 : vector<16xi32>
        %shift_right_logical3A_911 = arith.constant 16 : i32
        %shift_right_logical3A_912 = vector.broadcast %shift_right_logical3A_911 : i32 to vector<16xi32>
        %shift_right_logical3A_913 = arith.shrui %add3A_910, %shift_right_logical3A_912 : vector<16xi32>
        %add3A_914 = arith.constant 32768 : i32
        %add3A_915 = vector.broadcast %add3A_914 : i32 to vector<16xi32>
        %add3A_916 = arith.addi %bitcast3A_907, %add3A_915 : vector<16xi32>
        %and3A_917 = arith.constant -65536 : i32
        %and3A_918 = vector.broadcast %and3A_917 : i32 to vector<16xi32>
        %and3A_919 = arith.andi %add3A_916, %and3A_918 : vector<16xi32>
        %or3A_920 = arith.ori %shift_right_logical3A_913, %and3A_919 : vector<16xi32>
        %swap3A_921 = arith.index_cast %scan3A_705 : i32 to index
        %swap3A_922 = arith.constant 64 : index
        %swap3A_923 = tpu.vector_load %arg19[%swap3A_921, %swap3A_922] {strides = array<i32>} : memref<40x128xi32, #tpu.memory_space<vmem>>, vector<16xi32>,
        tpu.vector_store %arg19[%swap3A_921, %swap3A_922], %or3A_920 {strides = array<i32>} : memref<40x128xi32, #tpu.memory_space<vmem>>, vector<16xi32>,
        %get3A_924 = arith.index_cast %add3A_881 : i32 to index
        %get3A_925 = arith.constant 16 : index
        %get3A_926 = tpu.vector_load %arg9[%get3A_924, %get3A_925] {strides = array<i32>} : memref<80x64xi32, #tpu.memory_space<vmem>>, vector<16xi32>,
        %get3A_927 = arith.index_cast %add3A_881 : i32 to index
        %get3A_928 = arith.constant 16 : index
        %get3A_929 = tpu.vector_load %arg14[%get3A_927, %get3A_928] {strides = array<i32>} : memref<80x64xi32, #tpu.memory_space<vmem>>, vector<16xi32>,
        %shift_left3A_930 = arith.constant 16 : i32
        %shift_left3A_931 = vector.broadcast %shift_left3A_930 : i32 to vector<16xi32>
        %shift_left3A_932 = arith.shli %get3A_926, %shift_left3A_931 : vector<16xi32>
        %bitcast3A_933 = vector.bitcast %shift_left3A_932 : vector<16xi32> to vector<16xf32>
        %shift_left3A_934 = arith.constant 16 : i32
        %shift_left3A_935 = vector.broadcast %shift_left3A_934 : i32 to vector<16xi32>
        %shift_left3A_936 = arith.shli %get3A_929, %shift_left3A_935 : vector<16xi32>
        %bitcast3A_937 = vector.bitcast %shift_left3A_936 : vector<16xi32> to vector<16xf32>
        %and3A_938 = arith.constant -65536 : i32
        %and3A_939 = vector.broadcast %and3A_938 : i32 to vector<16xi32>
        %and3A_940 = arith.andi %get3A_926, %and3A_939 : vector<16xi32>
        %bitcast3A_941 = vector.bitcast %and3A_940 : vector<16xi32> to vector<16xf32>
        %and3A_942 = arith.constant -65536 : i32
        %and3A_943 = vector.broadcast %and3A_942 : i32 to vector<16xi32>
        %and3A_944 = arith.andi %get3A_929, %and3A_943 : vector<16xi32>
        %bitcast3A_945 = vector.bitcast %and3A_944 : vector<16xi32> to vector<16xf32>
        %mul3A_946 = arith.mulf %bitcast3A_933, %bitcast3A_937 : vector<16xf32>
        %bitcast3A_947 = vector.bitcast %mul3A_946 : vector<16xf32> to vector<16xi32>
        %mul3A_948 = arith.mulf %bitcast3A_941, %bitcast3A_945 : vector<16xf32>
        %bitcast3A_949 = vector.bitcast %mul3A_948 : vector<16xf32> to vector<16xi32>
        %add3A_950 = arith.constant 32768 : i32
        %add3A_951 = vector.broadcast %add3A_950 : i32 to vector<16xi32>
        %add3A_952 = arith.addi %bitcast3A_947, %add3A_951 : vector<16xi32>
        %shift_right_logical3A_953 = arith.constant 16 : i32
        %shift_right_logical3A_954 = vector.broadcast %shift_right_logical3A_953 : i32 to vector<16xi32>
        %shift_right_logical3A_955 = arith.shrui %add3A_952, %shift_right_logical3A_954 : vector<16xi32>
        %add3A_956 = arith.constant 32768 : i32
        %add3A_957 = vector.broadcast %add3A_956 : i32 to vector<16xi32>
        %add3A_958 = arith.addi %bitcast3A_949, %add3A_957 : vector<16xi32>
        %and3A_959 = arith.constant -65536 : i32
        %and3A_960 = vector.broadcast %and3A_959 : i32 to vector<16xi32>
        %and3A_961 = arith.andi %add3A_958, %and3A_960 : vector<16xi32>
        %or3A_962 = arith.ori %shift_right_logical3A_955, %and3A_961 : vector<16xi32>
        %swap3A_963 = arith.index_cast %scan3A_705 : i32 to index
        %swap3A_964 = arith.constant 80 : index
        %swap3A_965 = tpu.vector_load %arg19[%swap3A_963, %swap3A_964] {strides = array<i32>} : memref<40x128xi32, #tpu.memory_space<vmem>>, vector<16xi32>,
        tpu.vector_store %arg19[%swap3A_963, %swap3A_964], %or3A_962 {strides = array<i32>} : memref<40x128xi32, #tpu.memory_space<vmem>>, vector<16xi32>,
        %get3A_966 = arith.index_cast %add3A_881 : i32 to index
        %get3A_967 = arith.constant 32 : index
        %get3A_968 = tpu.vector_load %arg9[%get3A_966, %get3A_967] {strides = array<i32>} : memref<80x64xi32, #tpu.memory_space<vmem>>, vector<16xi32>,
        %get3A_969 = arith.index_cast %add3A_881 : i32 to index
        %get3A_970 = arith.constant 32 : index
        %get3A_971 = tpu.vector_load %arg14[%get3A_969, %get3A_970] {strides = array<i32>} : memref<80x64xi32, #tpu.memory_space<vmem>>, vector<16xi32>,
        %shift_left3A_972 = arith.constant 16 : i32
        %shift_left3A_973 = vector.broadcast %shift_left3A_972 : i32 to vector<16xi32>
        %shift_left3A_974 = arith.shli %get3A_968, %shift_left3A_973 : vector<16xi32>
        %bitcast3A_975 = vector.bitcast %shift_left3A_974 : vector<16xi32> to vector<16xf32>
        %shift_left3A_976 = arith.constant 16 : i32
        %shift_left3A_977 = vector.broadcast %shift_left3A_976 : i32 to vector<16xi32>
        %shift_left3A_978 = arith.shli %get3A_971, %shift_left3A_977 : vector<16xi32>
        %bitcast3A_979 = vector.bitcast %shift_left3A_978 : vector<16xi32> to vector<16xf32>
        %and3A_980 = arith.constant -65536 : i32
        %and3A_981 = vector.broadcast %and3A_980 : i32 to vector<16xi32>
        %and3A_982 = arith.andi %get3A_968, %and3A_981 : vector<16xi32>
        %bitcast3A_983 = vector.bitcast %and3A_982 : vector<16xi32> to vector<16xf32>
        %and3A_984 = arith.constant -65536 : i32
        %and3A_985 = vector.broadcast %and3A_984 : i32 to vector<16xi32>
        %and3A_986 = arith.andi %get3A_971, %and3A_985 : vector<16xi32>
        %bitcast3A_987 = vector.bitcast %and3A_986 : vector<16xi32> to vector<16xf32>
        %mul3A_988 = arith.mulf %bitcast3A_975, %bitcast3A_979 : vector<16xf32>
        %bitcast3A_989 = vector.bitcast %mul3A_988 : vector<16xf32> to vector<16xi32>
        %mul3A_990 = arith.mulf %bitcast3A_983, %bitcast3A_987 : vector<16xf32>
        %bitcast3A_991 = vector.bitcast %mul3A_990 : vector<16xf32> to vector<16xi32>
        %add3A_992 = arith.constant 32768 : i32
        %add3A_993 = vector.broadcast %add3A_992 : i32 to vector<16xi32>
        %add3A_994 = arith.addi %bitcast3A_989, %add3A_993 : vector<16xi32>
        %shift_right_logical3A_995 = arith.constant 16 : i32
        %shift_right_logical3A_996 = vector.broadcast %shift_right_logical3A_995 : i32 to vector<16xi32>
        %shift_right_logical3A_997 = arith.shrui %add3A_994, %shift_right_logical3A_996 : vector<16xi32>
        %add3A_998 = arith.constant 32768 : i32
        %add3A_999 = vector.broadcast %add3A_998 : i32 to vector<16xi32>
        %add3A_1000 = arith.addi %bitcast3A_991, %add3A_999 : vector<16xi32>
        %and3A_1001 = arith.constant -65536 : i32
        %and3A_1002 = vector.broadcast %and3A_1001 : i32 to vector<16xi32>
        %and3A_1003 = arith.andi %add3A_1000, %and3A_1002 : vector<16xi32>
        %or3A_1004 = arith.ori %shift_right_logical3A_997, %and3A_1003 : vector<16xi32>
        %swap3A_1005 = arith.index_cast %scan3A_705 : i32 to index
        %swap3A_1006 = arith.constant 96 : index
        %swap3A_1007 = tpu.vector_load %arg19[%swap3A_1005, %swap3A_1006] {strides = array<i32>} : memref<40x128xi32, #tpu.memory_space<vmem>>, vector<16xi32>,
        tpu.vector_store %arg19[%swap3A_1005, %swap3A_1006], %or3A_1004 {strides = array<i32>} : memref<40x128xi32, #tpu.memory_space<vmem>>, vector<16xi32>,
        %get3A_1008 = arith.index_cast %add3A_881 : i32 to index
        %get3A_1009 = arith.constant 48 : index
        %get3A_1010 = tpu.vector_load %arg9[%get3A_1008, %get3A_1009] {strides = array<i32>} : memref<80x64xi32, #tpu.memory_space<vmem>>, vector<16xi32>,
        %get3A_1011 = arith.index_cast %add3A_881 : i32 to index
        %get3A_1012 = arith.constant 48 : index
        %get3A_1013 = tpu.vector_load %arg14[%get3A_1011, %get3A_1012] {strides = array<i32>} : memref<80x64xi32, #tpu.memory_space<vmem>>, vector<16xi32>,
        %shift_left3A_1014 = arith.constant 16 : i32
        %shift_left3A_1015 = vector.broadcast %shift_left3A_1014 : i32 to vector<16xi32>
        %shift_left3A_1016 = arith.shli %get3A_1010, %shift_left3A_1015 : vector<16xi32>
        %bitcast3A_1017 = vector.bitcast %shift_left3A_1016 : vector<16xi32> to vector<16xf32>
        %shift_left3A_1018 = arith.constant 16 : i32
        %shift_left3A_1019 = vector.broadcast %shift_left3A_1018 : i32 to vector<16xi32>
        %shift_left3A_1020 = arith.shli %get3A_1013, %shift_left3A_1019 : vector<16xi32>
        %bitcast3A_1021 = vector.bitcast %shift_left3A_1020 : vector<16xi32> to vector<16xf32>
        %and3A_1022 = arith.constant -65536 : i32
        %and3A_1023 = vector.broadcast %and3A_1022 : i32 to vector<16xi32>
        %and3A_1024 = arith.andi %get3A_1010, %and3A_1023 : vector<16xi32>
        %bitcast3A_1025 = vector.bitcast %and3A_1024 : vector<16xi32> to vector<16xf32>
        %and3A_1026 = arith.constant -65536 : i32
        %and3A_1027 = vector.broadcast %and3A_1026 : i32 to vector<16xi32>
        %and3A_1028 = arith.andi %get3A_1013, %and3A_1027 : vector<16xi32>
        %bitcast3A_1029 = vector.bitcast %and3A_1028 : vector<16xi32> to vector<16xf32>
        %mul3A_1030 = arith.mulf %bitcast3A_1017, %bitcast3A_1021 : vector<16xf32>
        %bitcast3A_1031 = vector.bitcast %mul3A_1030 : vector<16xf32> to vector<16xi32>
        %mul3A_1032 = arith.mulf %bitcast3A_1025, %bitcast3A_1029 : vector<16xf32>
        %bitcast3A_1033 = vector.bitcast %mul3A_1032 : vector<16xf32> to vector<16xi32>
        %add3A_1034 = arith.constant 32768 : i32
        %add3A_1035 = vector.broadcast %add3A_1034 : i32 to vector<16xi32>
        %add3A_1036 = arith.addi %bitcast3A_1031, %add3A_1035 : vector<16xi32>
        %shift_right_logical3A_1037 = arith.constant 16 : i32
        %shift_right_logical3A_1038 = vector.broadcast %shift_right_logical3A_1037 : i32 to vector<16xi32>
        %shift_right_logical3A_1039 = arith.shrui %add3A_1036, %shift_right_logical3A_1038 : vector<16xi32>
        %add3A_1040 = arith.constant 32768 : i32
        %add3A_1041 = vector.broadcast %add3A_1040 : i32 to vector<16xi32>
        %add3A_1042 = arith.addi %bitcast3A_1033, %add3A_1041 : vector<16xi32>
        %and3A_1043 = arith.constant -65536 : i32
        %and3A_1044 = vector.broadcast %and3A_1043 : i32 to vector<16xi32>
        %and3A_1045 = arith.andi %add3A_1042, %and3A_1044 : vector<16xi32>
        %or3A_1046 = arith.ori %shift_right_logical3A_1039, %and3A_1045 : vector<16xi32>
        %swap3A_1047 = arith.index_cast %scan3A_705 : i32 to index
        %swap3A_1048 = arith.constant 112 : index
        %swap3A_1049 = tpu.vector_load %arg19[%swap3A_1047, %swap3A_1048] {strides = array<i32>} : memref<40x128xi32, #tpu.memory_space<vmem>>, vector<16xi32>,
        tpu.vector_store %arg19[%swap3A_1047, %swap3A_1048], %or3A_1046 {strides = array<i32>} : memref<40x128xi32, #tpu.memory_space<vmem>>, vector<16xi32>,
      }
      %scan3A_157 = arith.constant 40 : i32
      %mul3A_158 = arith.constant 80 : i32
      %mul3A_159 = arith.muli %add3A_141, %mul3A_158 : i32
      %multiple_of3A_160 = tpu.assume_multiple %mul3A_159, 80 : i32
      %add3A_161 = arith.addi %multiple_of3A, %multiple_of3A_160 : i32
      %jit3A_162 = arith.constant 2 : i32
      %div3A_163 = arith.divsi %add3A_161, %jit3A_162 : i32
      %sign3A_164 = arith.constant 0 : i32
      %sign3A_165 = arith.cmpi sgt, %add3A_161, %sign3A_164 : i32
      %sign3A_166 = arith.extui %sign3A_165 : i1 to i32
      %sign3A_167 = arith.constant 0 : i32
      %sign3A_168 = arith.cmpi slt, %add3A_161, %sign3A_167 : i32
      %sign3A_169 = arith.extui %sign3A_168 : i1 to i32
      %sign3A_170 = arith.subi %sign3A_166, %sign3A_169 : i32
      %sign3A_171 = arith.constant 0 : i32
      %sign3A_172 = arith.cmpi sgt, %jit3A_162, %sign3A_171 : i32
      %sign3A_173 = arith.extui %sign3A_172 : i1 to i32
      %sign3A_174 = arith.constant 0 : i32
      %sign3A_175 = arith.cmpi slt, %jit3A_162, %sign3A_174 : i32
      %sign3A_176 = arith.extui %sign3A_175 : i1 to i32
      %sign3A_177 = arith.subi %sign3A_173, %sign3A_176 : i32
      %ne3A_178 = arith.cmpi ne, %sign3A_170, %sign3A_177 : i32
      %rem3A_179 = arith.remsi %add3A_161, %jit3A_162 : i32
      %ne3A_180 = arith.constant 0 : i32
      %ne3A_181 = arith.cmpi ne, %rem3A_179, %ne3A_180 : i32
      %and3A_182 = arith.andi %ne3A_178, %ne3A_181 : i1
      %sub3A_183 = arith.constant 1 : i32
      %sub3A_184 = arith.subi %div3A_163, %sub3A_183 : i32
      %select_n3A_185 = arith.select %and3A_182, %sub3A_184, %div3A_163 : i32
      %dma_start3A_186 = arith.constant 0 : i32
      %dma_start3A_187 = tpu.memref_slice %arg5[%select_n3A_185, %dma_start3A_186] : memref<160000x128xi32, #tpu.memory_space<hbm>> -> memref<40x128xi32, #tpu.memory_space<hbm>>
      %dma_start3A_188 = arith.constant 0 : i32
      %dma_start3A_189 = tpu.memref_slice %arg5[%select_n3A_185, %dma_start3A_188] : memref<160000x128xi32, #tpu.memory_space<hbm>> -> memref<40x128xi32, #tpu.memory_space<hbm>>
      tpu.enqueue_dma source(%arg19 : memref<40x128xi32, #tpu.memory_space<vmem>>) target(%dma_start3A_189 : memref<40x128xi32, #tpu.memory_space<hbm>>) target_semaphore(%arg34 : memref<!tpu.dma_semaphore, #tpu.memory_space<semaphore_mem>>)
      %lt3A = arith.constant 24 : i32
      %lt3A_190 = arith.cmpi slt, %scan3A_76, %lt3A : i32
      %convert_element_type3A_191 = arith.extui %lt3A_190 : i1 to i32
      %cond3A_192 = arith.constant 0 : i32
      %cond3A_193 = arith.cmpi ne, %convert_element_type3A_191, %cond3A_192 : i32
      scf.if %cond3A_193 {
        %dma_wait3A_365 = arith.constant 0 : i32
        %dma_wait3A_366 = arith.constant 0 : i32
        %dma_wait3A_367 = tpu.memref_slice %arg5[%dma_wait3A_365, %dma_wait3A_366] : memref<160000x128xi32, #tpu.memory_space<hbm>> -> memref<40x128xi32, #tpu.memory_space<hbm>>
        %dma_wait3A_368 = arith.constant 0 : i32
        %dma_wait3A_369 = arith.constant 0 : i32
        %dma_wait3A_370 = tpu.memref_slice %arg5[%dma_wait3A_368, %dma_wait3A_369] : memref<160000x128xi32, #tpu.memory_space<hbm>> -> memref<40x128xi32, #tpu.memory_space<hbm>>
        tpu.wait_dma2 semaphore(%arg33 : memref<!tpu.dma_semaphore, #tpu.memory_space<semaphore_mem>>) src(%arg18 : memref<40x128xi32, #tpu.memory_space<vmem>>) dst(%dma_wait3A_370 : memref<40x128xi32, #tpu.memory_space<hbm>>)
        %add3A_371 = arith.constant 5 : i32
        %add3A_372 = arith.addi %add3A_141, %add3A_371 : i32
        %sub3A_373 = arith.constant 1 : i32
        %sub3A_374 = arith.subi %add3A_372, %sub3A_373 : i32
        %mul3A_375 = arith.constant 80 : i32
        %mul3A_376 = arith.muli %sub3A_374, %mul3A_375 : i32
        %multiple_of3A_377 = tpu.assume_multiple %mul3A_376, 80 : i32
        %dma_start3A_378 = tpu.memref_slice %arg6[%multiple_of3A_377] : memref<10000xi32, #tpu.memory_space<vmem>> -> memref<80xi32, #tpu.memory_space<vmem>>
        %dma_start3A_379 = arith.constant 0 : i32
        %dma_start3A_380 = arith.constant 0 : i32
        %dma_start3A_381 = tpu.memref_slice %arg2[%dma_start3A_379, %dma_start3A_380] : memref<10000x64xi32, #tpu.memory_space<hbm>> -> memref<10000x64xi32, #tpu.memory_space<hbm>>
        tpu.enqueue_indirect_dma source(%dma_start3A_381 : memref<10000x64xi32, #tpu.memory_space<hbm>>) target(%arg8 : memref<80x64xi32, #tpu.memory_space<vmem>>) offsets(%dma_start3A_378 : memref<80xi32, #tpu.memory_space<vmem>>) semaphore(%arg23 : memref<!tpu.dma_semaphore, #tpu.memory_space<semaphore_mem>>)
        %dma_start3A_382 = tpu.memref_slice %arg7[%multiple_of3A_377] : memref<10000xi32, #tpu.memory_space<vmem>> -> memref<80xi32, #tpu.memory_space<vmem>>
        %dma_start3A_383 = arith.constant 0 : i32
        %dma_start3A_384 = arith.constant 0 : i32
        %dma_start3A_385 = tpu.memref_slice %arg2[%dma_start3A_383, %dma_start3A_384] : memref<10000x64xi32, #tpu.memory_space<hbm>> -> memref<10000x64xi32, #tpu.memory_space<hbm>>
        tpu.enqueue_indirect_dma source(%dma_start3A_385 : memref<10000x64xi32, #tpu.memory_space<hbm>>) target(%arg13 : memref<80x64xi32, #tpu.memory_space<vmem>>) offsets(%dma_start3A_382 : memref<80xi32, #tpu.memory_space<vmem>>) semaphore(%arg28 : memref<!tpu.dma_semaphore, #tpu.memory_space<semaphore_mem>>)
      } else {
      }
      %mul3A_194 = arith.constant 5 : i32
      %mul3A_195 = arith.muli %scan3A_76, %mul3A_194 : i32
      %add3A_196 = arith.constant 2 : i32
      %add3A_197 = arith.addi %mul3A_195, %add3A_196 : i32
      %dma_wait3A_198 = arith.constant 0 : i32
      %dma_wait3A_199 = tpu.memref_slice %arg6[%dma_wait3A_198] : memref<10000xi32, #tpu.memory_space<vmem>> -> memref<80xi32, #tpu.memory_space<vmem>>
      %dma_wait3A_200 = arith.constant 0 : i32
      %dma_wait3A_201 = arith.constant 0 : i32
      %dma_wait3A_202 = tpu.memref_slice %arg2[%dma_wait3A_200, %dma_wait3A_201] : memref<10000x64xi32, #tpu.memory_space<hbm>> -> memref<10000x64xi32, #tpu.memory_space<hbm>>
      tpu.wait_indirect_dma semaphore(%arg25 : memref<!tpu.dma_semaphore, #tpu.memory_space<semaphore_mem>>) src(%dma_wait3A_202 : memref<10000x64xi32, #tpu.memory_space<hbm>>) dst(%arg10 : memref<80x64xi32, #tpu.memory_space<vmem>>)
      %dma_wait3A_203 = arith.constant 0 : i32
      %dma_wait3A_204 = tpu.memref_slice %arg7[%dma_wait3A_203] : memref<10000xi32, #tpu.memory_space<vmem>> -> memref<80xi32, #tpu.memory_space<vmem>>
      %dma_wait3A_205 = arith.constant 0 : i32
      %dma_wait3A_206 = arith.constant 0 : i32
      %dma_wait3A_207 = tpu.memref_slice %arg2[%dma_wait3A_205, %dma_wait3A_206] : memref<10000x64xi32, #tpu.memory_space<hbm>> -> memref<10000x64xi32, #tpu.memory_space<hbm>>
      tpu.wait_indirect_dma semaphore(%arg30 : memref<!tpu.dma_semaphore, #tpu.memory_space<semaphore_mem>>) src(%dma_wait3A_207 : memref<10000x64xi32, #tpu.memory_space<hbm>>) dst(%arg15 : memref<80x64xi32, #tpu.memory_space<vmem>>)
      %scan3A_208 = arith.constant 0 : i32
      %scan3A_209 = arith.constant 0 : i32
      %scan3A_210 = arith.constant 40 : i32
      %scan3A_211 = arith.addi %scan3A_209, %scan3A_210 : i32
      %scan3A_212 = arith.constant 2 : i32
      scf.for %scan3A_365 = %scan3A_209 to %scan3A_211 step %scan3A_212  : i32 {
        %mul3A_366 = arith.constant 2 : i32
        %mul3A_367 = arith.muli %scan3A_365, %mul3A_366 : i32
        %add3A_368 = arith.constant 0 : i32
        %add3A_369 = arith.addi %mul3A_367, %add3A_368 : i32
        %get3A = arith.index_cast %add3A_369 : i32 to index
        %get3A_370 = arith.constant 0 : index
        %get3A_371 = tpu.vector_load %arg10[%get3A, %get3A_370] {strides = array<i32>} : memref<80x64xi32, #tpu.memory_space<vmem>>, vector<16xi32>,
        %get3A_372 = arith.index_cast %add3A_369 : i32 to index
        %get3A_373 = arith.constant 0 : index
        %get3A_374 = tpu.vector_load %arg15[%get3A_372, %get3A_373] {strides = array<i32>} : memref<80x64xi32, #tpu.memory_space<vmem>>, vector<16xi32>,
        %shift_left3A = arith.constant 16 : i32
        %shift_left3A_375 = vector.broadcast %shift_left3A : i32 to vector<16xi32>
        %shift_left3A_376 = arith.shli %get3A_371, %shift_left3A_375 : vector<16xi32>
        %bitcast3A = vector.bitcast %shift_left3A_376 : vector<16xi32> to vector<16xf32>
        %shift_left3A_377 = arith.constant 16 : i32
        %shift_left3A_378 = vector.broadcast %shift_left3A_377 : i32 to vector<16xi32>
        %shift_left3A_379 = arith.shli %get3A_374, %shift_left3A_378 : vector<16xi32>
        %bitcast3A_380 = vector.bitcast %shift_left3A_379 : vector<16xi32> to vector<16xf32>
        %and3A_381 = arith.constant -65536 : i32
        %and3A_382 = vector.broadcast %and3A_381 : i32 to vector<16xi32>
        %and3A_383 = arith.andi %get3A_371, %and3A_382 : vector<16xi32>
        %bitcast3A_384 = vector.bitcast %and3A_383 : vector<16xi32> to vector<16xf32>
        %and3A_385 = arith.constant -65536 : i32
        %and3A_386 = vector.broadcast %and3A_385 : i32 to vector<16xi32>
        %and3A_387 = arith.andi %get3A_374, %and3A_386 : vector<16xi32>
        %bitcast3A_388 = vector.bitcast %and3A_387 : vector<16xi32> to vector<16xf32>
        %mul3A_389 = arith.mulf %bitcast3A, %bitcast3A_380 : vector<16xf32>
        %bitcast3A_390 = vector.bitcast %mul3A_389 : vector<16xf32> to vector<16xi32>
        %mul3A_391 = arith.mulf %bitcast3A_384, %bitcast3A_388 : vector<16xf32>
        %bitcast3A_392 = vector.bitcast %mul3A_391 : vector<16xf32> to vector<16xi32>
        %add3A_393 = arith.constant 32768 : i32
        %add3A_394 = vector.broadcast %add3A_393 : i32 to vector<16xi32>
        %add3A_395 = arith.addi %bitcast3A_390, %add3A_394 : vector<16xi32>
        %shift_right_logical3A = arith.constant 16 : i32
        %shift_right_logical3A_396 = vector.broadcast %shift_right_logical3A : i32 to vector<16xi32>
        %shift_right_logical3A_397 = arith.shrui %add3A_395, %shift_right_logical3A_396 : vector<16xi32>
        %add3A_398 = arith.constant 32768 : i32
        %add3A_399 = vector.broadcast %add3A_398 : i32 to vector<16xi32>
        %add3A_400 = arith.addi %bitcast3A_392, %add3A_399 : vector<16xi32>
        %and3A_401 = arith.constant -65536 : i32
        %and3A_402 = vector.broadcast %and3A_401 : i32 to vector<16xi32>
        %and3A_403 = arith.andi %add3A_400, %and3A_402 : vector<16xi32>
        %or3A = arith.ori %shift_right_logical3A_397, %and3A_403 : vector<16xi32>
        %swap3A = arith.index_cast %scan3A_365 : i32 to index
        %swap3A_404 = arith.constant 0 : index
        %swap3A_405 = tpu.vector_load %arg20[%swap3A, %swap3A_404] {strides = array<i32>} : memref<40x128xi32, #tpu.memory_space<vmem>>, vector<16xi32>,
        tpu.vector_store %arg20[%swap3A, %swap3A_404], %or3A {strides = array<i32>} : memref<40x128xi32, #tpu.memory_space<vmem>>, vector<16xi32>,
        %get3A_406 = arith.index_cast %add3A_369 : i32 to index
        %get3A_407 = arith.constant 16 : index
        %get3A_408 = tpu.vector_load %arg10[%get3A_406, %get3A_407] {strides = array<i32>} : memref<80x64xi32, #tpu.memory_space<vmem>>, vector<16xi32>,
        %get3A_409 = arith.index_cast %add3A_369 : i32 to index
        %get3A_410 = arith.constant 16 : index
        %get3A_411 = tpu.vector_load %arg15[%get3A_409, %get3A_410] {strides = array<i32>} : memref<80x64xi32, #tpu.memory_space<vmem>>, vector<16xi32>,
        %shift_left3A_412 = arith.constant 16 : i32
        %shift_left3A_413 = vector.broadcast %shift_left3A_412 : i32 to vector<16xi32>
        %shift_left3A_414 = arith.shli %get3A_408, %shift_left3A_413 : vector<16xi32>
        %bitcast3A_415 = vector.bitcast %shift_left3A_414 : vector<16xi32> to vector<16xf32>
        %shift_left3A_416 = arith.constant 16 : i32
        %shift_left3A_417 = vector.broadcast %shift_left3A_416 : i32 to vector<16xi32>
        %shift_left3A_418 = arith.shli %get3A_411, %shift_left3A_417 : vector<16xi32>
        %bitcast3A_419 = vector.bitcast %shift_left3A_418 : vector<16xi32> to vector<16xf32>
        %and3A_420 = arith.constant -65536 : i32
        %and3A_421 = vector.broadcast %and3A_420 : i32 to vector<16xi32>
        %and3A_422 = arith.andi %get3A_408, %and3A_421 : vector<16xi32>
        %bitcast3A_423 = vector.bitcast %and3A_422 : vector<16xi32> to vector<16xf32>
        %and3A_424 = arith.constant -65536 : i32
        %and3A_425 = vector.broadcast %and3A_424 : i32 to vector<16xi32>
        %and3A_426 = arith.andi %get3A_411, %and3A_425 : vector<16xi32>
        %bitcast3A_427 = vector.bitcast %and3A_426 : vector<16xi32> to vector<16xf32>
        %mul3A_428 = arith.mulf %bitcast3A_415, %bitcast3A_419 : vector<16xf32>
        %bitcast3A_429 = vector.bitcast %mul3A_428 : vector<16xf32> to vector<16xi32>
        %mul3A_430 = arith.mulf %bitcast3A_423, %bitcast3A_427 : vector<16xf32>
        %bitcast3A_431 = vector.bitcast %mul3A_430 : vector<16xf32> to vector<16xi32>
        %add3A_432 = arith.constant 32768 : i32
        %add3A_433 = vector.broadcast %add3A_432 : i32 to vector<16xi32>
        %add3A_434 = arith.addi %bitcast3A_429, %add3A_433 : vector<16xi32>
        %shift_right_logical3A_435 = arith.constant 16 : i32
        %shift_right_logical3A_436 = vector.broadcast %shift_right_logical3A_435 : i32 to vector<16xi32>
        %shift_right_logical3A_437 = arith.shrui %add3A_434, %shift_right_logical3A_436 : vector<16xi32>
        %add3A_438 = arith.constant 32768 : i32
        %add3A_439 = vector.broadcast %add3A_438 : i32 to vector<16xi32>
        %add3A_440 = arith.addi %bitcast3A_431, %add3A_439 : vector<16xi32>
        %and3A_441 = arith.constant -65536 : i32
        %and3A_442 = vector.broadcast %and3A_441 : i32 to vector<16xi32>
        %and3A_443 = arith.andi %add3A_440, %and3A_442 : vector<16xi32>
        %or3A_444 = arith.ori %shift_right_logical3A_437, %and3A_443 : vector<16xi32>
        %swap3A_445 = arith.index_cast %scan3A_365 : i32 to index
        %swap3A_446 = arith.constant 16 : index
        %swap3A_447 = tpu.vector_load %arg20[%swap3A_445, %swap3A_446] {strides = array<i32>} : memref<40x128xi32, #tpu.memory_space<vmem>>, vector<16xi32>,
        tpu.vector_store %arg20[%swap3A_445, %swap3A_446], %or3A_444 {strides = array<i32>} : memref<40x128xi32, #tpu.memory_space<vmem>>, vector<16xi32>,
        %get3A_448 = arith.index_cast %add3A_369 : i32 to index
        %get3A_449 = arith.constant 32 : index
        %get3A_450 = tpu.vector_load %arg10[%get3A_448, %get3A_449] {strides = array<i32>} : memref<80x64xi32, #tpu.memory_space<vmem>>, vector<16xi32>,
        %get3A_451 = arith.index_cast %add3A_369 : i32 to index
        %get3A_452 = arith.constant 32 : index
        %get3A_453 = tpu.vector_load %arg15[%get3A_451, %get3A_452] {strides = array<i32>} : memref<80x64xi32, #tpu.memory_space<vmem>>, vector<16xi32>,
        %shift_left3A_454 = arith.constant 16 : i32
        %shift_left3A_455 = vector.broadcast %shift_left3A_454 : i32 to vector<16xi32>
        %shift_left3A_456 = arith.shli %get3A_450, %shift_left3A_455 : vector<16xi32>
        %bitcast3A_457 = vector.bitcast %shift_left3A_456 : vector<16xi32> to vector<16xf32>
        %shift_left3A_458 = arith.constant 16 : i32
        %shift_left3A_459 = vector.broadcast %shift_left3A_458 : i32 to vector<16xi32>
        %shift_left3A_460 = arith.shli %get3A_453, %shift_left3A_459 : vector<16xi32>
        %bitcast3A_461 = vector.bitcast %shift_left3A_460 : vector<16xi32> to vector<16xf32>
        %and3A_462 = arith.constant -65536 : i32
        %and3A_463 = vector.broadcast %and3A_462 : i32 to vector<16xi32>
        %and3A_464 = arith.andi %get3A_450, %and3A_463 : vector<16xi32>
        %bitcast3A_465 = vector.bitcast %and3A_464 : vector<16xi32> to vector<16xf32>
        %and3A_466 = arith.constant -65536 : i32
        %and3A_467 = vector.broadcast %and3A_466 : i32 to vector<16xi32>
        %and3A_468 = arith.andi %get3A_453, %and3A_467 : vector<16xi32>
        %bitcast3A_469 = vector.bitcast %and3A_468 : vector<16xi32> to vector<16xf32>
        %mul3A_470 = arith.mulf %bitcast3A_457, %bitcast3A_461 : vector<16xf32>
        %bitcast3A_471 = vector.bitcast %mul3A_470 : vector<16xf32> to vector<16xi32>
        %mul3A_472 = arith.mulf %bitcast3A_465, %bitcast3A_469 : vector<16xf32>
        %bitcast3A_473 = vector.bitcast %mul3A_472 : vector<16xf32> to vector<16xi32>
        %add3A_474 = arith.constant 32768 : i32
        %add3A_475 = vector.broadcast %add3A_474 : i32 to vector<16xi32>
        %add3A_476 = arith.addi %bitcast3A_471, %add3A_475 : vector<16xi32>
        %shift_right_logical3A_477 = arith.constant 16 : i32
        %shift_right_logical3A_478 = vector.broadcast %shift_right_logical3A_477 : i32 to vector<16xi32>
        %shift_right_logical3A_479 = arith.shrui %add3A_476, %shift_right_logical3A_478 : vector<16xi32>
        %add3A_480 = arith.constant 32768 : i32
        %add3A_481 = vector.broadcast %add3A_480 : i32 to vector<16xi32>
        %add3A_482 = arith.addi %bitcast3A_473, %add3A_481 : vector<16xi32>
        %and3A_483 = arith.constant -65536 : i32
        %and3A_484 = vector.broadcast %and3A_483 : i32 to vector<16xi32>
        %and3A_485 = arith.andi %add3A_482, %and3A_484 : vector<16xi32>
        %or3A_486 = arith.ori %shift_right_logical3A_479, %and3A_485 : vector<16xi32>
        %swap3A_487 = arith.index_cast %scan3A_365 : i32 to index
        %swap3A_488 = arith.constant 32 : index
        %swap3A_489 = tpu.vector_load %arg20[%swap3A_487, %swap3A_488] {strides = array<i32>} : memref<40x128xi32, #tpu.memory_space<vmem>>, vector<16xi32>,
        tpu.vector_store %arg20[%swap3A_487, %swap3A_488], %or3A_486 {strides = array<i32>} : memref<40x128xi32, #tpu.memory_space<vmem>>, vector<16xi32>,
        %get3A_490 = arith.index_cast %add3A_369 : i32 to index
        %get3A_491 = arith.constant 48 : index
        %get3A_492 = tpu.vector_load %arg10[%get3A_490, %get3A_491] {strides = array<i32>} : memref<80x64xi32, #tpu.memory_space<vmem>>, vector<16xi32>,
        %get3A_493 = arith.index_cast %add3A_369 : i32 to index
        %get3A_494 = arith.constant 48 : index
        %get3A_495 = tpu.vector_load %arg15[%get3A_493, %get3A_494] {strides = array<i32>} : memref<80x64xi32, #tpu.memory_space<vmem>>, vector<16xi32>,
        %shift_left3A_496 = arith.constant 16 : i32
        %shift_left3A_497 = vector.broadcast %shift_left3A_496 : i32 to vector<16xi32>
        %shift_left3A_498 = arith.shli %get3A_492, %shift_left3A_497 : vector<16xi32>
        %bitcast3A_499 = vector.bitcast %shift_left3A_498 : vector<16xi32> to vector<16xf32>
        %shift_left3A_500 = arith.constant 16 : i32
        %shift_left3A_501 = vector.broadcast %shift_left3A_500 : i32 to vector<16xi32>
        %shift_left3A_502 = arith.shli %get3A_495, %shift_left3A_501 : vector<16xi32>
        %bitcast3A_503 = vector.bitcast %shift_left3A_502 : vector<16xi32> to vector<16xf32>
        %and3A_504 = arith.constant -65536 : i32
        %and3A_505 = vector.broadcast %and3A_504 : i32 to vector<16xi32>
        %and3A_506 = arith.andi %get3A_492, %and3A_505 : vector<16xi32>
        %bitcast3A_507 = vector.bitcast %and3A_506 : vector<16xi32> to vector<16xf32>
        %and3A_508 = arith.constant -65536 : i32
        %and3A_509 = vector.broadcast %and3A_508 : i32 to vector<16xi32>
        %and3A_510 = arith.andi %get3A_495, %and3A_509 : vector<16xi32>
        %bitcast3A_511 = vector.bitcast %and3A_510 : vector<16xi32> to vector<16xf32>
        %mul3A_512 = arith.mulf %bitcast3A_499, %bitcast3A_503 : vector<16xf32>
        %bitcast3A_513 = vector.bitcast %mul3A_512 : vector<16xf32> to vector<16xi32>
        %mul3A_514 = arith.mulf %bitcast3A_507, %bitcast3A_511 : vector<16xf32>
        %bitcast3A_515 = vector.bitcast %mul3A_514 : vector<16xf32> to vector<16xi32>
        %add3A_516 = arith.constant 32768 : i32
        %add3A_517 = vector.broadcast %add3A_516 : i32 to vector<16xi32>
        %add3A_518 = arith.addi %bitcast3A_513, %add3A_517 : vector<16xi32>
        %shift_right_logical3A_519 = arith.constant 16 : i32
        %shift_right_logical3A_520 = vector.broadcast %shift_right_logical3A_519 : i32 to vector<16xi32>
        %shift_right_logical3A_521 = arith.shrui %add3A_518, %shift_right_logical3A_520 : vector<16xi32>
        %add3A_522 = arith.constant 32768 : i32
        %add3A_523 = vector.broadcast %add3A_522 : i32 to vector<16xi32>
        %add3A_524 = arith.addi %bitcast3A_515, %add3A_523 : vector<16xi32>
        %and3A_525 = arith.constant -65536 : i32
        %and3A_526 = vector.broadcast %and3A_525 : i32 to vector<16xi32>
        %and3A_527 = arith.andi %add3A_524, %and3A_526 : vector<16xi32>
        %or3A_528 = arith.ori %shift_right_logical3A_521, %and3A_527 : vector<16xi32>
        %swap3A_529 = arith.index_cast %scan3A_365 : i32 to index
        %swap3A_530 = arith.constant 48 : index
        %swap3A_531 = tpu.vector_load %arg20[%swap3A_529, %swap3A_530] {strides = array<i32>} : memref<40x128xi32, #tpu.memory_space<vmem>>, vector<16xi32>,
        tpu.vector_store %arg20[%swap3A_529, %swap3A_530], %or3A_528 {strides = array<i32>} : memref<40x128xi32, #tpu.memory_space<vmem>>, vector<16xi32>,
        %mul3A_532 = arith.constant 2 : i32
        %mul3A_533 = arith.muli %scan3A_365, %mul3A_532 : i32
        %add3A_534 = arith.constant 1 : i32
        %add3A_535 = arith.addi %mul3A_533, %add3A_534 : i32
        %get3A_536 = arith.index_cast %add3A_535 : i32 to index
        %get3A_537 = arith.constant 0 : index
        %get3A_538 = tpu.vector_load %arg10[%get3A_536, %get3A_537] {strides = array<i32>} : memref<80x64xi32, #tpu.memory_space<vmem>>, vector<16xi32>,
        %get3A_539 = arith.index_cast %add3A_535 : i32 to index
        %get3A_540 = arith.constant 0 : index
        %get3A_541 = tpu.vector_load %arg15[%get3A_539, %get3A_540] {strides = array<i32>} : memref<80x64xi32, #tpu.memory_space<vmem>>, vector<16xi32>,
        %shift_left3A_542 = arith.constant 16 : i32
        %shift_left3A_543 = vector.broadcast %shift_left3A_542 : i32 to vector<16xi32>
        %shift_left3A_544 = arith.shli %get3A_538, %shift_left3A_543 : vector<16xi32>
        %bitcast3A_545 = vector.bitcast %shift_left3A_544 : vector<16xi32> to vector<16xf32>
        %shift_left3A_546 = arith.constant 16 : i32
        %shift_left3A_547 = vector.broadcast %shift_left3A_546 : i32 to vector<16xi32>
        %shift_left3A_548 = arith.shli %get3A_541, %shift_left3A_547 : vector<16xi32>
        %bitcast3A_549 = vector.bitcast %shift_left3A_548 : vector<16xi32> to vector<16xf32>
        %and3A_550 = arith.constant -65536 : i32
        %and3A_551 = vector.broadcast %and3A_550 : i32 to vector<16xi32>
        %and3A_552 = arith.andi %get3A_538, %and3A_551 : vector<16xi32>
        %bitcast3A_553 = vector.bitcast %and3A_552 : vector<16xi32> to vector<16xf32>
        %and3A_554 = arith.constant -65536 : i32
        %and3A_555 = vector.broadcast %and3A_554 : i32 to vector<16xi32>
        %and3A_556 = arith.andi %get3A_541, %and3A_555 : vector<16xi32>
        %bitcast3A_557 = vector.bitcast %and3A_556 : vector<16xi32> to vector<16xf32>
        %mul3A_558 = arith.mulf %bitcast3A_545, %bitcast3A_549 : vector<16xf32>
        %bitcast3A_559 = vector.bitcast %mul3A_558 : vector<16xf32> to vector<16xi32>
        %mul3A_560 = arith.mulf %bitcast3A_553, %bitcast3A_557 : vector<16xf32>
        %bitcast3A_561 = vector.bitcast %mul3A_560 : vector<16xf32> to vector<16xi32>
        %add3A_562 = arith.constant 32768 : i32
        %add3A_563 = vector.broadcast %add3A_562 : i32 to vector<16xi32>
        %add3A_564 = arith.addi %bitcast3A_559, %add3A_563 : vector<16xi32>
        %shift_right_logical3A_565 = arith.constant 16 : i32
        %shift_right_logical3A_566 = vector.broadcast %shift_right_logical3A_565 : i32 to vector<16xi32>
        %shift_right_logical3A_567 = arith.shrui %add3A_564, %shift_right_logical3A_566 : vector<16xi32>
        %add3A_568 = arith.constant 32768 : i32
        %add3A_569 = vector.broadcast %add3A_568 : i32 to vector<16xi32>
        %add3A_570 = arith.addi %bitcast3A_561, %add3A_569 : vector<16xi32>
        %and3A_571 = arith.constant -65536 : i32
        %and3A_572 = vector.broadcast %and3A_571 : i32 to vector<16xi32>
        %and3A_573 = arith.andi %add3A_570, %and3A_572 : vector<16xi32>
        %or3A_574 = arith.ori %shift_right_logical3A_567, %and3A_573 : vector<16xi32>
        %swap3A_575 = arith.index_cast %scan3A_365 : i32 to index
        %swap3A_576 = arith.constant 64 : index
        %swap3A_577 = tpu.vector_load %arg20[%swap3A_575, %swap3A_576] {strides = array<i32>} : memref<40x128xi32, #tpu.memory_space<vmem>>, vector<16xi32>,
        tpu.vector_store %arg20[%swap3A_575, %swap3A_576], %or3A_574 {strides = array<i32>} : memref<40x128xi32, #tpu.memory_space<vmem>>, vector<16xi32>,
        %get3A_578 = arith.index_cast %add3A_535 : i32 to index
        %get3A_579 = arith.constant 16 : index
        %get3A_580 = tpu.vector_load %arg10[%get3A_578, %get3A_579] {strides = array<i32>} : memref<80x64xi32, #tpu.memory_space<vmem>>, vector<16xi32>,
        %get3A_581 = arith.index_cast %add3A_535 : i32 to index
        %get3A_582 = arith.constant 16 : index
        %get3A_583 = tpu.vector_load %arg15[%get3A_581, %get3A_582] {strides = array<i32>} : memref<80x64xi32, #tpu.memory_space<vmem>>, vector<16xi32>,
        %shift_left3A_584 = arith.constant 16 : i32
        %shift_left3A_585 = vector.broadcast %shift_left3A_584 : i32 to vector<16xi32>
        %shift_left3A_586 = arith.shli %get3A_580, %shift_left3A_585 : vector<16xi32>
        %bitcast3A_587 = vector.bitcast %shift_left3A_586 : vector<16xi32> to vector<16xf32>
        %shift_left3A_588 = arith.constant 16 : i32
        %shift_left3A_589 = vector.broadcast %shift_left3A_588 : i32 to vector<16xi32>
        %shift_left3A_590 = arith.shli %get3A_583, %shift_left3A_589 : vector<16xi32>
        %bitcast3A_591 = vector.bitcast %shift_left3A_590 : vector<16xi32> to vector<16xf32>
        %and3A_592 = arith.constant -65536 : i32
        %and3A_593 = vector.broadcast %and3A_592 : i32 to vector<16xi32>
        %and3A_594 = arith.andi %get3A_580, %and3A_593 : vector<16xi32>
        %bitcast3A_595 = vector.bitcast %and3A_594 : vector<16xi32> to vector<16xf32>
        %and3A_596 = arith.constant -65536 : i32
        %and3A_597 = vector.broadcast %and3A_596 : i32 to vector<16xi32>
        %and3A_598 = arith.andi %get3A_583, %and3A_597 : vector<16xi32>
        %bitcast3A_599 = vector.bitcast %and3A_598 : vector<16xi32> to vector<16xf32>
        %mul3A_600 = arith.mulf %bitcast3A_587, %bitcast3A_591 : vector<16xf32>
        %bitcast3A_601 = vector.bitcast %mul3A_600 : vector<16xf32> to vector<16xi32>
        %mul3A_602 = arith.mulf %bitcast3A_595, %bitcast3A_599 : vector<16xf32>
        %bitcast3A_603 = vector.bitcast %mul3A_602 : vector<16xf32> to vector<16xi32>
        %add3A_604 = arith.constant 32768 : i32
        %add3A_605 = vector.broadcast %add3A_604 : i32 to vector<16xi32>
        %add3A_606 = arith.addi %bitcast3A_601, %add3A_605 : vector<16xi32>
        %shift_right_logical3A_607 = arith.constant 16 : i32
        %shift_right_logical3A_608 = vector.broadcast %shift_right_logical3A_607 : i32 to vector<16xi32>
        %shift_right_logical3A_609 = arith.shrui %add3A_606, %shift_right_logical3A_608 : vector<16xi32>
        %add3A_610 = arith.constant 32768 : i32
        %add3A_611 = vector.broadcast %add3A_610 : i32 to vector<16xi32>
        %add3A_612 = arith.addi %bitcast3A_603, %add3A_611 : vector<16xi32>
        %and3A_613 = arith.constant -65536 : i32
        %and3A_614 = vector.broadcast %and3A_613 : i32 to vector<16xi32>
        %and3A_615 = arith.andi %add3A_612, %and3A_614 : vector<16xi32>
        %or3A_616 = arith.ori %shift_right_logical3A_609, %and3A_615 : vector<16xi32>
        %swap3A_617 = arith.index_cast %scan3A_365 : i32 to index
        %swap3A_618 = arith.constant 80 : index
        %swap3A_619 = tpu.vector_load %arg20[%swap3A_617, %swap3A_618] {strides = array<i32>} : memref<40x128xi32, #tpu.memory_space<vmem>>, vector<16xi32>,
        tpu.vector_store %arg20[%swap3A_617, %swap3A_618], %or3A_616 {strides = array<i32>} : memref<40x128xi32, #tpu.memory_space<vmem>>, vector<16xi32>,
        %get3A_620 = arith.index_cast %add3A_535 : i32 to index
        %get3A_621 = arith.constant 32 : index
        %get3A_622 = tpu.vector_load %arg10[%get3A_620, %get3A_621] {strides = array<i32>} : memref<80x64xi32, #tpu.memory_space<vmem>>, vector<16xi32>,
        %get3A_623 = arith.index_cast %add3A_535 : i32 to index
        %get3A_624 = arith.constant 32 : index
        %get3A_625 = tpu.vector_load %arg15[%get3A_623, %get3A_624] {strides = array<i32>} : memref<80x64xi32, #tpu.memory_space<vmem>>, vector<16xi32>,
        %shift_left3A_626 = arith.constant 16 : i32
        %shift_left3A_627 = vector.broadcast %shift_left3A_626 : i32 to vector<16xi32>
        %shift_left3A_628 = arith.shli %get3A_622, %shift_left3A_627 : vector<16xi32>
        %bitcast3A_629 = vector.bitcast %shift_left3A_628 : vector<16xi32> to vector<16xf32>
        %shift_left3A_630 = arith.constant 16 : i32
        %shift_left3A_631 = vector.broadcast %shift_left3A_630 : i32 to vector<16xi32>
        %shift_left3A_632 = arith.shli %get3A_625, %shift_left3A_631 : vector<16xi32>
        %bitcast3A_633 = vector.bitcast %shift_left3A_632 : vector<16xi32> to vector<16xf32>
        %and3A_634 = arith.constant -65536 : i32
        %and3A_635 = vector.broadcast %and3A_634 : i32 to vector<16xi32>
        %and3A_636 = arith.andi %get3A_622, %and3A_635 : vector<16xi32>
        %bitcast3A_637 = vector.bitcast %and3A_636 : vector<16xi32> to vector<16xf32>
        %and3A_638 = arith.constant -65536 : i32
        %and3A_639 = vector.broadcast %and3A_638 : i32 to vector<16xi32>
        %and3A_640 = arith.andi %get3A_625, %and3A_639 : vector<16xi32>
        %bitcast3A_641 = vector.bitcast %and3A_640 : vector<16xi32> to vector<16xf32>
        %mul3A_642 = arith.mulf %bitcast3A_629, %bitcast3A_633 : vector<16xf32>
        %bitcast3A_643 = vector.bitcast %mul3A_642 : vector<16xf32> to vector<16xi32>
        %mul3A_644 = arith.mulf %bitcast3A_637, %bitcast3A_641 : vector<16xf32>
        %bitcast3A_645 = vector.bitcast %mul3A_644 : vector<16xf32> to vector<16xi32>
        %add3A_646 = arith.constant 32768 : i32
        %add3A_647 = vector.broadcast %add3A_646 : i32 to vector<16xi32>
        %add3A_648 = arith.addi %bitcast3A_643, %add3A_647 : vector<16xi32>
        %shift_right_logical3A_649 = arith.constant 16 : i32
        %shift_right_logical3A_650 = vector.broadcast %shift_right_logical3A_649 : i32 to vector<16xi32>
        %shift_right_logical3A_651 = arith.shrui %add3A_648, %shift_right_logical3A_650 : vector<16xi32>
        %add3A_652 = arith.constant 32768 : i32
        %add3A_653 = vector.broadcast %add3A_652 : i32 to vector<16xi32>
        %add3A_654 = arith.addi %bitcast3A_645, %add3A_653 : vector<16xi32>
        %and3A_655 = arith.constant -65536 : i32
        %and3A_656 = vector.broadcast %and3A_655 : i32 to vector<16xi32>
        %and3A_657 = arith.andi %add3A_654, %and3A_656 : vector<16xi32>
        %or3A_658 = arith.ori %shift_right_logical3A_651, %and3A_657 : vector<16xi32>
        %swap3A_659 = arith.index_cast %scan3A_365 : i32 to index
        %swap3A_660 = arith.constant 96 : index
        %swap3A_661 = tpu.vector_load %arg20[%swap3A_659, %swap3A_660] {strides = array<i32>} : memref<40x128xi32, #tpu.memory_space<vmem>>, vector<16xi32>,
        tpu.vector_store %arg20[%swap3A_659, %swap3A_660], %or3A_658 {strides = array<i32>} : memref<40x128xi32, #tpu.memory_space<vmem>>, vector<16xi32>,
        %get3A_662 = arith.index_cast %add3A_535 : i32 to index
        %get3A_663 = arith.constant 48 : index
        %get3A_664 = tpu.vector_load %arg10[%get3A_662, %get3A_663] {strides = array<i32>} : memref<80x64xi32, #tpu.memory_space<vmem>>, vector<16xi32>,
        %get3A_665 = arith.index_cast %add3A_535 : i32 to index
        %get3A_666 = arith.constant 48 : index
        %get3A_667 = tpu.vector_load %arg15[%get3A_665, %get3A_666] {strides = array<i32>} : memref<80x64xi32, #tpu.memory_space<vmem>>, vector<16xi32>,
        %shift_left3A_668 = arith.constant 16 : i32
        %shift_left3A_669 = vector.broadcast %shift_left3A_668 : i32 to vector<16xi32>
        %shift_left3A_670 = arith.shli %get3A_664, %shift_left3A_669 : vector<16xi32>
        %bitcast3A_671 = vector.bitcast %shift_left3A_670 : vector<16xi32> to vector<16xf32>
        %shift_left3A_672 = arith.constant 16 : i32
        %shift_left3A_673 = vector.broadcast %shift_left3A_672 : i32 to vector<16xi32>
        %shift_left3A_674 = arith.shli %get3A_667, %shift_left3A_673 : vector<16xi32>
        %bitcast3A_675 = vector.bitcast %shift_left3A_674 : vector<16xi32> to vector<16xf32>
        %and3A_676 = arith.constant -65536 : i32
        %and3A_677 = vector.broadcast %and3A_676 : i32 to vector<16xi32>
        %and3A_678 = arith.andi %get3A_664, %and3A_677 : vector<16xi32>
        %bitcast3A_679 = vector.bitcast %and3A_678 : vector<16xi32> to vector<16xf32>
        %and3A_680 = arith.constant -65536 : i32
        %and3A_681 = vector.broadcast %and3A_680 : i32 to vector<16xi32>
        %and3A_682 = arith.andi %get3A_667, %and3A_681 : vector<16xi32>
        %bitcast3A_683 = vector.bitcast %and3A_682 : vector<16xi32> to vector<16xf32>
        %mul3A_684 = arith.mulf %bitcast3A_671, %bitcast3A_675 : vector<16xf32>
        %bitcast3A_685 = vector.bitcast %mul3A_684 : vector<16xf32> to vector<16xi32>
        %mul3A_686 = arith.mulf %bitcast3A_679, %bitcast3A_683 : vector<16xf32>
        %bitcast3A_687 = vector.bitcast %mul3A_686 : vector<16xf32> to vector<16xi32>
        %add3A_688 = arith.constant 32768 : i32
        %add3A_689 = vector.broadcast %add3A_688 : i32 to vector<16xi32>
        %add3A_690 = arith.addi %bitcast3A_685, %add3A_689 : vector<16xi32>
        %shift_right_logical3A_691 = arith.constant 16 : i32
        %shift_right_logical3A_692 = vector.broadcast %shift_right_logical3A_691 : i32 to vector<16xi32>
        %shift_right_logical3A_693 = arith.shrui %add3A_690, %shift_right_logical3A_692 : vector<16xi32>
        %add3A_694 = arith.constant 32768 : i32
        %add3A_695 = vector.broadcast %add3A_694 : i32 to vector<16xi32>
        %add3A_696 = arith.addi %bitcast3A_687, %add3A_695 : vector<16xi32>
        %and3A_697 = arith.constant -65536 : i32
        %and3A_698 = vector.broadcast %and3A_697 : i32 to vector<16xi32>
        %and3A_699 = arith.andi %add3A_696, %and3A_698 : vector<16xi32>
        %or3A_700 = arith.ori %shift_right_logical3A_693, %and3A_699 : vector<16xi32>
        %swap3A_701 = arith.index_cast %scan3A_365 : i32 to index
        %swap3A_702 = arith.constant 112 : index
        %swap3A_703 = tpu.vector_load %arg20[%swap3A_701, %swap3A_702] {strides = array<i32>} : memref<40x128xi32, #tpu.memory_space<vmem>>, vector<16xi32>,
        tpu.vector_store %arg20[%swap3A_701, %swap3A_702], %or3A_700 {strides = array<i32>} : memref<40x128xi32, #tpu.memory_space<vmem>>, vector<16xi32>,
        %scan3A_704 = arith.constant 1 : i32
        %scan3A_705 = arith.addi %scan3A_365, %scan3A_704 : i32
        %mul3A_706 = arith.constant 2 : i32
        %mul3A_707 = arith.muli %scan3A_705, %mul3A_706 : i32
        %add3A_708 = arith.constant 0 : i32
        %add3A_709 = arith.addi %mul3A_707, %add3A_708 : i32
        %get3A_710 = arith.index_cast %add3A_709 : i32 to index
        %get3A_711 = arith.constant 0 : index
        %get3A_712 = tpu.vector_load %arg10[%get3A_710, %get3A_711] {strides = array<i32>} : memref<80x64xi32, #tpu.memory_space<vmem>>, vector<16xi32>,
        %get3A_713 = arith.index_cast %add3A_709 : i32 to index
        %get3A_714 = arith.constant 0 : index
        %get3A_715 = tpu.vector_load %arg15[%get3A_713, %get3A_714] {strides = array<i32>} : memref<80x64xi32, #tpu.memory_space<vmem>>, vector<16xi32>,
        %shift_left3A_716 = arith.constant 16 : i32
        %shift_left3A_717 = vector.broadcast %shift_left3A_716 : i32 to vector<16xi32>
        %shift_left3A_718 = arith.shli %get3A_712, %shift_left3A_717 : vector<16xi32>
        %bitcast3A_719 = vector.bitcast %shift_left3A_718 : vector<16xi32> to vector<16xf32>
        %shift_left3A_720 = arith.constant 16 : i32
        %shift_left3A_721 = vector.broadcast %shift_left3A_720 : i32 to vector<16xi32>
        %shift_left3A_722 = arith.shli %get3A_715, %shift_left3A_721 : vector<16xi32>
        %bitcast3A_723 = vector.bitcast %shift_left3A_722 : vector<16xi32> to vector<16xf32>
        %and3A_724 = arith.constant -65536 : i32
        %and3A_725 = vector.broadcast %and3A_724 : i32 to vector<16xi32>
        %and3A_726 = arith.andi %get3A_712, %and3A_725 : vector<16xi32>
        %bitcast3A_727 = vector.bitcast %and3A_726 : vector<16xi32> to vector<16xf32>
        %and3A_728 = arith.constant -65536 : i32
        %and3A_729 = vector.broadcast %and3A_728 : i32 to vector<16xi32>
        %and3A_730 = arith.andi %get3A_715, %and3A_729 : vector<16xi32>
        %bitcast3A_731 = vector.bitcast %and3A_730 : vector<16xi32> to vector<16xf32>
        %mul3A_732 = arith.mulf %bitcast3A_719, %bitcast3A_723 : vector<16xf32>
        %bitcast3A_733 = vector.bitcast %mul3A_732 : vector<16xf32> to vector<16xi32>
        %mul3A_734 = arith.mulf %bitcast3A_727, %bitcast3A_731 : vector<16xf32>
        %bitcast3A_735 = vector.bitcast %mul3A_734 : vector<16xf32> to vector<16xi32>
        %add3A_736 = arith.constant 32768 : i32
        %add3A_737 = vector.broadcast %add3A_736 : i32 to vector<16xi32>
        %add3A_738 = arith.addi %bitcast3A_733, %add3A_737 : vector<16xi32>
        %shift_right_logical3A_739 = arith.constant 16 : i32
        %shift_right_logical3A_740 = vector.broadcast %shift_right_logical3A_739 : i32 to vector<16xi32>
        %shift_right_logical3A_741 = arith.shrui %add3A_738, %shift_right_logical3A_740 : vector<16xi32>
        %add3A_742 = arith.constant 32768 : i32
        %add3A_743 = vector.broadcast %add3A_742 : i32 to vector<16xi32>
        %add3A_744 = arith.addi %bitcast3A_735, %add3A_743 : vector<16xi32>
        %and3A_745 = arith.constant -65536 : i32
        %and3A_746 = vector.broadcast %and3A_745 : i32 to vector<16xi32>
        %and3A_747 = arith.andi %add3A_744, %and3A_746 : vector<16xi32>
        %or3A_748 = arith.ori %shift_right_logical3A_741, %and3A_747 : vector<16xi32>
        %swap3A_749 = arith.index_cast %scan3A_705 : i32 to index
        %swap3A_750 = arith.constant 0 : index
        %swap3A_751 = tpu.vector_load %arg20[%swap3A_749, %swap3A_750] {strides = array<i32>} : memref<40x128xi32, #tpu.memory_space<vmem>>, vector<16xi32>,
        tpu.vector_store %arg20[%swap3A_749, %swap3A_750], %or3A_748 {strides = array<i32>} : memref<40x128xi32, #tpu.memory_space<vmem>>, vector<16xi32>,
        %get3A_752 = arith.index_cast %add3A_709 : i32 to index
        %get3A_753 = arith.constant 16 : index
        %get3A_754 = tpu.vector_load %arg10[%get3A_752, %get3A_753] {strides = array<i32>} : memref<80x64xi32, #tpu.memory_space<vmem>>, vector<16xi32>,
        %get3A_755 = arith.index_cast %add3A_709 : i32 to index
        %get3A_756 = arith.constant 16 : index
        %get3A_757 = tpu.vector_load %arg15[%get3A_755, %get3A_756] {strides = array<i32>} : memref<80x64xi32, #tpu.memory_space<vmem>>, vector<16xi32>,
        %shift_left3A_758 = arith.constant 16 : i32
        %shift_left3A_759 = vector.broadcast %shift_left3A_758 : i32 to vector<16xi32>
        %shift_left3A_760 = arith.shli %get3A_754, %shift_left3A_759 : vector<16xi32>
        %bitcast3A_761 = vector.bitcast %shift_left3A_760 : vector<16xi32> to vector<16xf32>
        %shift_left3A_762 = arith.constant 16 : i32
        %shift_left3A_763 = vector.broadcast %shift_left3A_762 : i32 to vector<16xi32>
        %shift_left3A_764 = arith.shli %get3A_757, %shift_left3A_763 : vector<16xi32>
        %bitcast3A_765 = vector.bitcast %shift_left3A_764 : vector<16xi32> to vector<16xf32>
        %and3A_766 = arith.constant -65536 : i32
        %and3A_767 = vector.broadcast %and3A_766 : i32 to vector<16xi32>
        %and3A_768 = arith.andi %get3A_754, %and3A_767 : vector<16xi32>
        %bitcast3A_769 = vector.bitcast %and3A_768 : vector<16xi32> to vector<16xf32>
        %and3A_770 = arith.constant -65536 : i32
        %and3A_771 = vector.broadcast %and3A_770 : i32 to vector<16xi32>
        %and3A_772 = arith.andi %get3A_757, %and3A_771 : vector<16xi32>
        %bitcast3A_773 = vector.bitcast %and3A_772 : vector<16xi32> to vector<16xf32>
        %mul3A_774 = arith.mulf %bitcast3A_761, %bitcast3A_765 : vector<16xf32>
        %bitcast3A_775 = vector.bitcast %mul3A_774 : vector<16xf32> to vector<16xi32>
        %mul3A_776 = arith.mulf %bitcast3A_769, %bitcast3A_773 : vector<16xf32>
        %bitcast3A_777 = vector.bitcast %mul3A_776 : vector<16xf32> to vector<16xi32>
        %add3A_778 = arith.constant 32768 : i32
        %add3A_779 = vector.broadcast %add3A_778 : i32 to vector<16xi32>
        %add3A_780 = arith.addi %bitcast3A_775, %add3A_779 : vector<16xi32>
        %shift_right_logical3A_781 = arith.constant 16 : i32
        %shift_right_logical3A_782 = vector.broadcast %shift_right_logical3A_781 : i32 to vector<16xi32>
        %shift_right_logical3A_783 = arith.shrui %add3A_780, %shift_right_logical3A_782 : vector<16xi32>
        %add3A_784 = arith.constant 32768 : i32
        %add3A_785 = vector.broadcast %add3A_784 : i32 to vector<16xi32>
        %add3A_786 = arith.addi %bitcast3A_777, %add3A_785 : vector<16xi32>
        %and3A_787 = arith.constant -65536 : i32
        %and3A_788 = vector.broadcast %and3A_787 : i32 to vector<16xi32>
        %and3A_789 = arith.andi %add3A_786, %and3A_788 : vector<16xi32>
        %or3A_790 = arith.ori %shift_right_logical3A_783, %and3A_789 : vector<16xi32>
        %swap3A_791 = arith.index_cast %scan3A_705 : i32 to index
        %swap3A_792 = arith.constant 16 : index
        %swap3A_793 = tpu.vector_load %arg20[%swap3A_791, %swap3A_792] {strides = array<i32>} : memref<40x128xi32, #tpu.memory_space<vmem>>, vector<16xi32>,
        tpu.vector_store %arg20[%swap3A_791, %swap3A_792], %or3A_790 {strides = array<i32>} : memref<40x128xi32, #tpu.memory_space<vmem>>, vector<16xi32>,
        %get3A_794 = arith.index_cast %add3A_709 : i32 to index
        %get3A_795 = arith.constant 32 : index
        %get3A_796 = tpu.vector_load %arg10[%get3A_794, %get3A_795] {strides = array<i32>} : memref<80x64xi32, #tpu.memory_space<vmem>>, vector<16xi32>,
        %get3A_797 = arith.index_cast %add3A_709 : i32 to index
        %get3A_798 = arith.constant 32 : index
        %get3A_799 = tpu.vector_load %arg15[%get3A_797, %get3A_798] {strides = array<i32>} : memref<80x64xi32, #tpu.memory_space<vmem>>, vector<16xi32>,
        %shift_left3A_800 = arith.constant 16 : i32
        %shift_left3A_801 = vector.broadcast %shift_left3A_800 : i32 to vector<16xi32>
        %shift_left3A_802 = arith.shli %get3A_796, %shift_left3A_801 : vector<16xi32>
        %bitcast3A_803 = vector.bitcast %shift_left3A_802 : vector<16xi32> to vector<16xf32>
        %shift_left3A_804 = arith.constant 16 : i32
        %shift_left3A_805 = vector.broadcast %shift_left3A_804 : i32 to vector<16xi32>
        %shift_left3A_806 = arith.shli %get3A_799, %shift_left3A_805 : vector<16xi32>
        %bitcast3A_807 = vector.bitcast %shift_left3A_806 : vector<16xi32> to vector<16xf32>
        %and3A_808 = arith.constant -65536 : i32
        %and3A_809 = vector.broadcast %and3A_808 : i32 to vector<16xi32>
        %and3A_810 = arith.andi %get3A_796, %and3A_809 : vector<16xi32>
        %bitcast3A_811 = vector.bitcast %and3A_810 : vector<16xi32> to vector<16xf32>
        %and3A_812 = arith.constant -65536 : i32
        %and3A_813 = vector.broadcast %and3A_812 : i32 to vector<16xi32>
        %and3A_814 = arith.andi %get3A_799, %and3A_813 : vector<16xi32>
        %bitcast3A_815 = vector.bitcast %and3A_814 : vector<16xi32> to vector<16xf32>
        %mul3A_816 = arith.mulf %bitcast3A_803, %bitcast3A_807 : vector<16xf32>
        %bitcast3A_817 = vector.bitcast %mul3A_816 : vector<16xf32> to vector<16xi32>
        %mul3A_818 = arith.mulf %bitcast3A_811, %bitcast3A_815 : vector<16xf32>
        %bitcast3A_819 = vector.bitcast %mul3A_818 : vector<16xf32> to vector<16xi32>
        %add3A_820 = arith.constant 32768 : i32
        %add3A_821 = vector.broadcast %add3A_820 : i32 to vector<16xi32>
        %add3A_822 = arith.addi %bitcast3A_817, %add3A_821 : vector<16xi32>
        %shift_right_logical3A_823 = arith.constant 16 : i32
        %shift_right_logical3A_824 = vector.broadcast %shift_right_logical3A_823 : i32 to vector<16xi32>
        %shift_right_logical3A_825 = arith.shrui %add3A_822, %shift_right_logical3A_824 : vector<16xi32>
        %add3A_826 = arith.constant 32768 : i32
        %add3A_827 = vector.broadcast %add3A_826 : i32 to vector<16xi32>
        %add3A_828 = arith.addi %bitcast3A_819, %add3A_827 : vector<16xi32>
        %and3A_829 = arith.constant -65536 : i32
        %and3A_830 = vector.broadcast %and3A_829 : i32 to vector<16xi32>
        %and3A_831 = arith.andi %add3A_828, %and3A_830 : vector<16xi32>
        %or3A_832 = arith.ori %shift_right_logical3A_825, %and3A_831 : vector<16xi32>
        %swap3A_833 = arith.index_cast %scan3A_705 : i32 to index
        %swap3A_834 = arith.constant 32 : index
        %swap3A_835 = tpu.vector_load %arg20[%swap3A_833, %swap3A_834] {strides = array<i32>} : memref<40x128xi32, #tpu.memory_space<vmem>>, vector<16xi32>,
        tpu.vector_store %arg20[%swap3A_833, %swap3A_834], %or3A_832 {strides = array<i32>} : memref<40x128xi32, #tpu.memory_space<vmem>>, vector<16xi32>,
        %get3A_836 = arith.index_cast %add3A_709 : i32 to index
        %get3A_837 = arith.constant 48 : index
        %get3A_838 = tpu.vector_load %arg10[%get3A_836, %get3A_837] {strides = array<i32>} : memref<80x64xi32, #tpu.memory_space<vmem>>, vector<16xi32>,
        %get3A_839 = arith.index_cast %add3A_709 : i32 to index
        %get3A_840 = arith.constant 48 : index
        %get3A_841 = tpu.vector_load %arg15[%get3A_839, %get3A_840] {strides = array<i32>} : memref<80x64xi32, #tpu.memory_space<vmem>>, vector<16xi32>,
        %shift_left3A_842 = arith.constant 16 : i32
        %shift_left3A_843 = vector.broadcast %shift_left3A_842 : i32 to vector<16xi32>
        %shift_left3A_844 = arith.shli %get3A_838, %shift_left3A_843 : vector<16xi32>
        %bitcast3A_845 = vector.bitcast %shift_left3A_844 : vector<16xi32> to vector<16xf32>
        %shift_left3A_846 = arith.constant 16 : i32
        %shift_left3A_847 = vector.broadcast %shift_left3A_846 : i32 to vector<16xi32>
        %shift_left3A_848 = arith.shli %get3A_841, %shift_left3A_847 : vector<16xi32>
        %bitcast3A_849 = vector.bitcast %shift_left3A_848 : vector<16xi32> to vector<16xf32>
        %and3A_850 = arith.constant -65536 : i32
        %and3A_851 = vector.broadcast %and3A_850 : i32 to vector<16xi32>
        %and3A_852 = arith.andi %get3A_838, %and3A_851 : vector<16xi32>
        %bitcast3A_853 = vector.bitcast %and3A_852 : vector<16xi32> to vector<16xf32>
        %and3A_854 = arith.constant -65536 : i32
        %and3A_855 = vector.broadcast %and3A_854 : i32 to vector<16xi32>
        %and3A_856 = arith.andi %get3A_841, %and3A_855 : vector<16xi32>
        %bitcast3A_857 = vector.bitcast %and3A_856 : vector<16xi32> to vector<16xf32>
        %mul3A_858 = arith.mulf %bitcast3A_845, %bitcast3A_849 : vector<16xf32>
        %bitcast3A_859 = vector.bitcast %mul3A_858 : vector<16xf32> to vector<16xi32>
        %mul3A_860 = arith.mulf %bitcast3A_853, %bitcast3A_857 : vector<16xf32>
        %bitcast3A_861 = vector.bitcast %mul3A_860 : vector<16xf32> to vector<16xi32>
        %add3A_862 = arith.constant 32768 : i32
        %add3A_863 = vector.broadcast %add3A_862 : i32 to vector<16xi32>
        %add3A_864 = arith.addi %bitcast3A_859, %add3A_863 : vector<16xi32>
        %shift_right_logical3A_865 = arith.constant 16 : i32
        %shift_right_logical3A_866 = vector.broadcast %shift_right_logical3A_865 : i32 to vector<16xi32>
        %shift_right_logical3A_867 = arith.shrui %add3A_864, %shift_right_logical3A_866 : vector<16xi32>
        %add3A_868 = arith.constant 32768 : i32
        %add3A_869 = vector.broadcast %add3A_868 : i32 to vector<16xi32>
        %add3A_870 = arith.addi %bitcast3A_861, %add3A_869 : vector<16xi32>
        %and3A_871 = arith.constant -65536 : i32
        %and3A_872 = vector.broadcast %and3A_871 : i32 to vector<16xi32>
        %and3A_873 = arith.andi %add3A_870, %and3A_872 : vector<16xi32>
        %or3A_874 = arith.ori %shift_right_logical3A_867, %and3A_873 : vector<16xi32>
        %swap3A_875 = arith.index_cast %scan3A_705 : i32 to index
        %swap3A_876 = arith.constant 48 : index
        %swap3A_877 = tpu.vector_load %arg20[%swap3A_875, %swap3A_876] {strides = array<i32>} : memref<40x128xi32, #tpu.memory_space<vmem>>, vector<16xi32>,
        tpu.vector_store %arg20[%swap3A_875, %swap3A_876], %or3A_874 {strides = array<i32>} : memref<40x128xi32, #tpu.memory_space<vmem>>, vector<16xi32>,
        %mul3A_878 = arith.constant 2 : i32
        %mul3A_879 = arith.muli %scan3A_705, %mul3A_878 : i32
        %add3A_880 = arith.constant 1 : i32
        %add3A_881 = arith.addi %mul3A_879, %add3A_880 : i32
        %get3A_882 = arith.index_cast %add3A_881 : i32 to index
        %get3A_883 = arith.constant 0 : index
        %get3A_884 = tpu.vector_load %arg10[%get3A_882, %get3A_883] {strides = array<i32>} : memref<80x64xi32, #tpu.memory_space<vmem>>, vector<16xi32>,
        %get3A_885 = arith.index_cast %add3A_881 : i32 to index
        %get3A_886 = arith.constant 0 : index
        %get3A_887 = tpu.vector_load %arg15[%get3A_885, %get3A_886] {strides = array<i32>} : memref<80x64xi32, #tpu.memory_space<vmem>>, vector<16xi32>,
        %shift_left3A_888 = arith.constant 16 : i32
        %shift_left3A_889 = vector.broadcast %shift_left3A_888 : i32 to vector<16xi32>
        %shift_left3A_890 = arith.shli %get3A_884, %shift_left3A_889 : vector<16xi32>
        %bitcast3A_891 = vector.bitcast %shift_left3A_890 : vector<16xi32> to vector<16xf32>
        %shift_left3A_892 = arith.constant 16 : i32
        %shift_left3A_893 = vector.broadcast %shift_left3A_892 : i32 to vector<16xi32>
        %shift_left3A_894 = arith.shli %get3A_887, %shift_left3A_893 : vector<16xi32>
        %bitcast3A_895 = vector.bitcast %shift_left3A_894 : vector<16xi32> to vector<16xf32>
        %and3A_896 = arith.constant -65536 : i32
        %and3A_897 = vector.broadcast %and3A_896 : i32 to vector<16xi32>
        %and3A_898 = arith.andi %get3A_884, %and3A_897 : vector<16xi32>
        %bitcast3A_899 = vector.bitcast %and3A_898 : vector<16xi32> to vector<16xf32>
        %and3A_900 = arith.constant -65536 : i32
        %and3A_901 = vector.broadcast %and3A_900 : i32 to vector<16xi32>
        %and3A_902 = arith.andi %get3A_887, %and3A_901 : vector<16xi32>
        %bitcast3A_903 = vector.bitcast %and3A_902 : vector<16xi32> to vector<16xf32>
        %mul3A_904 = arith.mulf %bitcast3A_891, %bitcast3A_895 : vector<16xf32>
        %bitcast3A_905 = vector.bitcast %mul3A_904 : vector<16xf32> to vector<16xi32>
        %mul3A_906 = arith.mulf %bitcast3A_899, %bitcast3A_903 : vector<16xf32>
        %bitcast3A_907 = vector.bitcast %mul3A_906 : vector<16xf32> to vector<16xi32>
        %add3A_908 = arith.constant 32768 : i32
        %add3A_909 = vector.broadcast %add3A_908 : i32 to vector<16xi32>
        %add3A_910 = arith.addi %bitcast3A_905, %add3A_909 : vector<16xi32>
        %shift_right_logical3A_911 = arith.constant 16 : i32
        %shift_right_logical3A_912 = vector.broadcast %shift_right_logical3A_911 : i32 to vector<16xi32>
        %shift_right_logical3A_913 = arith.shrui %add3A_910, %shift_right_logical3A_912 : vector<16xi32>
        %add3A_914 = arith.constant 32768 : i32
        %add3A_915 = vector.broadcast %add3A_914 : i32 to vector<16xi32>
        %add3A_916 = arith.addi %bitcast3A_907, %add3A_915 : vector<16xi32>
        %and3A_917 = arith.constant -65536 : i32
        %and3A_918 = vector.broadcast %and3A_917 : i32 to vector<16xi32>
        %and3A_919 = arith.andi %add3A_916, %and3A_918 : vector<16xi32>
        %or3A_920 = arith.ori %shift_right_logical3A_913, %and3A_919 : vector<16xi32>
        %swap3A_921 = arith.index_cast %scan3A_705 : i32 to index
        %swap3A_922 = arith.constant 64 : index
        %swap3A_923 = tpu.vector_load %arg20[%swap3A_921, %swap3A_922] {strides = array<i32>} : memref<40x128xi32, #tpu.memory_space<vmem>>, vector<16xi32>,
        tpu.vector_store %arg20[%swap3A_921, %swap3A_922], %or3A_920 {strides = array<i32>} : memref<40x128xi32, #tpu.memory_space<vmem>>, vector<16xi32>,
        %get3A_924 = arith.index_cast %add3A_881 : i32 to index
        %get3A_925 = arith.constant 16 : index
        %get3A_926 = tpu.vector_load %arg10[%get3A_924, %get3A_925] {strides = array<i32>} : memref<80x64xi32, #tpu.memory_space<vmem>>, vector<16xi32>,
        %get3A_927 = arith.index_cast %add3A_881 : i32 to index
        %get3A_928 = arith.constant 16 : index
        %get3A_929 = tpu.vector_load %arg15[%get3A_927, %get3A_928] {strides = array<i32>} : memref<80x64xi32, #tpu.memory_space<vmem>>, vector<16xi32>,
        %shift_left3A_930 = arith.constant 16 : i32
        %shift_left3A_931 = vector.broadcast %shift_left3A_930 : i32 to vector<16xi32>
        %shift_left3A_932 = arith.shli %get3A_926, %shift_left3A_931 : vector<16xi32>
        %bitcast3A_933 = vector.bitcast %shift_left3A_932 : vector<16xi32> to vector<16xf32>
        %shift_left3A_934 = arith.constant 16 : i32
        %shift_left3A_935 = vector.broadcast %shift_left3A_934 : i32 to vector<16xi32>
        %shift_left3A_936 = arith.shli %get3A_929, %shift_left3A_935 : vector<16xi32>
        %bitcast3A_937 = vector.bitcast %shift_left3A_936 : vector<16xi32> to vector<16xf32>
        %and3A_938 = arith.constant -65536 : i32
        %and3A_939 = vector.broadcast %and3A_938 : i32 to vector<16xi32>
        %and3A_940 = arith.andi %get3A_926, %and3A_939 : vector<16xi32>
        %bitcast3A_941 = vector.bitcast %and3A_940 : vector<16xi32> to vector<16xf32>
        %and3A_942 = arith.constant -65536 : i32
        %and3A_943 = vector.broadcast %and3A_942 : i32 to vector<16xi32>
        %and3A_944 = arith.andi %get3A_929, %and3A_943 : vector<16xi32>
        %bitcast3A_945 = vector.bitcast %and3A_944 : vector<16xi32> to vector<16xf32>
        %mul3A_946 = arith.mulf %bitcast3A_933, %bitcast3A_937 : vector<16xf32>
        %bitcast3A_947 = vector.bitcast %mul3A_946 : vector<16xf32> to vector<16xi32>
        %mul3A_948 = arith.mulf %bitcast3A_941, %bitcast3A_945 : vector<16xf32>
        %bitcast3A_949 = vector.bitcast %mul3A_948 : vector<16xf32> to vector<16xi32>
        %add3A_950 = arith.constant 32768 : i32
        %add3A_951 = vector.broadcast %add3A_950 : i32 to vector<16xi32>
        %add3A_952 = arith.addi %bitcast3A_947, %add3A_951 : vector<16xi32>
        %shift_right_logical3A_953 = arith.constant 16 : i32
        %shift_right_logical3A_954 = vector.broadcast %shift_right_logical3A_953 : i32 to vector<16xi32>
        %shift_right_logical3A_955 = arith.shrui %add3A_952, %shift_right_logical3A_954 : vector<16xi32>
        %add3A_956 = arith.constant 32768 : i32
        %add3A_957 = vector.broadcast %add3A_956 : i32 to vector<16xi32>
        %add3A_958 = arith.addi %bitcast3A_949, %add3A_957 : vector<16xi32>
        %and3A_959 = arith.constant -65536 : i32
        %and3A_960 = vector.broadcast %and3A_959 : i32 to vector<16xi32>
        %and3A_961 = arith.andi %add3A_958, %and3A_960 : vector<16xi32>
        %or3A_962 = arith.ori %shift_right_logical3A_955, %and3A_961 : vector<16xi32>
        %swap3A_963 = arith.index_cast %scan3A_705 : i32 to index
        %swap3A_964 = arith.constant 80 : index
        %swap3A_965 = tpu.vector_load %arg20[%swap3A_963, %swap3A_964] {strides = array<i32>} : memref<40x128xi32, #tpu.memory_space<vmem>>, vector<16xi32>,
        tpu.vector_store %arg20[%swap3A_963, %swap3A_964], %or3A_962 {strides = array<i32>} : memref<40x128xi32, #tpu.memory_space<vmem>>, vector<16xi32>,
        %get3A_966 = arith.index_cast %add3A_881 : i32 to index
        %get3A_967 = arith.constant 32 : index
        %get3A_968 = tpu.vector_load %arg10[%get3A_966, %get3A_967] {strides = array<i32>} : memref<80x64xi32, #tpu.memory_space<vmem>>, vector<16xi32>,
        %get3A_969 = arith.index_cast %add3A_881 : i32 to index
        %get3A_970 = arith.constant 32 : index
        %get3A_971 = tpu.vector_load %arg15[%get3A_969, %get3A_970] {strides = array<i32>} : memref<80x64xi32, #tpu.memory_space<vmem>>, vector<16xi32>,
        %shift_left3A_972 = arith.constant 16 : i32
        %shift_left3A_973 = vector.broadcast %shift_left3A_972 : i32 to vector<16xi32>
        %shift_left3A_974 = arith.shli %get3A_968, %shift_left3A_973 : vector<16xi32>
        %bitcast3A_975 = vector.bitcast %shift_left3A_974 : vector<16xi32> to vector<16xf32>
        %shift_left3A_976 = arith.constant 16 : i32
        %shift_left3A_977 = vector.broadcast %shift_left3A_976 : i32 to vector<16xi32>
        %shift_left3A_978 = arith.shli %get3A_971, %shift_left3A_977 : vector<16xi32>
        %bitcast3A_979 = vector.bitcast %shift_left3A_978 : vector<16xi32> to vector<16xf32>
        %and3A_980 = arith.constant -65536 : i32
        %and3A_981 = vector.broadcast %and3A_980 : i32 to vector<16xi32>
        %and3A_982 = arith.andi %get3A_968, %and3A_981 : vector<16xi32>
        %bitcast3A_983 = vector.bitcast %and3A_982 : vector<16xi32> to vector<16xf32>
        %and3A_984 = arith.constant -65536 : i32
        %and3A_985 = vector.broadcast %and3A_984 : i32 to vector<16xi32>
        %and3A_986 = arith.andi %get3A_971, %and3A_985 : vector<16xi32>
        %bitcast3A_987 = vector.bitcast %and3A_986 : vector<16xi32> to vector<16xf32>
        %mul3A_988 = arith.mulf %bitcast3A_975, %bitcast3A_979 : vector<16xf32>
        %bitcast3A_989 = vector.bitcast %mul3A_988 : vector<16xf32> to vector<16xi32>
        %mul3A_990 = arith.mulf %bitcast3A_983, %bitcast3A_987 : vector<16xf32>
        %bitcast3A_991 = vector.bitcast %mul3A_990 : vector<16xf32> to vector<16xi32>
        %add3A_992 = arith.constant 32768 : i32
        %add3A_993 = vector.broadcast %add3A_992 : i32 to vector<16xi32>
        %add3A_994 = arith.addi %bitcast3A_989, %add3A_993 : vector<16xi32>
        %shift_right_logical3A_995 = arith.constant 16 : i32
        %shift_right_logical3A_996 = vector.broadcast %shift_right_logical3A_995 : i32 to vector<16xi32>
        %shift_right_logical3A_997 = arith.shrui %add3A_994, %shift_right_logical3A_996 : vector<16xi32>
        %add3A_998 = arith.constant 32768 : i32
        %add3A_999 = vector.broadcast %add3A_998 : i32 to vector<16xi32>
        %add3A_1000 = arith.addi %bitcast3A_991, %add3A_999 : vector<16xi32>
        %and3A_1001 = arith.constant -65536 : i32
        %and3A_1002 = vector.broadcast %and3A_1001 : i32 to vector<16xi32>
        %and3A_1003 = arith.andi %add3A_1000, %and3A_1002 : vector<16xi32>
        %or3A_1004 = arith.ori %shift_right_logical3A_997, %and3A_1003 : vector<16xi32>
        %swap3A_1005 = arith.index_cast %scan3A_705 : i32 to index
        %swap3A_1006 = arith.constant 96 : index
        %swap3A_1007 = tpu.vector_load %arg20[%swap3A_1005, %swap3A_1006] {strides = array<i32>} : memref<40x128xi32, #tpu.memory_space<vmem>>, vector<16xi32>,
        tpu.vector_store %arg20[%swap3A_1005, %swap3A_1006], %or3A_1004 {strides = array<i32>} : memref<40x128xi32, #tpu.memory_space<vmem>>, vector<16xi32>,
        %get3A_1008 = arith.index_cast %add3A_881 : i32 to index
        %get3A_1009 = arith.constant 48 : index
        %get3A_1010 = tpu.vector_load %arg10[%get3A_1008, %get3A_1009] {strides = array<i32>} : memref<80x64xi32, #tpu.memory_space<vmem>>, vector<16xi32>,
        %get3A_1011 = arith.index_cast %add3A_881 : i32 to index
        %get3A_1012 = arith.constant 48 : index
        %get3A_1013 = tpu.vector_load %arg15[%get3A_1011, %get3A_1012] {strides = array<i32>} : memref<80x64xi32, #tpu.memory_space<vmem>>, vector<16xi32>,
        %shift_left3A_1014 = arith.constant 16 : i32
        %shift_left3A_1015 = vector.broadcast %shift_left3A_1014 : i32 to vector<16xi32>
        %shift_left3A_1016 = arith.shli %get3A_1010, %shift_left3A_1015 : vector<16xi32>
        %bitcast3A_1017 = vector.bitcast %shift_left3A_1016 : vector<16xi32> to vector<16xf32>
        %shift_left3A_1018 = arith.constant 16 : i32
        %shift_left3A_1019 = vector.broadcast %shift_left3A_1018 : i32 to vector<16xi32>
        %shift_left3A_1020 = arith.shli %get3A_1013, %shift_left3A_1019 : vector<16xi32>
        %bitcast3A_1021 = vector.bitcast %shift_left3A_1020 : vector<16xi32> to vector<16xf32>
        %and3A_1022 = arith.constant -65536 : i32
        %and3A_1023 = vector.broadcast %and3A_1022 : i32 to vector<16xi32>
        %and3A_1024 = arith.andi %get3A_1010, %and3A_1023 : vector<16xi32>
        %bitcast3A_1025 = vector.bitcast %and3A_1024 : vector<16xi32> to vector<16xf32>
        %and3A_1026 = arith.constant -65536 : i32
        %and3A_1027 = vector.broadcast %and3A_1026 : i32 to vector<16xi32>
        %and3A_1028 = arith.andi %get3A_1013, %and3A_1027 : vector<16xi32>
        %bitcast3A_1029 = vector.bitcast %and3A_1028 : vector<16xi32> to vector<16xf32>
        %mul3A_1030 = arith.mulf %bitcast3A_1017, %bitcast3A_1021 : vector<16xf32>
        %bitcast3A_1031 = vector.bitcast %mul3A_1030 : vector<16xf32> to vector<16xi32>
        %mul3A_1032 = arith.mulf %bitcast3A_1025, %bitcast3A_1029 : vector<16xf32>
        %bitcast3A_1033 = vector.bitcast %mul3A_1032 : vector<16xf32> to vector<16xi32>
        %add3A_1034 = arith.constant 32768 : i32
        %add3A_1035 = vector.broadcast %add3A_1034 : i32 to vector<16xi32>
        %add3A_1036 = arith.addi %bitcast3A_1031, %add3A_1035 : vector<16xi32>
        %shift_right_logical3A_1037 = arith.constant 16 : i32
        %shift_right_logical3A_1038 = vector.broadcast %shift_right_logical3A_1037 : i32 to vector<16xi32>
        %shift_right_logical3A_1039 = arith.shrui %add3A_1036, %shift_right_logical3A_1038 : vector<16xi32>
        %add3A_1040 = arith.constant 32768 : i32
        %add3A_1041 = vector.broadcast %add3A_1040 : i32 to vector<16xi32>
        %add3A_1042 = arith.addi %bitcast3A_1033, %add3A_1041 : vector<16xi32>
        %and3A_1043 = arith.constant -65536 : i32
        %and3A_1044 = vector.broadcast %and3A_1043 : i32 to vector<16xi32>
        %and3A_1045 = arith.andi %add3A_1042, %and3A_1044 : vector<16xi32>
        %or3A_1046 = arith.ori %shift_right_logical3A_1039, %and3A_1045 : vector<16xi32>
        %swap3A_1047 = arith.index_cast %scan3A_705 : i32 to index
        %swap3A_1048 = arith.constant 112 : index
        %swap3A_1049 = tpu.vector_load %arg20[%swap3A_1047, %swap3A_1048] {strides = array<i32>} : memref<40x128xi32, #tpu.memory_space<vmem>>, vector<16xi32>,
        tpu.vector_store %arg20[%swap3A_1047, %swap3A_1048], %or3A_1046 {strides = array<i32>} : memref<40x128xi32, #tpu.memory_space<vmem>>, vector<16xi32>,
      }
      %scan3A_213 = arith.constant 40 : i32
      %mul3A_214 = arith.constant 80 : i32
      %mul3A_215 = arith.muli %add3A_197, %mul3A_214 : i32
      %multiple_of3A_216 = tpu.assume_multiple %mul3A_215, 80 : i32
      %add3A_217 = arith.addi %multiple_of3A, %multiple_of3A_216 : i32
      %jit3A_218 = arith.constant 2 : i32
      %div3A_219 = arith.divsi %add3A_217, %jit3A_218 : i32
      %sign3A_220 = arith.constant 0 : i32
      %sign3A_221 = arith.cmpi sgt, %add3A_217, %sign3A_220 : i32
      %sign3A_222 = arith.extui %sign3A_221 : i1 to i32
      %sign3A_223 = arith.constant 0 : i32
      %sign3A_224 = arith.cmpi slt, %add3A_217, %sign3A_223 : i32
      %sign3A_225 = arith.extui %sign3A_224 : i1 to i32
      %sign3A_226 = arith.subi %sign3A_222, %sign3A_225 : i32
      %sign3A_227 = arith.constant 0 : i32
      %sign3A_228 = arith.cmpi sgt, %jit3A_218, %sign3A_227 : i32
      %sign3A_229 = arith.extui %sign3A_228 : i1 to i32
      %sign3A_230 = arith.constant 0 : i32
      %sign3A_231 = arith.cmpi slt, %jit3A_218, %sign3A_230 : i32
      %sign3A_232 = arith.extui %sign3A_231 : i1 to i32
      %sign3A_233 = arith.subi %sign3A_229, %sign3A_232 : i32
      %ne3A_234 = arith.cmpi ne, %sign3A_226, %sign3A_233 : i32
      %rem3A_235 = arith.remsi %add3A_217, %jit3A_218 : i32
      %ne3A_236 = arith.constant 0 : i32
      %ne3A_237 = arith.cmpi ne, %rem3A_235, %ne3A_236 : i32
      %and3A_238 = arith.andi %ne3A_234, %ne3A_237 : i1
      %sub3A_239 = arith.constant 1 : i32
      %sub3A_240 = arith.subi %div3A_219, %sub3A_239 : i32
      %select_n3A_241 = arith.select %and3A_238, %sub3A_240, %div3A_219 : i32
      %dma_start3A_242 = arith.constant 0 : i32
      %dma_start3A_243 = tpu.memref_slice %arg5[%select_n3A_241, %dma_start3A_242] : memref<160000x128xi32, #tpu.memory_space<hbm>> -> memref<40x128xi32, #tpu.memory_space<hbm>>
      %dma_start3A_244 = arith.constant 0 : i32
      %dma_start3A_245 = tpu.memref_slice %arg5[%select_n3A_241, %dma_start3A_244] : memref<160000x128xi32, #tpu.memory_space<hbm>> -> memref<40x128xi32, #tpu.memory_space<hbm>>
      tpu.enqueue_dma source(%arg20 : memref<40x128xi32, #tpu.memory_space<vmem>>) target(%dma_start3A_245 : memref<40x128xi32, #tpu.memory_space<hbm>>) target_semaphore(%arg35 : memref<!tpu.dma_semaphore, #tpu.memory_space<semaphore_mem>>)
      %lt3A_246 = arith.constant 24 : i32
      %lt3A_247 = arith.cmpi slt, %scan3A_76, %lt3A_246 : i32
      %convert_element_type3A_248 = arith.extui %lt3A_247 : i1 to i32
      %cond3A_249 = arith.constant 0 : i32
      %cond3A_250 = arith.cmpi ne, %convert_element_type3A_248, %cond3A_249 : i32
      scf.if %cond3A_250 {
        %dma_wait3A_365 = arith.constant 0 : i32
        %dma_wait3A_366 = arith.constant 0 : i32
        %dma_wait3A_367 = tpu.memref_slice %arg5[%dma_wait3A_365, %dma_wait3A_366] : memref<160000x128xi32, #tpu.memory_space<hbm>> -> memref<40x128xi32, #tpu.memory_space<hbm>>
        %dma_wait3A_368 = arith.constant 0 : i32
        %dma_wait3A_369 = arith.constant 0 : i32
        %dma_wait3A_370 = tpu.memref_slice %arg5[%dma_wait3A_368, %dma_wait3A_369] : memref<160000x128xi32, #tpu.memory_space<hbm>> -> memref<40x128xi32, #tpu.memory_space<hbm>>
        tpu.wait_dma2 semaphore(%arg34 : memref<!tpu.dma_semaphore, #tpu.memory_space<semaphore_mem>>) src(%arg19 : memref<40x128xi32, #tpu.memory_space<vmem>>) dst(%dma_wait3A_370 : memref<40x128xi32, #tpu.memory_space<hbm>>)
        %add3A_371 = arith.constant 5 : i32
        %add3A_372 = arith.addi %add3A_197, %add3A_371 : i32
        %sub3A_373 = arith.constant 1 : i32
        %sub3A_374 = arith.subi %add3A_372, %sub3A_373 : i32
        %mul3A_375 = arith.constant 80 : i32
        %mul3A_376 = arith.muli %sub3A_374, %mul3A_375 : i32
        %multiple_of3A_377 = tpu.assume_multiple %mul3A_376, 80 : i32
        %dma_start3A_378 = tpu.memref_slice %arg6[%multiple_of3A_377] : memref<10000xi32, #tpu.memory_space<vmem>> -> memref<80xi32, #tpu.memory_space<vmem>>
        %dma_start3A_379 = arith.constant 0 : i32
        %dma_start3A_380 = arith.constant 0 : i32
        %dma_start3A_381 = tpu.memref_slice %arg2[%dma_start3A_379, %dma_start3A_380] : memref<10000x64xi32, #tpu.memory_space<hbm>> -> memref<10000x64xi32, #tpu.memory_space<hbm>>
        tpu.enqueue_indirect_dma source(%dma_start3A_381 : memref<10000x64xi32, #tpu.memory_space<hbm>>) target(%arg9 : memref<80x64xi32, #tpu.memory_space<vmem>>) offsets(%dma_start3A_378 : memref<80xi32, #tpu.memory_space<vmem>>) semaphore(%arg24 : memref<!tpu.dma_semaphore, #tpu.memory_space<semaphore_mem>>)
        %dma_start3A_382 = tpu.memref_slice %arg7[%multiple_of3A_377] : memref<10000xi32, #tpu.memory_space<vmem>> -> memref<80xi32, #tpu.memory_space<vmem>>
        %dma_start3A_383 = arith.constant 0 : i32
        %dma_start3A_384 = arith.constant 0 : i32
        %dma_start3A_385 = tpu.memref_slice %arg2[%dma_start3A_383, %dma_start3A_384] : memref<10000x64xi32, #tpu.memory_space<hbm>> -> memref<10000x64xi32, #tpu.memory_space<hbm>>
        tpu.enqueue_indirect_dma source(%dma_start3A_385 : memref<10000x64xi32, #tpu.memory_space<hbm>>) target(%arg14 : memref<80x64xi32, #tpu.memory_space<vmem>>) offsets(%dma_start3A_382 : memref<80xi32, #tpu.memory_space<vmem>>) semaphore(%arg29 : memref<!tpu.dma_semaphore, #tpu.memory_space<semaphore_mem>>)
      } else {
      }
      %mul3A_251 = arith.constant 5 : i32
      %mul3A_252 = arith.muli %scan3A_76, %mul3A_251 : i32
      %add3A_253 = arith.constant 3 : i32
      %add3A_254 = arith.addi %mul3A_252, %add3A_253 : i32
      %dma_wait3A_255 = arith.constant 0 : i32
      %dma_wait3A_256 = tpu.memref_slice %arg6[%dma_wait3A_255] : memref<10000xi32, #tpu.memory_space<vmem>> -> memref<80xi32, #tpu.memory_space<vmem>>
      %dma_wait3A_257 = arith.constant 0 : i32
      %dma_wait3A_258 = arith.constant 0 : i32
      %dma_wait3A_259 = tpu.memref_slice %arg2[%dma_wait3A_257, %dma_wait3A_258] : memref<10000x64xi32, #tpu.memory_space<hbm>> -> memref<10000x64xi32, #tpu.memory_space<hbm>>
      tpu.wait_indirect_dma semaphore(%arg26 : memref<!tpu.dma_semaphore, #tpu.memory_space<semaphore_mem>>) src(%dma_wait3A_259 : memref<10000x64xi32, #tpu.memory_space<hbm>>) dst(%arg11 : memref<80x64xi32, #tpu.memory_space<vmem>>)
      %dma_wait3A_260 = arith.constant 0 : i32
      %dma_wait3A_261 = tpu.memref_slice %arg7[%dma_wait3A_260] : memref<10000xi32, #tpu.memory_space<vmem>> -> memref<80xi32, #tpu.memory_space<vmem>>
      %dma_wait3A_262 = arith.constant 0 : i32
      %dma_wait3A_263 = arith.constant 0 : i32
      %dma_wait3A_264 = tpu.memref_slice %arg2[%dma_wait3A_262, %dma_wait3A_263] : memref<10000x64xi32, #tpu.memory_space<hbm>> -> memref<10000x64xi32, #tpu.memory_space<hbm>>
      tpu.wait_indirect_dma semaphore(%arg31 : memref<!tpu.dma_semaphore, #tpu.memory_space<semaphore_mem>>) src(%dma_wait3A_264 : memref<10000x64xi32, #tpu.memory_space<hbm>>) dst(%arg16 : memref<80x64xi32, #tpu.memory_space<vmem>>)
      %scan3A_265 = arith.constant 0 : i32
      %scan3A_266 = arith.constant 0 : i32
      %scan3A_267 = arith.constant 40 : i32
      %scan3A_268 = arith.addi %scan3A_266, %scan3A_267 : i32
      %scan3A_269 = arith.constant 2 : i32
      scf.for %scan3A_365 = %scan3A_266 to %scan3A_268 step %scan3A_269  : i32 {
        %mul3A_366 = arith.constant 2 : i32
        %mul3A_367 = arith.muli %scan3A_365, %mul3A_366 : i32
        %add3A_368 = arith.constant 0 : i32
        %add3A_369 = arith.addi %mul3A_367, %add3A_368 : i32
        %get3A = arith.index_cast %add3A_369 : i32 to index
        %get3A_370 = arith.constant 0 : index
        %get3A_371 = tpu.vector_load %arg11[%get3A, %get3A_370] {strides = array<i32>} : memref<80x64xi32, #tpu.memory_space<vmem>>, vector<16xi32>,
        %get3A_372 = arith.index_cast %add3A_369 : i32 to index
        %get3A_373 = arith.constant 0 : index
        %get3A_374 = tpu.vector_load %arg16[%get3A_372, %get3A_373] {strides = array<i32>} : memref<80x64xi32, #tpu.memory_space<vmem>>, vector<16xi32>,
        %shift_left3A = arith.constant 16 : i32
        %shift_left3A_375 = vector.broadcast %shift_left3A : i32 to vector<16xi32>
        %shift_left3A_376 = arith.shli %get3A_371, %shift_left3A_375 : vector<16xi32>
        %bitcast3A = vector.bitcast %shift_left3A_376 : vector<16xi32> to vector<16xf32>
        %shift_left3A_377 = arith.constant 16 : i32
        %shift_left3A_378 = vector.broadcast %shift_left3A_377 : i32 to vector<16xi32>
        %shift_left3A_379 = arith.shli %get3A_374, %shift_left3A_378 : vector<16xi32>
        %bitcast3A_380 = vector.bitcast %shift_left3A_379 : vector<16xi32> to vector<16xf32>
        %and3A_381 = arith.constant -65536 : i32
        %and3A_382 = vector.broadcast %and3A_381 : i32 to vector<16xi32>
        %and3A_383 = arith.andi %get3A_371, %and3A_382 : vector<16xi32>
        %bitcast3A_384 = vector.bitcast %and3A_383 : vector<16xi32> to vector<16xf32>
        %and3A_385 = arith.constant -65536 : i32
        %and3A_386 = vector.broadcast %and3A_385 : i32 to vector<16xi32>
        %and3A_387 = arith.andi %get3A_374, %and3A_386 : vector<16xi32>
        %bitcast3A_388 = vector.bitcast %and3A_387 : vector<16xi32> to vector<16xf32>
        %mul3A_389 = arith.mulf %bitcast3A, %bitcast3A_380 : vector<16xf32>
        %bitcast3A_390 = vector.bitcast %mul3A_389 : vector<16xf32> to vector<16xi32>
        %mul3A_391 = arith.mulf %bitcast3A_384, %bitcast3A_388 : vector<16xf32>
        %bitcast3A_392 = vector.bitcast %mul3A_391 : vector<16xf32> to vector<16xi32>
        %add3A_393 = arith.constant 32768 : i32
        %add3A_394 = vector.broadcast %add3A_393 : i32 to vector<16xi32>
        %add3A_395 = arith.addi %bitcast3A_390, %add3A_394 : vector<16xi32>
        %shift_right_logical3A = arith.constant 16 : i32
        %shift_right_logical3A_396 = vector.broadcast %shift_right_logical3A : i32 to vector<16xi32>
        %shift_right_logical3A_397 = arith.shrui %add3A_395, %shift_right_logical3A_396 : vector<16xi32>
        %add3A_398 = arith.constant 32768 : i32
        %add3A_399 = vector.broadcast %add3A_398 : i32 to vector<16xi32>
        %add3A_400 = arith.addi %bitcast3A_392, %add3A_399 : vector<16xi32>
        %and3A_401 = arith.constant -65536 : i32
        %and3A_402 = vector.broadcast %and3A_401 : i32 to vector<16xi32>
        %and3A_403 = arith.andi %add3A_400, %and3A_402 : vector<16xi32>
        %or3A = arith.ori %shift_right_logical3A_397, %and3A_403 : vector<16xi32>
        %swap3A = arith.index_cast %scan3A_365 : i32 to index
        %swap3A_404 = arith.constant 0 : index
        %swap3A_405 = tpu.vector_load %arg21[%swap3A, %swap3A_404] {strides = array<i32>} : memref<40x128xi32, #tpu.memory_space<vmem>>, vector<16xi32>,
        tpu.vector_store %arg21[%swap3A, %swap3A_404], %or3A {strides = array<i32>} : memref<40x128xi32, #tpu.memory_space<vmem>>, vector<16xi32>,
        %get3A_406 = arith.index_cast %add3A_369 : i32 to index
        %get3A_407 = arith.constant 16 : index
        %get3A_408 = tpu.vector_load %arg11[%get3A_406, %get3A_407] {strides = array<i32>} : memref<80x64xi32, #tpu.memory_space<vmem>>, vector<16xi32>,
        %get3A_409 = arith.index_cast %add3A_369 : i32 to index
        %get3A_410 = arith.constant 16 : index
        %get3A_411 = tpu.vector_load %arg16[%get3A_409, %get3A_410] {strides = array<i32>} : memref<80x64xi32, #tpu.memory_space<vmem>>, vector<16xi32>,
        %shift_left3A_412 = arith.constant 16 : i32
        %shift_left3A_413 = vector.broadcast %shift_left3A_412 : i32 to vector<16xi32>
        %shift_left3A_414 = arith.shli %get3A_408, %shift_left3A_413 : vector<16xi32>
        %bitcast3A_415 = vector.bitcast %shift_left3A_414 : vector<16xi32> to vector<16xf32>
        %shift_left3A_416 = arith.constant 16 : i32
        %shift_left3A_417 = vector.broadcast %shift_left3A_416 : i32 to vector<16xi32>
        %shift_left3A_418 = arith.shli %get3A_411, %shift_left3A_417 : vector<16xi32>
        %bitcast3A_419 = vector.bitcast %shift_left3A_418 : vector<16xi32> to vector<16xf32>
        %and3A_420 = arith.constant -65536 : i32
        %and3A_421 = vector.broadcast %and3A_420 : i32 to vector<16xi32>
        %and3A_422 = arith.andi %get3A_408, %and3A_421 : vector<16xi32>
        %bitcast3A_423 = vector.bitcast %and3A_422 : vector<16xi32> to vector<16xf32>
        %and3A_424 = arith.constant -65536 : i32
        %and3A_425 = vector.broadcast %and3A_424 : i32 to vector<16xi32>
        %and3A_426 = arith.andi %get3A_411, %and3A_425 : vector<16xi32>
        %bitcast3A_427 = vector.bitcast %and3A_426 : vector<16xi32> to vector<16xf32>
        %mul3A_428 = arith.mulf %bitcast3A_415, %bitcast3A_419 : vector<16xf32>
        %bitcast3A_429 = vector.bitcast %mul3A_428 : vector<16xf32> to vector<16xi32>
        %mul3A_430 = arith.mulf %bitcast3A_423, %bitcast3A_427 : vector<16xf32>
        %bitcast3A_431 = vector.bitcast %mul3A_430 : vector<16xf32> to vector<16xi32>
        %add3A_432 = arith.constant 32768 : i32
        %add3A_433 = vector.broadcast %add3A_432 : i32 to vector<16xi32>
        %add3A_434 = arith.addi %bitcast3A_429, %add3A_433 : vector<16xi32>
        %shift_right_logical3A_435 = arith.constant 16 : i32
        %shift_right_logical3A_436 = vector.broadcast %shift_right_logical3A_435 : i32 to vector<16xi32>
        %shift_right_logical3A_437 = arith.shrui %add3A_434, %shift_right_logical3A_436 : vector<16xi32>
        %add3A_438 = arith.constant 32768 : i32
        %add3A_439 = vector.broadcast %add3A_438 : i32 to vector<16xi32>
        %add3A_440 = arith.addi %bitcast3A_431, %add3A_439 : vector<16xi32>
        %and3A_441 = arith.constant -65536 : i32
        %and3A_442 = vector.broadcast %and3A_441 : i32 to vector<16xi32>
        %and3A_443 = arith.andi %add3A_440, %and3A_442 : vector<16xi32>
        %or3A_444 = arith.ori %shift_right_logical3A_437, %and3A_443 : vector<16xi32>
        %swap3A_445 = arith.index_cast %scan3A_365 : i32 to index
        %swap3A_446 = arith.constant 16 : index
        %swap3A_447 = tpu.vector_load %arg21[%swap3A_445, %swap3A_446] {strides = array<i32>} : memref<40x128xi32, #tpu.memory_space<vmem>>, vector<16xi32>,
        tpu.vector_store %arg21[%swap3A_445, %swap3A_446], %or3A_444 {strides = array<i32>} : memref<40x128xi32, #tpu.memory_space<vmem>>, vector<16xi32>,
        %get3A_448 = arith.index_cast %add3A_369 : i32 to index
        %get3A_449 = arith.constant 32 : index
        %get3A_450 = tpu.vector_load %arg11[%get3A_448, %get3A_449] {strides = array<i32>} : memref<80x64xi32, #tpu.memory_space<vmem>>, vector<16xi32>,
        %get3A_451 = arith.index_cast %add3A_369 : i32 to index
        %get3A_452 = arith.constant 32 : index
        %get3A_453 = tpu.vector_load %arg16[%get3A_451, %get3A_452] {strides = array<i32>} : memref<80x64xi32, #tpu.memory_space<vmem>>, vector<16xi32>,
        %shift_left3A_454 = arith.constant 16 : i32
        %shift_left3A_455 = vector.broadcast %shift_left3A_454 : i32 to vector<16xi32>
        %shift_left3A_456 = arith.shli %get3A_450, %shift_left3A_455 : vector<16xi32>
        %bitcast3A_457 = vector.bitcast %shift_left3A_456 : vector<16xi32> to vector<16xf32>
        %shift_left3A_458 = arith.constant 16 : i32
        %shift_left3A_459 = vector.broadcast %shift_left3A_458 : i32 to vector<16xi32>
        %shift_left3A_460 = arith.shli %get3A_453, %shift_left3A_459 : vector<16xi32>
        %bitcast3A_461 = vector.bitcast %shift_left3A_460 : vector<16xi32> to vector<16xf32>
        %and3A_462 = arith.constant -65536 : i32
        %and3A_463 = vector.broadcast %and3A_462 : i32 to vector<16xi32>
        %and3A_464 = arith.andi %get3A_450, %and3A_463 : vector<16xi32>
        %bitcast3A_465 = vector.bitcast %and3A_464 : vector<16xi32> to vector<16xf32>
        %and3A_466 = arith.constant -65536 : i32
        %and3A_467 = vector.broadcast %and3A_466 : i32 to vector<16xi32>
        %and3A_468 = arith.andi %get3A_453, %and3A_467 : vector<16xi32>
        %bitcast3A_469 = vector.bitcast %and3A_468 : vector<16xi32> to vector<16xf32>
        %mul3A_470 = arith.mulf %bitcast3A_457, %bitcast3A_461 : vector<16xf32>
        %bitcast3A_471 = vector.bitcast %mul3A_470 : vector<16xf32> to vector<16xi32>
        %mul3A_472 = arith.mulf %bitcast3A_465, %bitcast3A_469 : vector<16xf32>
        %bitcast3A_473 = vector.bitcast %mul3A_472 : vector<16xf32> to vector<16xi32>
        %add3A_474 = arith.constant 32768 : i32
        %add3A_475 = vector.broadcast %add3A_474 : i32 to vector<16xi32>
        %add3A_476 = arith.addi %bitcast3A_471, %add3A_475 : vector<16xi32>
        %shift_right_logical3A_477 = arith.constant 16 : i32
        %shift_right_logical3A_478 = vector.broadcast %shift_right_logical3A_477 : i32 to vector<16xi32>
        %shift_right_logical3A_479 = arith.shrui %add3A_476, %shift_right_logical3A_478 : vector<16xi32>
        %add3A_480 = arith.constant 32768 : i32
        %add3A_481 = vector.broadcast %add3A_480 : i32 to vector<16xi32>
        %add3A_482 = arith.addi %bitcast3A_473, %add3A_481 : vector<16xi32>
        %and3A_483 = arith.constant -65536 : i32
        %and3A_484 = vector.broadcast %and3A_483 : i32 to vector<16xi32>
        %and3A_485 = arith.andi %add3A_482, %and3A_484 : vector<16xi32>
        %or3A_486 = arith.ori %shift_right_logical3A_479, %and3A_485 : vector<16xi32>
        %swap3A_487 = arith.index_cast %scan3A_365 : i32 to index
        %swap3A_488 = arith.constant 32 : index
        %swap3A_489 = tpu.vector_load %arg21[%swap3A_487, %swap3A_488] {strides = array<i32>} : memref<40x128xi32, #tpu.memory_space<vmem>>, vector<16xi32>,
        tpu.vector_store %arg21[%swap3A_487, %swap3A_488], %or3A_486 {strides = array<i32>} : memref<40x128xi32, #tpu.memory_space<vmem>>, vector<16xi32>,
        %get3A_490 = arith.index_cast %add3A_369 : i32 to index
        %get3A_491 = arith.constant 48 : index
        %get3A_492 = tpu.vector_load %arg11[%get3A_490, %get3A_491] {strides = array<i32>} : memref<80x64xi32, #tpu.memory_space<vmem>>, vector<16xi32>,
        %get3A_493 = arith.index_cast %add3A_369 : i32 to index
        %get3A_494 = arith.constant 48 : index
        %get3A_495 = tpu.vector_load %arg16[%get3A_493, %get3A_494] {strides = array<i32>} : memref<80x64xi32, #tpu.memory_space<vmem>>, vector<16xi32>,
        %shift_left3A_496 = arith.constant 16 : i32
        %shift_left3A_497 = vector.broadcast %shift_left3A_496 : i32 to vector<16xi32>
        %shift_left3A_498 = arith.shli %get3A_492, %shift_left3A_497 : vector<16xi32>
        %bitcast3A_499 = vector.bitcast %shift_left3A_498 : vector<16xi32> to vector<16xf32>
        %shift_left3A_500 = arith.constant 16 : i32
        %shift_left3A_501 = vector.broadcast %shift_left3A_500 : i32 to vector<16xi32>
        %shift_left3A_502 = arith.shli %get3A_495, %shift_left3A_501 : vector<16xi32>
        %bitcast3A_503 = vector.bitcast %shift_left3A_502 : vector<16xi32> to vector<16xf32>
        %and3A_504 = arith.constant -65536 : i32
        %and3A_505 = vector.broadcast %and3A_504 : i32 to vector<16xi32>
        %and3A_506 = arith.andi %get3A_492, %and3A_505 : vector<16xi32>
        %bitcast3A_507 = vector.bitcast %and3A_506 : vector<16xi32> to vector<16xf32>
        %and3A_508 = arith.constant -65536 : i32
        %and3A_509 = vector.broadcast %and3A_508 : i32 to vector<16xi32>
        %and3A_510 = arith.andi %get3A_495, %and3A_509 : vector<16xi32>
        %bitcast3A_511 = vector.bitcast %and3A_510 : vector<16xi32> to vector<16xf32>
        %mul3A_512 = arith.mulf %bitcast3A_499, %bitcast3A_503 : vector<16xf32>
        %bitcast3A_513 = vector.bitcast %mul3A_512 : vector<16xf32> to vector<16xi32>
        %mul3A_514 = arith.mulf %bitcast3A_507, %bitcast3A_511 : vector<16xf32>
        %bitcast3A_515 = vector.bitcast %mul3A_514 : vector<16xf32> to vector<16xi32>
        %add3A_516 = arith.constant 32768 : i32
        %add3A_517 = vector.broadcast %add3A_516 : i32 to vector<16xi32>
        %add3A_518 = arith.addi %bitcast3A_513, %add3A_517 : vector<16xi32>
        %shift_right_logical3A_519 = arith.constant 16 : i32
        %shift_right_logical3A_520 = vector.broadcast %shift_right_logical3A_519 : i32 to vector<16xi32>
        %shift_right_logical3A_521 = arith.shrui %add3A_518, %shift_right_logical3A_520 : vector<16xi32>
        %add3A_522 = arith.constant 32768 : i32
        %add3A_523 = vector.broadcast %add3A_522 : i32 to vector<16xi32>
        %add3A_524 = arith.addi %bitcast3A_515, %add3A_523 : vector<16xi32>
        %and3A_525 = arith.constant -65536 : i32
        %and3A_526 = vector.broadcast %and3A_525 : i32 to vector<16xi32>
        %and3A_527 = arith.andi %add3A_524, %and3A_526 : vector<16xi32>
        %or3A_528 = arith.ori %shift_right_logical3A_521, %and3A_527 : vector<16xi32>
        %swap3A_529 = arith.index_cast %scan3A_365 : i32 to index
        %swap3A_530 = arith.constant 48 : index
        %swap3A_531 = tpu.vector_load %arg21[%swap3A_529, %swap3A_530] {strides = array<i32>} : memref<40x128xi32, #tpu.memory_space<vmem>>, vector<16xi32>,
        tpu.vector_store %arg21[%swap3A_529, %swap3A_530], %or3A_528 {strides = array<i32>} : memref<40x128xi32, #tpu.memory_space<vmem>>, vector<16xi32>,
        %mul3A_532 = arith.constant 2 : i32
        %mul3A_533 = arith.muli %scan3A_365, %mul3A_532 : i32
        %add3A_534 = arith.constant 1 : i32
        %add3A_535 = arith.addi %mul3A_533, %add3A_534 : i32
        %get3A_536 = arith.index_cast %add3A_535 : i32 to index
        %get3A_537 = arith.constant 0 : index
        %get3A_538 = tpu.vector_load %arg11[%get3A_536, %get3A_537] {strides = array<i32>} : memref<80x64xi32, #tpu.memory_space<vmem>>, vector<16xi32>,
        %get3A_539 = arith.index_cast %add3A_535 : i32 to index
        %get3A_540 = arith.constant 0 : index
        %get3A_541 = tpu.vector_load %arg16[%get3A_539, %get3A_540] {strides = array<i32>} : memref<80x64xi32, #tpu.memory_space<vmem>>, vector<16xi32>,
        %shift_left3A_542 = arith.constant 16 : i32
        %shift_left3A_543 = vector.broadcast %shift_left3A_542 : i32 to vector<16xi32>
        %shift_left3A_544 = arith.shli %get3A_538, %shift_left3A_543 : vector<16xi32>
        %bitcast3A_545 = vector.bitcast %shift_left3A_544 : vector<16xi32> to vector<16xf32>
        %shift_left3A_546 = arith.constant 16 : i32
        %shift_left3A_547 = vector.broadcast %shift_left3A_546 : i32 to vector<16xi32>
        %shift_left3A_548 = arith.shli %get3A_541, %shift_left3A_547 : vector<16xi32>
        %bitcast3A_549 = vector.bitcast %shift_left3A_548 : vector<16xi32> to vector<16xf32>
        %and3A_550 = arith.constant -65536 : i32
        %and3A_551 = vector.broadcast %and3A_550 : i32 to vector<16xi32>
        %and3A_552 = arith.andi %get3A_538, %and3A_551 : vector<16xi32>
        %bitcast3A_553 = vector.bitcast %and3A_552 : vector<16xi32> to vector<16xf32>
        %and3A_554 = arith.constant -65536 : i32
        %and3A_555 = vector.broadcast %and3A_554 : i32 to vector<16xi32>
        %and3A_556 = arith.andi %get3A_541, %and3A_555 : vector<16xi32>
        %bitcast3A_557 = vector.bitcast %and3A_556 : vector<16xi32> to vector<16xf32>
        %mul3A_558 = arith.mulf %bitcast3A_545, %bitcast3A_549 : vector<16xf32>
        %bitcast3A_559 = vector.bitcast %mul3A_558 : vector<16xf32> to vector<16xi32>
        %mul3A_560 = arith.mulf %bitcast3A_553, %bitcast3A_557 : vector<16xf32>
        %bitcast3A_561 = vector.bitcast %mul3A_560 : vector<16xf32> to vector<16xi32>
        %add3A_562 = arith.constant 32768 : i32
        %add3A_563 = vector.broadcast %add3A_562 : i32 to vector<16xi32>
        %add3A_564 = arith.addi %bitcast3A_559, %add3A_563 : vector<16xi32>
        %shift_right_logical3A_565 = arith.constant 16 : i32
        %shift_right_logical3A_566 = vector.broadcast %shift_right_logical3A_565 : i32 to vector<16xi32>
        %shift_right_logical3A_567 = arith.shrui %add3A_564, %shift_right_logical3A_566 : vector<16xi32>
        %add3A_568 = arith.constant 32768 : i32
        %add3A_569 = vector.broadcast %add3A_568 : i32 to vector<16xi32>
        %add3A_570 = arith.addi %bitcast3A_561, %add3A_569 : vector<16xi32>
        %and3A_571 = arith.constant -65536 : i32
        %and3A_572 = vector.broadcast %and3A_571 : i32 to vector<16xi32>
        %and3A_573 = arith.andi %add3A_570, %and3A_572 : vector<16xi32>
        %or3A_574 = arith.ori %shift_right_logical3A_567, %and3A_573 : vector<16xi32>
        %swap3A_575 = arith.index_cast %scan3A_365 : i32 to index
        %swap3A_576 = arith.constant 64 : index
        %swap3A_577 = tpu.vector_load %arg21[%swap3A_575, %swap3A_576] {strides = array<i32>} : memref<40x128xi32, #tpu.memory_space<vmem>>, vector<16xi32>,
        tpu.vector_store %arg21[%swap3A_575, %swap3A_576], %or3A_574 {strides = array<i32>} : memref<40x128xi32, #tpu.memory_space<vmem>>, vector<16xi32>,
        %get3A_578 = arith.index_cast %add3A_535 : i32 to index
        %get3A_579 = arith.constant 16 : index
        %get3A_580 = tpu.vector_load %arg11[%get3A_578, %get3A_579] {strides = array<i32>} : memref<80x64xi32, #tpu.memory_space<vmem>>, vector<16xi32>,
        %get3A_581 = arith.index_cast %add3A_535 : i32 to index
        %get3A_582 = arith.constant 16 : index
        %get3A_583 = tpu.vector_load %arg16[%get3A_581, %get3A_582] {strides = array<i32>} : memref<80x64xi32, #tpu.memory_space<vmem>>, vector<16xi32>,
        %shift_left3A_584 = arith.constant 16 : i32
        %shift_left3A_585 = vector.broadcast %shift_left3A_584 : i32 to vector<16xi32>
        %shift_left3A_586 = arith.shli %get3A_580, %shift_left3A_585 : vector<16xi32>
        %bitcast3A_587 = vector.bitcast %shift_left3A_586 : vector<16xi32> to vector<16xf32>
        %shift_left3A_588 = arith.constant 16 : i32
        %shift_left3A_589 = vector.broadcast %shift_left3A_588 : i32 to vector<16xi32>
        %shift_left3A_590 = arith.shli %get3A_583, %shift_left3A_589 : vector<16xi32>
        %bitcast3A_591 = vector.bitcast %shift_left3A_590 : vector<16xi32> to vector<16xf32>
        %and3A_592 = arith.constant -65536 : i32
        %and3A_593 = vector.broadcast %and3A_592 : i32 to vector<16xi32>
        %and3A_594 = arith.andi %get3A_580, %and3A_593 : vector<16xi32>
        %bitcast3A_595 = vector.bitcast %and3A_594 : vector<16xi32> to vector<16xf32>
        %and3A_596 = arith.constant -65536 : i32
        %and3A_597 = vector.broadcast %and3A_596 : i32 to vector<16xi32>
        %and3A_598 = arith.andi %get3A_583, %and3A_597 : vector<16xi32>
        %bitcast3A_599 = vector.bitcast %and3A_598 : vector<16xi32> to vector<16xf32>
        %mul3A_600 = arith.mulf %bitcast3A_587, %bitcast3A_591 : vector<16xf32>
        %bitcast3A_601 = vector.bitcast %mul3A_600 : vector<16xf32> to vector<16xi32>
        %mul3A_602 = arith.mulf %bitcast3A_595, %bitcast3A_599 : vector<16xf32>
        %bitcast3A_603 = vector.bitcast %mul3A_602 : vector<16xf32> to vector<16xi32>
        %add3A_604 = arith.constant 32768 : i32
        %add3A_605 = vector.broadcast %add3A_604 : i32 to vector<16xi32>
        %add3A_606 = arith.addi %bitcast3A_601, %add3A_605 : vector<16xi32>
        %shift_right_logical3A_607 = arith.constant 16 : i32
        %shift_right_logical3A_608 = vector.broadcast %shift_right_logical3A_607 : i32 to vector<16xi32>
        %shift_right_logical3A_609 = arith.shrui %add3A_606, %shift_right_logical3A_608 : vector<16xi32>
        %add3A_610 = arith.constant 32768 : i32
        %add3A_611 = vector.broadcast %add3A_610 : i32 to vector<16xi32>
        %add3A_612 = arith.addi %bitcast3A_603, %add3A_611 : vector<16xi32>
        %and3A_613 = arith.constant -65536 : i32
        %and3A_614 = vector.broadcast %and3A_613 : i32 to vector<16xi32>
        %and3A_615 = arith.andi %add3A_612, %and3A_614 : vector<16xi32>
        %or3A_616 = arith.ori %shift_right_logical3A_609, %and3A_615 : vector<16xi32>
        %swap3A_617 = arith.index_cast %scan3A_365 : i32 to index
        %swap3A_618 = arith.constant 80 : index
        %swap3A_619 = tpu.vector_load %arg21[%swap3A_617, %swap3A_618] {strides = array<i32>} : memref<40x128xi32, #tpu.memory_space<vmem>>, vector<16xi32>,
        tpu.vector_store %arg21[%swap3A_617, %swap3A_618], %or3A_616 {strides = array<i32>} : memref<40x128xi32, #tpu.memory_space<vmem>>, vector<16xi32>,
        %get3A_620 = arith.index_cast %add3A_535 : i32 to index
        %get3A_621 = arith.constant 32 : index
        %get3A_622 = tpu.vector_load %arg11[%get3A_620, %get3A_621] {strides = array<i32>} : memref<80x64xi32, #tpu.memory_space<vmem>>, vector<16xi32>,
        %get3A_623 = arith.index_cast %add3A_535 : i32 to index
        %get3A_624 = arith.constant 32 : index
        %get3A_625 = tpu.vector_load %arg16[%get3A_623, %get3A_624] {strides = array<i32>} : memref<80x64xi32, #tpu.memory_space<vmem>>, vector<16xi32>,
        %shift_left3A_626 = arith.constant 16 : i32
        %shift_left3A_627 = vector.broadcast %shift_left3A_626 : i32 to vector<16xi32>
        %shift_left3A_628 = arith.shli %get3A_622, %shift_left3A_627 : vector<16xi32>
        %bitcast3A_629 = vector.bitcast %shift_left3A_628 : vector<16xi32> to vector<16xf32>
        %shift_left3A_630 = arith.constant 16 : i32
        %shift_left3A_631 = vector.broadcast %shift_left3A_630 : i32 to vector<16xi32>
        %shift_left3A_632 = arith.shli %get3A_625, %shift_left3A_631 : vector<16xi32>
        %bitcast3A_633 = vector.bitcast %shift_left3A_632 : vector<16xi32> to vector<16xf32>
        %and3A_634 = arith.constant -65536 : i32
        %and3A_635 = vector.broadcast %and3A_634 : i32 to vector<16xi32>
        %and3A_636 = arith.andi %get3A_622, %and3A_635 : vector<16xi32>
        %bitcast3A_637 = vector.bitcast %and3A_636 : vector<16xi32> to vector<16xf32>
        %and3A_638 = arith.constant -65536 : i32
        %and3A_639 = vector.broadcast %and3A_638 : i32 to vector<16xi32>
        %and3A_640 = arith.andi %get3A_625, %and3A_639 : vector<16xi32>
        %bitcast3A_641 = vector.bitcast %and3A_640 : vector<16xi32> to vector<16xf32>
        %mul3A_642 = arith.mulf %bitcast3A_629, %bitcast3A_633 : vector<16xf32>
        %bitcast3A_643 = vector.bitcast %mul3A_642 : vector<16xf32> to vector<16xi32>
        %mul3A_644 = arith.mulf %bitcast3A_637, %bitcast3A_641 : vector<16xf32>
        %bitcast3A_645 = vector.bitcast %mul3A_644 : vector<16xf32> to vector<16xi32>
        %add3A_646 = arith.constant 32768 : i32
        %add3A_647 = vector.broadcast %add3A_646 : i32 to vector<16xi32>
        %add3A_648 = arith.addi %bitcast3A_643, %add3A_647 : vector<16xi32>
        %shift_right_logical3A_649 = arith.constant 16 : i32
        %shift_right_logical3A_650 = vector.broadcast %shift_right_logical3A_649 : i32 to vector<16xi32>
        %shift_right_logical3A_651 = arith.shrui %add3A_648, %shift_right_logical3A_650 : vector<16xi32>
        %add3A_652 = arith.constant 32768 : i32
        %add3A_653 = vector.broadcast %add3A_652 : i32 to vector<16xi32>
        %add3A_654 = arith.addi %bitcast3A_645, %add3A_653 : vector<16xi32>
        %and3A_655 = arith.constant -65536 : i32
        %and3A_656 = vector.broadcast %and3A_655 : i32 to vector<16xi32>
        %and3A_657 = arith.andi %add3A_654, %and3A_656 : vector<16xi32>
        %or3A_658 = arith.ori %shift_right_logical3A_651, %and3A_657 : vector<16xi32>
        %swap3A_659 = arith.index_cast %scan3A_365 : i32 to index
        %swap3A_660 = arith.constant 96 : index
        %swap3A_661 = tpu.vector_load %arg21[%swap3A_659, %swap3A_660] {strides = array<i32>} : memref<40x128xi32, #tpu.memory_space<vmem>>, vector<16xi32>,
        tpu.vector_store %arg21[%swap3A_659, %swap3A_660], %or3A_658 {strides = array<i32>} : memref<40x128xi32, #tpu.memory_space<vmem>>, vector<16xi32>,
        %get3A_662 = arith.index_cast %add3A_535 : i32 to index
        %get3A_663 = arith.constant 48 : index
        %get3A_664 = tpu.vector_load %arg11[%get3A_662, %get3A_663] {strides = array<i32>} : memref<80x64xi32, #tpu.memory_space<vmem>>, vector<16xi32>,
        %get3A_665 = arith.index_cast %add3A_535 : i32 to index
        %get3A_666 = arith.constant 48 : index
        %get3A_667 = tpu.vector_load %arg16[%get3A_665, %get3A_666] {strides = array<i32>} : memref<80x64xi32, #tpu.memory_space<vmem>>, vector<16xi32>,
        %shift_left3A_668 = arith.constant 16 : i32
        %shift_left3A_669 = vector.broadcast %shift_left3A_668 : i32 to vector<16xi32>
        %shift_left3A_670 = arith.shli %get3A_664, %shift_left3A_669 : vector<16xi32>
        %bitcast3A_671 = vector.bitcast %shift_left3A_670 : vector<16xi32> to vector<16xf32>
        %shift_left3A_672 = arith.constant 16 : i32
        %shift_left3A_673 = vector.broadcast %shift_left3A_672 : i32 to vector<16xi32>
        %shift_left3A_674 = arith.shli %get3A_667, %shift_left3A_673 : vector<16xi32>
        %bitcast3A_675 = vector.bitcast %shift_left3A_674 : vector<16xi32> to vector<16xf32>
        %and3A_676 = arith.constant -65536 : i32
        %and3A_677 = vector.broadcast %and3A_676 : i32 to vector<16xi32>
        %and3A_678 = arith.andi %get3A_664, %and3A_677 : vector<16xi32>
        %bitcast3A_679 = vector.bitcast %and3A_678 : vector<16xi32> to vector<16xf32>
        %and3A_680 = arith.constant -65536 : i32
        %and3A_681 = vector.broadcast %and3A_680 : i32 to vector<16xi32>
        %and3A_682 = arith.andi %get3A_667, %and3A_681 : vector<16xi32>
        %bitcast3A_683 = vector.bitcast %and3A_682 : vector<16xi32> to vector<16xf32>
        %mul3A_684 = arith.mulf %bitcast3A_671, %bitcast3A_675 : vector<16xf32>
        %bitcast3A_685 = vector.bitcast %mul3A_684 : vector<16xf32> to vector<16xi32>
        %mul3A_686 = arith.mulf %bitcast3A_679, %bitcast3A_683 : vector<16xf32>
        %bitcast3A_687 = vector.bitcast %mul3A_686 : vector<16xf32> to vector<16xi32>
        %add3A_688 = arith.constant 32768 : i32
        %add3A_689 = vector.broadcast %add3A_688 : i32 to vector<16xi32>
        %add3A_690 = arith.addi %bitcast3A_685, %add3A_689 : vector<16xi32>
        %shift_right_logical3A_691 = arith.constant 16 : i32
        %shift_right_logical3A_692 = vector.broadcast %shift_right_logical3A_691 : i32 to vector<16xi32>
        %shift_right_logical3A_693 = arith.shrui %add3A_690, %shift_right_logical3A_692 : vector<16xi32>
        %add3A_694 = arith.constant 32768 : i32
        %add3A_695 = vector.broadcast %add3A_694 : i32 to vector<16xi32>
        %add3A_696 = arith.addi %bitcast3A_687, %add3A_695 : vector<16xi32>
        %and3A_697 = arith.constant -65536 : i32
        %and3A_698 = vector.broadcast %and3A_697 : i32 to vector<16xi32>
        %and3A_699 = arith.andi %add3A_696, %and3A_698 : vector<16xi32>
        %or3A_700 = arith.ori %shift_right_logical3A_693, %and3A_699 : vector<16xi32>
        %swap3A_701 = arith.index_cast %scan3A_365 : i32 to index
        %swap3A_702 = arith.constant 112 : index
        %swap3A_703 = tpu.vector_load %arg21[%swap3A_701, %swap3A_702] {strides = array<i32>} : memref<40x128xi32, #tpu.memory_space<vmem>>, vector<16xi32>,
        tpu.vector_store %arg21[%swap3A_701, %swap3A_702], %or3A_700 {strides = array<i32>} : memref<40x128xi32, #tpu.memory_space<vmem>>, vector<16xi32>,
        %scan3A_704 = arith.constant 1 : i32
        %scan3A_705 = arith.addi %scan3A_365, %scan3A_704 : i32
        %mul3A_706 = arith.constant 2 : i32
        %mul3A_707 = arith.muli %scan3A_705, %mul3A_706 : i32
        %add3A_708 = arith.constant 0 : i32
        %add3A_709 = arith.addi %mul3A_707, %add3A_708 : i32
        %get3A_710 = arith.index_cast %add3A_709 : i32 to index
        %get3A_711 = arith.constant 0 : index
        %get3A_712 = tpu.vector_load %arg11[%get3A_710, %get3A_711] {strides = array<i32>} : memref<80x64xi32, #tpu.memory_space<vmem>>, vector<16xi32>,
        %get3A_713 = arith.index_cast %add3A_709 : i32 to index
        %get3A_714 = arith.constant 0 : index
        %get3A_715 = tpu.vector_load %arg16[%get3A_713, %get3A_714] {strides = array<i32>} : memref<80x64xi32, #tpu.memory_space<vmem>>, vector<16xi32>,
        %shift_left3A_716 = arith.constant 16 : i32
        %shift_left3A_717 = vector.broadcast %shift_left3A_716 : i32 to vector<16xi32>
        %shift_left3A_718 = arith.shli %get3A_712, %shift_left3A_717 : vector<16xi32>
        %bitcast3A_719 = vector.bitcast %shift_left3A_718 : vector<16xi32> to vector<16xf32>
        %shift_left3A_720 = arith.constant 16 : i32
        %shift_left3A_721 = vector.broadcast %shift_left3A_720 : i32 to vector<16xi32>
        %shift_left3A_722 = arith.shli %get3A_715, %shift_left3A_721 : vector<16xi32>
        %bitcast3A_723 = vector.bitcast %shift_left3A_722 : vector<16xi32> to vector<16xf32>
        %and3A_724 = arith.constant -65536 : i32
        %and3A_725 = vector.broadcast %and3A_724 : i32 to vector<16xi32>
        %and3A_726 = arith.andi %get3A_712, %and3A_725 : vector<16xi32>
        %bitcast3A_727 = vector.bitcast %and3A_726 : vector<16xi32> to vector<16xf32>
        %and3A_728 = arith.constant -65536 : i32
        %and3A_729 = vector.broadcast %and3A_728 : i32 to vector<16xi32>
        %and3A_730 = arith.andi %get3A_715, %and3A_729 : vector<16xi32>
        %bitcast3A_731 = vector.bitcast %and3A_730 : vector<16xi32> to vector<16xf32>
        %mul3A_732 = arith.mulf %bitcast3A_719, %bitcast3A_723 : vector<16xf32>
        %bitcast3A_733 = vector.bitcast %mul3A_732 : vector<16xf32> to vector<16xi32>
        %mul3A_734 = arith.mulf %bitcast3A_727, %bitcast3A_731 : vector<16xf32>
        %bitcast3A_735 = vector.bitcast %mul3A_734 : vector<16xf32> to vector<16xi32>
        %add3A_736 = arith.constant 32768 : i32
        %add3A_737 = vector.broadcast %add3A_736 : i32 to vector<16xi32>
        %add3A_738 = arith.addi %bitcast3A_733, %add3A_737 : vector<16xi32>
        %shift_right_logical3A_739 = arith.constant 16 : i32
        %shift_right_logical3A_740 = vector.broadcast %shift_right_logical3A_739 : i32 to vector<16xi32>
        %shift_right_logical3A_741 = arith.shrui %add3A_738, %shift_right_logical3A_740 : vector<16xi32>
        %add3A_742 = arith.constant 32768 : i32
        %add3A_743 = vector.broadcast %add3A_742 : i32 to vector<16xi32>
        %add3A_744 = arith.addi %bitcast3A_735, %add3A_743 : vector<16xi32>
        %and3A_745 = arith.constant -65536 : i32
        %and3A_746 = vector.broadcast %and3A_745 : i32 to vector<16xi32>
        %and3A_747 = arith.andi %add3A_744, %and3A_746 : vector<16xi32>
        %or3A_748 = arith.ori %shift_right_logical3A_741, %and3A_747 : vector<16xi32>
        %swap3A_749 = arith.index_cast %scan3A_705 : i32 to index
        %swap3A_750 = arith.constant 0 : index
        %swap3A_751 = tpu.vector_load %arg21[%swap3A_749, %swap3A_750] {strides = array<i32>} : memref<40x128xi32, #tpu.memory_space<vmem>>, vector<16xi32>,
        tpu.vector_store %arg21[%swap3A_749, %swap3A_750], %or3A_748 {strides = array<i32>} : memref<40x128xi32, #tpu.memory_space<vmem>>, vector<16xi32>,
        %get3A_752 = arith.index_cast %add3A_709 : i32 to index
        %get3A_753 = arith.constant 16 : index
        %get3A_754 = tpu.vector_load %arg11[%get3A_752, %get3A_753] {strides = array<i32>} : memref<80x64xi32, #tpu.memory_space<vmem>>, vector<16xi32>,
        %get3A_755 = arith.index_cast %add3A_709 : i32 to index
        %get3A_756 = arith.constant 16 : index
        %get3A_757 = tpu.vector_load %arg16[%get3A_755, %get3A_756] {strides = array<i32>} : memref<80x64xi32, #tpu.memory_space<vmem>>, vector<16xi32>,
        %shift_left3A_758 = arith.constant 16 : i32
        %shift_left3A_759 = vector.broadcast %shift_left3A_758 : i32 to vector<16xi32>
        %shift_left3A_760 = arith.shli %get3A_754, %shift_left3A_759 : vector<16xi32>
        %bitcast3A_761 = vector.bitcast %shift_left3A_760 : vector<16xi32> to vector<16xf32>
        %shift_left3A_762 = arith.constant 16 : i32
        %shift_left3A_763 = vector.broadcast %shift_left3A_762 : i32 to vector<16xi32>
        %shift_left3A_764 = arith.shli %get3A_757, %shift_left3A_763 : vector<16xi32>
        %bitcast3A_765 = vector.bitcast %shift_left3A_764 : vector<16xi32> to vector<16xf32>
        %and3A_766 = arith.constant -65536 : i32
        %and3A_767 = vector.broadcast %and3A_766 : i32 to vector<16xi32>
        %and3A_768 = arith.andi %get3A_754, %and3A_767 : vector<16xi32>
        %bitcast3A_769 = vector.bitcast %and3A_768 : vector<16xi32> to vector<16xf32>
        %and3A_770 = arith.constant -65536 : i32
        %and3A_771 = vector.broadcast %and3A_770 : i32 to vector<16xi32>
        %and3A_772 = arith.andi %get3A_757, %and3A_771 : vector<16xi32>
        %bitcast3A_773 = vector.bitcast %and3A_772 : vector<16xi32> to vector<16xf32>
        %mul3A_774 = arith.mulf %bitcast3A_761, %bitcast3A_765 : vector<16xf32>
        %bitcast3A_775 = vector.bitcast %mul3A_774 : vector<16xf32> to vector<16xi32>
        %mul3A_776 = arith.mulf %bitcast3A_769, %bitcast3A_773 : vector<16xf32>
        %bitcast3A_777 = vector.bitcast %mul3A_776 : vector<16xf32> to vector<16xi32>
        %add3A_778 = arith.constant 32768 : i32
        %add3A_779 = vector.broadcast %add3A_778 : i32 to vector<16xi32>
        %add3A_780 = arith.addi %bitcast3A_775, %add3A_779 : vector<16xi32>
        %shift_right_logical3A_781 = arith.constant 16 : i32
        %shift_right_logical3A_782 = vector.broadcast %shift_right_logical3A_781 : i32 to vector<16xi32>
        %shift_right_logical3A_783 = arith.shrui %add3A_780, %shift_right_logical3A_782 : vector<16xi32>
        %add3A_784 = arith.constant 32768 : i32
        %add3A_785 = vector.broadcast %add3A_784 : i32 to vector<16xi32>
        %add3A_786 = arith.addi %bitcast3A_777, %add3A_785 : vector<16xi32>
        %and3A_787 = arith.constant -65536 : i32
        %and3A_788 = vector.broadcast %and3A_787 : i32 to vector<16xi32>
        %and3A_789 = arith.andi %add3A_786, %and3A_788 : vector<16xi32>
        %or3A_790 = arith.ori %shift_right_logical3A_783, %and3A_789 : vector<16xi32>
        %swap3A_791 = arith.index_cast %scan3A_705 : i32 to index
        %swap3A_792 = arith.constant 16 : index
        %swap3A_793 = tpu.vector_load %arg21[%swap3A_791, %swap3A_792] {strides = array<i32>} : memref<40x128xi32, #tpu.memory_space<vmem>>, vector<16xi32>,
        tpu.vector_store %arg21[%swap3A_791, %swap3A_792], %or3A_790 {strides = array<i32>} : memref<40x128xi32, #tpu.memory_space<vmem>>, vector<16xi32>,
        %get3A_794 = arith.index_cast %add3A_709 : i32 to index
        %get3A_795 = arith.constant 32 : index
        %get3A_796 = tpu.vector_load %arg11[%get3A_794, %get3A_795] {strides = array<i32>} : memref<80x64xi32, #tpu.memory_space<vmem>>, vector<16xi32>,
        %get3A_797 = arith.index_cast %add3A_709 : i32 to index
        %get3A_798 = arith.constant 32 : index
        %get3A_799 = tpu.vector_load %arg16[%get3A_797, %get3A_798] {strides = array<i32>} : memref<80x64xi32, #tpu.memory_space<vmem>>, vector<16xi32>,
        %shift_left3A_800 = arith.constant 16 : i32
        %shift_left3A_801 = vector.broadcast %shift_left3A_800 : i32 to vector<16xi32>
        %shift_left3A_802 = arith.shli %get3A_796, %shift_left3A_801 : vector<16xi32>
        %bitcast3A_803 = vector.bitcast %shift_left3A_802 : vector<16xi32> to vector<16xf32>
        %shift_left3A_804 = arith.constant 16 : i32
        %shift_left3A_805 = vector.broadcast %shift_left3A_804 : i32 to vector<16xi32>
        %shift_left3A_806 = arith.shli %get3A_799, %shift_left3A_805 : vector<16xi32>
        %bitcast3A_807 = vector.bitcast %shift_left3A_806 : vector<16xi32> to vector<16xf32>
        %and3A_808 = arith.constant -65536 : i32
        %and3A_809 = vector.broadcast %and3A_808 : i32 to vector<16xi32>
        %and3A_810 = arith.andi %get3A_796, %and3A_809 : vector<16xi32>
        %bitcast3A_811 = vector.bitcast %and3A_810 : vector<16xi32> to vector<16xf32>
        %and3A_812 = arith.constant -65536 : i32
        %and3A_813 = vector.broadcast %and3A_812 : i32 to vector<16xi32>
        %and3A_814 = arith.andi %get3A_799, %and3A_813 : vector<16xi32>
        %bitcast3A_815 = vector.bitcast %and3A_814 : vector<16xi32> to vector<16xf32>
        %mul3A_816 = arith.mulf %bitcast3A_803, %bitcast3A_807 : vector<16xf32>
        %bitcast3A_817 = vector.bitcast %mul3A_816 : vector<16xf32> to vector<16xi32>
        %mul3A_818 = arith.mulf %bitcast3A_811, %bitcast3A_815 : vector<16xf32>
        %bitcast3A_819 = vector.bitcast %mul3A_818 : vector<16xf32> to vector<16xi32>
        %add3A_820 = arith.constant 32768 : i32
        %add3A_821 = vector.broadcast %add3A_820 : i32 to vector<16xi32>
        %add3A_822 = arith.addi %bitcast3A_817, %add3A_821 : vector<16xi32>
        %shift_right_logical3A_823 = arith.constant 16 : i32
        %shift_right_logical3A_824 = vector.broadcast %shift_right_logical3A_823 : i32 to vector<16xi32>
        %shift_right_logical3A_825 = arith.shrui %add3A_822, %shift_right_logical3A_824 : vector<16xi32>
        %add3A_826 = arith.constant 32768 : i32
        %add3A_827 = vector.broadcast %add3A_826 : i32 to vector<16xi32>
        %add3A_828 = arith.addi %bitcast3A_819, %add3A_827 : vector<16xi32>
        %and3A_829 = arith.constant -65536 : i32
        %and3A_830 = vector.broadcast %and3A_829 : i32 to vector<16xi32>
        %and3A_831 = arith.andi %add3A_828, %and3A_830 : vector<16xi32>
        %or3A_832 = arith.ori %shift_right_logical3A_825, %and3A_831 : vector<16xi32>
        %swap3A_833 = arith.index_cast %scan3A_705 : i32 to index
        %swap3A_834 = arith.constant 32 : index
        %swap3A_835 = tpu.vector_load %arg21[%swap3A_833, %swap3A_834] {strides = array<i32>} : memref<40x128xi32, #tpu.memory_space<vmem>>, vector<16xi32>,
        tpu.vector_store %arg21[%swap3A_833, %swap3A_834], %or3A_832 {strides = array<i32>} : memref<40x128xi32, #tpu.memory_space<vmem>>, vector<16xi32>,
        %get3A_836 = arith.index_cast %add3A_709 : i32 to index
        %get3A_837 = arith.constant 48 : index
        %get3A_838 = tpu.vector_load %arg11[%get3A_836, %get3A_837] {strides = array<i32>} : memref<80x64xi32, #tpu.memory_space<vmem>>, vector<16xi32>,
        %get3A_839 = arith.index_cast %add3A_709 : i32 to index
        %get3A_840 = arith.constant 48 : index
        %get3A_841 = tpu.vector_load %arg16[%get3A_839, %get3A_840] {strides = array<i32>} : memref<80x64xi32, #tpu.memory_space<vmem>>, vector<16xi32>,
        %shift_left3A_842 = arith.constant 16 : i32
        %shift_left3A_843 = vector.broadcast %shift_left3A_842 : i32 to vector<16xi32>
        %shift_left3A_844 = arith.shli %get3A_838, %shift_left3A_843 : vector<16xi32>
        %bitcast3A_845 = vector.bitcast %shift_left3A_844 : vector<16xi32> to vector<16xf32>
        %shift_left3A_846 = arith.constant 16 : i32
        %shift_left3A_847 = vector.broadcast %shift_left3A_846 : i32 to vector<16xi32>
        %shift_left3A_848 = arith.shli %get3A_841, %shift_left3A_847 : vector<16xi32>
        %bitcast3A_849 = vector.bitcast %shift_left3A_848 : vector<16xi32> to vector<16xf32>
        %and3A_850 = arith.constant -65536 : i32
        %and3A_851 = vector.broadcast %and3A_850 : i32 to vector<16xi32>
        %and3A_852 = arith.andi %get3A_838, %and3A_851 : vector<16xi32>
        %bitcast3A_853 = vector.bitcast %and3A_852 : vector<16xi32> to vector<16xf32>
        %and3A_854 = arith.constant -65536 : i32
        %and3A_855 = vector.broadcast %and3A_854 : i32 to vector<16xi32>
        %and3A_856 = arith.andi %get3A_841, %and3A_855 : vector<16xi32>
        %bitcast3A_857 = vector.bitcast %and3A_856 : vector<16xi32> to vector<16xf32>
        %mul3A_858 = arith.mulf %bitcast3A_845, %bitcast3A_849 : vector<16xf32>
        %bitcast3A_859 = vector.bitcast %mul3A_858 : vector<16xf32> to vector<16xi32>
        %mul3A_860 = arith.mulf %bitcast3A_853, %bitcast3A_857 : vector<16xf32>
        %bitcast3A_861 = vector.bitcast %mul3A_860 : vector<16xf32> to vector<16xi32>
        %add3A_862 = arith.constant 32768 : i32
        %add3A_863 = vector.broadcast %add3A_862 : i32 to vector<16xi32>
        %add3A_864 = arith.addi %bitcast3A_859, %add3A_863 : vector<16xi32>
        %shift_right_logical3A_865 = arith.constant 16 : i32
        %shift_right_logical3A_866 = vector.broadcast %shift_right_logical3A_865 : i32 to vector<16xi32>
        %shift_right_logical3A_867 = arith.shrui %add3A_864, %shift_right_logical3A_866 : vector<16xi32>
        %add3A_868 = arith.constant 32768 : i32
        %add3A_869 = vector.broadcast %add3A_868 : i32 to vector<16xi32>
        %add3A_870 = arith.addi %bitcast3A_861, %add3A_869 : vector<16xi32>
        %and3A_871 = arith.constant -65536 : i32
        %and3A_872 = vector.broadcast %and3A_871 : i32 to vector<16xi32>
        %and3A_873 = arith.andi %add3A_870, %and3A_872 : vector<16xi32>
        %or3A_874 = arith.ori %shift_right_logical3A_867, %and3A_873 : vector<16xi32>
        %swap3A_875 = arith.index_cast %scan3A_705 : i32 to index
        %swap3A_876 = arith.constant 48 : index
        %swap3A_877 = tpu.vector_load %arg21[%swap3A_875, %swap3A_876] {strides = array<i32>} : memref<40x128xi32, #tpu.memory_space<vmem>>, vector<16xi32>,
        tpu.vector_store %arg21[%swap3A_875, %swap3A_876], %or3A_874 {strides = array<i32>} : memref<40x128xi32, #tpu.memory_space<vmem>>, vector<16xi32>,
        %mul3A_878 = arith.constant 2 : i32
        %mul3A_879 = arith.muli %scan3A_705, %mul3A_878 : i32
        %add3A_880 = arith.constant 1 : i32
        %add3A_881 = arith.addi %mul3A_879, %add3A_880 : i32
        %get3A_882 = arith.index_cast %add3A_881 : i32 to index
        %get3A_883 = arith.constant 0 : index
        %get3A_884 = tpu.vector_load %arg11[%get3A_882, %get3A_883] {strides = array<i32>} : memref<80x64xi32, #tpu.memory_space<vmem>>, vector<16xi32>,
        %get3A_885 = arith.index_cast %add3A_881 : i32 to index
        %get3A_886 = arith.constant 0 : index
        %get3A_887 = tpu.vector_load %arg16[%get3A_885, %get3A_886] {strides = array<i32>} : memref<80x64xi32, #tpu.memory_space<vmem>>, vector<16xi32>,
        %shift_left3A_888 = arith.constant 16 : i32
        %shift_left3A_889 = vector.broadcast %shift_left3A_888 : i32 to vector<16xi32>
        %shift_left3A_890 = arith.shli %get3A_884, %shift_left3A_889 : vector<16xi32>
        %bitcast3A_891 = vector.bitcast %shift_left3A_890 : vector<16xi32> to vector<16xf32>
        %shift_left3A_892 = arith.constant 16 : i32
        %shift_left3A_893 = vector.broadcast %shift_left3A_892 : i32 to vector<16xi32>
        %shift_left3A_894 = arith.shli %get3A_887, %shift_left3A_893 : vector<16xi32>
        %bitcast3A_895 = vector.bitcast %shift_left3A_894 : vector<16xi32> to vector<16xf32>
        %and3A_896 = arith.constant -65536 : i32
        %and3A_897 = vector.broadcast %and3A_896 : i32 to vector<16xi32>
        %and3A_898 = arith.andi %get3A_884, %and3A_897 : vector<16xi32>
        %bitcast3A_899 = vector.bitcast %and3A_898 : vector<16xi32> to vector<16xf32>
        %and3A_900 = arith.constant -65536 : i32
        %and3A_901 = vector.broadcast %and3A_900 : i32 to vector<16xi32>
        %and3A_902 = arith.andi %get3A_887, %and3A_901 : vector<16xi32>
        %bitcast3A_903 = vector.bitcast %and3A_902 : vector<16xi32> to vector<16xf32>
        %mul3A_904 = arith.mulf %bitcast3A_891, %bitcast3A_895 : vector<16xf32>
        %bitcast3A_905 = vector.bitcast %mul3A_904 : vector<16xf32> to vector<16xi32>
        %mul3A_906 = arith.mulf %bitcast3A_899, %bitcast3A_903 : vector<16xf32>
        %bitcast3A_907 = vector.bitcast %mul3A_906 : vector<16xf32> to vector<16xi32>
        %add3A_908 = arith.constant 32768 : i32
        %add3A_909 = vector.broadcast %add3A_908 : i32 to vector<16xi32>
        %add3A_910 = arith.addi %bitcast3A_905, %add3A_909 : vector<16xi32>
        %shift_right_logical3A_911 = arith.constant 16 : i32
        %shift_right_logical3A_912 = vector.broadcast %shift_right_logical3A_911 : i32 to vector<16xi32>
        %shift_right_logical3A_913 = arith.shrui %add3A_910, %shift_right_logical3A_912 : vector<16xi32>
        %add3A_914 = arith.constant 32768 : i32
        %add3A_915 = vector.broadcast %add3A_914 : i32 to vector<16xi32>
        %add3A_916 = arith.addi %bitcast3A_907, %add3A_915 : vector<16xi32>
        %and3A_917 = arith.constant -65536 : i32
        %and3A_918 = vector.broadcast %and3A_917 : i32 to vector<16xi32>
        %and3A_919 = arith.andi %add3A_916, %and3A_918 : vector<16xi32>
        %or3A_920 = arith.ori %shift_right_logical3A_913, %and3A_919 : vector<16xi32>
        %swap3A_921 = arith.index_cast %scan3A_705 : i32 to index
        %swap3A_922 = arith.constant 64 : index
        %swap3A_923 = tpu.vector_load %arg21[%swap3A_921, %swap3A_922] {strides = array<i32>} : memref<40x128xi32, #tpu.memory_space<vmem>>, vector<16xi32>,
        tpu.vector_store %arg21[%swap3A_921, %swap3A_922], %or3A_920 {strides = array<i32>} : memref<40x128xi32, #tpu.memory_space<vmem>>, vector<16xi32>,
        %get3A_924 = arith.index_cast %add3A_881 : i32 to index
        %get3A_925 = arith.constant 16 : index
        %get3A_926 = tpu.vector_load %arg11[%get3A_924, %get3A_925] {strides = array<i32>} : memref<80x64xi32, #tpu.memory_space<vmem>>, vector<16xi32>,
        %get3A_927 = arith.index_cast %add3A_881 : i32 to index
        %get3A_928 = arith.constant 16 : index
        %get3A_929 = tpu.vector_load %arg16[%get3A_927, %get3A_928] {strides = array<i32>} : memref<80x64xi32, #tpu.memory_space<vmem>>, vector<16xi32>,
        %shift_left3A_930 = arith.constant 16 : i32
        %shift_left3A_931 = vector.broadcast %shift_left3A_930 : i32 to vector<16xi32>
        %shift_left3A_932 = arith.shli %get3A_926, %shift_left3A_931 : vector<16xi32>
        %bitcast3A_933 = vector.bitcast %shift_left3A_932 : vector<16xi32> to vector<16xf32>
        %shift_left3A_934 = arith.constant 16 : i32
        %shift_left3A_935 = vector.broadcast %shift_left3A_934 : i32 to vector<16xi32>
        %shift_left3A_936 = arith.shli %get3A_929, %shift_left3A_935 : vector<16xi32>
        %bitcast3A_937 = vector.bitcast %shift_left3A_936 : vector<16xi32> to vector<16xf32>
        %and3A_938 = arith.constant -65536 : i32
        %and3A_939 = vector.broadcast %and3A_938 : i32 to vector<16xi32>
        %and3A_940 = arith.andi %get3A_926, %and3A_939 : vector<16xi32>
        %bitcast3A_941 = vector.bitcast %and3A_940 : vector<16xi32> to vector<16xf32>
        %and3A_942 = arith.constant -65536 : i32
        %and3A_943 = vector.broadcast %and3A_942 : i32 to vector<16xi32>
        %and3A_944 = arith.andi %get3A_929, %and3A_943 : vector<16xi32>
        %bitcast3A_945 = vector.bitcast %and3A_944 : vector<16xi32> to vector<16xf32>
        %mul3A_946 = arith.mulf %bitcast3A_933, %bitcast3A_937 : vector<16xf32>
        %bitcast3A_947 = vector.bitcast %mul3A_946 : vector<16xf32> to vector<16xi32>
        %mul3A_948 = arith.mulf %bitcast3A_941, %bitcast3A_945 : vector<16xf32>
        %bitcast3A_949 = vector.bitcast %mul3A_948 : vector<16xf32> to vector<16xi32>
        %add3A_950 = arith.constant 32768 : i32
        %add3A_951 = vector.broadcast %add3A_950 : i32 to vector<16xi32>
        %add3A_952 = arith.addi %bitcast3A_947, %add3A_951 : vector<16xi32>
        %shift_right_logical3A_953 = arith.constant 16 : i32
        %shift_right_logical3A_954 = vector.broadcast %shift_right_logical3A_953 : i32 to vector<16xi32>
        %shift_right_logical3A_955 = arith.shrui %add3A_952, %shift_right_logical3A_954 : vector<16xi32>
        %add3A_956 = arith.constant 32768 : i32
        %add3A_957 = vector.broadcast %add3A_956 : i32 to vector<16xi32>
        %add3A_958 = arith.addi %bitcast3A_949, %add3A_957 : vector<16xi32>
        %and3A_959 = arith.constant -65536 : i32
        %and3A_960 = vector.broadcast %and3A_959 : i32 to vector<16xi32>
        %and3A_961 = arith.andi %add3A_958, %and3A_960 : vector<16xi32>
        %or3A_962 = arith.ori %shift_right_logical3A_955, %and3A_961 : vector<16xi32>
        %swap3A_963 = arith.index_cast %scan3A_705 : i32 to index
        %swap3A_964 = arith.constant 80 : index
        %swap3A_965 = tpu.vector_load %arg21[%swap3A_963, %swap3A_964] {strides = array<i32>} : memref<40x128xi32, #tpu.memory_space<vmem>>, vector<16xi32>,
        tpu.vector_store %arg21[%swap3A_963, %swap3A_964], %or3A_962 {strides = array<i32>} : memref<40x128xi32, #tpu.memory_space<vmem>>, vector<16xi32>,
        %get3A_966 = arith.index_cast %add3A_881 : i32 to index
        %get3A_967 = arith.constant 32 : index
        %get3A_968 = tpu.vector_load %arg11[%get3A_966, %get3A_967] {strides = array<i32>} : memref<80x64xi32, #tpu.memory_space<vmem>>, vector<16xi32>,
        %get3A_969 = arith.index_cast %add3A_881 : i32 to index
        %get3A_970 = arith.constant 32 : index
        %get3A_971 = tpu.vector_load %arg16[%get3A_969, %get3A_970] {strides = array<i32>} : memref<80x64xi32, #tpu.memory_space<vmem>>, vector<16xi32>,
        %shift_left3A_972 = arith.constant 16 : i32
        %shift_left3A_973 = vector.broadcast %shift_left3A_972 : i32 to vector<16xi32>
        %shift_left3A_974 = arith.shli %get3A_968, %shift_left3A_973 : vector<16xi32>
        %bitcast3A_975 = vector.bitcast %shift_left3A_974 : vector<16xi32> to vector<16xf32>
        %shift_left3A_976 = arith.constant 16 : i32
        %shift_left3A_977 = vector.broadcast %shift_left3A_976 : i32 to vector<16xi32>
        %shift_left3A_978 = arith.shli %get3A_971, %shift_left3A_977 : vector<16xi32>
        %bitcast3A_979 = vector.bitcast %shift_left3A_978 : vector<16xi32> to vector<16xf32>
        %and3A_980 = arith.constant -65536 : i32
        %and3A_981 = vector.broadcast %and3A_980 : i32 to vector<16xi32>
        %and3A_982 = arith.andi %get3A_968, %and3A_981 : vector<16xi32>
        %bitcast3A_983 = vector.bitcast %and3A_982 : vector<16xi32> to vector<16xf32>
        %and3A_984 = arith.constant -65536 : i32
        %and3A_985 = vector.broadcast %and3A_984 : i32 to vector<16xi32>
        %and3A_986 = arith.andi %get3A_971, %and3A_985 : vector<16xi32>
        %bitcast3A_987 = vector.bitcast %and3A_986 : vector<16xi32> to vector<16xf32>
        %mul3A_988 = arith.mulf %bitcast3A_975, %bitcast3A_979 : vector<16xf32>
        %bitcast3A_989 = vector.bitcast %mul3A_988 : vector<16xf32> to vector<16xi32>
        %mul3A_990 = arith.mulf %bitcast3A_983, %bitcast3A_987 : vector<16xf32>
        %bitcast3A_991 = vector.bitcast %mul3A_990 : vector<16xf32> to vector<16xi32>
        %add3A_992 = arith.constant 32768 : i32
        %add3A_993 = vector.broadcast %add3A_992 : i32 to vector<16xi32>
        %add3A_994 = arith.addi %bitcast3A_989, %add3A_993 : vector<16xi32>
        %shift_right_logical3A_995 = arith.constant 16 : i32
        %shift_right_logical3A_996 = vector.broadcast %shift_right_logical3A_995 : i32 to vector<16xi32>
        %shift_right_logical3A_997 = arith.shrui %add3A_994, %shift_right_logical3A_996 : vector<16xi32>
        %add3A_998 = arith.constant 32768 : i32
        %add3A_999 = vector.broadcast %add3A_998 : i32 to vector<16xi32>
        %add3A_1000 = arith.addi %bitcast3A_991, %add3A_999 : vector<16xi32>
        %and3A_1001 = arith.constant -65536 : i32
        %and3A_1002 = vector.broadcast %and3A_1001 : i32 to vector<16xi32>
        %and3A_1003 = arith.andi %add3A_1000, %and3A_1002 : vector<16xi32>
        %or3A_1004 = arith.ori %shift_right_logical3A_997, %and3A_1003 : vector<16xi32>
        %swap3A_1005 = arith.index_cast %scan3A_705 : i32 to index
        %swap3A_1006 = arith.constant 96 : index
        %swap3A_1007 = tpu.vector_load %arg21[%swap3A_1005, %swap3A_1006] {strides = array<i32>} : memref<40x128xi32, #tpu.memory_space<vmem>>, vector<16xi32>,
        tpu.vector_store %arg21[%swap3A_1005, %swap3A_1006], %or3A_1004 {strides = array<i32>} : memref<40x128xi32, #tpu.memory_space<vmem>>, vector<16xi32>,
        %get3A_1008 = arith.index_cast %add3A_881 : i32 to index
        %get3A_1009 = arith.constant 48 : index
        %get3A_1010 = tpu.vector_load %arg11[%get3A_1008, %get3A_1009] {strides = array<i32>} : memref<80x64xi32, #tpu.memory_space<vmem>>, vector<16xi32>,
        %get3A_1011 = arith.index_cast %add3A_881 : i32 to index
        %get3A_1012 = arith.constant 48 : index
        %get3A_1013 = tpu.vector_load %arg16[%get3A_1011, %get3A_1012] {strides = array<i32>} : memref<80x64xi32, #tpu.memory_space<vmem>>, vector<16xi32>,
        %shift_left3A_1014 = arith.constant 16 : i32
        %shift_left3A_1015 = vector.broadcast %shift_left3A_1014 : i32 to vector<16xi32>
        %shift_left3A_1016 = arith.shli %get3A_1010, %shift_left3A_1015 : vector<16xi32>
        %bitcast3A_1017 = vector.bitcast %shift_left3A_1016 : vector<16xi32> to vector<16xf32>
        %shift_left3A_1018 = arith.constant 16 : i32
        %shift_left3A_1019 = vector.broadcast %shift_left3A_1018 : i32 to vector<16xi32>
        %shift_left3A_1020 = arith.shli %get3A_1013, %shift_left3A_1019 : vector<16xi32>
        %bitcast3A_1021 = vector.bitcast %shift_left3A_1020 : vector<16xi32> to vector<16xf32>
        %and3A_1022 = arith.constant -65536 : i32
        %and3A_1023 = vector.broadcast %and3A_1022 : i32 to vector<16xi32>
        %and3A_1024 = arith.andi %get3A_1010, %and3A_1023 : vector<16xi32>
        %bitcast3A_1025 = vector.bitcast %and3A_1024 : vector<16xi32> to vector<16xf32>
        %and3A_1026 = arith.constant -65536 : i32
        %and3A_1027 = vector.broadcast %and3A_1026 : i32 to vector<16xi32>
        %and3A_1028 = arith.andi %get3A_1013, %and3A_1027 : vector<16xi32>
        %bitcast3A_1029 = vector.bitcast %and3A_1028 : vector<16xi32> to vector<16xf32>
        %mul3A_1030 = arith.mulf %bitcast3A_1017, %bitcast3A_1021 : vector<16xf32>
        %bitcast3A_1031 = vector.bitcast %mul3A_1030 : vector<16xf32> to vector<16xi32>
        %mul3A_1032 = arith.mulf %bitcast3A_1025, %bitcast3A_1029 : vector<16xf32>
        %bitcast3A_1033 = vector.bitcast %mul3A_1032 : vector<16xf32> to vector<16xi32>
        %add3A_1034 = arith.constant 32768 : i32
        %add3A_1035 = vector.broadcast %add3A_1034 : i32 to vector<16xi32>
        %add3A_1036 = arith.addi %bitcast3A_1031, %add3A_1035 : vector<16xi32>
        %shift_right_logical3A_1037 = arith.constant 16 : i32
        %shift_right_logical3A_1038 = vector.broadcast %shift_right_logical3A_1037 : i32 to vector<16xi32>
        %shift_right_logical3A_1039 = arith.shrui %add3A_1036, %shift_right_logical3A_1038 : vector<16xi32>
        %add3A_1040 = arith.constant 32768 : i32
        %add3A_1041 = vector.broadcast %add3A_1040 : i32 to vector<16xi32>
        %add3A_1042 = arith.addi %bitcast3A_1033, %add3A_1041 : vector<16xi32>
        %and3A_1043 = arith.constant -65536 : i32
        %and3A_1044 = vector.broadcast %and3A_1043 : i32 to vector<16xi32>
        %and3A_1045 = arith.andi %add3A_1042, %and3A_1044 : vector<16xi32>
        %or3A_1046 = arith.ori %shift_right_logical3A_1039, %and3A_1045 : vector<16xi32>
        %swap3A_1047 = arith.index_cast %scan3A_705 : i32 to index
        %swap3A_1048 = arith.constant 112 : index
        %swap3A_1049 = tpu.vector_load %arg21[%swap3A_1047, %swap3A_1048] {strides = array<i32>} : memref<40x128xi32, #tpu.memory_space<vmem>>, vector<16xi32>,
        tpu.vector_store %arg21[%swap3A_1047, %swap3A_1048], %or3A_1046 {strides = array<i32>} : memref<40x128xi32, #tpu.memory_space<vmem>>, vector<16xi32>,
      }
      %scan3A_270 = arith.constant 40 : i32
      %mul3A_271 = arith.constant 80 : i32
      %mul3A_272 = arith.muli %add3A_254, %mul3A_271 : i32
      %multiple_of3A_273 = tpu.assume_multiple %mul3A_272, 80 : i32
      %add3A_274 = arith.addi %multiple_of3A, %multiple_of3A_273 : i32
      %jit3A_275 = arith.constant 2 : i32
      %div3A_276 = arith.divsi %add3A_274, %jit3A_275 : i32
      %sign3A_277 = arith.constant 0 : i32
      %sign3A_278 = arith.cmpi sgt, %add3A_274, %sign3A_277 : i32
      %sign3A_279 = arith.extui %sign3A_278 : i1 to i32
      %sign3A_280 = arith.constant 0 : i32
      %sign3A_281 = arith.cmpi slt, %add3A_274, %sign3A_280 : i32
      %sign3A_282 = arith.extui %sign3A_281 : i1 to i32
      %sign3A_283 = arith.subi %sign3A_279, %sign3A_282 : i32
      %sign3A_284 = arith.constant 0 : i32
      %sign3A_285 = arith.cmpi sgt, %jit3A_275, %sign3A_284 : i32
      %sign3A_286 = arith.extui %sign3A_285 : i1 to i32
      %sign3A_287 = arith.constant 0 : i32
      %sign3A_288 = arith.cmpi slt, %jit3A_275, %sign3A_287 : i32
      %sign3A_289 = arith.extui %sign3A_288 : i1 to i32
      %sign3A_290 = arith.subi %sign3A_286, %sign3A_289 : i32
      %ne3A_291 = arith.cmpi ne, %sign3A_283, %sign3A_290 : i32
      %rem3A_292 = arith.remsi %add3A_274, %jit3A_275 : i32
      %ne3A_293 = arith.constant 0 : i32
      %ne3A_294 = arith.cmpi ne, %rem3A_292, %ne3A_293 : i32
      %and3A_295 = arith.andi %ne3A_291, %ne3A_294 : i1
      %sub3A_296 = arith.constant 1 : i32
      %sub3A_297 = arith.subi %div3A_276, %sub3A_296 : i32
      %select_n3A_298 = arith.select %and3A_295, %sub3A_297, %div3A_276 : i32
      %dma_start3A_299 = arith.constant 0 : i32
      %dma_start3A_300 = tpu.memref_slice %arg5[%select_n3A_298, %dma_start3A_299] : memref<160000x128xi32, #tpu.memory_space<hbm>> -> memref<40x128xi32, #tpu.memory_space<hbm>>
      %dma_start3A_301 = arith.constant 0 : i32
      %dma_start3A_302 = tpu.memref_slice %arg5[%select_n3A_298, %dma_start3A_301] : memref<160000x128xi32, #tpu.memory_space<hbm>> -> memref<40x128xi32, #tpu.memory_space<hbm>>
      tpu.enqueue_dma source(%arg21 : memref<40x128xi32, #tpu.memory_space<vmem>>) target(%dma_start3A_302 : memref<40x128xi32, #tpu.memory_space<hbm>>) target_semaphore(%arg36 : memref<!tpu.dma_semaphore, #tpu.memory_space<semaphore_mem>>)
      %lt3A_303 = arith.constant 24 : i32
      %lt3A_304 = arith.cmpi slt, %scan3A_76, %lt3A_303 : i32
      %convert_element_type3A_305 = arith.extui %lt3A_304 : i1 to i32
      %cond3A_306 = arith.constant 0 : i32
      %cond3A_307 = arith.cmpi ne, %convert_element_type3A_305, %cond3A_306 : i32
      scf.if %cond3A_307 {
        %dma_wait3A_365 = arith.constant 0 : i32
        %dma_wait3A_366 = arith.constant 0 : i32
        %dma_wait3A_367 = tpu.memref_slice %arg5[%dma_wait3A_365, %dma_wait3A_366] : memref<160000x128xi32, #tpu.memory_space<hbm>> -> memref<40x128xi32, #tpu.memory_space<hbm>>
        %dma_wait3A_368 = arith.constant 0 : i32
        %dma_wait3A_369 = arith.constant 0 : i32
        %dma_wait3A_370 = tpu.memref_slice %arg5[%dma_wait3A_368, %dma_wait3A_369] : memref<160000x128xi32, #tpu.memory_space<hbm>> -> memref<40x128xi32, #tpu.memory_space<hbm>>
        tpu.wait_dma2 semaphore(%arg35 : memref<!tpu.dma_semaphore, #tpu.memory_space<semaphore_mem>>) src(%arg20 : memref<40x128xi32, #tpu.memory_space<vmem>>) dst(%dma_wait3A_370 : memref<40x128xi32, #tpu.memory_space<hbm>>)
        %add3A_371 = arith.constant 5 : i32
        %add3A_372 = arith.addi %add3A_254, %add3A_371 : i32
        %sub3A_373 = arith.constant 1 : i32
        %sub3A_374 = arith.subi %add3A_372, %sub3A_373 : i32
        %mul3A_375 = arith.constant 80 : i32
        %mul3A_376 = arith.muli %sub3A_374, %mul3A_375 : i32
        %multiple_of3A_377 = tpu.assume_multiple %mul3A_376, 80 : i32
        %dma_start3A_378 = tpu.memref_slice %arg6[%multiple_of3A_377] : memref<10000xi32, #tpu.memory_space<vmem>> -> memref<80xi32, #tpu.memory_space<vmem>>
        %dma_start3A_379 = arith.constant 0 : i32
        %dma_start3A_380 = arith.constant 0 : i32
        %dma_start3A_381 = tpu.memref_slice %arg2[%dma_start3A_379, %dma_start3A_380] : memref<10000x64xi32, #tpu.memory_space<hbm>> -> memref<10000x64xi32, #tpu.memory_space<hbm>>
        tpu.enqueue_indirect_dma source(%dma_start3A_381 : memref<10000x64xi32, #tpu.memory_space<hbm>>) target(%arg10 : memref<80x64xi32, #tpu.memory_space<vmem>>) offsets(%dma_start3A_378 : memref<80xi32, #tpu.memory_space<vmem>>) semaphore(%arg25 : memref<!tpu.dma_semaphore, #tpu.memory_space<semaphore_mem>>)
        %dma_start3A_382 = tpu.memref_slice %arg7[%multiple_of3A_377] : memref<10000xi32, #tpu.memory_space<vmem>> -> memref<80xi32, #tpu.memory_space<vmem>>
        %dma_start3A_383 = arith.constant 0 : i32
        %dma_start3A_384 = arith.constant 0 : i32
        %dma_start3A_385 = tpu.memref_slice %arg2[%dma_start3A_383, %dma_start3A_384] : memref<10000x64xi32, #tpu.memory_space<hbm>> -> memref<10000x64xi32, #tpu.memory_space<hbm>>
        tpu.enqueue_indirect_dma source(%dma_start3A_385 : memref<10000x64xi32, #tpu.memory_space<hbm>>) target(%arg15 : memref<80x64xi32, #tpu.memory_space<vmem>>) offsets(%dma_start3A_382 : memref<80xi32, #tpu.memory_space<vmem>>) semaphore(%arg30 : memref<!tpu.dma_semaphore, #tpu.memory_space<semaphore_mem>>)
      } else {
      }
      %mul3A_308 = arith.constant 5 : i32
      %mul3A_309 = arith.muli %scan3A_76, %mul3A_308 : i32
      %add3A_310 = arith.constant 4 : i32
      %add3A_311 = arith.addi %mul3A_309, %add3A_310 : i32
      %dma_wait3A_312 = arith.constant 0 : i32
      %dma_wait3A_313 = tpu.memref_slice %arg6[%dma_wait3A_312] : memref<10000xi32, #tpu.memory_space<vmem>> -> memref<80xi32, #tpu.memory_space<vmem>>
      %dma_wait3A_314 = arith.constant 0 : i32
      %dma_wait3A_315 = arith.constant 0 : i32
      %dma_wait3A_316 = tpu.memref_slice %arg2[%dma_wait3A_314, %dma_wait3A_315] : memref<10000x64xi32, #tpu.memory_space<hbm>> -> memref<10000x64xi32, #tpu.memory_space<hbm>>
      tpu.wait_indirect_dma semaphore(%arg27 : memref<!tpu.dma_semaphore, #tpu.memory_space<semaphore_mem>>) src(%dma_wait3A_316 : memref<10000x64xi32, #tpu.memory_space<hbm>>) dst(%arg12 : memref<80x64xi32, #tpu.memory_space<vmem>>)
      %dma_wait3A_317 = arith.constant 0 : i32
      %dma_wait3A_318 = tpu.memref_slice %arg7[%dma_wait3A_317] : memref<10000xi32, #tpu.memory_space<vmem>> -> memref<80xi32, #tpu.memory_space<vmem>>
      %dma_wait3A_319 = arith.constant 0 : i32
      %dma_wait3A_320 = arith.constant 0 : i32
      %dma_wait3A_321 = tpu.memref_slice %arg2[%dma_wait3A_319, %dma_wait3A_320] : memref<10000x64xi32, #tpu.memory_space<hbm>> -> memref<10000x64xi32, #tpu.memory_space<hbm>>
      tpu.wait_indirect_dma semaphore(%arg32 : memref<!tpu.dma_semaphore, #tpu.memory_space<semaphore_mem>>) src(%dma_wait3A_321 : memref<10000x64xi32, #tpu.memory_space<hbm>>) dst(%arg17 : memref<80x64xi32, #tpu.memory_space<vmem>>)
      %scan3A_322 = arith.constant 0 : i32
      %scan3A_323 = arith.constant 0 : i32
      %scan3A_324 = arith.constant 40 : i32
      %scan3A_325 = arith.addi %scan3A_323, %scan3A_324 : i32
      %scan3A_326 = arith.constant 2 : i32
      scf.for %scan3A_365 = %scan3A_323 to %scan3A_325 step %scan3A_326  : i32 {
        %mul3A_366 = arith.constant 2 : i32
        %mul3A_367 = arith.muli %scan3A_365, %mul3A_366 : i32
        %add3A_368 = arith.constant 0 : i32
        %add3A_369 = arith.addi %mul3A_367, %add3A_368 : i32
        %get3A = arith.index_cast %add3A_369 : i32 to index
        %get3A_370 = arith.constant 0 : index
        %get3A_371 = tpu.vector_load %arg12[%get3A, %get3A_370] {strides = array<i32>} : memref<80x64xi32, #tpu.memory_space<vmem>>, vector<16xi32>,
        %get3A_372 = arith.index_cast %add3A_369 : i32 to index
        %get3A_373 = arith.constant 0 : index
        %get3A_374 = tpu.vector_load %arg17[%get3A_372, %get3A_373] {strides = array<i32>} : memref<80x64xi32, #tpu.memory_space<vmem>>, vector<16xi32>,
        %shift_left3A = arith.constant 16 : i32
        %shift_left3A_375 = vector.broadcast %shift_left3A : i32 to vector<16xi32>
        %shift_left3A_376 = arith.shli %get3A_371, %shift_left3A_375 : vector<16xi32>
        %bitcast3A = vector.bitcast %shift_left3A_376 : vector<16xi32> to vector<16xf32>
        %shift_left3A_377 = arith.constant 16 : i32
        %shift_left3A_378 = vector.broadcast %shift_left3A_377 : i32 to vector<16xi32>
        %shift_left3A_379 = arith.shli %get3A_374, %shift_left3A_378 : vector<16xi32>
        %bitcast3A_380 = vector.bitcast %shift_left3A_379 : vector<16xi32> to vector<16xf32>
        %and3A_381 = arith.constant -65536 : i32
        %and3A_382 = vector.broadcast %and3A_381 : i32 to vector<16xi32>
        %and3A_383 = arith.andi %get3A_371, %and3A_382 : vector<16xi32>
        %bitcast3A_384 = vector.bitcast %and3A_383 : vector<16xi32> to vector<16xf32>
        %and3A_385 = arith.constant -65536 : i32
        %and3A_386 = vector.broadcast %and3A_385 : i32 to vector<16xi32>
        %and3A_387 = arith.andi %get3A_374, %and3A_386 : vector<16xi32>
        %bitcast3A_388 = vector.bitcast %and3A_387 : vector<16xi32> to vector<16xf32>
        %mul3A_389 = arith.mulf %bitcast3A, %bitcast3A_380 : vector<16xf32>
        %bitcast3A_390 = vector.bitcast %mul3A_389 : vector<16xf32> to vector<16xi32>
        %mul3A_391 = arith.mulf %bitcast3A_384, %bitcast3A_388 : vector<16xf32>
        %bitcast3A_392 = vector.bitcast %mul3A_391 : vector<16xf32> to vector<16xi32>
        %add3A_393 = arith.constant 32768 : i32
        %add3A_394 = vector.broadcast %add3A_393 : i32 to vector<16xi32>
        %add3A_395 = arith.addi %bitcast3A_390, %add3A_394 : vector<16xi32>
        %shift_right_logical3A = arith.constant 16 : i32
        %shift_right_logical3A_396 = vector.broadcast %shift_right_logical3A : i32 to vector<16xi32>
        %shift_right_logical3A_397 = arith.shrui %add3A_395, %shift_right_logical3A_396 : vector<16xi32>
        %add3A_398 = arith.constant 32768 : i32
        %add3A_399 = vector.broadcast %add3A_398 : i32 to vector<16xi32>
        %add3A_400 = arith.addi %bitcast3A_392, %add3A_399 : vector<16xi32>
        %and3A_401 = arith.constant -65536 : i32
        %and3A_402 = vector.broadcast %and3A_401 : i32 to vector<16xi32>
        %and3A_403 = arith.andi %add3A_400, %and3A_402 : vector<16xi32>
        %or3A = arith.ori %shift_right_logical3A_397, %and3A_403 : vector<16xi32>
        %swap3A = arith.index_cast %scan3A_365 : i32 to index
        %swap3A_404 = arith.constant 0 : index
        %swap3A_405 = tpu.vector_load %arg22[%swap3A, %swap3A_404] {strides = array<i32>} : memref<40x128xi32, #tpu.memory_space<vmem>>, vector<16xi32>,
        tpu.vector_store %arg22[%swap3A, %swap3A_404], %or3A {strides = array<i32>} : memref<40x128xi32, #tpu.memory_space<vmem>>, vector<16xi32>,
        %get3A_406 = arith.index_cast %add3A_369 : i32 to index
        %get3A_407 = arith.constant 16 : index
        %get3A_408 = tpu.vector_load %arg12[%get3A_406, %get3A_407] {strides = array<i32>} : memref<80x64xi32, #tpu.memory_space<vmem>>, vector<16xi32>,
        %get3A_409 = arith.index_cast %add3A_369 : i32 to index
        %get3A_410 = arith.constant 16 : index
        %get3A_411 = tpu.vector_load %arg17[%get3A_409, %get3A_410] {strides = array<i32>} : memref<80x64xi32, #tpu.memory_space<vmem>>, vector<16xi32>,
        %shift_left3A_412 = arith.constant 16 : i32
        %shift_left3A_413 = vector.broadcast %shift_left3A_412 : i32 to vector<16xi32>
        %shift_left3A_414 = arith.shli %get3A_408, %shift_left3A_413 : vector<16xi32>
        %bitcast3A_415 = vector.bitcast %shift_left3A_414 : vector<16xi32> to vector<16xf32>
        %shift_left3A_416 = arith.constant 16 : i32
        %shift_left3A_417 = vector.broadcast %shift_left3A_416 : i32 to vector<16xi32>
        %shift_left3A_418 = arith.shli %get3A_411, %shift_left3A_417 : vector<16xi32>
        %bitcast3A_419 = vector.bitcast %shift_left3A_418 : vector<16xi32> to vector<16xf32>
        %and3A_420 = arith.constant -65536 : i32
        %and3A_421 = vector.broadcast %and3A_420 : i32 to vector<16xi32>
        %and3A_422 = arith.andi %get3A_408, %and3A_421 : vector<16xi32>
        %bitcast3A_423 = vector.bitcast %and3A_422 : vector<16xi32> to vector<16xf32>
        %and3A_424 = arith.constant -65536 : i32
        %and3A_425 = vector.broadcast %and3A_424 : i32 to vector<16xi32>
        %and3A_426 = arith.andi %get3A_411, %and3A_425 : vector<16xi32>
        %bitcast3A_427 = vector.bitcast %and3A_426 : vector<16xi32> to vector<16xf32>
        %mul3A_428 = arith.mulf %bitcast3A_415, %bitcast3A_419 : vector<16xf32>
        %bitcast3A_429 = vector.bitcast %mul3A_428 : vector<16xf32> to vector<16xi32>
        %mul3A_430 = arith.mulf %bitcast3A_423, %bitcast3A_427 : vector<16xf32>
        %bitcast3A_431 = vector.bitcast %mul3A_430 : vector<16xf32> to vector<16xi32>
        %add3A_432 = arith.constant 32768 : i32
        %add3A_433 = vector.broadcast %add3A_432 : i32 to vector<16xi32>
        %add3A_434 = arith.addi %bitcast3A_429, %add3A_433 : vector<16xi32>
        %shift_right_logical3A_435 = arith.constant 16 : i32
        %shift_right_logical3A_436 = vector.broadcast %shift_right_logical3A_435 : i32 to vector<16xi32>
        %shift_right_logical3A_437 = arith.shrui %add3A_434, %shift_right_logical3A_436 : vector<16xi32>
        %add3A_438 = arith.constant 32768 : i32
        %add3A_439 = vector.broadcast %add3A_438 : i32 to vector<16xi32>
        %add3A_440 = arith.addi %bitcast3A_431, %add3A_439 : vector<16xi32>
        %and3A_441 = arith.constant -65536 : i32
        %and3A_442 = vector.broadcast %and3A_441 : i32 to vector<16xi32>
        %and3A_443 = arith.andi %add3A_440, %and3A_442 : vector<16xi32>
        %or3A_444 = arith.ori %shift_right_logical3A_437, %and3A_443 : vector<16xi32>
        %swap3A_445 = arith.index_cast %scan3A_365 : i32 to index
        %swap3A_446 = arith.constant 16 : index
        %swap3A_447 = tpu.vector_load %arg22[%swap3A_445, %swap3A_446] {strides = array<i32>} : memref<40x128xi32, #tpu.memory_space<vmem>>, vector<16xi32>,
        tpu.vector_store %arg22[%swap3A_445, %swap3A_446], %or3A_444 {strides = array<i32>} : memref<40x128xi32, #tpu.memory_space<vmem>>, vector<16xi32>,
        %get3A_448 = arith.index_cast %add3A_369 : i32 to index
        %get3A_449 = arith.constant 32 : index
        %get3A_450 = tpu.vector_load %arg12[%get3A_448, %get3A_449] {strides = array<i32>} : memref<80x64xi32, #tpu.memory_space<vmem>>, vector<16xi32>,
        %get3A_451 = arith.index_cast %add3A_369 : i32 to index
        %get3A_452 = arith.constant 32 : index
        %get3A_453 = tpu.vector_load %arg17[%get3A_451, %get3A_452] {strides = array<i32>} : memref<80x64xi32, #tpu.memory_space<vmem>>, vector<16xi32>,
        %shift_left3A_454 = arith.constant 16 : i32
        %shift_left3A_455 = vector.broadcast %shift_left3A_454 : i32 to vector<16xi32>
        %shift_left3A_456 = arith.shli %get3A_450, %shift_left3A_455 : vector<16xi32>
        %bitcast3A_457 = vector.bitcast %shift_left3A_456 : vector<16xi32> to vector<16xf32>
        %shift_left3A_458 = arith.constant 16 : i32
        %shift_left3A_459 = vector.broadcast %shift_left3A_458 : i32 to vector<16xi32>
        %shift_left3A_460 = arith.shli %get3A_453, %shift_left3A_459 : vector<16xi32>
        %bitcast3A_461 = vector.bitcast %shift_left3A_460 : vector<16xi32> to vector<16xf32>
        %and3A_462 = arith.constant -65536 : i32
        %and3A_463 = vector.broadcast %and3A_462 : i32 to vector<16xi32>
        %and3A_464 = arith.andi %get3A_450, %and3A_463 : vector<16xi32>
        %bitcast3A_465 = vector.bitcast %and3A_464 : vector<16xi32> to vector<16xf32>
        %and3A_466 = arith.constant -65536 : i32
        %and3A_467 = vector.broadcast %and3A_466 : i32 to vector<16xi32>
        %and3A_468 = arith.andi %get3A_453, %and3A_467 : vector<16xi32>
        %bitcast3A_469 = vector.bitcast %and3A_468 : vector<16xi32> to vector<16xf32>
        %mul3A_470 = arith.mulf %bitcast3A_457, %bitcast3A_461 : vector<16xf32>
        %bitcast3A_471 = vector.bitcast %mul3A_470 : vector<16xf32> to vector<16xi32>
        %mul3A_472 = arith.mulf %bitcast3A_465, %bitcast3A_469 : vector<16xf32>
        %bitcast3A_473 = vector.bitcast %mul3A_472 : vector<16xf32> to vector<16xi32>
        %add3A_474 = arith.constant 32768 : i32
        %add3A_475 = vector.broadcast %add3A_474 : i32 to vector<16xi32>
        %add3A_476 = arith.addi %bitcast3A_471, %add3A_475 : vector<16xi32>
        %shift_right_logical3A_477 = arith.constant 16 : i32
        %shift_right_logical3A_478 = vector.broadcast %shift_right_logical3A_477 : i32 to vector<16xi32>
        %shift_right_logical3A_479 = arith.shrui %add3A_476, %shift_right_logical3A_478 : vector<16xi32>
        %add3A_480 = arith.constant 32768 : i32
        %add3A_481 = vector.broadcast %add3A_480 : i32 to vector<16xi32>
        %add3A_482 = arith.addi %bitcast3A_473, %add3A_481 : vector<16xi32>
        %and3A_483 = arith.constant -65536 : i32
        %and3A_484 = vector.broadcast %and3A_483 : i32 to vector<16xi32>
        %and3A_485 = arith.andi %add3A_482, %and3A_484 : vector<16xi32>
        %or3A_486 = arith.ori %shift_right_logical3A_479, %and3A_485 : vector<16xi32>
        %swap3A_487 = arith.index_cast %scan3A_365 : i32 to index
        %swap3A_488 = arith.constant 32 : index
        %swap3A_489 = tpu.vector_load %arg22[%swap3A_487, %swap3A_488] {strides = array<i32>} : memref<40x128xi32, #tpu.memory_space<vmem>>, vector<16xi32>,
        tpu.vector_store %arg22[%swap3A_487, %swap3A_488], %or3A_486 {strides = array<i32>} : memref<40x128xi32, #tpu.memory_space<vmem>>, vector<16xi32>,
        %get3A_490 = arith.index_cast %add3A_369 : i32 to index
        %get3A_491 = arith.constant 48 : index
        %get3A_492 = tpu.vector_load %arg12[%get3A_490, %get3A_491] {strides = array<i32>} : memref<80x64xi32, #tpu.memory_space<vmem>>, vector<16xi32>,
        %get3A_493 = arith.index_cast %add3A_369 : i32 to index
        %get3A_494 = arith.constant 48 : index
        %get3A_495 = tpu.vector_load %arg17[%get3A_493, %get3A_494] {strides = array<i32>} : memref<80x64xi32, #tpu.memory_space<vmem>>, vector<16xi32>,
        %shift_left3A_496 = arith.constant 16 : i32
        %shift_left3A_497 = vector.broadcast %shift_left3A_496 : i32 to vector<16xi32>
        %shift_left3A_498 = arith.shli %get3A_492, %shift_left3A_497 : vector<16xi32>
        %bitcast3A_499 = vector.bitcast %shift_left3A_498 : vector<16xi32> to vector<16xf32>
        %shift_left3A_500 = arith.constant 16 : i32
        %shift_left3A_501 = vector.broadcast %shift_left3A_500 : i32 to vector<16xi32>
        %shift_left3A_502 = arith.shli %get3A_495, %shift_left3A_501 : vector<16xi32>
        %bitcast3A_503 = vector.bitcast %shift_left3A_502 : vector<16xi32> to vector<16xf32>
        %and3A_504 = arith.constant -65536 : i32
        %and3A_505 = vector.broadcast %and3A_504 : i32 to vector<16xi32>
        %and3A_506 = arith.andi %get3A_492, %and3A_505 : vector<16xi32>
        %bitcast3A_507 = vector.bitcast %and3A_506 : vector<16xi32> to vector<16xf32>
        %and3A_508 = arith.constant -65536 : i32
        %and3A_509 = vector.broadcast %and3A_508 : i32 to vector<16xi32>
        %and3A_510 = arith.andi %get3A_495, %and3A_509 : vector<16xi32>
        %bitcast3A_511 = vector.bitcast %and3A_510 : vector<16xi32> to vector<16xf32>
        %mul3A_512 = arith.mulf %bitcast3A_499, %bitcast3A_503 : vector<16xf32>
        %bitcast3A_513 = vector.bitcast %mul3A_512 : vector<16xf32> to vector<16xi32>
        %mul3A_514 = arith.mulf %bitcast3A_507, %bitcast3A_511 : vector<16xf32>
        %bitcast3A_515 = vector.bitcast %mul3A_514 : vector<16xf32> to vector<16xi32>
        %add3A_516 = arith.constant 32768 : i32
        %add3A_517 = vector.broadcast %add3A_516 : i32 to vector<16xi32>
        %add3A_518 = arith.addi %bitcast3A_513, %add3A_517 : vector<16xi32>
        %shift_right_logical3A_519 = arith.constant 16 : i32
        %shift_right_logical3A_520 = vector.broadcast %shift_right_logical3A_519 : i32 to vector<16xi32>
        %shift_right_logical3A_521 = arith.shrui %add3A_518, %shift_right_logical3A_520 : vector<16xi32>
        %add3A_522 = arith.constant 32768 : i32
        %add3A_523 = vector.broadcast %add3A_522 : i32 to vector<16xi32>
        %add3A_524 = arith.addi %bitcast3A_515, %add3A_523 : vector<16xi32>
        %and3A_525 = arith.constant -65536 : i32
        %and3A_526 = vector.broadcast %and3A_525 : i32 to vector<16xi32>
        %and3A_527 = arith.andi %add3A_524, %and3A_526 : vector<16xi32>
        %or3A_528 = arith.ori %shift_right_logical3A_521, %and3A_527 : vector<16xi32>
        %swap3A_529 = arith.index_cast %scan3A_365 : i32 to index
        %swap3A_530 = arith.constant 48 : index
        %swap3A_531 = tpu.vector_load %arg22[%swap3A_529, %swap3A_530] {strides = array<i32>} : memref<40x128xi32, #tpu.memory_space<vmem>>, vector<16xi32>,
        tpu.vector_store %arg22[%swap3A_529, %swap3A_530], %or3A_528 {strides = array<i32>} : memref<40x128xi32, #tpu.memory_space<vmem>>, vector<16xi32>,
        %mul3A_532 = arith.constant 2 : i32
        %mul3A_533 = arith.muli %scan3A_365, %mul3A_532 : i32
        %add3A_534 = arith.constant 1 : i32
        %add3A_535 = arith.addi %mul3A_533, %add3A_534 : i32
        %get3A_536 = arith.index_cast %add3A_535 : i32 to index
        %get3A_537 = arith.constant 0 : index
        %get3A_538 = tpu.vector_load %arg12[%get3A_536, %get3A_537] {strides = array<i32>} : memref<80x64xi32, #tpu.memory_space<vmem>>, vector<16xi32>,
        %get3A_539 = arith.index_cast %add3A_535 : i32 to index
        %get3A_540 = arith.constant 0 : index
        %get3A_541 = tpu.vector_load %arg17[%get3A_539, %get3A_540] {strides = array<i32>} : memref<80x64xi32, #tpu.memory_space<vmem>>, vector<16xi32>,
        %shift_left3A_542 = arith.constant 16 : i32
        %shift_left3A_543 = vector.broadcast %shift_left3A_542 : i32 to vector<16xi32>
        %shift_left3A_544 = arith.shli %get3A_538, %shift_left3A_543 : vector<16xi32>
        %bitcast3A_545 = vector.bitcast %shift_left3A_544 : vector<16xi32> to vector<16xf32>
        %shift_left3A_546 = arith.constant 16 : i32
        %shift_left3A_547 = vector.broadcast %shift_left3A_546 : i32 to vector<16xi32>
        %shift_left3A_548 = arith.shli %get3A_541, %shift_left3A_547 : vector<16xi32>
        %bitcast3A_549 = vector.bitcast %shift_left3A_548 : vector<16xi32> to vector<16xf32>
        %and3A_550 = arith.constant -65536 : i32
        %and3A_551 = vector.broadcast %and3A_550 : i32 to vector<16xi32>
        %and3A_552 = arith.andi %get3A_538, %and3A_551 : vector<16xi32>
        %bitcast3A_553 = vector.bitcast %and3A_552 : vector<16xi32> to vector<16xf32>
        %and3A_554 = arith.constant -65536 : i32
        %and3A_555 = vector.broadcast %and3A_554 : i32 to vector<16xi32>
        %and3A_556 = arith.andi %get3A_541, %and3A_555 : vector<16xi32>
        %bitcast3A_557 = vector.bitcast %and3A_556 : vector<16xi32> to vector<16xf32>
        %mul3A_558 = arith.mulf %bitcast3A_545, %bitcast3A_549 : vector<16xf32>
        %bitcast3A_559 = vector.bitcast %mul3A_558 : vector<16xf32> to vector<16xi32>
        %mul3A_560 = arith.mulf %bitcast3A_553, %bitcast3A_557 : vector<16xf32>
        %bitcast3A_561 = vector.bitcast %mul3A_560 : vector<16xf32> to vector<16xi32>
        %add3A_562 = arith.constant 32768 : i32
        %add3A_563 = vector.broadcast %add3A_562 : i32 to vector<16xi32>
        %add3A_564 = arith.addi %bitcast3A_559, %add3A_563 : vector<16xi32>
        %shift_right_logical3A_565 = arith.constant 16 : i32
        %shift_right_logical3A_566 = vector.broadcast %shift_right_logical3A_565 : i32 to vector<16xi32>
        %shift_right_logical3A_567 = arith.shrui %add3A_564, %shift_right_logical3A_566 : vector<16xi32>
        %add3A_568 = arith.constant 32768 : i32
        %add3A_569 = vector.broadcast %add3A_568 : i32 to vector<16xi32>
        %add3A_570 = arith.addi %bitcast3A_561, %add3A_569 : vector<16xi32>
        %and3A_571 = arith.constant -65536 : i32
        %and3A_572 = vector.broadcast %and3A_571 : i32 to vector<16xi32>
        %and3A_573 = arith.andi %add3A_570, %and3A_572 : vector<16xi32>
        %or3A_574 = arith.ori %shift_right_logical3A_567, %and3A_573 : vector<16xi32>
        %swap3A_575 = arith.index_cast %scan3A_365 : i32 to index
        %swap3A_576 = arith.constant 64 : index
        %swap3A_577 = tpu.vector_load %arg22[%swap3A_575, %swap3A_576] {strides = array<i32>} : memref<40x128xi32, #tpu.memory_space<vmem>>, vector<16xi32>,
        tpu.vector_store %arg22[%swap3A_575, %swap3A_576], %or3A_574 {strides = array<i32>} : memref<40x128xi32, #tpu.memory_space<vmem>>, vector<16xi32>,
        %get3A_578 = arith.index_cast %add3A_535 : i32 to index
        %get3A_579 = arith.constant 16 : index
        %get3A_580 = tpu.vector_load %arg12[%get3A_578, %get3A_579] {strides = array<i32>} : memref<80x64xi32, #tpu.memory_space<vmem>>, vector<16xi32>,
        %get3A_581 = arith.index_cast %add3A_535 : i32 to index
        %get3A_582 = arith.constant 16 : index
        %get3A_583 = tpu.vector_load %arg17[%get3A_581, %get3A_582] {strides = array<i32>} : memref<80x64xi32, #tpu.memory_space<vmem>>, vector<16xi32>,
        %shift_left3A_584 = arith.constant 16 : i32
        %shift_left3A_585 = vector.broadcast %shift_left3A_584 : i32 to vector<16xi32>
        %shift_left3A_586 = arith.shli %get3A_580, %shift_left3A_585 : vector<16xi32>
        %bitcast3A_587 = vector.bitcast %shift_left3A_586 : vector<16xi32> to vector<16xf32>
        %shift_left3A_588 = arith.constant 16 : i32
        %shift_left3A_589 = vector.broadcast %shift_left3A_588 : i32 to vector<16xi32>
        %shift_left3A_590 = arith.shli %get3A_583, %shift_left3A_589 : vector<16xi32>
        %bitcast3A_591 = vector.bitcast %shift_left3A_590 : vector<16xi32> to vector<16xf32>
        %and3A_592 = arith.constant -65536 : i32
        %and3A_593 = vector.broadcast %and3A_592 : i32 to vector<16xi32>
        %and3A_594 = arith.andi %get3A_580, %and3A_593 : vector<16xi32>
        %bitcast3A_595 = vector.bitcast %and3A_594 : vector<16xi32> to vector<16xf32>
        %and3A_596 = arith.constant -65536 : i32
        %and3A_597 = vector.broadcast %and3A_596 : i32 to vector<16xi32>
        %and3A_598 = arith.andi %get3A_583, %and3A_597 : vector<16xi32>
        %bitcast3A_599 = vector.bitcast %and3A_598 : vector<16xi32> to vector<16xf32>
        %mul3A_600 = arith.mulf %bitcast3A_587, %bitcast3A_591 : vector<16xf32>
        %bitcast3A_601 = vector.bitcast %mul3A_600 : vector<16xf32> to vector<16xi32>
        %mul3A_602 = arith.mulf %bitcast3A_595, %bitcast3A_599 : vector<16xf32>
        %bitcast3A_603 = vector.bitcast %mul3A_602 : vector<16xf32> to vector<16xi32>
        %add3A_604 = arith.constant 32768 : i32
        %add3A_605 = vector.broadcast %add3A_604 : i32 to vector<16xi32>
        %add3A_606 = arith.addi %bitcast3A_601, %add3A_605 : vector<16xi32>
        %shift_right_logical3A_607 = arith.constant 16 : i32
        %shift_right_logical3A_608 = vector.broadcast %shift_right_logical3A_607 : i32 to vector<16xi32>
        %shift_right_logical3A_609 = arith.shrui %add3A_606, %shift_right_logical3A_608 : vector<16xi32>
        %add3A_610 = arith.constant 32768 : i32
        %add3A_611 = vector.broadcast %add3A_610 : i32 to vector<16xi32>
        %add3A_612 = arith.addi %bitcast3A_603, %add3A_611 : vector<16xi32>
        %and3A_613 = arith.constant -65536 : i32
        %and3A_614 = vector.broadcast %and3A_613 : i32 to vector<16xi32>
        %and3A_615 = arith.andi %add3A_612, %and3A_614 : vector<16xi32>
        %or3A_616 = arith.ori %shift_right_logical3A_609, %and3A_615 : vector<16xi32>
        %swap3A_617 = arith.index_cast %scan3A_365 : i32 to index
        %swap3A_618 = arith.constant 80 : index
        %swap3A_619 = tpu.vector_load %arg22[%swap3A_617, %swap3A_618] {strides = array<i32>} : memref<40x128xi32, #tpu.memory_space<vmem>>, vector<16xi32>,
        tpu.vector_store %arg22[%swap3A_617, %swap3A_618], %or3A_616 {strides = array<i32>} : memref<40x128xi32, #tpu.memory_space<vmem>>, vector<16xi32>,
        %get3A_620 = arith.index_cast %add3A_535 : i32 to index
        %get3A_621 = arith.constant 32 : index
        %get3A_622 = tpu.vector_load %arg12[%get3A_620, %get3A_621] {strides = array<i32>} : memref<80x64xi32, #tpu.memory_space<vmem>>, vector<16xi32>,
        %get3A_623 = arith.index_cast %add3A_535 : i32 to index
        %get3A_624 = arith.constant 32 : index
        %get3A_625 = tpu.vector_load %arg17[%get3A_623, %get3A_624] {strides = array<i32>} : memref<80x64xi32, #tpu.memory_space<vmem>>, vector<16xi32>,
        %shift_left3A_626 = arith.constant 16 : i32
        %shift_left3A_627 = vector.broadcast %shift_left3A_626 : i32 to vector<16xi32>
        %shift_left3A_628 = arith.shli %get3A_622, %shift_left3A_627 : vector<16xi32>
        %bitcast3A_629 = vector.bitcast %shift_left3A_628 : vector<16xi32> to vector<16xf32>
        %shift_left3A_630 = arith.constant 16 : i32
        %shift_left3A_631 = vector.broadcast %shift_left3A_630 : i32 to vector<16xi32>
        %shift_left3A_632 = arith.shli %get3A_625, %shift_left3A_631 : vector<16xi32>
        %bitcast3A_633 = vector.bitcast %shift_left3A_632 : vector<16xi32> to vector<16xf32>
        %and3A_634 = arith.constant -65536 : i32
        %and3A_635 = vector.broadcast %and3A_634 : i32 to vector<16xi32>
        %and3A_636 = arith.andi %get3A_622, %and3A_635 : vector<16xi32>
        %bitcast3A_637 = vector.bitcast %and3A_636 : vector<16xi32> to vector<16xf32>
        %and3A_638 = arith.constant -65536 : i32
        %and3A_639 = vector.broadcast %and3A_638 : i32 to vector<16xi32>
        %and3A_640 = arith.andi %get3A_625, %and3A_639 : vector<16xi32>
        %bitcast3A_641 = vector.bitcast %and3A_640 : vector<16xi32> to vector<16xf32>
        %mul3A_642 = arith.mulf %bitcast3A_629, %bitcast3A_633 : vector<16xf32>
        %bitcast3A_643 = vector.bitcast %mul3A_642 : vector<16xf32> to vector<16xi32>
        %mul3A_644 = arith.mulf %bitcast3A_637, %bitcast3A_641 : vector<16xf32>
        %bitcast3A_645 = vector.bitcast %mul3A_644 : vector<16xf32> to vector<16xi32>
        %add3A_646 = arith.constant 32768 : i32
        %add3A_647 = vector.broadcast %add3A_646 : i32 to vector<16xi32>
        %add3A_648 = arith.addi %bitcast3A_643, %add3A_647 : vector<16xi32>
        %shift_right_logical3A_649 = arith.constant 16 : i32
        %shift_right_logical3A_650 = vector.broadcast %shift_right_logical3A_649 : i32 to vector<16xi32>
        %shift_right_logical3A_651 = arith.shrui %add3A_648, %shift_right_logical3A_650 : vector<16xi32>
        %add3A_652 = arith.constant 32768 : i32
        %add3A_653 = vector.broadcast %add3A_652 : i32 to vector<16xi32>
        %add3A_654 = arith.addi %bitcast3A_645, %add3A_653 : vector<16xi32>
        %and3A_655 = arith.constant -65536 : i32
        %and3A_656 = vector.broadcast %and3A_655 : i32 to vector<16xi32>
        %and3A_657 = arith.andi %add3A_654, %and3A_656 : vector<16xi32>
        %or3A_658 = arith.ori %shift_right_logical3A_651, %and3A_657 : vector<16xi32>
        %swap3A_659 = arith.index_cast %scan3A_365 : i32 to index
        %swap3A_660 = arith.constant 96 : index
        %swap3A_661 = tpu.vector_load %arg22[%swap3A_659, %swap3A_660] {strides = array<i32>} : memref<40x128xi32, #tpu.memory_space<vmem>>, vector<16xi32>,
        tpu.vector_store %arg22[%swap3A_659, %swap3A_660], %or3A_658 {strides = array<i32>} : memref<40x128xi32, #tpu.memory_space<vmem>>, vector<16xi32>,
        %get3A_662 = arith.index_cast %add3A_535 : i32 to index
        %get3A_663 = arith.constant 48 : index
        %get3A_664 = tpu.vector_load %arg12[%get3A_662, %get3A_663] {strides = array<i32>} : memref<80x64xi32, #tpu.memory_space<vmem>>, vector<16xi32>,
        %get3A_665 = arith.index_cast %add3A_535 : i32 to index
        %get3A_666 = arith.constant 48 : index
        %get3A_667 = tpu.vector_load %arg17[%get3A_665, %get3A_666] {strides = array<i32>} : memref<80x64xi32, #tpu.memory_space<vmem>>, vector<16xi32>,
        %shift_left3A_668 = arith.constant 16 : i32
        %shift_left3A_669 = vector.broadcast %shift_left3A_668 : i32 to vector<16xi32>
        %shift_left3A_670 = arith.shli %get3A_664, %shift_left3A_669 : vector<16xi32>
        %bitcast3A_671 = vector.bitcast %shift_left3A_670 : vector<16xi32> to vector<16xf32>
        %shift_left3A_672 = arith.constant 16 : i32
        %shift_left3A_673 = vector.broadcast %shift_left3A_672 : i32 to vector<16xi32>
        %shift_left3A_674 = arith.shli %get3A_667, %shift_left3A_673 : vector<16xi32>
        %bitcast3A_675 = vector.bitcast %shift_left3A_674 : vector<16xi32> to vector<16xf32>
        %and3A_676 = arith.constant -65536 : i32
        %and3A_677 = vector.broadcast %and3A_676 : i32 to vector<16xi32>
        %and3A_678 = arith.andi %get3A_664, %and3A_677 : vector<16xi32>
        %bitcast3A_679 = vector.bitcast %and3A_678 : vector<16xi32> to vector<16xf32>
        %and3A_680 = arith.constant -65536 : i32
        %and3A_681 = vector.broadcast %and3A_680 : i32 to vector<16xi32>
        %and3A_682 = arith.andi %get3A_667, %and3A_681 : vector<16xi32>
        %bitcast3A_683 = vector.bitcast %and3A_682 : vector<16xi32> to vector<16xf32>
        %mul3A_684 = arith.mulf %bitcast3A_671, %bitcast3A_675 : vector<16xf32>
        %bitcast3A_685 = vector.bitcast %mul3A_684 : vector<16xf32> to vector<16xi32>
        %mul3A_686 = arith.mulf %bitcast3A_679, %bitcast3A_683 : vector<16xf32>
        %bitcast3A_687 = vector.bitcast %mul3A_686 : vector<16xf32> to vector<16xi32>
        %add3A_688 = arith.constant 32768 : i32
        %add3A_689 = vector.broadcast %add3A_688 : i32 to vector<16xi32>
        %add3A_690 = arith.addi %bitcast3A_685, %add3A_689 : vector<16xi32>
        %shift_right_logical3A_691 = arith.constant 16 : i32
        %shift_right_logical3A_692 = vector.broadcast %shift_right_logical3A_691 : i32 to vector<16xi32>
        %shift_right_logical3A_693 = arith.shrui %add3A_690, %shift_right_logical3A_692 : vector<16xi32>
        %add3A_694 = arith.constant 32768 : i32
        %add3A_695 = vector.broadcast %add3A_694 : i32 to vector<16xi32>
        %add3A_696 = arith.addi %bitcast3A_687, %add3A_695 : vector<16xi32>
        %and3A_697 = arith.constant -65536 : i32
        %and3A_698 = vector.broadcast %and3A_697 : i32 to vector<16xi32>
        %and3A_699 = arith.andi %add3A_696, %and3A_698 : vector<16xi32>
        %or3A_700 = arith.ori %shift_right_logical3A_693, %and3A_699 : vector<16xi32>
        %swap3A_701 = arith.index_cast %scan3A_365 : i32 to index
        %swap3A_702 = arith.constant 112 : index
        %swap3A_703 = tpu.vector_load %arg22[%swap3A_701, %swap3A_702] {strides = array<i32>} : memref<40x128xi32, #tpu.memory_space<vmem>>, vector<16xi32>,
        tpu.vector_store %arg22[%swap3A_701, %swap3A_702], %or3A_700 {strides = array<i32>} : memref<40x128xi32, #tpu.memory_space<vmem>>, vector<16xi32>,
        %scan3A_704 = arith.constant 1 : i32
        %scan3A_705 = arith.addi %scan3A_365, %scan3A_704 : i32
        %mul3A_706 = arith.constant 2 : i32
        %mul3A_707 = arith.muli %scan3A_705, %mul3A_706 : i32
        %add3A_708 = arith.constant 0 : i32
        %add3A_709 = arith.addi %mul3A_707, %add3A_708 : i32
        %get3A_710 = arith.index_cast %add3A_709 : i32 to index
        %get3A_711 = arith.constant 0 : index
        %get3A_712 = tpu.vector_load %arg12[%get3A_710, %get3A_711] {strides = array<i32>} : memref<80x64xi32, #tpu.memory_space<vmem>>, vector<16xi32>,
        %get3A_713 = arith.index_cast %add3A_709 : i32 to index
        %get3A_714 = arith.constant 0 : index
        %get3A_715 = tpu.vector_load %arg17[%get3A_713, %get3A_714] {strides = array<i32>} : memref<80x64xi32, #tpu.memory_space<vmem>>, vector<16xi32>,
        %shift_left3A_716 = arith.constant 16 : i32
        %shift_left3A_717 = vector.broadcast %shift_left3A_716 : i32 to vector<16xi32>
        %shift_left3A_718 = arith.shli %get3A_712, %shift_left3A_717 : vector<16xi32>
        %bitcast3A_719 = vector.bitcast %shift_left3A_718 : vector<16xi32> to vector<16xf32>
        %shift_left3A_720 = arith.constant 16 : i32
        %shift_left3A_721 = vector.broadcast %shift_left3A_720 : i32 to vector<16xi32>
        %shift_left3A_722 = arith.shli %get3A_715, %shift_left3A_721 : vector<16xi32>
        %bitcast3A_723 = vector.bitcast %shift_left3A_722 : vector<16xi32> to vector<16xf32>
        %and3A_724 = arith.constant -65536 : i32
        %and3A_725 = vector.broadcast %and3A_724 : i32 to vector<16xi32>
        %and3A_726 = arith.andi %get3A_712, %and3A_725 : vector<16xi32>
        %bitcast3A_727 = vector.bitcast %and3A_726 : vector<16xi32> to vector<16xf32>
        %and3A_728 = arith.constant -65536 : i32
        %and3A_729 = vector.broadcast %and3A_728 : i32 to vector<16xi32>
        %and3A_730 = arith.andi %get3A_715, %and3A_729 : vector<16xi32>
        %bitcast3A_731 = vector.bitcast %and3A_730 : vector<16xi32> to vector<16xf32>
        %mul3A_732 = arith.mulf %bitcast3A_719, %bitcast3A_723 : vector<16xf32>
        %bitcast3A_733 = vector.bitcast %mul3A_732 : vector<16xf32> to vector<16xi32>
        %mul3A_734 = arith.mulf %bitcast3A_727, %bitcast3A_731 : vector<16xf32>
        %bitcast3A_735 = vector.bitcast %mul3A_734 : vector<16xf32> to vector<16xi32>
        %add3A_736 = arith.constant 32768 : i32
        %add3A_737 = vector.broadcast %add3A_736 : i32 to vector<16xi32>
        %add3A_738 = arith.addi %bitcast3A_733, %add3A_737 : vector<16xi32>
        %shift_right_logical3A_739 = arith.constant 16 : i32
        %shift_right_logical3A_740 = vector.broadcast %shift_right_logical3A_739 : i32 to vector<16xi32>
        %shift_right_logical3A_741 = arith.shrui %add3A_738, %shift_right_logical3A_740 : vector<16xi32>
        %add3A_742 = arith.constant 32768 : i32
        %add3A_743 = vector.broadcast %add3A_742 : i32 to vector<16xi32>
        %add3A_744 = arith.addi %bitcast3A_735, %add3A_743 : vector<16xi32>
        %and3A_745 = arith.constant -65536 : i32
        %and3A_746 = vector.broadcast %and3A_745 : i32 to vector<16xi32>
        %and3A_747 = arith.andi %add3A_744, %and3A_746 : vector<16xi32>
        %or3A_748 = arith.ori %shift_right_logical3A_741, %and3A_747 : vector<16xi32>
        %swap3A_749 = arith.index_cast %scan3A_705 : i32 to index
        %swap3A_750 = arith.constant 0 : index
        %swap3A_751 = tpu.vector_load %arg22[%swap3A_749, %swap3A_750] {strides = array<i32>} : memref<40x128xi32, #tpu.memory_space<vmem>>, vector<16xi32>,
        tpu.vector_store %arg22[%swap3A_749, %swap3A_750], %or3A_748 {strides = array<i32>} : memref<40x128xi32, #tpu.memory_space<vmem>>, vector<16xi32>,
        %get3A_752 = arith.index_cast %add3A_709 : i32 to index
        %get3A_753 = arith.constant 16 : index
        %get3A_754 = tpu.vector_load %arg12[%get3A_752, %get3A_753] {strides = array<i32>} : memref<80x64xi32, #tpu.memory_space<vmem>>, vector<16xi32>,
        %get3A_755 = arith.index_cast %add3A_709 : i32 to index
        %get3A_756 = arith.constant 16 : index
        %get3A_757 = tpu.vector_load %arg17[%get3A_755, %get3A_756] {strides = array<i32>} : memref<80x64xi32, #tpu.memory_space<vmem>>, vector<16xi32>,
        %shift_left3A_758 = arith.constant 16 : i32
        %shift_left3A_759 = vector.broadcast %shift_left3A_758 : i32 to vector<16xi32>
        %shift_left3A_760 = arith.shli %get3A_754, %shift_left3A_759 : vector<16xi32>
        %bitcast3A_761 = vector.bitcast %shift_left3A_760 : vector<16xi32> to vector<16xf32>
        %shift_left3A_762 = arith.constant 16 : i32
        %shift_left3A_763 = vector.broadcast %shift_left3A_762 : i32 to vector<16xi32>
        %shift_left3A_764 = arith.shli %get3A_757, %shift_left3A_763 : vector<16xi32>
        %bitcast3A_765 = vector.bitcast %shift_left3A_764 : vector<16xi32> to vector<16xf32>
        %and3A_766 = arith.constant -65536 : i32
        %and3A_767 = vector.broadcast %and3A_766 : i32 to vector<16xi32>
        %and3A_768 = arith.andi %get3A_754, %and3A_767 : vector<16xi32>
        %bitcast3A_769 = vector.bitcast %and3A_768 : vector<16xi32> to vector<16xf32>
        %and3A_770 = arith.constant -65536 : i32
        %and3A_771 = vector.broadcast %and3A_770 : i32 to vector<16xi32>
        %and3A_772 = arith.andi %get3A_757, %and3A_771 : vector<16xi32>
        %bitcast3A_773 = vector.bitcast %and3A_772 : vector<16xi32> to vector<16xf32>
        %mul3A_774 = arith.mulf %bitcast3A_761, %bitcast3A_765 : vector<16xf32>
        %bitcast3A_775 = vector.bitcast %mul3A_774 : vector<16xf32> to vector<16xi32>
        %mul3A_776 = arith.mulf %bitcast3A_769, %bitcast3A_773 : vector<16xf32>
        %bitcast3A_777 = vector.bitcast %mul3A_776 : vector<16xf32> to vector<16xi32>
        %add3A_778 = arith.constant 32768 : i32
        %add3A_779 = vector.broadcast %add3A_778 : i32 to vector<16xi32>
        %add3A_780 = arith.addi %bitcast3A_775, %add3A_779 : vector<16xi32>
        %shift_right_logical3A_781 = arith.constant 16 : i32
        %shift_right_logical3A_782 = vector.broadcast %shift_right_logical3A_781 : i32 to vector<16xi32>
        %shift_right_logical3A_783 = arith.shrui %add3A_780, %shift_right_logical3A_782 : vector<16xi32>
        %add3A_784 = arith.constant 32768 : i32
        %add3A_785 = vector.broadcast %add3A_784 : i32 to vector<16xi32>
        %add3A_786 = arith.addi %bitcast3A_777, %add3A_785 : vector<16xi32>
        %and3A_787 = arith.constant -65536 : i32
        %and3A_788 = vector.broadcast %and3A_787 : i32 to vector<16xi32>
        %and3A_789 = arith.andi %add3A_786, %and3A_788 : vector<16xi32>
        %or3A_790 = arith.ori %shift_right_logical3A_783, %and3A_789 : vector<16xi32>
        %swap3A_791 = arith.index_cast %scan3A_705 : i32 to index
        %swap3A_792 = arith.constant 16 : index
        %swap3A_793 = tpu.vector_load %arg22[%swap3A_791, %swap3A_792] {strides = array<i32>} : memref<40x128xi32, #tpu.memory_space<vmem>>, vector<16xi32>,
        tpu.vector_store %arg22[%swap3A_791, %swap3A_792], %or3A_790 {strides = array<i32>} : memref<40x128xi32, #tpu.memory_space<vmem>>, vector<16xi32>,
        %get3A_794 = arith.index_cast %add3A_709 : i32 to index
        %get3A_795 = arith.constant 32 : index
        %get3A_796 = tpu.vector_load %arg12[%get3A_794, %get3A_795] {strides = array<i32>} : memref<80x64xi32, #tpu.memory_space<vmem>>, vector<16xi32>,
        %get3A_797 = arith.index_cast %add3A_709 : i32 to index
        %get3A_798 = arith.constant 32 : index
        %get3A_799 = tpu.vector_load %arg17[%get3A_797, %get3A_798] {strides = array<i32>} : memref<80x64xi32, #tpu.memory_space<vmem>>, vector<16xi32>,
        %shift_left3A_800 = arith.constant 16 : i32
        %shift_left3A_801 = vector.broadcast %shift_left3A_800 : i32 to vector<16xi32>
        %shift_left3A_802 = arith.shli %get3A_796, %shift_left3A_801 : vector<16xi32>
        %bitcast3A_803 = vector.bitcast %shift_left3A_802 : vector<16xi32> to vector<16xf32>
        %shift_left3A_804 = arith.constant 16 : i32
        %shift_left3A_805 = vector.broadcast %shift_left3A_804 : i32 to vector<16xi32>
        %shift_left3A_806 = arith.shli %get3A_799, %shift_left3A_805 : vector<16xi32>
        %bitcast3A_807 = vector.bitcast %shift_left3A_806 : vector<16xi32> to vector<16xf32>
        %and3A_808 = arith.constant -65536 : i32
        %and3A_809 = vector.broadcast %and3A_808 : i32 to vector<16xi32>
        %and3A_810 = arith.andi %get3A_796, %and3A_809 : vector<16xi32>
        %bitcast3A_811 = vector.bitcast %and3A_810 : vector<16xi32> to vector<16xf32>
        %and3A_812 = arith.constant -65536 : i32
        %and3A_813 = vector.broadcast %and3A_812 : i32 to vector<16xi32>
        %and3A_814 = arith.andi %get3A_799, %and3A_813 : vector<16xi32>
        %bitcast3A_815 = vector.bitcast %and3A_814 : vector<16xi32> to vector<16xf32>
        %mul3A_816 = arith.mulf %bitcast3A_803, %bitcast3A_807 : vector<16xf32>
        %bitcast3A_817 = vector.bitcast %mul3A_816 : vector<16xf32> to vector<16xi32>
        %mul3A_818 = arith.mulf %bitcast3A_811, %bitcast3A_815 : vector<16xf32>
        %bitcast3A_819 = vector.bitcast %mul3A_818 : vector<16xf32> to vector<16xi32>
        %add3A_820 = arith.constant 32768 : i32
        %add3A_821 = vector.broadcast %add3A_820 : i32 to vector<16xi32>
        %add3A_822 = arith.addi %bitcast3A_817, %add3A_821 : vector<16xi32>
        %shift_right_logical3A_823 = arith.constant 16 : i32
        %shift_right_logical3A_824 = vector.broadcast %shift_right_logical3A_823 : i32 to vector<16xi32>
        %shift_right_logical3A_825 = arith.shrui %add3A_822, %shift_right_logical3A_824 : vector<16xi32>
        %add3A_826 = arith.constant 32768 : i32
        %add3A_827 = vector.broadcast %add3A_826 : i32 to vector<16xi32>
        %add3A_828 = arith.addi %bitcast3A_819, %add3A_827 : vector<16xi32>
        %and3A_829 = arith.constant -65536 : i32
        %and3A_830 = vector.broadcast %and3A_829 : i32 to vector<16xi32>
        %and3A_831 = arith.andi %add3A_828, %and3A_830 : vector<16xi32>
        %or3A_832 = arith.ori %shift_right_logical3A_825, %and3A_831 : vector<16xi32>
        %swap3A_833 = arith.index_cast %scan3A_705 : i32 to index
        %swap3A_834 = arith.constant 32 : index
        %swap3A_835 = tpu.vector_load %arg22[%swap3A_833, %swap3A_834] {strides = array<i32>} : memref<40x128xi32, #tpu.memory_space<vmem>>, vector<16xi32>,
        tpu.vector_store %arg22[%swap3A_833, %swap3A_834], %or3A_832 {strides = array<i32>} : memref<40x128xi32, #tpu.memory_space<vmem>>, vector<16xi32>,
        %get3A_836 = arith.index_cast %add3A_709 : i32 to index
        %get3A_837 = arith.constant 48 : index
        %get3A_838 = tpu.vector_load %arg12[%get3A_836, %get3A_837] {strides = array<i32>} : memref<80x64xi32, #tpu.memory_space<vmem>>, vector<16xi32>,
        %get3A_839 = arith.index_cast %add3A_709 : i32 to index
        %get3A_840 = arith.constant 48 : index
        %get3A_841 = tpu.vector_load %arg17[%get3A_839, %get3A_840] {strides = array<i32>} : memref<80x64xi32, #tpu.memory_space<vmem>>, vector<16xi32>,
        %shift_left3A_842 = arith.constant 16 : i32
        %shift_left3A_843 = vector.broadcast %shift_left3A_842 : i32 to vector<16xi32>
        %shift_left3A_844 = arith.shli %get3A_838, %shift_left3A_843 : vector<16xi32>
        %bitcast3A_845 = vector.bitcast %shift_left3A_844 : vector<16xi32> to vector<16xf32>
        %shift_left3A_846 = arith.constant 16 : i32
        %shift_left3A_847 = vector.broadcast %shift_left3A_846 : i32 to vector<16xi32>
        %shift_left3A_848 = arith.shli %get3A_841, %shift_left3A_847 : vector<16xi32>
        %bitcast3A_849 = vector.bitcast %shift_left3A_848 : vector<16xi32> to vector<16xf32>
        %and3A_850 = arith.constant -65536 : i32
        %and3A_851 = vector.broadcast %and3A_850 : i32 to vector<16xi32>
        %and3A_852 = arith.andi %get3A_838, %and3A_851 : vector<16xi32>
        %bitcast3A_853 = vector.bitcast %and3A_852 : vector<16xi32> to vector<16xf32>
        %and3A_854 = arith.constant -65536 : i32
        %and3A_855 = vector.broadcast %and3A_854 : i32 to vector<16xi32>
        %and3A_856 = arith.andi %get3A_841, %and3A_855 : vector<16xi32>
        %bitcast3A_857 = vector.bitcast %and3A_856 : vector<16xi32> to vector<16xf32>
        %mul3A_858 = arith.mulf %bitcast3A_845, %bitcast3A_849 : vector<16xf32>
        %bitcast3A_859 = vector.bitcast %mul3A_858 : vector<16xf32> to vector<16xi32>
        %mul3A_860 = arith.mulf %bitcast3A_853, %bitcast3A_857 : vector<16xf32>
        %bitcast3A_861 = vector.bitcast %mul3A_860 : vector<16xf32> to vector<16xi32>
        %add3A_862 = arith.constant 32768 : i32
        %add3A_863 = vector.broadcast %add3A_862 : i32 to vector<16xi32>
        %add3A_864 = arith.addi %bitcast3A_859, %add3A_863 : vector<16xi32>
        %shift_right_logical3A_865 = arith.constant 16 : i32
        %shift_right_logical3A_866 = vector.broadcast %shift_right_logical3A_865 : i32 to vector<16xi32>
        %shift_right_logical3A_867 = arith.shrui %add3A_864, %shift_right_logical3A_866 : vector<16xi32>
        %add3A_868 = arith.constant 32768 : i32
        %add3A_869 = vector.broadcast %add3A_868 : i32 to vector<16xi32>
        %add3A_870 = arith.addi %bitcast3A_861, %add3A_869 : vector<16xi32>
        %and3A_871 = arith.constant -65536 : i32
        %and3A_872 = vector.broadcast %and3A_871 : i32 to vector<16xi32>
        %and3A_873 = arith.andi %add3A_870, %and3A_872 : vector<16xi32>
        %or3A_874 = arith.ori %shift_right_logical3A_867, %and3A_873 : vector<16xi32>
        %swap3A_875 = arith.index_cast %scan3A_705 : i32 to index
        %swap3A_876 = arith.constant 48 : index
        %swap3A_877 = tpu.vector_load %arg22[%swap3A_875, %swap3A_876] {strides = array<i32>} : memref<40x128xi32, #tpu.memory_space<vmem>>, vector<16xi32>,
        tpu.vector_store %arg22[%swap3A_875, %swap3A_876], %or3A_874 {strides = array<i32>} : memref<40x128xi32, #tpu.memory_space<vmem>>, vector<16xi32>,
        %mul3A_878 = arith.constant 2 : i32
        %mul3A_879 = arith.muli %scan3A_705, %mul3A_878 : i32
        %add3A_880 = arith.constant 1 : i32
        %add3A_881 = arith.addi %mul3A_879, %add3A_880 : i32
        %get3A_882 = arith.index_cast %add3A_881 : i32 to index
        %get3A_883 = arith.constant 0 : index
        %get3A_884 = tpu.vector_load %arg12[%get3A_882, %get3A_883] {strides = array<i32>} : memref<80x64xi32, #tpu.memory_space<vmem>>, vector<16xi32>,
        %get3A_885 = arith.index_cast %add3A_881 : i32 to index
        %get3A_886 = arith.constant 0 : index
        %get3A_887 = tpu.vector_load %arg17[%get3A_885, %get3A_886] {strides = array<i32>} : memref<80x64xi32, #tpu.memory_space<vmem>>, vector<16xi32>,
        %shift_left3A_888 = arith.constant 16 : i32
        %shift_left3A_889 = vector.broadcast %shift_left3A_888 : i32 to vector<16xi32>
        %shift_left3A_890 = arith.shli %get3A_884, %shift_left3A_889 : vector<16xi32>
        %bitcast3A_891 = vector.bitcast %shift_left3A_890 : vector<16xi32> to vector<16xf32>
        %shift_left3A_892 = arith.constant 16 : i32
        %shift_left3A_893 = vector.broadcast %shift_left3A_892 : i32 to vector<16xi32>
        %shift_left3A_894 = arith.shli %get3A_887, %shift_left3A_893 : vector<16xi32>
        %bitcast3A_895 = vector.bitcast %shift_left3A_894 : vector<16xi32> to vector<16xf32>
        %and3A_896 = arith.constant -65536 : i32
        %and3A_897 = vector.broadcast %and3A_896 : i32 to vector<16xi32>
        %and3A_898 = arith.andi %get3A_884, %and3A_897 : vector<16xi32>
        %bitcast3A_899 = vector.bitcast %and3A_898 : vector<16xi32> to vector<16xf32>
        %and3A_900 = arith.constant -65536 : i32
        %and3A_901 = vector.broadcast %and3A_900 : i32 to vector<16xi32>
        %and3A_902 = arith.andi %get3A_887, %and3A_901 : vector<16xi32>
        %bitcast3A_903 = vector.bitcast %and3A_902 : vector<16xi32> to vector<16xf32>
        %mul3A_904 = arith.mulf %bitcast3A_891, %bitcast3A_895 : vector<16xf32>
        %bitcast3A_905 = vector.bitcast %mul3A_904 : vector<16xf32> to vector<16xi32>
        %mul3A_906 = arith.mulf %bitcast3A_899, %bitcast3A_903 : vector<16xf32>
        %bitcast3A_907 = vector.bitcast %mul3A_906 : vector<16xf32> to vector<16xi32>
        %add3A_908 = arith.constant 32768 : i32
        %add3A_909 = vector.broadcast %add3A_908 : i32 to vector<16xi32>
        %add3A_910 = arith.addi %bitcast3A_905, %add3A_909 : vector<16xi32>
        %shift_right_logical3A_911 = arith.constant 16 : i32
        %shift_right_logical3A_912 = vector.broadcast %shift_right_logical3A_911 : i32 to vector<16xi32>
        %shift_right_logical3A_913 = arith.shrui %add3A_910, %shift_right_logical3A_912 : vector<16xi32>
        %add3A_914 = arith.constant 32768 : i32
        %add3A_915 = vector.broadcast %add3A_914 : i32 to vector<16xi32>
        %add3A_916 = arith.addi %bitcast3A_907, %add3A_915 : vector<16xi32>
        %and3A_917 = arith.constant -65536 : i32
        %and3A_918 = vector.broadcast %and3A_917 : i32 to vector<16xi32>
        %and3A_919 = arith.andi %add3A_916, %and3A_918 : vector<16xi32>
        %or3A_920 = arith.ori %shift_right_logical3A_913, %and3A_919 : vector<16xi32>
        %swap3A_921 = arith.index_cast %scan3A_705 : i32 to index
        %swap3A_922 = arith.constant 64 : index
        %swap3A_923 = tpu.vector_load %arg22[%swap3A_921, %swap3A_922] {strides = array<i32>} : memref<40x128xi32, #tpu.memory_space<vmem>>, vector<16xi32>,
        tpu.vector_store %arg22[%swap3A_921, %swap3A_922], %or3A_920 {strides = array<i32>} : memref<40x128xi32, #tpu.memory_space<vmem>>, vector<16xi32>,
        %get3A_924 = arith.index_cast %add3A_881 : i32 to index
        %get3A_925 = arith.constant 16 : index
        %get3A_926 = tpu.vector_load %arg12[%get3A_924, %get3A_925] {strides = array<i32>} : memref<80x64xi32, #tpu.memory_space<vmem>>, vector<16xi32>,
        %get3A_927 = arith.index_cast %add3A_881 : i32 to index
        %get3A_928 = arith.constant 16 : index
        %get3A_929 = tpu.vector_load %arg17[%get3A_927, %get3A_928] {strides = array<i32>} : memref<80x64xi32, #tpu.memory_space<vmem>>, vector<16xi32>,
        %shift_left3A_930 = arith.constant 16 : i32
        %shift_left3A_931 = vector.broadcast %shift_left3A_930 : i32 to vector<16xi32>
        %shift_left3A_932 = arith.shli %get3A_926, %shift_left3A_931 : vector<16xi32>
        %bitcast3A_933 = vector.bitcast %shift_left3A_932 : vector<16xi32> to vector<16xf32>
        %shift_left3A_934 = arith.constant 16 : i32
        %shift_left3A_935 = vector.broadcast %shift_left3A_934 : i32 to vector<16xi32>
        %shift_left3A_936 = arith.shli %get3A_929, %shift_left3A_935 : vector<16xi32>
        %bitcast3A_937 = vector.bitcast %shift_left3A_936 : vector<16xi32> to vector<16xf32>
        %and3A_938 = arith.constant -65536 : i32
        %and3A_939 = vector.broadcast %and3A_938 : i32 to vector<16xi32>
        %and3A_940 = arith.andi %get3A_926, %and3A_939 : vector<16xi32>
        %bitcast3A_941 = vector.bitcast %and3A_940 : vector<16xi32> to vector<16xf32>
        %and3A_942 = arith.constant -65536 : i32
        %and3A_943 = vector.broadcast %and3A_942 : i32 to vector<16xi32>
        %and3A_944 = arith.andi %get3A_929, %and3A_943 : vector<16xi32>
        %bitcast3A_945 = vector.bitcast %and3A_944 : vector<16xi32> to vector<16xf32>
        %mul3A_946 = arith.mulf %bitcast3A_933, %bitcast3A_937 : vector<16xf32>
        %bitcast3A_947 = vector.bitcast %mul3A_946 : vector<16xf32> to vector<16xi32>
        %mul3A_948 = arith.mulf %bitcast3A_941, %bitcast3A_945 : vector<16xf32>
        %bitcast3A_949 = vector.bitcast %mul3A_948 : vector<16xf32> to vector<16xi32>
        %add3A_950 = arith.constant 32768 : i32
        %add3A_951 = vector.broadcast %add3A_950 : i32 to vector<16xi32>
        %add3A_952 = arith.addi %bitcast3A_947, %add3A_951 : vector<16xi32>
        %shift_right_logical3A_953 = arith.constant 16 : i32
        %shift_right_logical3A_954 = vector.broadcast %shift_right_logical3A_953 : i32 to vector<16xi32>
        %shift_right_logical3A_955 = arith.shrui %add3A_952, %shift_right_logical3A_954 : vector<16xi32>
        %add3A_956 = arith.constant 32768 : i32
        %add3A_957 = vector.broadcast %add3A_956 : i32 to vector<16xi32>
        %add3A_958 = arith.addi %bitcast3A_949, %add3A_957 : vector<16xi32>
        %and3A_959 = arith.constant -65536 : i32
        %and3A_960 = vector.broadcast %and3A_959 : i32 to vector<16xi32>
        %and3A_961 = arith.andi %add3A_958, %and3A_960 : vector<16xi32>
        %or3A_962 = arith.ori %shift_right_logical3A_955, %and3A_961 : vector<16xi32>
        %swap3A_963 = arith.index_cast %scan3A_705 : i32 to index
        %swap3A_964 = arith.constant 80 : index
        %swap3A_965 = tpu.vector_load %arg22[%swap3A_963, %swap3A_964] {strides = array<i32>} : memref<40x128xi32, #tpu.memory_space<vmem>>, vector<16xi32>,
        tpu.vector_store %arg22[%swap3A_963, %swap3A_964], %or3A_962 {strides = array<i32>} : memref<40x128xi32, #tpu.memory_space<vmem>>, vector<16xi32>,
        %get3A_966 = arith.index_cast %add3A_881 : i32 to index
        %get3A_967 = arith.constant 32 : index
        %get3A_968 = tpu.vector_load %arg12[%get3A_966, %get3A_967] {strides = array<i32>} : memref<80x64xi32, #tpu.memory_space<vmem>>, vector<16xi32>,
        %get3A_969 = arith.index_cast %add3A_881 : i32 to index
        %get3A_970 = arith.constant 32 : index
        %get3A_971 = tpu.vector_load %arg17[%get3A_969, %get3A_970] {strides = array<i32>} : memref<80x64xi32, #tpu.memory_space<vmem>>, vector<16xi32>,
        %shift_left3A_972 = arith.constant 16 : i32
        %shift_left3A_973 = vector.broadcast %shift_left3A_972 : i32 to vector<16xi32>
        %shift_left3A_974 = arith.shli %get3A_968, %shift_left3A_973 : vector<16xi32>
        %bitcast3A_975 = vector.bitcast %shift_left3A_974 : vector<16xi32> to vector<16xf32>
        %shift_left3A_976 = arith.constant 16 : i32
        %shift_left3A_977 = vector.broadcast %shift_left3A_976 : i32 to vector<16xi32>
        %shift_left3A_978 = arith.shli %get3A_971, %shift_left3A_977 : vector<16xi32>
        %bitcast3A_979 = vector.bitcast %shift_left3A_978 : vector<16xi32> to vector<16xf32>
        %and3A_980 = arith.constant -65536 : i32
        %and3A_981 = vector.broadcast %and3A_980 : i32 to vector<16xi32>
        %and3A_982 = arith.andi %get3A_968, %and3A_981 : vector<16xi32>
        %bitcast3A_983 = vector.bitcast %and3A_982 : vector<16xi32> to vector<16xf32>
        %and3A_984 = arith.constant -65536 : i32
        %and3A_985 = vector.broadcast %and3A_984 : i32 to vector<16xi32>
        %and3A_986 = arith.andi %get3A_971, %and3A_985 : vector<16xi32>
        %bitcast3A_987 = vector.bitcast %and3A_986 : vector<16xi32> to vector<16xf32>
        %mul3A_988 = arith.mulf %bitcast3A_975, %bitcast3A_979 : vector<16xf32>
        %bitcast3A_989 = vector.bitcast %mul3A_988 : vector<16xf32> to vector<16xi32>
        %mul3A_990 = arith.mulf %bitcast3A_983, %bitcast3A_987 : vector<16xf32>
        %bitcast3A_991 = vector.bitcast %mul3A_990 : vector<16xf32> to vector<16xi32>
        %add3A_992 = arith.constant 32768 : i32
        %add3A_993 = vector.broadcast %add3A_992 : i32 to vector<16xi32>
        %add3A_994 = arith.addi %bitcast3A_989, %add3A_993 : vector<16xi32>
        %shift_right_logical3A_995 = arith.constant 16 : i32
        %shift_right_logical3A_996 = vector.broadcast %shift_right_logical3A_995 : i32 to vector<16xi32>
        %shift_right_logical3A_997 = arith.shrui %add3A_994, %shift_right_logical3A_996 : vector<16xi32>
        %add3A_998 = arith.constant 32768 : i32
        %add3A_999 = vector.broadcast %add3A_998 : i32 to vector<16xi32>
        %add3A_1000 = arith.addi %bitcast3A_991, %add3A_999 : vector<16xi32>
        %and3A_1001 = arith.constant -65536 : i32
        %and3A_1002 = vector.broadcast %and3A_1001 : i32 to vector<16xi32>
        %and3A_1003 = arith.andi %add3A_1000, %and3A_1002 : vector<16xi32>
        %or3A_1004 = arith.ori %shift_right_logical3A_997, %and3A_1003 : vector<16xi32>
        %swap3A_1005 = arith.index_cast %scan3A_705 : i32 to index
        %swap3A_1006 = arith.constant 96 : index
        %swap3A_1007 = tpu.vector_load %arg22[%swap3A_1005, %swap3A_1006] {strides = array<i32>} : memref<40x128xi32, #tpu.memory_space<vmem>>, vector<16xi32>,
        tpu.vector_store %arg22[%swap3A_1005, %swap3A_1006], %or3A_1004 {strides = array<i32>} : memref<40x128xi32, #tpu.memory_space<vmem>>, vector<16xi32>,
        %get3A_1008 = arith.index_cast %add3A_881 : i32 to index
        %get3A_1009 = arith.constant 48 : index
        %get3A_1010 = tpu.vector_load %arg12[%get3A_1008, %get3A_1009] {strides = array<i32>} : memref<80x64xi32, #tpu.memory_space<vmem>>, vector<16xi32>,
        %get3A_1011 = arith.index_cast %add3A_881 : i32 to index
        %get3A_1012 = arith.constant 48 : index
        %get3A_1013 = tpu.vector_load %arg17[%get3A_1011, %get3A_1012] {strides = array<i32>} : memref<80x64xi32, #tpu.memory_space<vmem>>, vector<16xi32>,
        %shift_left3A_1014 = arith.constant 16 : i32
        %shift_left3A_1015 = vector.broadcast %shift_left3A_1014 : i32 to vector<16xi32>
        %shift_left3A_1016 = arith.shli %get3A_1010, %shift_left3A_1015 : vector<16xi32>
        %bitcast3A_1017 = vector.bitcast %shift_left3A_1016 : vector<16xi32> to vector<16xf32>
        %shift_left3A_1018 = arith.constant 16 : i32
        %shift_left3A_1019 = vector.broadcast %shift_left3A_1018 : i32 to vector<16xi32>
        %shift_left3A_1020 = arith.shli %get3A_1013, %shift_left3A_1019 : vector<16xi32>
        %bitcast3A_1021 = vector.bitcast %shift_left3A_1020 : vector<16xi32> to vector<16xf32>
        %and3A_1022 = arith.constant -65536 : i32
        %and3A_1023 = vector.broadcast %and3A_1022 : i32 to vector<16xi32>
        %and3A_1024 = arith.andi %get3A_1010, %and3A_1023 : vector<16xi32>
        %bitcast3A_1025 = vector.bitcast %and3A_1024 : vector<16xi32> to vector<16xf32>
        %and3A_1026 = arith.constant -65536 : i32
        %and3A_1027 = vector.broadcast %and3A_1026 : i32 to vector<16xi32>
        %and3A_1028 = arith.andi %get3A_1013, %and3A_1027 : vector<16xi32>
        %bitcast3A_1029 = vector.bitcast %and3A_1028 : vector<16xi32> to vector<16xf32>
        %mul3A_1030 = arith.mulf %bitcast3A_1017, %bitcast3A_1021 : vector<16xf32>
        %bitcast3A_1031 = vector.bitcast %mul3A_1030 : vector<16xf32> to vector<16xi32>
        %mul3A_1032 = arith.mulf %bitcast3A_1025, %bitcast3A_1029 : vector<16xf32>
        %bitcast3A_1033 = vector.bitcast %mul3A_1032 : vector<16xf32> to vector<16xi32>
        %add3A_1034 = arith.constant 32768 : i32
        %add3A_1035 = vector.broadcast %add3A_1034 : i32 to vector<16xi32>
        %add3A_1036 = arith.addi %bitcast3A_1031, %add3A_1035 : vector<16xi32>
        %shift_right_logical3A_1037 = arith.constant 16 : i32
        %shift_right_logical3A_1038 = vector.broadcast %shift_right_logical3A_1037 : i32 to vector<16xi32>
        %shift_right_logical3A_1039 = arith.shrui %add3A_1036, %shift_right_logical3A_1038 : vector<16xi32>
        %add3A_1040 = arith.constant 32768 : i32
        %add3A_1041 = vector.broadcast %add3A_1040 : i32 to vector<16xi32>
        %add3A_1042 = arith.addi %bitcast3A_1033, %add3A_1041 : vector<16xi32>
        %and3A_1043 = arith.constant -65536 : i32
        %and3A_1044 = vector.broadcast %and3A_1043 : i32 to vector<16xi32>
        %and3A_1045 = arith.andi %add3A_1042, %and3A_1044 : vector<16xi32>
        %or3A_1046 = arith.ori %shift_right_logical3A_1039, %and3A_1045 : vector<16xi32>
        %swap3A_1047 = arith.index_cast %scan3A_705 : i32 to index
        %swap3A_1048 = arith.constant 112 : index
        %swap3A_1049 = tpu.vector_load %arg22[%swap3A_1047, %swap3A_1048] {strides = array<i32>} : memref<40x128xi32, #tpu.memory_space<vmem>>, vector<16xi32>,
        tpu.vector_store %arg22[%swap3A_1047, %swap3A_1048], %or3A_1046 {strides = array<i32>} : memref<40x128xi32, #tpu.memory_space<vmem>>, vector<16xi32>,
      }
      %scan3A_327 = arith.constant 40 : i32
      %mul3A_328 = arith.constant 80 : i32
      %mul3A_329 = arith.muli %add3A_311, %mul3A_328 : i32
      %multiple_of3A_330 = tpu.assume_multiple %mul3A_329, 80 : i32
      %add3A_331 = arith.addi %multiple_of3A, %multiple_of3A_330 : i32
      %jit3A_332 = arith.constant 2 : i32
      %div3A_333 = arith.divsi %add3A_331, %jit3A_332 : i32
      %sign3A_334 = arith.constant 0 : i32
      %sign3A_335 = arith.cmpi sgt, %add3A_331, %sign3A_334 : i32
      %sign3A_336 = arith.extui %sign3A_335 : i1 to i32
      %sign3A_337 = arith.constant 0 : i32
      %sign3A_338 = arith.cmpi slt, %add3A_331, %sign3A_337 : i32
      %sign3A_339 = arith.extui %sign3A_338 : i1 to i32
      %sign3A_340 = arith.subi %sign3A_336, %sign3A_339 : i32
      %sign3A_341 = arith.constant 0 : i32
      %sign3A_342 = arith.cmpi sgt, %jit3A_332, %sign3A_341 : i32
      %sign3A_343 = arith.extui %sign3A_342 : i1 to i32
      %sign3A_344 = arith.constant 0 : i32
      %sign3A_345 = arith.cmpi slt, %jit3A_332, %sign3A_344 : i32
      %sign3A_346 = arith.extui %sign3A_345 : i1 to i32
      %sign3A_347 = arith.subi %sign3A_343, %sign3A_346 : i32
      %ne3A_348 = arith.cmpi ne, %sign3A_340, %sign3A_347 : i32
      %rem3A_349 = arith.remsi %add3A_331, %jit3A_332 : i32
      %ne3A_350 = arith.constant 0 : i32
      %ne3A_351 = arith.cmpi ne, %rem3A_349, %ne3A_350 : i32
      %and3A_352 = arith.andi %ne3A_348, %ne3A_351 : i1
      %sub3A_353 = arith.constant 1 : i32
      %sub3A_354 = arith.subi %div3A_333, %sub3A_353 : i32
      %select_n3A_355 = arith.select %and3A_352, %sub3A_354, %div3A_333 : i32
      %dma_start3A_356 = arith.constant 0 : i32
      %dma_start3A_357 = tpu.memref_slice %arg5[%select_n3A_355, %dma_start3A_356] : memref<160000x128xi32, #tpu.memory_space<hbm>> -> memref<40x128xi32, #tpu.memory_space<hbm>>
      %dma_start3A_358 = arith.constant 0 : i32
      %dma_start3A_359 = tpu.memref_slice %arg5[%select_n3A_355, %dma_start3A_358] : memref<160000x128xi32, #tpu.memory_space<hbm>> -> memref<40x128xi32, #tpu.memory_space<hbm>>
      tpu.enqueue_dma source(%arg22 : memref<40x128xi32, #tpu.memory_space<vmem>>) target(%dma_start3A_359 : memref<40x128xi32, #tpu.memory_space<hbm>>) target_semaphore(%arg37 : memref<!tpu.dma_semaphore, #tpu.memory_space<semaphore_mem>>)
      %lt3A_360 = arith.constant 24 : i32
      %lt3A_361 = arith.cmpi slt, %scan3A_76, %lt3A_360 : i32
      %convert_element_type3A_362 = arith.extui %lt3A_361 : i1 to i32
      %cond3A_363 = arith.constant 0 : i32
      %cond3A_364 = arith.cmpi ne, %convert_element_type3A_362, %cond3A_363 : i32
      scf.if %cond3A_364 {
        %dma_wait3A_365 = arith.constant 0 : i32
        %dma_wait3A_366 = arith.constant 0 : i32
        %dma_wait3A_367 = tpu.memref_slice %arg5[%dma_wait3A_365, %dma_wait3A_366] : memref<160000x128xi32, #tpu.memory_space<hbm>> -> memref<40x128xi32, #tpu.memory_space<hbm>>
        %dma_wait3A_368 = arith.constant 0 : i32
        %dma_wait3A_369 = arith.constant 0 : i32
        %dma_wait3A_370 = tpu.memref_slice %arg5[%dma_wait3A_368, %dma_wait3A_369] : memref<160000x128xi32, #tpu.memory_space<hbm>> -> memref<40x128xi32, #tpu.memory_space<hbm>>
        tpu.wait_dma2 semaphore(%arg36 : memref<!tpu.dma_semaphore, #tpu.memory_space<semaphore_mem>>) src(%arg21 : memref<40x128xi32, #tpu.memory_space<vmem>>) dst(%dma_wait3A_370 : memref<40x128xi32, #tpu.memory_space<hbm>>)
        %add3A_371 = arith.constant 5 : i32
        %add3A_372 = arith.addi %add3A_311, %add3A_371 : i32
        %sub3A_373 = arith.constant 1 : i32
        %sub3A_374 = arith.subi %add3A_372, %sub3A_373 : i32
        %mul3A_375 = arith.constant 80 : i32
        %mul3A_376 = arith.muli %sub3A_374, %mul3A_375 : i32
        %multiple_of3A_377 = tpu.assume_multiple %mul3A_376, 80 : i32
        %dma_start3A_378 = tpu.memref_slice %arg6[%multiple_of3A_377] : memref<10000xi32, #tpu.memory_space<vmem>> -> memref<80xi32, #tpu.memory_space<vmem>>
        %dma_start3A_379 = arith.constant 0 : i32
        %dma_start3A_380 = arith.constant 0 : i32
        %dma_start3A_381 = tpu.memref_slice %arg2[%dma_start3A_379, %dma_start3A_380] : memref<10000x64xi32, #tpu.memory_space<hbm>> -> memref<10000x64xi32, #tpu.memory_space<hbm>>
        tpu.enqueue_indirect_dma source(%dma_start3A_381 : memref<10000x64xi32, #tpu.memory_space<hbm>>) target(%arg11 : memref<80x64xi32, #tpu.memory_space<vmem>>) offsets(%dma_start3A_378 : memref<80xi32, #tpu.memory_space<vmem>>) semaphore(%arg26 : memref<!tpu.dma_semaphore, #tpu.memory_space<semaphore_mem>>)
        %dma_start3A_382 = tpu.memref_slice %arg7[%multiple_of3A_377] : memref<10000xi32, #tpu.memory_space<vmem>> -> memref<80xi32, #tpu.memory_space<vmem>>
        %dma_start3A_383 = arith.constant 0 : i32
        %dma_start3A_384 = arith.constant 0 : i32
        %dma_start3A_385 = tpu.memref_slice %arg2[%dma_start3A_383, %dma_start3A_384] : memref<10000x64xi32, #tpu.memory_space<hbm>> -> memref<10000x64xi32, #tpu.memory_space<hbm>>
        tpu.enqueue_indirect_dma source(%dma_start3A_385 : memref<10000x64xi32, #tpu.memory_space<hbm>>) target(%arg16 : memref<80x64xi32, #tpu.memory_space<vmem>>) offsets(%dma_start3A_382 : memref<80xi32, #tpu.memory_space<vmem>>) semaphore(%arg31 : memref<!tpu.dma_semaphore, #tpu.memory_space<semaphore_mem>>)
      } else {
      }
    }
    %scan3A_46 = arith.constant 25 : i32
    %dma_wait3A = arith.constant 0 : i32
    %dma_wait3A_47 = arith.constant 0 : i32
    %dma_wait3A_48 = tpu.memref_slice %arg5[%dma_wait3A, %dma_wait3A_47] : memref<160000x128xi32, #tpu.memory_space<hbm>> -> memref<40x128xi32, #tpu.memory_space<hbm>>
    %dma_wait3A_49 = arith.constant 0 : i32
    %dma_wait3A_50 = arith.constant 0 : i32
    %dma_wait3A_51 = tpu.memref_slice %arg5[%dma_wait3A_49, %dma_wait3A_50] : memref<160000x128xi32, #tpu.memory_space<hbm>> -> memref<40x128xi32, #tpu.memory_space<hbm>>
    tpu.wait_dma2 semaphore(%arg33 : memref<!tpu.dma_semaphore, #tpu.memory_space<semaphore_mem>>) src(%arg18 : memref<40x128xi32, #tpu.memory_space<vmem>>) dst(%dma_wait3A_51 : memref<40x128xi32, #tpu.memory_space<hbm>>)
    %dma_wait3A_52 = arith.constant 0 : i32
    %dma_wait3A_53 = arith.constant 0 : i32
    %dma_wait3A_54 = tpu.memref_slice %arg5[%dma_wait3A_52, %dma_wait3A_53] : memref<160000x128xi32, #tpu.memory_space<hbm>> -> memref<40x128xi32, #tpu.memory_space<hbm>>
    %dma_wait3A_55 = arith.constant 0 : i32
    %dma_wait3A_56 = arith.constant 0 : i32
    %dma_wait3A_57 = tpu.memref_slice %arg5[%dma_wait3A_55, %dma_wait3A_56] : memref<160000x128xi32, #tpu.memory_space<hbm>> -> memref<40x128xi32, #tpu.memory_space<hbm>>
    tpu.wait_dma2 semaphore(%arg34 : memref<!tpu.dma_semaphore, #tpu.memory_space<semaphore_mem>>) src(%arg19 : memref<40x128xi32, #tpu.memory_space<vmem>>) dst(%dma_wait3A_57 : memref<40x128xi32, #tpu.memory_space<hbm>>)
    %dma_wait3A_58 = arith.constant 0 : i32
    %dma_wait3A_59 = arith.constant 0 : i32
    %dma_wait3A_60 = tpu.memref_slice %arg5[%dma_wait3A_58, %dma_wait3A_59] : memref<160000x128xi32, #tpu.memory_space<hbm>> -> memref<40x128xi32, #tpu.memory_space<hbm>>
    %dma_wait3A_61 = arith.constant 0 : i32
    %dma_wait3A_62 = arith.constant 0 : i32
    %dma_wait3A_63 = tpu.memref_slice %arg5[%dma_wait3A_61, %dma_wait3A_62] : memref<160000x128xi32, #tpu.memory_space<hbm>> -> memref<40x128xi32, #tpu.memory_space<hbm>>
    tpu.wait_dma2 semaphore(%arg35 : memref<!tpu.dma_semaphore, #tpu.memory_space<semaphore_mem>>) src(%arg20 : memref<40x128xi32, #tpu.memory_space<vmem>>) dst(%dma_wait3A_63 : memref<40x128xi32, #tpu.memory_space<hbm>>)
    %dma_wait3A_64 = arith.constant 0 : i32
    %dma_wait3A_65 = arith.constant 0 : i32
    %dma_wait3A_66 = tpu.memref_slice %arg5[%dma_wait3A_64, %dma_wait3A_65] : memref<160000x128xi32, #tpu.memory_space<hbm>> -> memref<40x128xi32, #tpu.memory_space<hbm>>
    %dma_wait3A_67 = arith.constant 0 : i32
    %dma_wait3A_68 = arith.constant 0 : i32
    %dma_wait3A_69 = tpu.memref_slice %arg5[%dma_wait3A_67, %dma_wait3A_68] : memref<160000x128xi32, #tpu.memory_space<hbm>> -> memref<40x128xi32, #tpu.memory_space<hbm>>
    tpu.wait_dma2 semaphore(%arg36 : memref<!tpu.dma_semaphore, #tpu.memory_space<semaphore_mem>>) src(%arg21 : memref<40x128xi32, #tpu.memory_space<vmem>>) dst(%dma_wait3A_69 : memref<40x128xi32, #tpu.memory_space<hbm>>)
    %dma_wait3A_70 = arith.constant 0 : i32
    %dma_wait3A_71 = arith.constant 0 : i32
    %dma_wait3A_72 = tpu.memref_slice %arg5[%dma_wait3A_70, %dma_wait3A_71] : memref<160000x128xi32, #tpu.memory_space<hbm>> -> memref<40x128xi32, #tpu.memory_space<hbm>>
    %dma_wait3A_73 = arith.constant 0 : i32
    %dma_wait3A_74 = arith.constant 0 : i32
    %dma_wait3A_75 = tpu.memref_slice %arg5[%dma_wait3A_73, %dma_wait3A_74] : memref<160000x128xi32, #tpu.memory_space<hbm>> -> memref<40x128xi32, #tpu.memory_space<hbm>>
    tpu.wait_dma2 semaphore(%arg37 : memref<!tpu.dma_semaphore, #tpu.memory_space<semaphore_mem>>) src(%arg22 : memref<40x128xi32, #tpu.memory_space<vmem>>) dst(%dma_wait3A_75 : memref<40x128xi32, #tpu.memory_space<hbm>>)
    return
  }
}

module attributes {stable_mosaic.version = 14 : i64} {
  func.func @body(%arg0: i32, %arg1: memref<4000x128xi32, #tpu.memory_space<vmem>>, %arg2: memref<4000x4xf32, #tpu.memory_space<vmem>>, %arg3: memref<4000x2xi32, #tpu.memory_space<vmem>>, %arg4: memref<128x16xbf16, #tpu.memory_space<vmem>>, %arg5: memref<1x16xf32, #tpu.memory_space<vmem>>, %arg6: memref<1x16xf32, #tpu.memory_space<vmem>>, %arg7: memref<16x5xf32, #tpu.memory_space<vmem>>, %arg8: memref<1x5xf32, #tpu.memory_space<vmem>>, %arg9: memref<5x1xf32, #tpu.memory_space<vmem>>, %arg10: memref<4000x2xf32, #tpu.memory_space<vmem>>) attributes {dimension_semantics = [#tpu.dimension_semantics<arbitrary>], iteration_bounds = array<i64: 40>, scalar_prefetch = 0 : i64, scratch_operands = 0 : i64, tpu.core_type = #tpu.core_type<tc>, window_params = [{transform_indices = @transform_0, window_bounds = array<i64: 4000, 128>}, {transform_indices = @transform_1, window_bounds = array<i64: 4000, 4>}, {transform_indices = @transform_2, window_bounds = array<i64: 4000, 2>}, {pipeline_mode = #tpu.pipeline_mode<synchronous>, transform_indices = @transform_3, window_bounds = array<i64: 128, 16>}, {pipeline_mode = #tpu.pipeline_mode<synchronous>, transform_indices = @transform_4, window_bounds = array<i64: 1, 16>}, {pipeline_mode = #tpu.pipeline_mode<synchronous>, transform_indices = @transform_5, window_bounds = array<i64: 1, 16>}, {pipeline_mode = #tpu.pipeline_mode<synchronous>, transform_indices = @transform_6, window_bounds = array<i64: 16, 5>}, {pipeline_mode = #tpu.pipeline_mode<synchronous>, transform_indices = @transform_7, window_bounds = array<i64: 1, 5>}, {pipeline_mode = #tpu.pipeline_mode<synchronous>, transform_indices = @transform_8, window_bounds = array<i64: 5, 1>}, {transform_indices = @transform_9, window_bounds = array<i64: 4000, 2>}]} {
    %get3A = arith.constant 0 : index
    %get3A_0 = arith.constant 0 : index
    %get3A_1 = vector.load %arg1[%get3A, %get3A_0] : memref<4000x128xi32, #tpu.memory_space<vmem>>, vector<4000x128xi32>
    %shift_left3A = arith.constant 16 : i32
    %shift_left3A_2 = vector.broadcast %shift_left3A : i32 to vector<4000x128xi32>
    %shift_left3A_3 = arith.shli %get3A_1, %shift_left3A_2 : vector<4000x128xi32>
    %bitcast_convert_type3A = tpu.bitcast %shift_left3A_3 : vector<4000x128xi32> -> vector<4000x128xf32>
    %and3A = arith.constant -65536 : i32
    %and3A_4 = vector.broadcast %and3A : i32 to vector<4000x128xi32>
    %and3A_5 = arith.andi %get3A_1, %and3A_4 : vector<4000x128xi32>
    %bitcast_convert_type3A_6 = tpu.bitcast %and3A_5 : vector<4000x128xi32> -> vector<4000x128xf32>
    %convert_element_type3A = arith.truncf %bitcast_convert_type3A : vector<4000x128xf32> to vector<4000x128xbf16>
    %convert_element_type3A_7 = arith.truncf %bitcast_convert_type3A_6 : vector<4000x128xf32> to vector<4000x128xbf16>
    %get3A_8 = arith.constant 0 : index
    %get3A_9 = arith.constant 0 : index
    %get3A_10 = vector.load %arg2[%get3A_8, %get3A_9] : memref<4000x4xf32, #tpu.memory_space<vmem>>, vector<4000x4xf32>
    %get3A_11 = arith.constant 0 : index
    %get3A_12 = arith.constant 0 : index
    %get3A_13 = vector.load %arg3[%get3A_11, %get3A_12] : memref<4000x2xi32, #tpu.memory_space<vmem>>, vector<4000x2xi32>
    %slice3A = vector.extract_strided_slice %convert_element_type3A {offsets = [0, 0], sizes = [4000, 64], strides = [1, 1]} : vector<4000x128xbf16> to vector<4000x64xbf16>
    %slice3A_14 = vector.extract_strided_slice %convert_element_type3A_7 {offsets = [0, 0], sizes = [4000, 64], strides = [1, 1]} : vector<4000x128xbf16> to vector<4000x64xbf16>
    %concatenate3A = tpu.concatenate %slice3A, %slice3A_14 in 1 : vector<4000x64xbf16>, vector<4000x64xbf16> -> vector<4000x128xbf16>
    %slice3A_15 = vector.extract_strided_slice %get3A_10 {offsets = [0, 0], sizes = [4000, 1], strides = [1, 1]} : vector<4000x4xf32> to vector<4000x1xf32>
    %slice3A_16 = vector.extract_strided_slice %get3A_10 {offsets = [0, 1], sizes = [4000, 1], strides = [1, 1]} : vector<4000x4xf32> to vector<4000x1xf32>
    %mul3A = arith.mulf %slice3A_15, %slice3A_16 : vector<4000x1xf32>
    %get3A_17 = arith.constant 0 : index
    %get3A_18 = arith.constant 0 : index
    %get3A_19 = vector.load %arg4[%get3A_17, %get3A_18] : memref<128x16xbf16, #tpu.memory_space<vmem>>, vector<128x16xbf16>
    %dot_general3A = arith.constant dense<0.000000e+00> : vector<4000x16xf32>
    %dot_general3A_20 = tpu.matmul %concatenate3A, %get3A_19, %dot_general3A {dimension_numbers = #tpu.dot_dimension_numbers<[1], [0], [0], [1], [0, 0, 1, 1], [], []>, transpose_lhs_hint = false} : vector<4000x128xbf16>, vector<128x16xbf16>, vector<4000x16xf32> -> vector<4000x16xf32>
    %get3A_21 = arith.constant 0 : index
    %get3A_22 = arith.constant 0 : index
    %get3A_23 = vector.load %arg5[%get3A_21, %get3A_22] : memref<1x16xf32, #tpu.memory_space<vmem>>, vector<1x16xf32>
    %mul3A_24 = vector.broadcast %mul3A : vector<4000x1xf32> to vector<4000x16xf32>
    %mul3A_25 = vector.broadcast %get3A_23 : vector<1x16xf32> to vector<4000x16xf32>
    %mul3A_26 = arith.mulf %mul3A_24, %mul3A_25 : vector<4000x16xf32>
    %add3A = arith.addf %dot_general3A_20, %mul3A_26 : vector<4000x16xf32>
    %get3A_27 = arith.constant 0 : index
    %get3A_28 = arith.constant 0 : index
    %get3A_29 = vector.load %arg6[%get3A_27, %get3A_28] : memref<1x16xf32, #tpu.memory_space<vmem>>, vector<1x16xf32>
    %add3A_30 = vector.broadcast %get3A_29 : vector<1x16xf32> to vector<4000x16xf32>
    %add3A_31 = arith.addf %add3A, %add3A_30 : vector<4000x16xf32>
    %max3A = arith.constant 0.000000e+00 : f32
    %max3A_32 = vector.broadcast %max3A : f32 to vector<4000x16xf32>
    %max3A_33 = arith.maximumf %add3A_31, %max3A_32 : vector<4000x16xf32>
    %get3A_34 = arith.constant 0 : index
    %get3A_35 = arith.constant 0 : index
    %get3A_36 = vector.load %arg7[%get3A_34, %get3A_35] : memref<16x5xf32, #tpu.memory_space<vmem>>, vector<16x5xf32>
    %dot_general3A_37 = arith.constant dense<0.000000e+00> : vector<4000x5xf32>
    %dot_general3A_38 = tpu.matmul %max3A_33, %get3A_36, %dot_general3A_37 {dimension_numbers = #tpu.dot_dimension_numbers<[1], [0], [0], [1], [0, 0, 1, 1], [], []>, transpose_lhs_hint = false} : vector<4000x16xf32>, vector<16x5xf32>, vector<4000x5xf32> -> vector<4000x5xf32>
    %get3A_39 = arith.constant 0 : index
    %get3A_40 = arith.constant 0 : index
    %get3A_41 = vector.load %arg8[%get3A_39, %get3A_40] : memref<1x5xf32, #tpu.memory_space<vmem>>, vector<1x5xf32>
    %add3A_42 = vector.broadcast %get3A_41 : vector<1x5xf32> to vector<4000x5xf32>
    %add3A_43 = arith.addf %dot_general3A_38, %add3A_42 : vector<4000x5xf32>
    %slice3A_44 = vector.extract_strided_slice %get3A_13 {offsets = [0, 0], sizes = [4000, 1], strides = [1, 1]} : vector<4000x2xi32> to vector<4000x1xi32>
    %iota3A = tpu.iota {dimensions = array<i32: 1>} : vector<1x5xi32>
    %eq3A = vector.broadcast %slice3A_44 : vector<4000x1xi32> to vector<4000x5xi32>
    %eq3A_45 = vector.broadcast %iota3A : vector<1x5xi32> to vector<4000x5xi32>
    %eq3A_46 = arith.cmpi eq, %eq3A, %eq3A_45 : vector<4000x5xi32>
    %convert_element_type3A_47 = arith.extui %eq3A_46 : vector<4000x5xi1> to vector<4000x5xi32>
    %convert_element_type3A_48 = arith.sitofp %convert_element_type3A_47 : vector<4000x5xi32> to vector<4000x5xf32>
    %mul3A_49 = arith.mulf %add3A_43, %convert_element_type3A_48 : vector<4000x5xf32>
    %get3A_50 = arith.constant 0 : index
    %get3A_51 = arith.constant 0 : index
    %get3A_52 = vector.load %arg9[%get3A_50, %get3A_51] : memref<5x1xf32, #tpu.memory_space<vmem>>, vector<5x1xf32>
    %dot_general3A_53 = arith.constant dense<0.000000e+00> : vector<4000x1xf32>
    %dot_general3A_54 = tpu.matmul %mul3A_49, %get3A_52, %dot_general3A_53 {dimension_numbers = #tpu.dot_dimension_numbers<[1], [0], [0], [1], [0, 0, 1, 1], [], []>, transpose_lhs_hint = false} : vector<4000x5xf32>, vector<5x1xf32>, vector<4000x1xf32> -> vector<4000x1xf32>
    %slice3A_55 = vector.extract_strided_slice %convert_element_type3A {offsets = [0, 64], sizes = [4000, 64], strides = [1, 1]} : vector<4000x128xbf16> to vector<4000x64xbf16>
    %slice3A_56 = vector.extract_strided_slice %convert_element_type3A_7 {offsets = [0, 64], sizes = [4000, 64], strides = [1, 1]} : vector<4000x128xbf16> to vector<4000x64xbf16>
    %concatenate3A_57 = tpu.concatenate %slice3A_55, %slice3A_56 in 1 : vector<4000x64xbf16>, vector<4000x64xbf16> -> vector<4000x128xbf16>
    %slice3A_58 = vector.extract_strided_slice %get3A_10 {offsets = [0, 2], sizes = [4000, 1], strides = [1, 1]} : vector<4000x4xf32> to vector<4000x1xf32>
    %slice3A_59 = vector.extract_strided_slice %get3A_10 {offsets = [0, 3], sizes = [4000, 1], strides = [1, 1]} : vector<4000x4xf32> to vector<4000x1xf32>
    %mul3A_60 = arith.mulf %slice3A_58, %slice3A_59 : vector<4000x1xf32>
    %get3A_61 = arith.constant 0 : index
    %get3A_62 = arith.constant 0 : index
    %get3A_63 = vector.load %arg4[%get3A_61, %get3A_62] : memref<128x16xbf16, #tpu.memory_space<vmem>>, vector<128x16xbf16>
    %dot_general3A_64 = arith.constant dense<0.000000e+00> : vector<4000x16xf32>
    %dot_general3A_65 = tpu.matmul %concatenate3A_57, %get3A_63, %dot_general3A_64 {dimension_numbers = #tpu.dot_dimension_numbers<[1], [0], [0], [1], [0, 0, 1, 1], [], []>, transpose_lhs_hint = false} : vector<4000x128xbf16>, vector<128x16xbf16>, vector<4000x16xf32> -> vector<4000x16xf32>
    %get3A_66 = arith.constant 0 : index
    %get3A_67 = arith.constant 0 : index
    %get3A_68 = vector.load %arg5[%get3A_66, %get3A_67] : memref<1x16xf32, #tpu.memory_space<vmem>>, vector<1x16xf32>
    %mul3A_69 = vector.broadcast %mul3A_60 : vector<4000x1xf32> to vector<4000x16xf32>
    %mul3A_70 = vector.broadcast %get3A_68 : vector<1x16xf32> to vector<4000x16xf32>
    %mul3A_71 = arith.mulf %mul3A_69, %mul3A_70 : vector<4000x16xf32>
    %add3A_72 = arith.addf %dot_general3A_65, %mul3A_71 : vector<4000x16xf32>
    %get3A_73 = arith.constant 0 : index
    %get3A_74 = arith.constant 0 : index
    %get3A_75 = vector.load %arg6[%get3A_73, %get3A_74] : memref<1x16xf32, #tpu.memory_space<vmem>>, vector<1x16xf32>
    %add3A_76 = vector.broadcast %get3A_75 : vector<1x16xf32> to vector<4000x16xf32>
    %add3A_77 = arith.addf %add3A_72, %add3A_76 : vector<4000x16xf32>
    %max3A_78 = arith.constant 0.000000e+00 : f32
    %max3A_79 = vector.broadcast %max3A_78 : f32 to vector<4000x16xf32>
    %max3A_80 = arith.maximumf %add3A_77, %max3A_79 : vector<4000x16xf32>
    %get3A_81 = arith.constant 0 : index
    %get3A_82 = arith.constant 0 : index
    %get3A_83 = vector.load %arg7[%get3A_81, %get3A_82] : memref<16x5xf32, #tpu.memory_space<vmem>>, vector<16x5xf32>
    %dot_general3A_84 = arith.constant dense<0.000000e+00> : vector<4000x5xf32>
    %dot_general3A_85 = tpu.matmul %max3A_80, %get3A_83, %dot_general3A_84 {dimension_numbers = #tpu.dot_dimension_numbers<[1], [0], [0], [1], [0, 0, 1, 1], [], []>, transpose_lhs_hint = false} : vector<4000x16xf32>, vector<16x5xf32>, vector<4000x5xf32> -> vector<4000x5xf32>
    %get3A_86 = arith.constant 0 : index
    %get3A_87 = arith.constant 0 : index
    %get3A_88 = vector.load %arg8[%get3A_86, %get3A_87] : memref<1x5xf32, #tpu.memory_space<vmem>>, vector<1x5xf32>
    %add3A_89 = vector.broadcast %get3A_88 : vector<1x5xf32> to vector<4000x5xf32>
    %add3A_90 = arith.addf %dot_general3A_85, %add3A_89 : vector<4000x5xf32>
    %slice3A_91 = vector.extract_strided_slice %get3A_13 {offsets = [0, 1], sizes = [4000, 1], strides = [1, 1]} : vector<4000x2xi32> to vector<4000x1xi32>
    %iota3A_92 = tpu.iota {dimensions = array<i32: 1>} : vector<1x5xi32>
    %eq3A_93 = vector.broadcast %slice3A_91 : vector<4000x1xi32> to vector<4000x5xi32>
    %eq3A_94 = vector.broadcast %iota3A_92 : vector<1x5xi32> to vector<4000x5xi32>
    %eq3A_95 = arith.cmpi eq, %eq3A_93, %eq3A_94 : vector<4000x5xi32>
    %convert_element_type3A_96 = arith.extui %eq3A_95 : vector<4000x5xi1> to vector<4000x5xi32>
    %convert_element_type3A_97 = arith.sitofp %convert_element_type3A_96 : vector<4000x5xi32> to vector<4000x5xf32>
    %mul3A_98 = arith.mulf %add3A_90, %convert_element_type3A_97 : vector<4000x5xf32>
    %get3A_99 = arith.constant 0 : index
    %get3A_100 = arith.constant 0 : index
    %get3A_101 = vector.load %arg9[%get3A_99, %get3A_100] : memref<5x1xf32, #tpu.memory_space<vmem>>, vector<5x1xf32>
    %dot_general3A_102 = arith.constant dense<0.000000e+00> : vector<4000x1xf32>
    %dot_general3A_103 = tpu.matmul %mul3A_98, %get3A_101, %dot_general3A_102 {dimension_numbers = #tpu.dot_dimension_numbers<[1], [0], [0], [1], [0, 0, 1, 1], [], []>, transpose_lhs_hint = false} : vector<4000x5xf32>, vector<5x1xf32>, vector<4000x1xf32> -> vector<4000x1xf32>
    %concatenate3A_104 = tpu.concatenate %dot_general3A_54, %dot_general3A_103 in 1 : vector<4000x1xf32>, vector<4000x1xf32> -> vector<4000x2xf32>
    %swap3A = arith.constant 0 : index
    %swap3A_105 = arith.constant 0 : index
    %swap3A_106 = vector.load %arg10[%swap3A, %swap3A_105] : memref<4000x2xf32, #tpu.memory_space<vmem>>, vector<4000x2xf32>
    tpu.vector_store %arg10[%swap3A, %swap3A_105], %concatenate3A_104 {strides = array<i32>} : memref<4000x2xf32, #tpu.memory_space<vmem>>, vector<4000x2xf32>,
    return
  }
  func.func @transform_0(%arg0: i32) -> (i32, i32) {
    %c0_i32 = arith.constant 0 : i32
    %c0_i32_0 = arith.constant 0 : i32
    return %arg0, %c0_i32 : i32, i32
  }
  func.func @transform_1(%arg0: i32) -> (i32, i32) {
    %c0_i32 = arith.constant 0 : i32
    %c0_i32_0 = arith.constant 0 : i32
    return %arg0, %c0_i32 : i32, i32
  }
  func.func @transform_2(%arg0: i32) -> (i32, i32) {
    %c0_i32 = arith.constant 0 : i32
    %c0_i32_0 = arith.constant 0 : i32
    return %arg0, %c0_i32 : i32, i32
  }
  func.func @transform_3(%arg0: i32) -> (i32, i32) {
    %c0_i32 = arith.constant 0 : i32
    %c0_i32_0 = arith.constant 0 : i32
    %c0_i32_1 = arith.constant 0 : i32
    return %c0_i32, %c0_i32_0 : i32, i32
  }
  func.func @transform_4(%arg0: i32) -> (i32, i32) {
    %c0_i32 = arith.constant 0 : i32
    %c0_i32_0 = arith.constant 0 : i32
    %c0_i32_1 = arith.constant 0 : i32
    return %c0_i32, %c0_i32_0 : i32, i32
  }
  func.func @transform_5(%arg0: i32) -> (i32, i32) {
    %c0_i32 = arith.constant 0 : i32
    %c0_i32_0 = arith.constant 0 : i32
    %c0_i32_1 = arith.constant 0 : i32
    return %c0_i32, %c0_i32_0 : i32, i32
  }
  func.func @transform_6(%arg0: i32) -> (i32, i32) {
    %c0_i32 = arith.constant 0 : i32
    %c0_i32_0 = arith.constant 0 : i32
    %c0_i32_1 = arith.constant 0 : i32
    return %c0_i32, %c0_i32_0 : i32, i32
  }
  func.func @transform_7(%arg0: i32) -> (i32, i32) {
    %c0_i32 = arith.constant 0 : i32
    %c0_i32_0 = arith.constant 0 : i32
    %c0_i32_1 = arith.constant 0 : i32
    return %c0_i32, %c0_i32_0 : i32, i32
  }
  func.func @transform_8(%arg0: i32) -> (i32, i32) {
    %c0_i32 = arith.constant 0 : i32
    %c0_i32_0 = arith.constant 0 : i32
    %c0_i32_1 = arith.constant 0 : i32
    return %c0_i32, %c0_i32_0 : i32, i32
  }
  func.func @transform_9(%arg0: i32) -> (i32, i32) {
    %c0_i32 = arith.constant 0 : i32
    %c0_i32_0 = arith.constant 0 : i32
    return %arg0, %c0_i32 : i32, i32
  }
}

</mosaic_0001>

<sc_bundles>
// kernel: kernel.4.cloned.1.call-start
scs
__scs_entry_jumppad:
0x0: {  	(pc) =	sbr.rel $0x88, $3  }
0x1: {  	(tag) =	ssettag $0x0;
	lr =	simm.s32 $0x1  }
0x2: {  	[smem:$0x3F99] =	sst lr;
	_ =	strace $0xD0000000  }
0x3: {  	_ = 	snop  }
0x4: {  	_ = 	snop  }
0x5: {  	_ = 	snop  }
0x6: {  	_ = 	snop  }
0x7: {  	_ = 	snop  }
__scs_overlays_trampoline_lowered:
0x8: {  	[smem:$0x3FA8] =	sst s0  }
0x9: {  	[smem:$0x3FA9] =	sst s1  }
0xa: {  	[smem:$0x3FAA] =	sst s2  }
0xb: {  	[smem:$0x3FAB] =	sst s3  }
0xc: {  	[smem:$0x3FAC] =	sst s4  }
0xd: {  	[smem:$0x3FAD] =	sst s5  }
0xe: {  	[smem:$0x3FAE] =	sst s6  }
0xf: {  	[smem:$0x3FAF] =	sst s7  }
0x10: {  	[smem:$0x3FB0] =	sst s8  }
0x11: {  	[smem:$0x3FB1] =	sst s9;
	s0 =	simm.s32 @!p0 $0x0  }
0x12: {  	s1 =	sld [smem:$0x3F97];
	s0 =	simm.s32 @p0 $0x1  }
0x13: {  	[smem:$0x3FB2] =	sst s0;
	s0 =	simm.s32 @!p1 $0x0  }
0x14: {  	s2 =	sld [smem:$0x3F96];
	s0 =	simm.s32 @p1 $0x1  }
0x15: {  	[smem:$0x3FB3] =	sst s0;
	s0 =	simm.s32 @!p2 $0x0  }
0x16: {  	s3 =	sld [smem:$0x3FDB];
	s0 =	simm.s32 @p2 $0x1  }
0x17: {  	s4 =	simm.s32 $0x1BF5;
	[smem:$0x3FB5] =	sst s0  }
0x18: {  	s0 =	sld [smem:$0x3F98];
	_ =	swait.ge [sflag:s4], $0x0  }
0x19: {  	s7 =	sld [smem:$0x3F99]  }
0x1a: {  	s8 =	sadd.s32 $0xFFFFE003, lr  }
0x1b: {  	s9 =	sadd.s32 $0xFFFFFEF7, lr;
	s5 =	simm.s32 $0xFFFFFFFF;
	p2 =	slt.u32 s8, $0xFFFFF086  }
0x1c: {  	p1 =	slt.u32 s9, $0xF7A;
	s5 =	simm.s32 @!p2 $0x0  }
0x1d: {  	s5 =	simm.s32 @p1 $0x1;
	p0 =	seq.s32 s7, s2  }
0x1e: {  	s7 =	smul.u32 @!p0 $0xF7A, s2;
	p2 =	seq.s32 @!p0 s5, $0x0  }
0x1f: {  	s9 =	smul.u32 $0xF7A, s1;
	s8 =	simm.s32 @!p0 $0x1BF5;
	p2 =	por !p2, p0  }
0x20: {  	[sflag:s8] =	ssyncset.s32 @!p0 $0xFFFFF086;
	s6 =	sadd.s32 @!p0 s3, s7;
	s7 =	simm.s32 @!p0 $0x108  }
0x21: {  	s3 =	sadd.s32 s3, s9;
	s6 =	sadd.s32 @!p0 $0x88, s6;
	s7 =	simm.s32 @p2 $0x1082  }
0x22: {  	[simem:s7], [sflag:s8] =	dma.local @!p0 [hbm:s6], $0xF7A  }
0x23: {  	s9 =	sor.u32 $0xD0000000, s2;
	s6 =	simm.s32 $0x108;
	_ =	swait.ge @!p0 [sflag:s8], $0x0  }
0x24: {  	s3 =	sadd.s32 $0x88, s3;
	s6 =	simm.s32 @!p1 $0x1082;
	[sflag:s4] =	ssyncset.s32 $0xFFFFF086  }
0x25: {  	[simem:s6], [sflag:s4] =	dma.local [hbm:s3], $0xF7A  }
0x26: {  	[smem:$0x3F99] =	sst s1;
	(tag) =	ssettag s2;
	_ =	strace s9  }
0x27: {  	s1 =	sld [smem:$0x3FA9]  }
0x28: {  	s2 =	sld [smem:$0x3FAA]  }
0x29: {  	s4 =	sld [smem:$0x3FAC]  }
0x2a: {  	p0 =	seq.s32 s5, $0x0;
	s5 =	sld [smem:$0x3FAD]  }
0x2b: {  	s6 =	sld [smem:$0x3FAE]  }
0x2c: {  	s7 =	sld [smem:$0x3FAF]  }
0x2d: {  	s3 =	simm.s32 $0x108;
	s8 =	sld [smem:$0x3FB0]  }
0x2e: {  	s3 =	simm.s32 @!p0 $0x1082;
	s9 =	sld [smem:$0x3FB1]  }
0x2f: {  	lr =	sadd.s32 s0, s3;
	s0 =	sld [smem:$0x3FA8]  }
0x30: {  	s3 =	sld [smem:$0x3FAB]  }
0x31: {  	[smem:$0x3FB4] =	sst s10  }
0x32: {  	s10 =	sld [smem:$0x3FB2];
	_ =	sdelay $0x3  }
0x33: {  	p0 =	seq.s32 s10, $0x1;
	s10 =	sld [smem:$0x3FB4];
	_ =	sdelay $0x3  }
0x34: {  	[smem:$0x3FB4] =	sst s10  }
0x35: {  	s10 =	sld [smem:$0x3FB3];
	_ =	sdelay $0x3  }
0x36: {  	p1 =	seq.s32 s10, $0x1;
	s10 =	sld [smem:$0x3FB4];
	_ =	sdelay $0x3  }
0x37: {  	[smem:$0x3FB4] =	sst s10  }
0x38: {  	s10 =	sld [smem:$0x3FB5]  }
0x39: {  	_ = 	snop;
	(pc) =	sbr.ind lr, $3  }
0x3a: {  	_ = 	snop  }
0x3b: {  	_ = 	snop  }
0x3c: {  	p2 =	seq.s32 s10, $0x1;
	s10 =	sld [smem:$0x3FB4]  }
0x3d: {  	_ =	shalt  }
0x3e: {  	_ =	shalt  }
0x3f: {  	_ =	shalt  }
0x40: {  	_ =	shalt  }
0x41: {  	_ =	shalt  }
0x42: {  	_ =	shalt  }
0x43: {  	_ =	shalt  }
0x44: {  	_ =	shalt  }
0x45: {  	_ =	shalt  }
0x46: {  	_ =	shalt  }
0x47: {  	_ =	shalt  }
0x48: {  	_ =	shalt  }
0x49: {  	_ =	shalt  }
0x4a: {  	_ =	shalt  }
0x4b: {  	_ =	shalt  }
0x4c: {  	_ =	shalt  }
0x4d: {  	_ =	shalt  }
0x4e: {  	_ =	shalt  }
0x4f: {  	_ =	shalt  }
0x50: {  	_ =	shalt  }
0x51: {  	_ =	shalt  }
0x52: {  	_ =	shalt  }
0x53: {  	_ =	shalt  }
0x54: {  	_ =	shalt  }
0x55: {  	_ =	shalt  }
0x56: {  	_ =	shalt  }
0x57: {  	_ =	shalt  }
0x58: {  	_ =	shalt  }
0x59: {  	_ =	shalt  }
0x5a: {  	_ =	shalt  }
0x5b: {  	_ =	shalt  }
0x5c: {  	_ =	shalt  }
0x5d: {  	_ =	shalt  }
0x5e: {  	_ =	shalt  }
0x5f: {  	_ =	shalt  }
0x60: {  	_ =	shalt  }
0x61: {  	_ =	shalt  }
0x62: {  	_ =	shalt  }
0x63: {  	_ =	shalt  }
0x64: {  	_ =	shalt  }
0x65: {  	_ =	shalt  }
0x66: {  	_ =	shalt  }
0x67: {  	_ =	shalt  }
0x68: {  	_ =	shalt  }
0x69: {  	_ =	shalt  }
0x6a: {  	_ =	shalt  }
0x6b: {  	_ =	shalt  }
0x6c: {  	_ =	shalt  }
0x6d: {  	_ =	shalt  }
0x6e: {  	_ =	shalt  }
0x6f: {  	_ =	shalt  }
0x70: {  	_ =	shalt  }
0x71: {  	_ =	shalt  }
0x72: {  	_ =	shalt  }
0x73: {  	_ =	shalt  }
0x74: {  	_ =	shalt  }
0x75: {  	_ =	shalt  }
0x76: {  	_ =	shalt  }
0x77: {  	_ =	shalt  }
0x78: {  	_ =	shalt  }
0x79: {  	_ =	shalt  }
0x7a: {  	_ =	shalt  }
0x7b: {  	_ =	shalt  }
0x7c: {  	_ =	shalt  }
0x7d: {  	_ =	shalt  }
0x7e: {  	_ =	shalt  }
0x7f: {  	_ =	shalt  }
0x80: {  	_ =	shalt  }
0x81: {  	_ =	shalt  }
0x82: {  	_ =	shalt  }
0x83: {  	_ =	shalt  }
0x84: {  	_ =	shalt  }
0x85: {  	_ =	shalt  }
0x86: {  	_ =	shalt  }
0x87: {  	_ =	shalt  }
.Lfunc_end0:
.L_simem_size_0:
called_computation_lowered:
.L_overlay_start_0:
0x88: {  	s2 =	sld [smem:$0x3FD9]  }
0x89: {  	s3 =	sld [smem:$0x3FFE];
	_ =	sdelay $0x1  }
0x8a: {  	s1 =	srdreg.scid  }
0x8b: {  	s0 =	sand.u32 $0x1, s1  }
0x8c: {  	s16 =	sshll.u32 s0, $0xA;
	s2 =	sadd.s32 s3, s2  }
0x8d: {  	s2 =	sadd.s32 s2, s16  }
0x8e: {  	[smem:$0x3FC0] =	sst s2  }
0x8f: {  	_ = 	snop  }
0x90: {  	(tm) =	ssettm $0x1  }
0x91: {  	s17 =	sld [smem:$0x3FFB];
	_ =	sdelay $0x3  }
0x92: {  	_ =	strace s17  }
0x93: {  	s2 =	sld [smem:$0x3FFC];
	_ =	sdelay $0x3  }
0x94: {  	_ =	strace s2  }
0x95: {  	s2 =	sld [smem:$0x3FFD];
	_ =	sdelay $0x3  }
0x96: {  	_ =	strace s2  }
0x97: {  	_ =	strace $0x8FFFFFFF  }
0x98: {  	s18 =	sld [smem:$0x3FDB];
	_ =	sdelay $0x1  }
0x99: {  	s19 =	simm.s32 $_scs_section_size  }
0x9a: {  	s4 =	simm.s32 $_size__tile_overlayer_lowered;
	s5 =	simm.s32 $_tile_overlayer_lowered  }
0x9b: {  	s22 =	simm.s32 $0x1BFF;
	s21 =	sshll.u32 s5, $0x1;
	s2 =	sadd.s32 s19, s18  }
0x9c: {  	s6 =	simm.s32 $0x0;
	s20 =	sshll.u32 s4, $0x1;
	s4 =	sadd.s32 s21, s2  }
0x9d: {  	[timem:s6], [sflag:s22] =	dma.local [hbm:s4], s20  }
0x9e: {  	_ =	swait.ge [sflag:s22], s20  }
0x9f: {  	s3 =	ssub.s32 $0x0, s20;
	[sflag:s22] =	ssyncset.done $0x0  }
0xa0: {  	[sflag:s22] =	ssyncadd.s32 s3;
	_ =	sdelay $0x1  }
0xa1: {  	s23 =	simm.s32 $0x1B8B  }
0xa2: {  	_ =	swait.ge [sflag:s23], $0x1  }
0xa3: {  	[sflag:s23] =	ssyncset.done $0x0  }
0xa4: {  	s25 =	simm.s32 $0x1B8E;
	s24 =	sld [smem:$0x3FFE];
	[sflag:s23] =	ssyncadd.s32 $0xFFFFFFFF  }
0xa5: {  	s26 =	simm.s32 $execute0_lowered;
	[smem:$0x3FD2] =	sst s25  }
0xa6: {  	s4 =	sshll.u32 s26, $0x1;
	_ =	strace $0x80000046;
	[dreg:$0x1] =	wrdreg $0xFFFFFFFF  }
0xa7: {  	s28 =	simm.s32 $_size_execute0_lowered;
	s2 =	sadd.s32 s2, s4;
	[dreg:$0x0] =	wrdreg $0x0  }
0xa8: {  	s4 =	sshll.u32 s28, $0x1;
	[dreg:$0x2] =	wrdreg s2  }
0xa9: {  	[dreg:$0x3] =	wrdreg s4  }
0xaa: {  	[dreg:$0x4] =	wrdreg $0xC0  }
0xab: {  	_ =	task [dreg:s6], $0x5FFFF  }
0xac: {  	[dreg:$0x1] =	wrdreg $0xFFFFFFFF  }
0xad: {  	[dreg:$0x0] =	wrdreg $0x60  }
0xae: {  	[dreg:$0x2] =	wrdreg s24  }
0xaf: {  	[dreg:$0x3] =	wrdreg $0x9  }
0xb0: {  	_ =	task.clear_ibuf [dreg:s6], $0x4FFFF;
	_ =	strace $0x90000046  }
0xb1: {  	s29 =	simm.s32 $0x9;
	_ =	strace $0x80000048  }
0xb2: {  	_ =	swait.ge [sflag:s29], $0x1  }
0xb3: {  	[sflag:s29] =	ssyncadd.s32 $0xFFFFFFFF  }
0xb4: {  	_ =	strace $0x90000048  }
0xb5: {  	_ =	sfence  }
0xb6: {  	s30 =	sld [smem:$0x0];
	_ =	sdelay $0x2  }
0xb7: {  	s31 =	sshll.u32 s1, $0xD;
	s1 =	sshrl.u32 s1, $0x2  }
0xb8: {  	s3 =	sand.u32 $0x4000, s31;
	s1 =	sadd.s32 s1, s30  }
0xb9: {  	s0 =	sor.u32 s3, s0;
	s1 =	sshll.u32 s1, $0x11  }
0xba: {  	s0 =	sor.u32 s1, s0  }
0xbb: {  	s0 =	sadd.s32 $0x8F2B, s0  }
0xbc: {  	[sflag:s0] =	ssyncadd.remote.s32 $0x1  }
0xbd: {  	_ =	sfence.sel $0xFFFF  }
0xbe: {  	[dreg:$0x0] =	wrdreg $0xFFFFFFFF;
	(pc) =	sbr.abs _section_cstart, $3  }
0xbf: {  	[dreg:$0x1] =	wrdreg $0xFFFFFFFF  }
0xc0: {  	_ =	task.clear_ibuf [dreg:s6], $0x2FFFF;
	_ =	strace $0x9FFFFFFF  }
0xc1: {  	(tm) =	ssettm $0x7FFFFFFF  }
tec
execute0_lowered:
.L_overlay_start_1:
0x0: {  	(tag) =	ssettag $0x1  }
0x1: {  	s0 =	srdreg.scid  }
0x2: {  	s2 =	stileid.u32;
	s1 =	rddreg [dreg:$0x0]  }
0x3: {  	s14 =	simm.s32 $0x50;
	s29 =	simm.s32 $0x1;
	s30 =	simm.s32 $0x6  }
0x4: {  	s15 =	simm.s32 $0x2;
	s16 =	simm.s32 $0x7;
	s18 =	simm.s32 $0x3  }
0x5: {  	s19 =	simm.s32 $0x8;
	s21 =	simm.s32 $0x4;
	s22 =	simm.s32 $0x9  }
0x6: {  	s23 =	simm.s32 $0x15220;
	s24 =	simm.s32 $0x5;
	s26 =	simm.s32 $0xA  }
0x7: {  	s13 =	simm.s32 $0x16620;
	s0 =	sand.u32 $0x1, s0;
	s3 =	sshll.u32 s2, $0x1  }
0x8: {  	s2 =	simm.s32 $0x0;
	s3 =	sor.u32 s0, s3;
	s0 =	ssub.s32 $0x2, s0  }
0x9: {  	[smem:$0x7FF] =	sst s2;
	s3 =	smul.u32 $0x2710, s3;
	s6 =	sshrl.u32 s0, $0x1  }
0xa: {  	s4 =	sadd.s32 $0x14400, s1;
	_ =	strace $0x80000047;
	s0 =	ssub.s32 s0, s6  }
.Ltmp0:
0xb: {  	s6 =	simm.s32 $0xE;
	s5 =	sshrl.u32 s3, $0x3;
	(pc) =	sbr.rel .LBB2_1-.Ltmp0, $4  }
0xc: {  	s0 =	smax.u32 s0, $0x1;
	s9 =	sadd.s32 $0x50, s3;
	s7 =	sadd.s32 s5, s1  }
0xd: {  	s10 =	sadd.s32 $0xA0, s3;
	[dreg:$0x4] =	wrdreg s0;
	s28 =	sadd.s32 $0xA600, s7  }
0xe: {  	s11 =	sadd.s32 $0xF0, s3;
	s31 =	sadd.s32 $0x800, s7;
	[dreg:$0x2] =	wrdreg s28  }
0xf: {  	s5 =	sadd.s32 $0x27E00, s1;
	s7 =	simm.s32 $0x0;
	[dreg:$0x3] =	wrdreg s31  }
.LBB2_14:
0x10: {  	s0 =	simm.s32 $0xB  }
0x11: {  	_ =	swait.ge [sflag:s0], $0x1400  }
0x12: {  	[sflag:s0] =	ssyncset.done $0x0  }
0x13: {  	s25 =	simm.s32 $0xC;
	[sflag:s0] =	ssyncadd.s32 $0xFFFFEC00  }
0x14: {  	_ =	swait.ge [sflag:s25], $0x1400  }
0x15: {  	[sflag:s25] =	ssyncset.done $0x0  }
0x16: {  	s28 =	simm.s32 $0xD;
	[sflag:s25] =	ssyncadd.s32 $0xFFFFEC00  }
0x17: {  	_ =	swait.ge [sflag:s28], $0x1400  }
0x18: {  	[sflag:s28] =	ssyncset.done $0x0  }
0x19: {  	[sflag:s28] =	ssyncadd.s32 $0xFFFFEC00  }
0x1a: {  	_ =	swait.ge [sflag:s6], $0x1400  }
0x1b: {  	[sflag:s6] =	ssyncset.done $0x0  }
0x1c: {  	s1 =	simm.s32 $0xF;
	[sflag:s6] =	ssyncadd.s32 $0xFFFFEC00  }
0x1d: {  	_ =	swait.ge [sflag:s1], $0x1400  }
0x1e: {  	s7 =	rddreg [dreg:$0x5]  }
0x1f: {  	s31 =	rddreg [dreg:$0x4];
	s7 =	sadd.s32 $0x1, s7  }
0x20: {  	p0 =	sne.s32 s7, s31  }
.Ltmp1:
0x21: {  	_ = 	snop;
	(pc) =	sbr.rel @!p0 .LBB2_15-.Ltmp1, $3  }
0x22: {  	_ =	sdelay $0x1  }
0x23: {  	[sflag:s1] =	ssyncset.done $0x0  }
0x24: {  	[sflag:s1] =	ssyncadd.s32 $0xFFFFEC00  }
.LBB2_1:
0x25: {  	[dreg:$0x5] =	wrdreg s7  }
0x26: {  	s0 =	rddreg [dreg:$0x2];
	s1 =	simm.s32 $0x10  }
0x27: {  	[tilespmem:s2], [sflag:$0x10] =	stream.linear.gather [hbm4b:s0+s2], $0x2710, $0x38;
	[tilespmem:$0x17A20] =	vst v63  }
0x28: {  	_ =	swait.ge [sflag:s1], $0x2710  }
0x29: {  	[sflag:s1] =	ssyncset.done $0x0  }
0x2a: {  	s12 =	simm.s32 $0x2710;
	s8 =	rddreg [dreg:$0x3];
	[sflag:s1] =	ssyncadd.s32 $0xFFFFD8F0  }
0x2b: {  	[tilespmem:s12], [sflag:$0x10] =	stream.linear.gather [hbm4b:s8+s2], $0x2710, $0x38;
	[tilespmem:$0x17A20] =	vst v63  }
0x2c: {  	_ =	swait.ge [sflag:s1], $0x2710  }
0x2d: {  	[sflag:s1] =	ssyncset.done $0x0  }
0x2e: {  	s17 =	simm.s32 $0x4E20;
	[sflag:s1] =	ssyncadd.s32 $0xFFFFD8F0  }
0x2f: {  	[tilespmem:s17], [sflag:$0x1] =	stream.indirect.gather [hbm4b:s4+s14], $0x40, s2, s14, $0xb8;
	[tilespmem:$0x17A20] =	vst v63  }
0x30: {  	s20 =	simm.s32 $0xB220  }
0x31: {  	[tilespmem:s20], [sflag:$0x6] =	stream.indirect.gather [hbm4b:s4+s14], $0x40, s12, s14, $0xb8;
	[tilespmem:$0x17A20] =	vst v63  }
0x32: {  	s25 =	simm.s32 $0x6220  }
0x33: {  	[tilespmem:s25], [sflag:$0x2] =	stream.indirect.gather [hbm4b:s4+s14], $0x40, s14, s14, $0xb8;
	[tilespmem:$0x17A20] =	vst v63  }
0x34: {  	s28 =	simm.s32 $0x2760;
	s31 =	simm.s32 $0xC620  }
0x35: {  	[tilespmem:s31], [sflag:$0x7] =	stream.indirect.gather [hbm4b:s4+s14], $0x40, s28, s14, $0xb8;
	[tilespmem:$0x17A20] =	vst v63  }
0x36: {  	s7 =	simm.s32 $0xA0;
	s8 =	simm.s32 $0x7620  }
0x37: {  	[tilespmem:s8], [sflag:$0x3] =	stream.indirect.gather [hbm4b:s4+s14], $0x40, s7, s14, $0xb8;
	[tilespmem:$0x17A20] =	vst v63  }
0x38: {  	s17 =	simm.s32 $0xDA20;
	s12 =	simm.s32 $0x27B0  }
0x39: {  	[tilespmem:s17], [sflag:$0x8] =	stream.indirect.gather [hbm4b:s4+s14], $0x40, s12, s14, $0xb8;
	[tilespmem:$0x17A20] =	vst v63  }
0x3a: {  	s20 =	simm.s32 $0xF0;
	s25 =	simm.s32 $0x8A20  }
0x3b: {  	[tilespmem:s25], [sflag:$0x4] =	stream.indirect.gather [hbm4b:s4+s14], $0x40, s20, s14, $0xb8;
	[tilespmem:$0x17A20] =	vst v63  }
0x3c: {  	s28 =	simm.s32 $0x2800;
	s31 =	simm.s32 $0xEE20;
	s7 =	simm.s32 $0x0  }
0x3d: {  	[tilespmem:s31], [sflag:$0x9] =	stream.indirect.gather [hbm4b:s4+s14], $0x40, s28, s14, $0xb8;
	[tilespmem:$0x17A20] =	vst v63  }
.LBB2_2:
0x3e: {  	_ =	swait.ge [sflag:s29], $0x1400  }
0x3f: {  	[sflag:s29] =	ssyncset.done $0x0  }
0x40: {  	[sflag:s29] =	ssyncadd.s32 $0xFFFFEC00  }
0x41: {  	_ =	swait.ge [sflag:s30], $0x1400  }
0x42: {  	[sflag:s30] =	ssyncset.done $0x0  }
0x43: {  	s12 =	simm.s32 $0x4EA0;
	[sflag:s30] =	ssyncadd.s32 $0xFFFFEC00  }
0x44: {  	s25 =	simm.s32 $0xB2A0;
	v0 =	vld [tilespmem:s12+$0xFFFFFF80]  }
0x45: {  	v1 =	vld [tilespmem:s25+$0xFFFFFF80];
	_ =	sdelay $0x3  }
0x46: {  	v2 =	vand.u32 $0xFFFF0000, v0  }
0x47: {  	v0 =	vshll.u32 v0, $0x10;
	v3 =	vshll.u32 v1, $0x10;
	v1 =	vand.u32 $0xFFFF0000, v1  }
0x48: {  	v0 =	vmul.f32 v3, v0;
	v1 =	vmul.f32 v1, v2;
	_ =	sdelay $0x1  }
0x49: {  	v0 =	vadd.s32 $0x8000, v0;
	v1 =	vadd.s32 $0x8000, v1  }
0x4a: {  	v0 =	vshrl.u32 v0, $0x10;
	v1 =	vand.u32 $0xFFFF0000, v1  }
0x4b: {  	s8 =	simm.s32 $0x116A0;
	v0 =	vor.u32 v1, v0  }
0x4c: {  	[tilespmem:s8+$0xFFFFFF80] =	vst v0  }
0x4d: {  	v0 =	vld [tilespmem:s25+$0xFFFFFF90]  }
0x4e: {  	v1 =	vld [tilespmem:s12+$0xFFFFFF90];
	_ =	sdelay $0x3  }
0x4f: {  	v2 =	vshll.u32 v0, $0x10  }
0x50: {  	v0 =	vand.u32 $0xFFFF0000, v0;
	v3 =	vshll.u32 v1, $0x10;
	v1 =	vand.u32 $0xFFFF0000, v1  }
0x51: {  	v2 =	vmul.f32 v2, v3;
	v0 =	vmul.f32 v0, v1;
	_ =	sdelay $0x1  }
0x52: {  	v1 =	vadd.s32 $0x8000, v2;
	v0 =	vadd.s32 $0x8000, v0  }
0x53: {  	v1 =	vshrl.u32 v1, $0x10;
	v0 =	vand.u32 $0xFFFF0000, v0  }
0x54: {  	v0 =	vor.u32 v0, v1  }
0x55: {  	[tilespmem:s8+$0xFFFFFF90] =	vst v0  }
0x56: {  	v0 =	vld [tilespmem:s12+$0xFFFFFFA0]  }
0x57: {  	v1 =	vld [tilespmem:s25+$0xFFFFFFA0];
	_ =	sdelay $0x3  }
0x58: {  	v2 =	vshll.u32 v0, $0x10  }
0x59: {  	v0 =	vand.u32 $0xFFFF0000, v0;
	v3 =	vshll.u32 v1, $0x10;
	v1 =	vand.u32 $0xFFFF0000, v1  }
0x5a: {  	v2 =	vmul.f32 v3, v2;
	v0 =	vmul.f32 v1, v0;
	_ =	sdelay $0x1  }
0x5b: {  	v1 =	vadd.s32 $0x8000, v2;
	v0 =	vadd.s32 $0x8000, v0  }
0x5c: {  	v1 =	vshrl.u32 v1, $0x10;
	v0 =	vand.u32 $0xFFFF0000, v0  }
0x5d: {  	v0 =	vor.u32 v0, v1  }
0x5e: {  	[tilespmem:s8+$0xFFFFFFA0] =	vst v0  }
0x5f: {  	v0 =	vld [tilespmem:s12+$0xFFFFFFB0]  }
0x60: {  	v1 =	vld [tilespmem:s25+$0xFFFFFFB0];
	_ =	sdelay $0x3  }
0x61: {  	v2 =	vshll.u32 v0, $0x10  }
0x62: {  	v0 =	vand.u32 $0xFFFF0000, v0;
	v3 =	vshll.u32 v1, $0x10;
	v1 =	vand.u32 $0xFFFF0000, v1  }
0x63: {  	v2 =	vmul.f32 v3, v2;
	v0 =	vmul.f32 v1, v0;
	_ =	sdelay $0x1  }
0x64: {  	v1 =	vadd.s32 $0x8000, v2;
	v0 =	vadd.s32 $0x8000, v0  }
0x65: {  	v1 =	vshrl.u32 v1, $0x10;
	v0 =	vand.u32 $0xFFFF0000, v0  }
0x66: {  	v0 =	vor.u32 v0, v1  }
0x67: {  	[tilespmem:s8+$0xFFFFFFB0] =	vst v0  }
0x68: {  	v0 =	vld [tilespmem:s12+$0xFFFFFFC0]  }
0x69: {  	v1 =	vld [tilespmem:s25+$0xFFFFFFC0];
	_ =	sdelay $0x3  }
0x6a: {  	v2 =	vshll.u32 v0, $0x10  }
0x6b: {  	v0 =	vand.u32 $0xFFFF0000, v0;
	v3 =	vshll.u32 v1, $0x10;
	v1 =	vand.u32 $0xFFFF0000, v1  }
0x6c: {  	v2 =	vmul.f32 v3, v2;
	v0 =	vmul.f32 v1, v0;
	_ =	sdelay $0x1  }
0x6d: {  	v1 =	vadd.s32 $0x8000, v2;
	v0 =	vadd.s32 $0x8000, v0  }
0x6e: {  	v1 =	vshrl.u32 v1, $0x10;
	v0 =	vand.u32 $0xFFFF0000, v0  }
0x6f: {  	v0 =	vor.u32 v0, v1  }
0x70: {  	[tilespmem:s8+$0xFFFFFFC0] =	vst v0  }
0x71: {  	v0 =	vld [tilespmem:s12+$0xFFFFFFD0]  }
0x72: {  	v1 =	vld [tilespmem:s25+$0xFFFFFFD0];
	_ =	sdelay $0x3  }
0x73: {  	v2 =	vshll.u32 v0, $0x10  }
0x74: {  	v0 =	vand.u32 $0xFFFF0000, v0;
	v3 =	vshll.u32 v1, $0x10;
	v1 =	vand.u32 $0xFFFF0000, v1  }
0x75: {  	v2 =	vmul.f32 v3, v2;
	v0 =	vmul.f32 v1, v0;
	_ =	sdelay $0x1  }
0x76: {  	v1 =	vadd.s32 $0x8000, v2;
	v0 =	vadd.s32 $0x8000, v0  }
0x77: {  	v1 =	vshrl.u32 v1, $0x10;
	v0 =	vand.u32 $0xFFFF0000, v0  }
0x78: {  	v0 =	vor.u32 v0, v1  }
0x79: {  	[tilespmem:s8+$0xFFFFFFD0] =	vst v0  }
0x7a: {  	v0 =	vld [tilespmem:s12+$0xFFFFFFE0]  }
0x7b: {  	v1 =	vld [tilespmem:s25+$0xFFFFFFE0];
	_ =	sdelay $0x3  }
0x7c: {  	v2 =	vshll.u32 v0, $0x10  }
0x7d: {  	v0 =	vand.u32 $0xFFFF0000, v0;
	v3 =	vshll.u32 v1, $0x10;
	v1 =	vand.u32 $0xFFFF0000, v1  }
0x7e: {  	v2 =	vmul.f32 v3, v2;
	v0 =	vmul.f32 v1, v0;
	_ =	sdelay $0x1  }
0x7f: {  	v1 =	vadd.s32 $0x8000, v2;
	v0 =	vadd.s32 $0x8000, v0  }
0x80: {  	v1 =	vshrl.u32 v1, $0x10;
	v0 =	vand.u32 $0xFFFF0000, v0  }
0x81: {  	v0 =	vor.u32 v0, v1  }
0x82: {  	[tilespmem:s8+$0xFFFFFFE0] =	vst v0  }
0x83: {  	v0 =	vld [tilespmem:s12+$0xFFFFFFF0]  }
0x84: {  	v1 =	vld [tilespmem:s25+$0xFFFFFFF0];
	_ =	sdelay $0x3  }
0x85: {  	v2 =	vshll.u32 v0, $0x10  }
0x86: {  	v0 =	vand.u32 $0xFFFF0000, v0;
	v3 =	vshll.u32 v1, $0x10;
	v1 =	vand.u32 $0xFFFF0000, v1  }
0x87: {  	v2 =	vmul.f32 v3, v2;
	v0 =	vmul.f32 v1, v0;
	_ =	sdelay $0x1  }
0x88: {  	v1 =	vadd.s32 $0x8000, v2;
	v0 =	vadd.s32 $0x8000, v0  }
0x89: {  	v1 =	vshrl.u32 v1, $0x10;
	v0 =	vand.u32 $0xFFFF0000, v0  }
0x8a: {  	v0 =	vor.u32 v0, v1  }
0x8b: {  	[tilespmem:s8+$0xFFFFFFF0] =	vst v0  }
0x8c: {  	v0 =	vld [tilespmem:s12+$0x0]  }
0x8d: {  	v1 =	vld [tilespmem:s25+$0x0];
	_ =	sdelay $0x3  }
0x8e: {  	v2 =	vshll.u32 v0, $0x10  }
0x8f: {  	v0 =	vand.u32 $0xFFFF0000, v0;
	v3 =	vshll.u32 v1, $0x10;
	v1 =	vand.u32 $0xFFFF0000, v1  }
0x90: {  	v2 =	vmul.f32 v3, v2;
	v0 =	vmul.f32 v1, v0;
	_ =	sdelay $0x1  }
0x91: {  	v1 =	vadd.s32 $0x8000, v2;
	v0 =	vadd.s32 $0x8000, v0  }
0x92: {  	v1 =	vshrl.u32 v1, $0x10;
	v0 =	vand.u32 $0xFFFF0000, v0  }
0x93: {  	v0 =	vor.u32 v0, v1  }
0x94: {  	[tilespmem:s8+$0x0] =	vst v0  }
0x95: {  	v0 =	vld [tilespmem:s12+$0x10]  }
0x96: {  	v1 =	vld [tilespmem:s25+$0x10];
	_ =	sdelay $0x3  }
0x97: {  	v2 =	vshll.u32 v0, $0x10  }
0x98: {  	v0 =	vand.u32 $0xFFFF0000, v0;
	v3 =	vshll.u32 v1, $0x10;
	v1 =	vand.u32 $0xFFFF0000, v1  }
0x99: {  	v2 =	vmul.f32 v3, v2;
	v0 =	vmul.f32 v1, v0;
	_ =	sdelay $0x1  }
0x9a: {  	v1 =	vadd.s32 $0x8000, v2;
	v0 =	vadd.s32 $0x8000, v0  }
0x9b: {  	v1 =	vshrl.u32 v1, $0x10;
	v0 =	vand.u32 $0xFFFF0000, v0  }
0x9c: {  	v0 =	vor.u32 v0, v1  }
0x9d: {  	[tilespmem:s8+$0x10] =	vst v0  }
0x9e: {  	v0 =	vld [tilespmem:s12+$0x20]  }
0x9f: {  	v1 =	vld [tilespmem:s25+$0x20];
	_ =	sdelay $0x3  }
0xa0: {  	v2 =	vshll.u32 v0, $0x10  }
0xa1: {  	v0 =	vand.u32 $0xFFFF0000, v0;
	v3 =	vshll.u32 v1, $0x10;
	v1 =	vand.u32 $0xFFFF0000, v1  }
0xa2: {  	v2 =	vmul.f32 v3, v2;
	v0 =	vmul.f32 v1, v0;
	_ =	sdelay $0x1  }
0xa3: {  	v1 =	vadd.s32 $0x8000, v2;
	v0 =	vadd.s32 $0x8000, v0  }
0xa4: {  	v1 =	vshrl.u32 v1, $0x10;
	v0 =	vand.u32 $0xFFFF0000, v0  }
0xa5: {  	v0 =	vor.u32 v0, v1  }
0xa6: {  	[tilespmem:s8+$0x20] =	vst v0  }
0xa7: {  	v0 =	vld [tilespmem:s12+$0x30]  }
0xa8: {  	v1 =	vld [tilespmem:s25+$0x30];
	_ =	sdelay $0x3  }
0xa9: {  	v2 =	vshll.u32 v0, $0x10  }
0xaa: {  	v0 =	vand.u32 $0xFFFF0000, v0;
	v3 =	vshll.u32 v1, $0x10;
	v1 =	vand.u32 $0xFFFF0000, v1  }
0xab: {  	v2 =	vmul.f32 v3, v2;
	v0 =	vmul.f32 v1, v0;
	_ =	sdelay $0x1  }
0xac: {  	v1 =	vadd.s32 $0x8000, v2;
	v0 =	vadd.s32 $0x8000, v0  }
0xad: {  	v1 =	vshrl.u32 v1, $0x10;
	v0 =	vand.u32 $0xFFFF0000, v0  }
0xae: {  	v0 =	vor.u32 v0, v1  }
0xaf: {  	[tilespmem:s8+$0x30] =	vst v0  }
0xb0: {  	v0 =	vld [tilespmem:s12+$0x40]  }
0xb1: {  	v1 =	vld [tilespmem:s25+$0x40];
	_ =	sdelay $0x3  }
0xb2: {  	v2 =	vshll.u32 v0, $0x10  }
0xb3: {  	v0 =	vand.u32 $0xFFFF0000, v0;
	v3 =	vshll.u32 v1, $0x10;
	v1 =	vand.u32 $0xFFFF0000, v1  }
0xb4: {  	v2 =	vmul.f32 v3, v2;
	v0 =	vmul.f32 v1, v0;
	_ =	sdelay $0x1  }
0xb5: {  	v1 =	vadd.s32 $0x8000, v2;
	v0 =	vadd.s32 $0x8000, v0  }
0xb6: {  	v1 =	vshrl.u32 v1, $0x10;
	v0 =	vand.u32 $0xFFFF0000, v0  }
0xb7: {  	v0 =	vor.u32 v0, v1  }
0xb8: {  	[tilespmem:s8+$0x40] =	vst v0  }
0xb9: {  	v0 =	vld [tilespmem:s12+$0x50]  }
0xba: {  	v1 =	vld [tilespmem:s25+$0x50];
	_ =	sdelay $0x3  }
0xbb: {  	v2 =	vshll.u32 v0, $0x10  }
0xbc: {  	v0 =	vand.u32 $0xFFFF0000, v0;
	v3 =	vshll.u32 v1, $0x10;
	v1 =	vand.u32 $0xFFFF0000, v1  }
0xbd: {  	v2 =	vmul.f32 v3, v2;
	v0 =	vmul.f32 v1, v0;
	_ =	sdelay $0x1  }
0xbe: {  	v1 =	vadd.s32 $0x8000, v2;
	v0 =	vadd.s32 $0x8000, v0  }
0xbf: {  	v1 =	vshrl.u32 v1, $0x10;
	v0 =	vand.u32 $0xFFFF0000, v0  }
0xc0: {  	v0 =	vor.u32 v0, v1  }
0xc1: {  	[tilespmem:s8+$0x50] =	vst v0  }
0xc2: {  	v0 =	vld [tilespmem:s12+$0x60]  }
0xc3: {  	v1 =	vld [tilespmem:s25+$0x60];
	_ =	sdelay $0x3  }
0xc4: {  	v2 =	vshll.u32 v0, $0x10  }
0xc5: {  	v0 =	vand.u32 $0xFFFF0000, v0;
	v3 =	vshll.u32 v1, $0x10;
	v1 =	vand.u32 $0xFFFF0000, v1  }
0xc6: {  	v2 =	vmul.f32 v3, v2;
	v1 =	vmul.f32 v1, v0  }
0xc7: {  	s0 =	simm.s32 $0x0  }
0xc8: {  	s1 =	simm.s32 $0x117A0;
	s28 =	simm.s32 $0x4EA0;
	s31 =	simm.s32 $0xB2A0;
	v0 =	vadd.s32 $0x8000, v2;
	v1 =	vadd.s32 $0x8000, v1  }
.LBB2_3:
0xc9: {  	s0 =	sadd.s32 $0x2, s0;
	v0 =	vshrl.u32 v0, $0x10;
	v1 =	vand.u32 $0xFFFF0000, v1;
	s25 =	sadd.s32 $0x100, s25;
	s12 =	sadd.s32 $0x100, s12  }
0xca: {  	p0 =	slt.u32 s0, $0x26;
	v0 =	vor.u32 v1, v0  }
0xcb: {  	[tilespmem:s8+$0x60] =	vst v0  }
0xcc: {  	v0 =	vld [tilespmem:s28+$0x70];
	s28 =	smov.u32 s12  }
0xcd: {  	v1 =	vld [tilespmem:s31+$0x70];
	s31 =	smov.u32 s25;
	_ =	sdelay $0x3  }
0xce: {  	v2 =	vshll.u32 v0, $0x10;
	v0 =	vand.u32 $0xFFFF0000, v0  }
0xcf: {  	v3 =	vshll.u32 v1, $0x10;
	v1 =	vand.u32 $0xFFFF0000, v1  }
0xd0: {  	v2 =	vmul.f32 v3, v2;
	v0 =	vmul.f32 v1, v0;
	_ =	sdelay $0x1  }
0xd1: {  	v1 =	vadd.s32 $0x8000, v2;
	v0 =	vadd.s32 $0x8000, v0  }
0xd2: {  	v1 =	vshrl.u32 v1, $0x10;
	v0 =	vand.u32 $0xFFFF0000, v0  }
0xd3: {  	v0 =	vor.u32 v0, v1  }
0xd4: {  	[tilespmem:s8+$0x70] =	vst v0;
	s8 =	smov.u32 s1  }
0xd5: {  	v0 =	vld [tilespmem:s12+$0xFFFFFF80]  }
0xd6: {  	v1 =	vld [tilespmem:s25+$0xFFFFFF80];
	_ =	sdelay $0x3  }
0xd7: {  	v2 =	vand.u32 $0xFFFF0000, v0  }
0xd8: {  	v0 =	vshll.u32 v0, $0x10;
	v3 =	vshll.u32 v1, $0x10;
	v1 =	vand.u32 $0xFFFF0000, v1  }
0xd9: {  	v0 =	vmul.f32 v3, v0;
	v1 =	vmul.f32 v1, v2;
	_ =	sdelay $0x1  }
0xda: {  	v0 =	vadd.s32 $0x8000, v0;
	v1 =	vadd.s32 $0x8000, v1  }
0xdb: {  	v0 =	vshrl.u32 v0, $0x10;
	v1 =	vand.u32 $0xFFFF0000, v1  }
0xdc: {  	v0 =	vor.u32 v1, v0  }
0xdd: {  	[tilespmem:s1+$0xFFFFFF80] =	vst v0  }
0xde: {  	v0 =	vld [tilespmem:s25+$0xFFFFFF90]  }
0xdf: {  	v1 =	vld [tilespmem:s12+$0xFFFFFF90];
	_ =	sdelay $0x3  }
0xe0: {  	v2 =	vshll.u32 v0, $0x10;
	v0 =	vand.u32 $0xFFFF0000, v0  }
0xe1: {  	v3 =	vshll.u32 v1, $0x10;
	v1 =	vand.u32 $0xFFFF0000, v1  }
0xe2: {  	v2 =	vmul.f32 v2, v3;
	v0 =	vmul.f32 v0, v1;
	_ =	sdelay $0x1  }
0xe3: {  	v1 =	vadd.s32 $0x8000, v2;
	v0 =	vadd.s32 $0x8000, v0  }
0xe4: {  	v1 =	vshrl.u32 v1, $0x10;
	v0 =	vand.u32 $0xFFFF0000, v0  }
0xe5: {  	v0 =	vor.u32 v0, v1  }
0xe6: {  	[tilespmem:s1+$0xFFFFFF90] =	vst v0  }
0xe7: {  	v0 =	vld [tilespmem:s12+$0xFFFFFFA0]  }
0xe8: {  	v1 =	vld [tilespmem:s25+$0xFFFFFFA0];
	_ =	sdelay $0x3  }
0xe9: {  	v2 =	vshll.u32 v0, $0x10;
	v0 =	vand.u32 $0xFFFF0000, v0  }
0xea: {  	v3 =	vshll.u32 v1, $0x10;
	v1 =	vand.u32 $0xFFFF0000, v1  }
0xeb: {  	v2 =	vmul.f32 v3, v2;
	v0 =	vmul.f32 v1, v0;
	_ =	sdelay $0x1  }
0xec: {  	v1 =	vadd.s32 $0x8000, v2;
	v0 =	vadd.s32 $0x8000, v0  }
0xed: {  	v1 =	vshrl.u32 v1, $0x10;
	v0 =	vand.u32 $0xFFFF0000, v0  }
0xee: {  	v0 =	vor.u32 v0, v1  }
0xef: {  	[tilespmem:s1+$0xFFFFFFA0] =	vst v0  }
0xf0: {  	v0 =	vld [tilespmem:s12+$0xFFFFFFB0]  }
0xf1: {  	v1 =	vld [tilespmem:s25+$0xFFFFFFB0];
	_ =	sdelay $0x3  }
0xf2: {  	v2 =	vshll.u32 v0, $0x10;
	v0 =	vand.u32 $0xFFFF0000, v0  }
0xf3: {  	v3 =	vshll.u32 v1, $0x10;
	v1 =	vand.u32 $0xFFFF0000, v1  }
0xf4: {  	v2 =	vmul.f32 v3, v2;
	v0 =	vmul.f32 v1, v0;
	_ =	sdelay $0x1  }
0xf5: {  	v1 =	vadd.s32 $0x8000, v2;
	v0 =	vadd.s32 $0x8000, v0  }
0xf6: {  	v1 =	vshrl.u32 v1, $0x10;
	v0 =	vand.u32 $0xFFFF0000, v0  }
0xf7: {  	v0 =	vor.u32 v0, v1  }
0xf8: {  	[tilespmem:s1+$0xFFFFFFB0] =	vst v0  }
0xf9: {  	v0 =	vld [tilespmem:s12+$0xFFFFFFC0]  }
0xfa: {  	v1 =	vld [tilespmem:s25+$0xFFFFFFC0];
	_ =	sdelay $0x3  }
0xfb: {  	v2 =	vshll.u32 v0, $0x10;
	v0 =	vand.u32 $0xFFFF0000, v0  }
0xfc: {  	v3 =	vshll.u32 v1, $0x10;
	v1 =	vand.u32 $0xFFFF0000, v1  }
0xfd: {  	v2 =	vmul.f32 v3, v2;
	v0 =	vmul.f32 v1, v0;
	_ =	sdelay $0x1  }
0xfe: {  	v1 =	vadd.s32 $0x8000, v2;
	v0 =	vadd.s32 $0x8000, v0  }
0xff: {  	v1 =	vshrl.u32 v1, $0x10;
	v0 =	vand.u32 $0xFFFF0000, v0  }
0x100: {  	v0 =	vor.u32 v0, v1  }
0x101: {  	[tilespmem:s1+$0xFFFFFFC0] =	vst v0  }
0x102: {  	v0 =	vld [tilespmem:s12+$0xFFFFFFD0]  }
0x103: {  	v1 =	vld [tilespmem:s25+$0xFFFFFFD0];
	_ =	sdelay $0x3  }
0x104: {  	v2 =	vshll.u32 v0, $0x10;
	v0 =	vand.u32 $0xFFFF0000, v0  }
0x105: {  	v3 =	vshll.u32 v1, $0x10;
	v1 =	vand.u32 $0xFFFF0000, v1  }
0x106: {  	v2 =	vmul.f32 v3, v2;
	v0 =	vmul.f32 v1, v0;
	_ =	sdelay $0x1  }
0x107: {  	v1 =	vadd.s32 $0x8000, v2;
	v0 =	vadd.s32 $0x8000, v0  }
0x108: {  	v1 =	vshrl.u32 v1, $0x10;
	v0 =	vand.u32 $0xFFFF0000, v0  }
0x109: {  	v0 =	vor.u32 v0, v1  }
0x10a: {  	[tilespmem:s1+$0xFFFFFFD0] =	vst v0  }
0x10b: {  	v0 =	vld [tilespmem:s12+$0xFFFFFFE0]  }
0x10c: {  	v1 =	vld [tilespmem:s25+$0xFFFFFFE0];
	_ =	sdelay $0x3  }
0x10d: {  	v2 =	vshll.u32 v0, $0x10;
	v0 =	vand.u32 $0xFFFF0000, v0  }
0x10e: {  	v3 =	vshll.u32 v1, $0x10;
	v1 =	vand.u32 $0xFFFF0000, v1  }
0x10f: {  	v2 =	vmul.f32 v3, v2;
	v0 =	vmul.f32 v1, v0;
	_ =	sdelay $0x1  }
0x110: {  	v1 =	vadd.s32 $0x8000, v2;
	v0 =	vadd.s32 $0x8000, v0  }
0x111: {  	v1 =	vshrl.u32 v1, $0x10;
	v0 =	vand.u32 $0xFFFF0000, v0  }
0x112: {  	v0 =	vor.u32 v0, v1  }
0x113: {  	[tilespmem:s1+$0xFFFFFFE0] =	vst v0  }
0x114: {  	v0 =	vld [tilespmem:s12+$0xFFFFFFF0]  }
0x115: {  	v1 =	vld [tilespmem:s25+$0xFFFFFFF0];
	_ =	sdelay $0x3  }
0x116: {  	v2 =	vshll.u32 v0, $0x10;
	v0 =	vand.u32 $0xFFFF0000, v0  }
0x117: {  	v3 =	vshll.u32 v1, $0x10;
	v1 =	vand.u32 $0xFFFF0000, v1  }
0x118: {  	v2 =	vmul.f32 v3, v2;
	v0 =	vmul.f32 v1, v0;
	_ =	sdelay $0x1  }
0x119: {  	v1 =	vadd.s32 $0x8000, v2;
	v0 =	vadd.s32 $0x8000, v0  }
0x11a: {  	v1 =	vshrl.u32 v1, $0x10;
	v0 =	vand.u32 $0xFFFF0000, v0  }
0x11b: {  	v0 =	vor.u32 v0, v1  }
0x11c: {  	[tilespmem:s1+$0xFFFFFFF0] =	vst v0  }
0x11d: {  	v0 =	vld [tilespmem:s12+$0x0]  }
0x11e: {  	v1 =	vld [tilespmem:s25+$0x0];
	_ =	sdelay $0x3  }
0x11f: {  	v2 =	vshll.u32 v0, $0x10;
	v0 =	vand.u32 $0xFFFF0000, v0  }
0x120: {  	v3 =	vshll.u32 v1, $0x10;
	v1 =	vand.u32 $0xFFFF0000, v1  }
0x121: {  	v2 =	vmul.f32 v3, v2;
	v0 =	vmul.f32 v1, v0;
	_ =	sdelay $0x1  }
0x122: {  	v1 =	vadd.s32 $0x8000, v2;
	v0 =	vadd.s32 $0x8000, v0  }
0x123: {  	v1 =	vshrl.u32 v1, $0x10;
	v0 =	vand.u32 $0xFFFF0000, v0  }
0x124: {  	v0 =	vor.u32 v0, v1  }
0x125: {  	[tilespmem:s1+$0x0] =	vst v0  }
0x126: {  	v0 =	vld [tilespmem:s12+$0x10]  }
0x127: {  	v1 =	vld [tilespmem:s25+$0x10];
	_ =	sdelay $0x3  }
0x128: {  	v2 =	vshll.u32 v0, $0x10;
	v0 =	vand.u32 $0xFFFF0000, v0  }
0x129: {  	v3 =	vshll.u32 v1, $0x10;
	v1 =	vand.u32 $0xFFFF0000, v1  }
0x12a: {  	v2 =	vmul.f32 v3, v2;
	v0 =	vmul.f32 v1, v0;
	_ =	sdelay $0x1  }
0x12b: {  	v1 =	vadd.s32 $0x8000, v2;
	v0 =	vadd.s32 $0x8000, v0  }
0x12c: {  	v1 =	vshrl.u32 v1, $0x10;
	v0 =	vand.u32 $0xFFFF0000, v0  }
0x12d: {  	v0 =	vor.u32 v0, v1  }
0x12e: {  	[tilespmem:s1+$0x10] =	vst v0  }
0x12f: {  	v0 =	vld [tilespmem:s12+$0x20]  }
0x130: {  	v1 =	vld [tilespmem:s25+$0x20];
	_ =	sdelay $0x3  }
0x131: {  	v2 =	vshll.u32 v0, $0x10;
	v0 =	vand.u32 $0xFFFF0000, v0  }
0x132: {  	v3 =	vshll.u32 v1, $0x10;
	v1 =	vand.u32 $0xFFFF0000, v1  }
0x133: {  	v2 =	vmul.f32 v3, v2;
	v0 =	vmul.f32 v1, v0;
	_ =	sdelay $0x1  }
0x134: {  	v1 =	vadd.s32 $0x8000, v2;
	v0 =	vadd.s32 $0x8000, v0  }
0x135: {  	v1 =	vshrl.u32 v1, $0x10;
	v0 =	vand.u32 $0xFFFF0000, v0  }
0x136: {  	v0 =	vor.u32 v0, v1  }
0x137: {  	[tilespmem:s1+$0x20] =	vst v0  }
0x138: {  	v0 =	vld [tilespmem:s12+$0x30]  }
0x139: {  	v1 =	vld [tilespmem:s25+$0x30];
	_ =	sdelay $0x3  }
0x13a: {  	v2 =	vshll.u32 v0, $0x10;
	v0 =	vand.u32 $0xFFFF0000, v0  }
0x13b: {  	v3 =	vshll.u32 v1, $0x10;
	v1 =	vand.u32 $0xFFFF0000, v1  }
0x13c: {  	v2 =	vmul.f32 v3, v2;
	v0 =	vmul.f32 v1, v0;
	_ =	sdelay $0x1  }
0x13d: {  	v1 =	vadd.s32 $0x8000, v2;
	v0 =	vadd.s32 $0x8000, v0  }
0x13e: {  	v1 =	vshrl.u32 v1, $0x10;
	v0 =	vand.u32 $0xFFFF0000, v0  }
0x13f: {  	v0 =	vor.u32 v0, v1  }
0x140: {  	[tilespmem:s1+$0x30] =	vst v0  }
0x141: {  	v0 =	vld [tilespmem:s12+$0x40]  }
0x142: {  	v1 =	vld [tilespmem:s25+$0x40];
	_ =	sdelay $0x3  }
0x143: {  	v2 =	vshll.u32 v0, $0x10;
	v0 =	vand.u32 $0xFFFF0000, v0  }
0x144: {  	v3 =	vshll.u32 v1, $0x10;
	v1 =	vand.u32 $0xFFFF0000, v1  }
0x145: {  	v2 =	vmul.f32 v3, v2;
	v0 =	vmul.f32 v1, v0;
	_ =	sdelay $0x1  }
0x146: {  	v1 =	vadd.s32 $0x8000, v2;
	v0 =	vadd.s32 $0x8000, v0  }
0x147: {  	v1 =	vshrl.u32 v1, $0x10;
	v0 =	vand.u32 $0xFFFF0000, v0  }
0x148: {  	v0 =	vor.u32 v0, v1  }
0x149: {  	[tilespmem:s1+$0x40] =	vst v0  }
0x14a: {  	v0 =	vld [tilespmem:s12+$0x50]  }
0x14b: {  	v1 =	vld [tilespmem:s25+$0x50];
	_ =	sdelay $0x3  }
0x14c: {  	v2 =	vshll.u32 v0, $0x10;
	v0 =	vand.u32 $0xFFFF0000, v0  }
0x14d: {  	v3 =	vshll.u32 v1, $0x10;
	v1 =	vand.u32 $0xFFFF0000, v1  }
0x14e: {  	v2 =	vmul.f32 v3, v2;
	v0 =	vmul.f32 v1, v0;
	_ =	sdelay $0x1  }
0x14f: {  	v1 =	vadd.s32 $0x8000, v2;
	v0 =	vadd.s32 $0x8000, v0  }
0x150: {  	v1 =	vshrl.u32 v1, $0x10;
	v0 =	vand.u32 $0xFFFF0000, v0  }
0x151: {  	v0 =	vor.u32 v0, v1  }
0x152: {  	[tilespmem:s1+$0x50] =	vst v0  }
0x153: {  	v0 =	vld [tilespmem:s12+$0x60]  }
0x154: {  	v1 =	vld [tilespmem:s25+$0x60];
	_ =	sdelay $0x3  }
.Ltmp2:
0x155: {  	v2 =	vshll.u32 v0, $0x10;
	v0 =	vand.u32 $0xFFFF0000, v0;
	(pc) =	sbr.rel @p0 .LBB2_3-.Ltmp2, $3  }
0x156: {  	v3 =	vshll.u32 v1, $0x10;
	v1 =	vand.u32 $0xFFFF0000, v1  }
0x157: {  	v2 =	vmul.f32 v3, v2;
	v1 =	vmul.f32 v1, v0;
	_ =	sdelay $0x1  }
0x158: {  	s1 =	sadd.s32 $0x100, s1;
	v0 =	vadd.s32 $0x8000, v2;
	v1 =	vadd.s32 $0x8000, v1  }
0x159: {  	v0 =	vshrl.u32 v0, $0x10;
	v1 =	vand.u32 $0xFFFF0000, v1  }
0x15a: {  	v0 =	vor.u32 v1, v0  }
0x15b: {  	[tilespmem:s8+$0x60] =	vst v0  }
0x15c: {  	v0 =	vld [tilespmem:s28+$0x70]  }
0x15d: {  	v1 =	vld [tilespmem:s31+$0x70];
	_ =	sdelay $0x3  }
0x15e: {  	v2 =	vshll.u32 v0, $0x10  }
0x15f: {  	v0 =	vand.u32 $0xFFFF0000, v0;
	v3 =	vshll.u32 v1, $0x10;
	v1 =	vand.u32 $0xFFFF0000, v1  }
0x160: {  	v2 =	vmul.f32 v3, v2;
	v0 =	vmul.f32 v1, v0  }
0x161: {  	s12 =	smul.u32 $0x190, s7  }
0x162: {  	v1 =	vadd.s32 $0x8000, v2;
	v0 =	vadd.s32 $0x8000, v0  }
0x163: {  	s0 =	sadd.s32 s3, s12;
	v1 =	vshrl.u32 v1, $0x10;
	v0 =	vand.u32 $0xFFFF0000, v0  }
0x164: {  	s0 =	sshll.u32 s0, $0x3;
	v0 =	vor.u32 v0, v1  }
0x165: {  	s1 =	simm.s32 $0x11620;
	p0 =	seq.s32 s7, $0x0;
	s0 =	sadd.s32 s5, s0;
	[tilespmem:s8+$0x70] =	vst v0  }
0x166: {  	[hbm4b:s0+s2] =	stream.linear.scatter [tilespmem:s1], [sflag:$0xB], $0x1400, $0x38;
	[tilespmem:$0x17A20] =	vst v63  }
0x167: {  	s0 =	simm.s32 @!p0 $0xF  }
0x168: {  	_ =	swait.ge @!p0 [sflag:s0], $0x1400  }
0x169: {  	[sflag:s0] =	ssyncset.done @!p0 $0x0  }
0x16a: {  	s17 =	simm.s32 $0x9E20;
	s8 =	sadd.s32 $0x140, s12;
	[sflag:s0] =	ssyncadd.s32 @!p0 $0xFFFFEC00  }
0x16b: {  	[tilespmem:s17], [sflag:$0x5] =	stream.indirect.gather [hbm4b:s4+s14], $0x40, s8, s14, $0xb8;
	[tilespmem:$0x17A20] =	vst v63  }
0x16c: {  	s25 =	simm.s32 $0x10220;
	s20 =	sadd.s32 $0x2850, s12  }
0x16d: {  	[tilespmem:s25], [sflag:$0xA] =	stream.indirect.gather [hbm4b:s4+s14], $0x40, s20, s14, $0xb8;
	[tilespmem:$0x17A20] =	vst v63  }
0x16e: {  	_ =	swait.ge [sflag:s15], $0x1400  }
0x16f: {  	[sflag:s15] =	ssyncset.done $0x0  }
0x170: {  	[sflag:s15] =	ssyncadd.s32 $0xFFFFEC00  }
0x171: {  	_ =	swait.ge [sflag:s16], $0x1400  }
0x172: {  	[sflag:s16] =	ssyncset.done $0x0  }
0x173: {  	s28 =	simm.s32 $0x62A0;
	[sflag:s16] =	ssyncadd.s32 $0xFFFFEC00  }
0x174: {  	s31 =	simm.s32 $0xC6A0;
	v0 =	vld [tilespmem:s28+$0xFFFFFF80]  }
0x175: {  	v1 =	vld [tilespmem:s31+$0xFFFFFF80];
	_ =	sdelay $0x3  }
0x176: {  	v2 =	vand.u32 $0xFFFF0000, v0  }
0x177: {  	v0 =	vshll.u32 v0, $0x10;
	v3 =	vshll.u32 v1, $0x10;
	v1 =	vand.u32 $0xFFFF0000, v1  }
0x178: {  	v0 =	vmul.f32 v3, v0;
	v1 =	vmul.f32 v1, v2;
	_ =	sdelay $0x1  }
0x179: {  	v0 =	vadd.s32 $0x8000, v0;
	v1 =	vadd.s32 $0x8000, v1  }
0x17a: {  	v0 =	vshrl.u32 v0, $0x10;
	v1 =	vand.u32 $0xFFFF0000, v1  }
0x17b: {  	s25 =	simm.s32 $0x12AA0;
	v0 =	vor.u32 v1, v0  }
0x17c: {  	[tilespmem:s25+$0xFFFFFF80] =	vst v0  }
0x17d: {  	v0 =	vld [tilespmem:s31+$0xFFFFFF90]  }
0x17e: {  	v1 =	vld [tilespmem:s28+$0xFFFFFF90];
	_ =	sdelay $0x3  }
0x17f: {  	v2 =	vshll.u32 v0, $0x10  }
0x180: {  	v0 =	vand.u32 $0xFFFF0000, v0;
	v3 =	vshll.u32 v1, $0x10;
	v1 =	vand.u32 $0xFFFF0000, v1  }
0x181: {  	v2 =	vmul.f32 v2, v3;
	v0 =	vmul.f32 v0, v1;
	_ =	sdelay $0x1  }
0x182: {  	v1 =	vadd.s32 $0x8000, v2;
	v0 =	vadd.s32 $0x8000, v0  }
0x183: {  	v1 =	vshrl.u32 v1, $0x10;
	v0 =	vand.u32 $0xFFFF0000, v0  }
0x184: {  	v0 =	vor.u32 v0, v1  }
0x185: {  	[tilespmem:s25+$0xFFFFFF90] =	vst v0  }
0x186: {  	v0 =	vld [tilespmem:s28+$0xFFFFFFA0]  }
0x187: {  	v1 =	vld [tilespmem:s31+$0xFFFFFFA0];
	_ =	sdelay $0x3  }
0x188: {  	v2 =	vshll.u32 v0, $0x10  }
0x189: {  	v0 =	vand.u32 $0xFFFF0000, v0;
	v3 =	vshll.u32 v1, $0x10;
	v1 =	vand.u32 $0xFFFF0000, v1  }
0x18a: {  	v2 =	vmul.f32 v3, v2;
	v0 =	vmul.f32 v1, v0;
	_ =	sdelay $0x1  }
0x18b: {  	v1 =	vadd.s32 $0x8000, v2;
	v0 =	vadd.s32 $0x8000, v0  }
0x18c: {  	v1 =	vshrl.u32 v1, $0x10;
	v0 =	vand.u32 $0xFFFF0000, v0  }
0x18d: {  	v0 =	vor.u32 v0, v1  }
0x18e: {  	[tilespmem:s25+$0xFFFFFFA0] =	vst v0  }
0x18f: {  	v0 =	vld [tilespmem:s28+$0xFFFFFFB0]  }
0x190: {  	v1 =	vld [tilespmem:s31+$0xFFFFFFB0];
	_ =	sdelay $0x3  }
0x191: {  	v2 =	vshll.u32 v0, $0x10  }
0x192: {  	v0 =	vand.u32 $0xFFFF0000, v0;
	v3 =	vshll.u32 v1, $0x10;
	v1 =	vand.u32 $0xFFFF0000, v1  }
0x193: {  	v2 =	vmul.f32 v3, v2;
	v0 =	vmul.f32 v1, v0;
	_ =	sdelay $0x1  }
0x194: {  	v1 =	vadd.s32 $0x8000, v2;
	v0 =	vadd.s32 $0x8000, v0  }
0x195: {  	v1 =	vshrl.u32 v1, $0x10;
	v0 =	vand.u32 $0xFFFF0000, v0  }
0x196: {  	v0 =	vor.u32 v0, v1  }
0x197: {  	[tilespmem:s25+$0xFFFFFFB0] =	vst v0  }
0x198: {  	v0 =	vld [tilespmem:s28+$0xFFFFFFC0]  }
0x199: {  	v1 =	vld [tilespmem:s31+$0xFFFFFFC0];
	_ =	sdelay $0x3  }
0x19a: {  	v2 =	vshll.u32 v0, $0x10  }
0x19b: {  	v0 =	vand.u32 $0xFFFF0000, v0;
	v3 =	vshll.u32 v1, $0x10;
	v1 =	vand.u32 $0xFFFF0000, v1  }
0x19c: {  	v2 =	vmul.f32 v3, v2;
	v0 =	vmul.f32 v1, v0;
	_ =	sdelay $0x1  }
0x19d: {  	v1 =	vadd.s32 $0x8000, v2;
	v0 =	vadd.s32 $0x8000, v0  }
0x19e: {  	v1 =	vshrl.u32 v1, $0x10;
	v0 =	vand.u32 $0xFFFF0000, v0  }
0x19f: {  	v0 =	vor.u32 v0, v1  }
0x1a0: {  	[tilespmem:s25+$0xFFFFFFC0] =	vst v0  }
0x1a1: {  	v0 =	vld [tilespmem:s28+$0xFFFFFFD0]  }
0x1a2: {  	v1 =	vld [tilespmem:s31+$0xFFFFFFD0];
	_ =	sdelay $0x3  }
0x1a3: {  	v2 =	vshll.u32 v0, $0x10  }
0x1a4: {  	v0 =	vand.u32 $0xFFFF0000, v0;
	v3 =	vshll.u32 v1, $0x10;
	v1 =	vand.u32 $0xFFFF0000, v1  }
0x1a5: {  	v2 =	vmul.f32 v3, v2;
	v0 =	vmul.f32 v1, v0;
	_ =	sdelay $0x1  }
0x1a6: {  	v1 =	vadd.s32 $0x8000, v2;
	v0 =	vadd.s32 $0x8000, v0  }
0x1a7: {  	v1 =	vshrl.u32 v1, $0x10;
	v0 =	vand.u32 $0xFFFF0000, v0  }
0x1a8: {  	v0 =	vor.u32 v0, v1  }
0x1a9: {  	[tilespmem:s25+$0xFFFFFFD0] =	vst v0  }
0x1aa: {  	v0 =	vld [tilespmem:s28+$0xFFFFFFE0]  }
0x1ab: {  	v1 =	vld [tilespmem:s31+$0xFFFFFFE0];
	_ =	sdelay $0x3  }
0x1ac: {  	v2 =	vshll.u32 v0, $0x10  }
0x1ad: {  	v0 =	vand.u32 $0xFFFF0000, v0;
	v3 =	vshll.u32 v1, $0x10;
	v1 =	vand.u32 $0xFFFF0000, v1  }
0x1ae: {  	v2 =	vmul.f32 v3, v2;
	v0 =	vmul.f32 v1, v0;
	_ =	sdelay $0x1  }
0x1af: {  	v1 =	vadd.s32 $0x8000, v2;
	v0 =	vadd.s32 $0x8000, v0  }
0x1b0: {  	v1 =	vshrl.u32 v1, $0x10;
	v0 =	vand.u32 $0xFFFF0000, v0  }
0x1b1: {  	v0 =	vor.u32 v0, v1  }
0x1b2: {  	[tilespmem:s25+$0xFFFFFFE0] =	vst v0  }
0x1b3: {  	v0 =	vld [tilespmem:s28+$0xFFFFFFF0]  }
0x1b4: {  	v1 =	vld [tilespmem:s31+$0xFFFFFFF0];
	_ =	sdelay $0x3  }
0x1b5: {  	v2 =	vshll.u32 v0, $0x10  }
0x1b6: {  	v0 =	vand.u32 $0xFFFF0000, v0;
	v3 =	vshll.u32 v1, $0x10;
	v1 =	vand.u32 $0xFFFF0000, v1  }
0x1b7: {  	v2 =	vmul.f32 v3, v2;
	v0 =	vmul.f32 v1, v0;
	_ =	sdelay $0x1  }
0x1b8: {  	v1 =	vadd.s32 $0x8000, v2;
	v0 =	vadd.s32 $0x8000, v0  }
0x1b9: {  	v1 =	vshrl.u32 v1, $0x10;
	v0 =	vand.u32 $0xFFFF0000, v0  }
0x1ba: {  	v0 =	vor.u32 v0, v1  }
0x1bb: {  	[tilespmem:s25+$0xFFFFFFF0] =	vst v0  }
0x1bc: {  	v0 =	vld [tilespmem:s28+$0x0]  }
0x1bd: {  	v1 =	vld [tilespmem:s31+$0x0];
	_ =	sdelay $0x3  }
0x1be: {  	v2 =	vshll.u32 v0, $0x10  }
0x1bf: {  	v0 =	vand.u32 $0xFFFF0000, v0;
	v3 =	vshll.u32 v1, $0x10;
	v1 =	vand.u32 $0xFFFF0000, v1  }
0x1c0: {  	v2 =	vmul.f32 v3, v2;
	v0 =	vmul.f32 v1, v0;
	_ =	sdelay $0x1  }
0x1c1: {  	v1 =	vadd.s32 $0x8000, v2;
	v0 =	vadd.s32 $0x8000, v0  }
0x1c2: {  	v1 =	vshrl.u32 v1, $0x10;
	v0 =	vand.u32 $0xFFFF0000, v0  }
0x1c3: {  	v0 =	vor.u32 v0, v1  }
0x1c4: {  	[tilespmem:s25+$0x0] =	vst v0  }
0x1c5: {  	v0 =	vld [tilespmem:s28+$0x10]  }
0x1c6: {  	v1 =	vld [tilespmem:s31+$0x10];
	_ =	sdelay $0x3  }
0x1c7: {  	v2 =	vshll.u32 v0, $0x10  }
0x1c8: {  	v0 =	vand.u32 $0xFFFF0000, v0;
	v3 =	vshll.u32 v1, $0x10;
	v1 =	vand.u32 $0xFFFF0000, v1  }
0x1c9: {  	v2 =	vmul.f32 v3, v2;
	v0 =	vmul.f32 v1, v0;
	_ =	sdelay $0x1  }
0x1ca: {  	v1 =	vadd.s32 $0x8000, v2;
	v0 =	vadd.s32 $0x8000, v0  }
0x1cb: {  	v1 =	vshrl.u32 v1, $0x10;
	v0 =	vand.u32 $0xFFFF0000, v0  }
0x1cc: {  	v0 =	vor.u32 v0, v1  }
0x1cd: {  	[tilespmem:s25+$0x10] =	vst v0  }
0x1ce: {  	v0 =	vld [tilespmem:s28+$0x20]  }
0x1cf: {  	v1 =	vld [tilespmem:s31+$0x20];
	_ =	sdelay $0x3  }
0x1d0: {  	v2 =	vshll.u32 v0, $0x10  }
0x1d1: {  	v0 =	vand.u32 $0xFFFF0000, v0;
	v3 =	vshll.u32 v1, $0x10;
	v1 =	vand.u32 $0xFFFF0000, v1  }
0x1d2: {  	v2 =	vmul.f32 v3, v2;
	v0 =	vmul.f32 v1, v0;
	_ =	sdelay $0x1  }
0x1d3: {  	v1 =	vadd.s32 $0x8000, v2;
	v0 =	vadd.s32 $0x8000, v0  }
0x1d4: {  	v1 =	vshrl.u32 v1, $0x10;
	v0 =	vand.u32 $0xFFFF0000, v0  }
0x1d5: {  	v0 =	vor.u32 v0, v1  }
0x1d6: {  	[tilespmem:s25+$0x20] =	vst v0  }
0x1d7: {  	v0 =	vld [tilespmem:s28+$0x30]  }
0x1d8: {  	v1 =	vld [tilespmem:s31+$0x30];
	_ =	sdelay $0x3  }
0x1d9: {  	v2 =	vshll.u32 v0, $0x10  }
0x1da: {  	v0 =	vand.u32 $0xFFFF0000, v0;
	v3 =	vshll.u32 v1, $0x10;
	v1 =	vand.u32 $0xFFFF0000, v1  }
0x1db: {  	v2 =	vmul.f32 v3, v2;
	v0 =	vmul.f32 v1, v0;
	_ =	sdelay $0x1  }
0x1dc: {  	v1 =	vadd.s32 $0x8000, v2;
	v0 =	vadd.s32 $0x8000, v0  }
0x1dd: {  	v1 =	vshrl.u32 v1, $0x10;
	v0 =	vand.u32 $0xFFFF0000, v0  }
0x1de: {  	v0 =	vor.u32 v0, v1  }
0x1df: {  	[tilespmem:s25+$0x30] =	vst v0  }
0x1e0: {  	v0 =	vld [tilespmem:s28+$0x40]  }
0x1e1: {  	v1 =	vld [tilespmem:s31+$0x40];
	_ =	sdelay $0x3  }
0x1e2: {  	v2 =	vshll.u32 v0, $0x10  }
0x1e3: {  	v0 =	vand.u32 $0xFFFF0000, v0;
	v3 =	vshll.u32 v1, $0x10;
	v1 =	vand.u32 $0xFFFF0000, v1  }
0x1e4: {  	v2 =	vmul.f32 v3, v2;
	v0 =	vmul.f32 v1, v0;
	_ =	sdelay $0x1  }
0x1e5: {  	v1 =	vadd.s32 $0x8000, v2;
	v0 =	vadd.s32 $0x8000, v0  }
0x1e6: {  	v1 =	vshrl.u32 v1, $0x10;
	v0 =	vand.u32 $0xFFFF0000, v0  }
0x1e7: {  	v0 =	vor.u32 v0, v1  }
0x1e8: {  	[tilespmem:s25+$0x40] =	vst v0  }
0x1e9: {  	v0 =	vld [tilespmem:s28+$0x50]  }
0x1ea: {  	v1 =	vld [tilespmem:s31+$0x50];
	_ =	sdelay $0x3  }
0x1eb: {  	v2 =	vshll.u32 v0, $0x10  }
0x1ec: {  	v0 =	vand.u32 $0xFFFF0000, v0;
	v3 =	vshll.u32 v1, $0x10;
	v1 =	vand.u32 $0xFFFF0000, v1  }
0x1ed: {  	v2 =	vmul.f32 v3, v2;
	v0 =	vmul.f32 v1, v0;
	_ =	sdelay $0x1  }
0x1ee: {  	v1 =	vadd.s32 $0x8000, v2;
	v0 =	vadd.s32 $0x8000, v0  }
0x1ef: {  	v1 =	vshrl.u32 v1, $0x10;
	v0 =	vand.u32 $0xFFFF0000, v0  }
0x1f0: {  	v0 =	vor.u32 v0, v1  }
0x1f1: {  	[tilespmem:s25+$0x50] =	vst v0  }
0x1f2: {  	v0 =	vld [tilespmem:s28+$0x60]  }
0x1f3: {  	v1 =	vld [tilespmem:s31+$0x60];
	_ =	sdelay $0x3  }
0x1f4: {  	v2 =	vshll.u32 v0, $0x10  }
0x1f5: {  	v0 =	vand.u32 $0xFFFF0000, v0;
	v3 =	vshll.u32 v1, $0x10;
	v1 =	vand.u32 $0xFFFF0000, v1  }
0x1f6: {  	v2 =	vmul.f32 v3, v2;
	v1 =	vmul.f32 v1, v0  }
0x1f7: {  	s1 =	simm.s32 $0x62A0  }
0x1f8: {  	s0 =	simm.s32 $0xC6A0;
	s17 =	simm.s32 $0x0;
	s20 =	simm.s32 $0x12BA0;
	v0 =	vadd.s32 $0x8000, v2;
	v1 =	vadd.s32 $0x8000, v1  }
.LBB2_5:
0x1f9: {  	s17 =	sadd.s32 $0x2, s17;
	v0 =	vshrl.u32 v0, $0x10;
	v1 =	vand.u32 $0xFFFF0000, v1;
	s31 =	sadd.s32 $0x100, s31;
	s28 =	sadd.s32 $0x100, s28  }
0x1fa: {  	p0 =	slt.u32 s17, $0x26;
	v0 =	vor.u32 v1, v0  }
0x1fb: {  	[tilespmem:s25+$0x60] =	vst v0  }
0x1fc: {  	v0 =	vld [tilespmem:s1+$0x70];
	s1 =	smov.u32 s28  }
0x1fd: {  	v1 =	vld [tilespmem:s0+$0x70];
	s0 =	smov.u32 s31;
	_ =	sdelay $0x3  }
0x1fe: {  	v2 =	vshll.u32 v0, $0x10;
	v0 =	vand.u32 $0xFFFF0000, v0  }
0x1ff: {  	v3 =	vshll.u32 v1, $0x10;
	v1 =	vand.u32 $0xFFFF0000, v1  }
0x200: {  	v2 =	vmul.f32 v3, v2;
	v0 =	vmul.f32 v1, v0;
	_ =	sdelay $0x1  }
0x201: {  	v1 =	vadd.s32 $0x8000, v2;
	v0 =	vadd.s32 $0x8000, v0  }
0x202: {  	v1 =	vshrl.u32 v1, $0x10;
	v0 =	vand.u32 $0xFFFF0000, v0  }
0x203: {  	v0 =	vor.u32 v0, v1  }
0x204: {  	[tilespmem:s25+$0x70] =	vst v0;
	s25 =	smov.u32 s20  }
0x205: {  	v0 =	vld [tilespmem:s28+$0xFFFFFF80]  }
0x206: {  	v1 =	vld [tilespmem:s31+$0xFFFFFF80];
	_ =	sdelay $0x3  }
0x207: {  	v2 =	vand.u32 $0xFFFF0000, v0  }
0x208: {  	v0 =	vshll.u32 v0, $0x10;
	v3 =	vshll.u32 v1, $0x10;
	v1 =	vand.u32 $0xFFFF0000, v1  }
0x209: {  	v0 =	vmul.f32 v3, v0;
	v1 =	vmul.f32 v1, v2;
	_ =	sdelay $0x1  }
0x20a: {  	v0 =	vadd.s32 $0x8000, v0;
	v1 =	vadd.s32 $0x8000, v1  }
0x20b: {  	v0 =	vshrl.u32 v0, $0x10;
	v1 =	vand.u32 $0xFFFF0000, v1  }
0x20c: {  	v0 =	vor.u32 v1, v0  }
0x20d: {  	[tilespmem:s20+$0xFFFFFF80] =	vst v0  }
0x20e: {  	v0 =	vld [tilespmem:s31+$0xFFFFFF90]  }
0x20f: {  	v1 =	vld [tilespmem:s28+$0xFFFFFF90];
	_ =	sdelay $0x3  }
0x210: {  	v2 =	vshll.u32 v0, $0x10;
	v0 =	vand.u32 $0xFFFF0000, v0  }
0x211: {  	v3 =	vshll.u32 v1, $0x10;
	v1 =	vand.u32 $0xFFFF0000, v1  }
0x212: {  	v2 =	vmul.f32 v2, v3;
	v0 =	vmul.f32 v0, v1;
	_ =	sdelay $0x1  }
0x213: {  	v1 =	vadd.s32 $0x8000, v2;
	v0 =	vadd.s32 $0x8000, v0  }
0x214: {  	v1 =	vshrl.u32 v1, $0x10;
	v0 =	vand.u32 $0xFFFF0000, v0  }
0x215: {  	v0 =	vor.u32 v0, v1  }
0x216: {  	[tilespmem:s20+$0xFFFFFF90] =	vst v0  }
0x217: {  	v0 =	vld [tilespmem:s28+$0xFFFFFFA0]  }
0x218: {  	v1 =	vld [tilespmem:s31+$0xFFFFFFA0];
	_ =	sdelay $0x3  }
0x219: {  	v2 =	vshll.u32 v0, $0x10;
	v0 =	vand.u32 $0xFFFF0000, v0  }
0x21a: {  	v3 =	vshll.u32 v1, $0x10;
	v1 =	vand.u32 $0xFFFF0000, v1  }
0x21b: {  	v2 =	vmul.f32 v3, v2;
	v0 =	vmul.f32 v1, v0;
	_ =	sdelay $0x1  }
0x21c: {  	v1 =	vadd.s32 $0x8000, v2;
	v0 =	vadd.s32 $0x8000, v0  }
0x21d: {  	v1 =	vshrl.u32 v1, $0x10;
	v0 =	vand.u32 $0xFFFF0000, v0  }
0x21e: {  	v0 =	vor.u32 v0, v1  }
0x21f: {  	[tilespmem:s20+$0xFFFFFFA0] =	vst v0  }
0x220: {  	v0 =	vld [tilespmem:s28+$0xFFFFFFB0]  }
0x221: {  	v1 =	vld [tilespmem:s31+$0xFFFFFFB0];
	_ =	sdelay $0x3  }
0x222: {  	v2 =	vshll.u32 v0, $0x10;
	v0 =	vand.u32 $0xFFFF0000, v0  }
0x223: {  	v3 =	vshll.u32 v1, $0x10;
	v1 =	vand.u32 $0xFFFF0000, v1  }
0x224: {  	v2 =	vmul.f32 v3, v2;
	v0 =	vmul.f32 v1, v0;
	_ =	sdelay $0x1  }
0x225: {  	v1 =	vadd.s32 $0x8000, v2;
	v0 =	vadd.s32 $0x8000, v0  }
0x226: {  	v1 =	vshrl.u32 v1, $0x10;
	v0 =	vand.u32 $0xFFFF0000, v0  }
0x227: {  	v0 =	vor.u32 v0, v1  }
0x228: {  	[tilespmem:s20+$0xFFFFFFB0] =	vst v0  }
0x229: {  	v0 =	vld [tilespmem:s28+$0xFFFFFFC0]  }
0x22a: {  	v1 =	vld [tilespmem:s31+$0xFFFFFFC0];
	_ =	sdelay $0x3  }
0x22b: {  	v2 =	vshll.u32 v0, $0x10;
	v0 =	vand.u32 $0xFFFF0000, v0  }
0x22c: {  	v3 =	vshll.u32 v1, $0x10;
	v1 =	vand.u32 $0xFFFF0000, v1  }
0x22d: {  	v2 =	vmul.f32 v3, v2;
	v0 =	vmul.f32 v1, v0;
	_ =	sdelay $0x1  }
0x22e: {  	v1 =	vadd.s32 $0x8000, v2;
	v0 =	vadd.s32 $0x8000, v0  }
0x22f: {  	v1 =	vshrl.u32 v1, $0x10;
	v0 =	vand.u32 $0xFFFF0000, v0  }
0x230: {  	v0 =	vor.u32 v0, v1  }
0x231: {  	[tilespmem:s20+$0xFFFFFFC0] =	vst v0  }
0x232: {  	v0 =	vld [tilespmem:s28+$0xFFFFFFD0]  }
0x233: {  	v1 =	vld [tilespmem:s31+$0xFFFFFFD0];
	_ =	sdelay $0x3  }
0x234: {  	v2 =	vshll.u32 v0, $0x10;
	v0 =	vand.u32 $0xFFFF0000, v0  }
0x235: {  	v3 =	vshll.u32 v1, $0x10;
	v1 =	vand.u32 $0xFFFF0000, v1  }
0x236: {  	v2 =	vmul.f32 v3, v2;
	v0 =	vmul.f32 v1, v0;
	_ =	sdelay $0x1  }
0x237: {  	v1 =	vadd.s32 $0x8000, v2;
	v0 =	vadd.s32 $0x8000, v0  }
0x238: {  	v1 =	vshrl.u32 v1, $0x10;
	v0 =	vand.u32 $0xFFFF0000, v0  }
0x239: {  	v0 =	vor.u32 v0, v1  }
0x23a: {  	[tilespmem:s20+$0xFFFFFFD0] =	vst v0  }
0x23b: {  	v0 =	vld [tilespmem:s28+$0xFFFFFFE0]  }
0x23c: {  	v1 =	vld [tilespmem:s31+$0xFFFFFFE0];
	_ =	sdelay $0x3  }
0x23d: {  	v2 =	vshll.u32 v0, $0x10;
	v0 =	vand.u32 $0xFFFF0000, v0  }
0x23e: {  	v3 =	vshll.u32 v1, $0x10;
	v1 =	vand.u32 $0xFFFF0000, v1  }
0x23f: {  	v2 =	vmul.f32 v3, v2;
	v0 =	vmul.f32 v1, v0;
	_ =	sdelay $0x1  }
0x240: {  	v1 =	vadd.s32 $0x8000, v2;
	v0 =	vadd.s32 $0x8000, v0  }
0x241: {  	v1 =	vshrl.u32 v1, $0x10;
	v0 =	vand.u32 $0xFFFF0000, v0  }
0x242: {  	v0 =	vor.u32 v0, v1  }
0x243: {  	[tilespmem:s20+$0xFFFFFFE0] =	vst v0  }
0x244: {  	v0 =	vld [tilespmem:s28+$0xFFFFFFF0]  }
0x245: {  	v1 =	vld [tilespmem:s31+$0xFFFFFFF0];
	_ =	sdelay $0x3  }
0x246: {  	v2 =	vshll.u32 v0, $0x10;
	v0 =	vand.u32 $0xFFFF0000, v0  }
0x247: {  	v3 =	vshll.u32 v1, $0x10;
	v1 =	vand.u32 $0xFFFF0000, v1  }
0x248: {  	v2 =	vmul.f32 v3, v2;
	v0 =	vmul.f32 v1, v0;
	_ =	sdelay $0x1  }
0x249: {  	v1 =	vadd.s32 $0x8000, v2;
	v0 =	vadd.s32 $0x8000, v0  }
0x24a: {  	v1 =	vshrl.u32 v1, $0x10;
	v0 =	vand.u32 $0xFFFF0000, v0  }
0x24b: {  	v0 =	vor.u32 v0, v1  }
0x24c: {  	[tilespmem:s20+$0xFFFFFFF0] =	vst v0  }
0x24d: {  	v0 =	vld [tilespmem:s28+$0x0]  }
0x24e: {  	v1 =	vld [tilespmem:s31+$0x0];
	_ =	sdelay $0x3  }
0x24f: {  	v2 =	vshll.u32 v0, $0x10;
	v0 =	vand.u32 $0xFFFF0000, v0  }
0x250: {  	v3 =	vshll.u32 v1, $0x10;
	v1 =	vand.u32 $0xFFFF0000, v1  }
0x251: {  	v2 =	vmul.f32 v3, v2;
	v0 =	vmul.f32 v1, v0;
	_ =	sdelay $0x1  }
0x252: {  	v1 =	vadd.s32 $0x8000, v2;
	v0 =	vadd.s32 $0x8000, v0  }
0x253: {  	v1 =	vshrl.u32 v1, $0x10;
	v0 =	vand.u32 $0xFFFF0000, v0  }
0x254: {  	v0 =	vor.u32 v0, v1  }
0x255: {  	[tilespmem:s20+$0x0] =	vst v0  }
0x256: {  	v0 =	vld [tilespmem:s28+$0x10]  }
0x257: {  	v1 =	vld [tilespmem:s31+$0x10];
	_ =	sdelay $0x3  }
0x258: {  	v2 =	vshll.u32 v0, $0x10;
	v0 =	vand.u32 $0xFFFF0000, v0  }
0x259: {  	v3 =	vshll.u32 v1, $0x10;
	v1 =	vand.u32 $0xFFFF0000, v1  }
0x25a: {  	v2 =	vmul.f32 v3, v2;
	v0 =	vmul.f32 v1, v0;
	_ =	sdelay $0x1  }
0x25b: {  	v1 =	vadd.s32 $0x8000, v2;
	v0 =	vadd.s32 $0x8000, v0  }
0x25c: {  	v1 =	vshrl.u32 v1, $0x10;
	v0 =	vand.u32 $0xFFFF0000, v0  }
0x25d: {  	v0 =	vor.u32 v0, v1  }
0x25e: {  	[tilespmem:s20+$0x10] =	vst v0  }
0x25f: {  	v0 =	vld [tilespmem:s28+$0x20]  }
0x260: {  	v1 =	vld [tilespmem:s31+$0x20];
	_ =	sdelay $0x3  }
0x261: {  	v2 =	vshll.u32 v0, $0x10;
	v0 =	vand.u32 $0xFFFF0000, v0  }
0x262: {  	v3 =	vshll.u32 v1, $0x10;
	v1 =	vand.u32 $0xFFFF0000, v1  }
0x263: {  	v2 =	vmul.f32 v3, v2;
	v0 =	vmul.f32 v1, v0;
	_ =	sdelay $0x1  }
0x264: {  	v1 =	vadd.s32 $0x8000, v2;
	v0 =	vadd.s32 $0x8000, v0  }
0x265: {  	v1 =	vshrl.u32 v1, $0x10;
	v0 =	vand.u32 $0xFFFF0000, v0  }
0x266: {  	v0 =	vor.u32 v0, v1  }
0x267: {  	[tilespmem:s20+$0x20] =	vst v0  }
0x268: {  	v0 =	vld [tilespmem:s28+$0x30]  }
0x269: {  	v1 =	vld [tilespmem:s31+$0x30];
	_ =	sdelay $0x3  }
0x26a: {  	v2 =	vshll.u32 v0, $0x10;
	v0 =	vand.u32 $0xFFFF0000, v0  }
0x26b: {  	v3 =	vshll.u32 v1, $0x10;
	v1 =	vand.u32 $0xFFFF0000, v1  }
0x26c: {  	v2 =	vmul.f32 v3, v2;
	v0 =	vmul.f32 v1, v0;
	_ =	sdelay $0x1  }
0x26d: {  	v1 =	vadd.s32 $0x8000, v2;
	v0 =	vadd.s32 $0x8000, v0  }
0x26e: {  	v1 =	vshrl.u32 v1, $0x10;
	v0 =	vand.u32 $0xFFFF0000, v0  }
0x26f: {  	v0 =	vor.u32 v0, v1  }
0x270: {  	[tilespmem:s20+$0x30] =	vst v0  }
0x271: {  	v0 =	vld [tilespmem:s28+$0x40]  }
0x272: {  	v1 =	vld [tilespmem:s31+$0x40];
	_ =	sdelay $0x3  }
0x273: {  	v2 =	vshll.u32 v0, $0x10;
	v0 =	vand.u32 $0xFFFF0000, v0  }
0x274: {  	v3 =	vshll.u32 v1, $0x10;
	v1 =	vand.u32 $0xFFFF0000, v1  }
0x275: {  	v2 =	vmul.f32 v3, v2;
	v0 =	vmul.f32 v1, v0;
	_ =	sdelay $0x1  }
0x276: {  	v1 =	vadd.s32 $0x8000, v2;
	v0 =	vadd.s32 $0x8000, v0  }
0x277: {  	v1 =	vshrl.u32 v1, $0x10;
	v0 =	vand.u32 $0xFFFF0000, v0  }
0x278: {  	v0 =	vor.u32 v0, v1  }
0x279: {  	[tilespmem:s20+$0x40] =	vst v0  }
0x27a: {  	v0 =	vld [tilespmem:s28+$0x50]  }
0x27b: {  	v1 =	vld [tilespmem:s31+$0x50];
	_ =	sdelay $0x3  }
0x27c: {  	v2 =	vshll.u32 v0, $0x10;
	v0 =	vand.u32 $0xFFFF0000, v0  }
0x27d: {  	v3 =	vshll.u32 v1, $0x10;
	v1 =	vand.u32 $0xFFFF0000, v1  }
0x27e: {  	v2 =	vmul.f32 v3, v2;
	v0 =	vmul.f32 v1, v0;
	_ =	sdelay $0x1  }
0x27f: {  	v1 =	vadd.s32 $0x8000, v2;
	v0 =	vadd.s32 $0x8000, v0  }
0x280: {  	v1 =	vshrl.u32 v1, $0x10;
	v0 =	vand.u32 $0xFFFF0000, v0  }
0x281: {  	v0 =	vor.u32 v0, v1  }
0x282: {  	[tilespmem:s20+$0x50] =	vst v0  }
0x283: {  	v0 =	vld [tilespmem:s28+$0x60]  }
0x284: {  	v1 =	vld [tilespmem:s31+$0x60];
	_ =	sdelay $0x3  }
.Ltmp3:
0x285: {  	v2 =	vshll.u32 v0, $0x10;
	v0 =	vand.u32 $0xFFFF0000, v0;
	(pc) =	sbr.rel @p0 .LBB2_5-.Ltmp3, $3  }
0x286: {  	v3 =	vshll.u32 v1, $0x10;
	v1 =	vand.u32 $0xFFFF0000, v1  }
0x287: {  	v2 =	vmul.f32 v3, v2;
	v1 =	vmul.f32 v1, v0;
	_ =	sdelay $0x1  }
0x288: {  	s20 =	sadd.s32 $0x100, s20;
	v0 =	vadd.s32 $0x8000, v2;
	v1 =	vadd.s32 $0x8000, v1  }
0x289: {  	v0 =	vshrl.u32 v0, $0x10;
	v1 =	vand.u32 $0xFFFF0000, v1  }
0x28a: {  	v0 =	vor.u32 v1, v0  }
0x28b: {  	[tilespmem:s25+$0x60] =	vst v0  }
0x28c: {  	v0 =	vld [tilespmem:s1+$0x70]  }
0x28d: {  	v1 =	vld [tilespmem:s0+$0x70];
	_ =	sdelay $0x3  }
0x28e: {  	v2 =	vshll.u32 v0, $0x10  }
0x28f: {  	v0 =	vand.u32 $0xFFFF0000, v0;
	v3 =	vshll.u32 v1, $0x10;
	v1 =	vand.u32 $0xFFFF0000, v1  }
0x290: {  	v2 =	vmul.f32 v3, v2;
	v0 =	vmul.f32 v1, v0;
	_ =	sdelay $0x1  }
0x291: {  	s20 =	sadd.s32 s9, s12;
	v1 =	vadd.s32 $0x8000, v2;
	v0 =	vadd.s32 $0x8000, v0  }
0x292: {  	s0 =	sshll.u32 s20, $0x3;
	v1 =	vshrl.u32 v1, $0x10;
	v0 =	vand.u32 $0xFFFF0000, v0  }
0x293: {  	s0 =	sand.u32 $0x1FFFFF80, s0;
	v0 =	vor.u32 v0, v1  }
0x294: {  	p0 =	seq.s32 s7, $0x18;
	s0 =	sadd.s32 s5, s0;
	[tilespmem:s25+$0x70] =	vst v0;
	s25 =	simm.s32 $0x12A20  }
0x295: {  	[hbm4b:s0+s2] =	stream.linear.scatter [tilespmem:s25], [sflag:$0xC], $0x1400, $0x38;
	[tilespmem:$0x17A20] =	vst v63  }
0x296: {  	s0 =	simm.s32 @!p0 $0xB  }
0x297: {  	_ =	swait.ge @!p0 [sflag:s0], $0x1400  }
0x298: {  	s17 =	simm.s32 @!p0 $0x4E20;
	[sflag:s0] =	ssyncset.done @!p0 $0x0  }
0x299: {  	s1 =	simm.s32 @!p0 $0x50;
	[sflag:s0] =	ssyncadd.s32 @!p0 $0xFFFFEC00;
	s0 =	sadd.s32 @!p0 $0x190, s12  }
0x29a: {  	[tilespmem:s17], [sflag:$0x1] =	stream.indirect.gather @!p0 [hbm4b:s4+s1], $0x40, s0, s1, $0xb8;
	[tilespmem:$0x17A20] =	vst v63  }
0x29b: {  	s0 =	sadd.s32 @!p0 $0x28A0, s12;
	s17 =	simm.s32 @!p0 $0xB220  }
0x29c: {  	[tilespmem:s17], [sflag:$0x6] =	stream.indirect.gather @!p0 [hbm4b:s4+s1], $0x40, s0, s1, $0xb8;
	[tilespmem:$0x17A20] =	vst v63  }
0x29d: {  	_ =	swait.ge [sflag:s18], $0x1400  }
0x29e: {  	[sflag:s18] =	ssyncset.done $0x0  }
0x29f: {  	[sflag:s18] =	ssyncadd.s32 $0xFFFFEC00  }
0x2a0: {  	_ =	swait.ge [sflag:s19], $0x1400  }
0x2a1: {  	[sflag:s19] =	ssyncset.done $0x0  }
0x2a2: {  	s28 =	simm.s32 $0x76A0;
	[sflag:s19] =	ssyncadd.s32 $0xFFFFEC00  }
0x2a3: {  	s31 =	simm.s32 $0xDAA0;
	v0 =	vld [tilespmem:s28+$0xFFFFFF80]  }
0x2a4: {  	v1 =	vld [tilespmem:s31+$0xFFFFFF80];
	_ =	sdelay $0x3  }
0x2a5: {  	v2 =	vand.u32 $0xFFFF0000, v0  }
0x2a6: {  	v0 =	vshll.u32 v0, $0x10;
	v3 =	vshll.u32 v1, $0x10;
	v1 =	vand.u32 $0xFFFF0000, v1  }
0x2a7: {  	v0 =	vmul.f32 v3, v0;
	v1 =	vmul.f32 v1, v2;
	_ =	sdelay $0x1  }
0x2a8: {  	v0 =	vadd.s32 $0x8000, v0;
	v1 =	vadd.s32 $0x8000, v1  }
0x2a9: {  	v0 =	vshrl.u32 v0, $0x10;
	v1 =	vand.u32 $0xFFFF0000, v1  }
0x2aa: {  	s25 =	simm.s32 $0x13EA0;
	v0 =	vor.u32 v1, v0  }
0x2ab: {  	[tilespmem:s25+$0xFFFFFF80] =	vst v0  }
0x2ac: {  	v0 =	vld [tilespmem:s31+$0xFFFFFF90]  }
0x2ad: {  	v1 =	vld [tilespmem:s28+$0xFFFFFF90];
	_ =	sdelay $0x3  }
0x2ae: {  	v2 =	vshll.u32 v0, $0x10  }
0x2af: {  	v0 =	vand.u32 $0xFFFF0000, v0;
	v3 =	vshll.u32 v1, $0x10;
	v1 =	vand.u32 $0xFFFF0000, v1  }
0x2b0: {  	v2 =	vmul.f32 v2, v3;
	v0 =	vmul.f32 v0, v1;
	_ =	sdelay $0x1  }
0x2b1: {  	v1 =	vadd.s32 $0x8000, v2;
	v0 =	vadd.s32 $0x8000, v0  }
0x2b2: {  	v1 =	vshrl.u32 v1, $0x10;
	v0 =	vand.u32 $0xFFFF0000, v0  }
0x2b3: {  	v0 =	vor.u32 v0, v1  }
0x2b4: {  	[tilespmem:s25+$0xFFFFFF90] =	vst v0  }
0x2b5: {  	v0 =	vld [tilespmem:s28+$0xFFFFFFA0]  }
0x2b6: {  	v1 =	vld [tilespmem:s31+$0xFFFFFFA0];
	_ =	sdelay $0x3  }
0x2b7: {  	v2 =	vshll.u32 v0, $0x10  }
0x2b8: {  	v0 =	vand.u32 $0xFFFF0000, v0;
	v3 =	vshll.u32 v1, $0x10;
	v1 =	vand.u32 $0xFFFF0000, v1  }
0x2b9: {  	v2 =	vmul.f32 v3, v2;
	v0 =	vmul.f32 v1, v0;
	_ =	sdelay $0x1  }
0x2ba: {  	v1 =	vadd.s32 $0x8000, v2;
	v0 =	vadd.s32 $0x8000, v0  }
0x2bb: {  	v1 =	vshrl.u32 v1, $0x10;
	v0 =	vand.u32 $0xFFFF0000, v0  }
0x2bc: {  	v0 =	vor.u32 v0, v1  }
0x2bd: {  	[tilespmem:s25+$0xFFFFFFA0] =	vst v0  }
0x2be: {  	v0 =	vld [tilespmem:s28+$0xFFFFFFB0]  }
0x2bf: {  	v1 =	vld [tilespmem:s31+$0xFFFFFFB0];
	_ =	sdelay $0x3  }
0x2c0: {  	v2 =	vshll.u32 v0, $0x10  }
0x2c1: {  	v0 =	vand.u32 $0xFFFF0000, v0;
	v3 =	vshll.u32 v1, $0x10;
	v1 =	vand.u32 $0xFFFF0000, v1  }
0x2c2: {  	v2 =	vmul.f32 v3, v2;
	v0 =	vmul.f32 v1, v0;
	_ =	sdelay $0x1  }
0x2c3: {  	v1 =	vadd.s32 $0x8000, v2;
	v0 =	vadd.s32 $0x8000, v0  }
0x2c4: {  	v1 =	vshrl.u32 v1, $0x10;
	v0 =	vand.u32 $0xFFFF0000, v0  }
0x2c5: {  	v0 =	vor.u32 v0, v1  }
0x2c6: {  	[tilespmem:s25+$0xFFFFFFB0] =	vst v0  }
0x2c7: {  	v0 =	vld [tilespmem:s28+$0xFFFFFFC0]  }
0x2c8: {  	v1 =	vld [tilespmem:s31+$0xFFFFFFC0];
	_ =	sdelay $0x3  }
0x2c9: {  	v2 =	vshll.u32 v0, $0x10  }
0x2ca: {  	v0 =	vand.u32 $0xFFFF0000, v0;
	v3 =	vshll.u32 v1, $0x10;
	v1 =	vand.u32 $0xFFFF0000, v1  }
0x2cb: {  	v2 =	vmul.f32 v3, v2;
	v0 =	vmul.f32 v1, v0;
	_ =	sdelay $0x1  }
0x2cc: {  	v1 =	vadd.s32 $0x8000, v2;
	v0 =	vadd.s32 $0x8000, v0  }
0x2cd: {  	v1 =	vshrl.u32 v1, $0x10;
	v0 =	vand.u32 $0xFFFF0000, v0  }
0x2ce: {  	v0 =	vor.u32 v0, v1  }
0x2cf: {  	[tilespmem:s25+$0xFFFFFFC0] =	vst v0  }
0x2d0: {  	v0 =	vld [tilespmem:s28+$0xFFFFFFD0]  }
0x2d1: {  	v1 =	vld [tilespmem:s31+$0xFFFFFFD0];
	_ =	sdelay $0x3  }
0x2d2: {  	v2 =	vshll.u32 v0, $0x10  }
0x2d3: {  	v0 =	vand.u32 $0xFFFF0000, v0;
	v3 =	vshll.u32 v1, $0x10;
	v1 =	vand.u32 $0xFFFF0000, v1  }
0x2d4: {  	v2 =	vmul.f32 v3, v2;
	v0 =	vmul.f32 v1, v0;
	_ =	sdelay $0x1  }
0x2d5: {  	v1 =	vadd.s32 $0x8000, v2;
	v0 =	vadd.s32 $0x8000, v0  }
0x2d6: {  	v1 =	vshrl.u32 v1, $0x10;
	v0 =	vand.u32 $0xFFFF0000, v0  }
0x2d7: {  	v0 =	vor.u32 v0, v1  }
0x2d8: {  	[tilespmem:s25+$0xFFFFFFD0] =	vst v0  }
0x2d9: {  	v0 =	vld [tilespmem:s28+$0xFFFFFFE0]  }
0x2da: {  	v1 =	vld [tilespmem:s31+$0xFFFFFFE0];
	_ =	sdelay $0x3  }
0x2db: {  	v2 =	vshll.u32 v0, $0x10  }
0x2dc: {  	v0 =	vand.u32 $0xFFFF0000, v0;
	v3 =	vshll.u32 v1, $0x10;
	v1 =	vand.u32 $0xFFFF0000, v1  }
0x2dd: {  	v2 =	vmul.f32 v3, v2;
	v0 =	vmul.f32 v1, v0;
	_ =	sdelay $0x1  }
0x2de: {  	v1 =	vadd.s32 $0x8000, v2;
	v0 =	vadd.s32 $0x8000, v0  }
0x2df: {  	v1 =	vshrl.u32 v1, $0x10;
	v0 =	vand.u32 $0xFFFF0000, v0  }
0x2e0: {  	v0 =	vor.u32 v0, v1  }
0x2e1: {  	[tilespmem:s25+$0xFFFFFFE0] =	vst v0  }
0x2e2: {  	v0 =	vld [tilespmem:s28+$0xFFFFFFF0]  }
0x2e3: {  	v1 =	vld [tilespmem:s31+$0xFFFFFFF0];
	_ =	sdelay $0x3  }
0x2e4: {  	v2 =	vshll.u32 v0, $0x10  }
0x2e5: {  	v0 =	vand.u32 $0xFFFF0000, v0;
	v3 =	vshll.u32 v1, $0x10;
	v1 =	vand.u32 $0xFFFF0000, v1  }
0x2e6: {  	v2 =	vmul.f32 v3, v2;
	v0 =	vmul.f32 v1, v0;
	_ =	sdelay $0x1  }
0x2e7: {  	v1 =	vadd.s32 $0x8000, v2;
	v0 =	vadd.s32 $0x8000, v0  }
0x2e8: {  	v1 =	vshrl.u32 v1, $0x10;
	v0 =	vand.u32 $0xFFFF0000, v0  }
0x2e9: {  	v0 =	vor.u32 v0, v1  }
0x2ea: {  	[tilespmem:s25+$0xFFFFFFF0] =	vst v0  }
0x2eb: {  	v0 =	vld [tilespmem:s28+$0x0]  }
0x2ec: {  	v1 =	vld [tilespmem:s31+$0x0];
	_ =	sdelay $0x3  }
0x2ed: {  	v2 =	vshll.u32 v0, $0x10  }
0x2ee: {  	v0 =	vand.u32 $0xFFFF0000, v0;
	v3 =	vshll.u32 v1, $0x10;
	v1 =	vand.u32 $0xFFFF0000, v1  }
0x2ef: {  	v2 =	vmul.f32 v3, v2;
	v0 =	vmul.f32 v1, v0;
	_ =	sdelay $0x1  }
0x2f0: {  	v1 =	vadd.s32 $0x8000, v2;
	v0 =	vadd.s32 $0x8000, v0  }
0x2f1: {  	v1 =	vshrl.u32 v1, $0x10;
	v0 =	vand.u32 $0xFFFF0000, v0  }
0x2f2: {  	v0 =	vor.u32 v0, v1  }
0x2f3: {  	[tilespmem:s25+$0x0] =	vst v0  }
0x2f4: {  	v0 =	vld [tilespmem:s28+$0x10]  }
0x2f5: {  	v1 =	vld [tilespmem:s31+$0x10];
	_ =	sdelay $0x3  }
0x2f6: {  	v2 =	vshll.u32 v0, $0x10  }
0x2f7: {  	v0 =	vand.u32 $0xFFFF0000, v0;
	v3 =	vshll.u32 v1, $0x10;
	v1 =	vand.u32 $0xFFFF0000, v1  }
0x2f8: {  	v2 =	vmul.f32 v3, v2;
	v0 =	vmul.f32 v1, v0;
	_ =	sdelay $0x1  }
0x2f9: {  	v1 =	vadd.s32 $0x8000, v2;
	v0 =	vadd.s32 $0x8000, v0  }
0x2fa: {  	v1 =	vshrl.u32 v1, $0x10;
	v0 =	vand.u32 $0xFFFF0000, v0  }
0x2fb: {  	v0 =	vor.u32 v0, v1  }
0x2fc: {  	[tilespmem:s25+$0x10] =	vst v0  }
0x2fd: {  	v0 =	vld [tilespmem:s28+$0x20]  }
0x2fe: {  	v1 =	vld [tilespmem:s31+$0x20];
	_ =	sdelay $0x3  }
0x2ff: {  	v2 =	vshll.u32 v0, $0x10  }
0x300: {  	v0 =	vand.u32 $0xFFFF0000, v0;
	v3 =	vshll.u32 v1, $0x10;
	v1 =	vand.u32 $0xFFFF0000, v1  }
0x301: {  	v2 =	vmul.f32 v3, v2;
	v0 =	vmul.f32 v1, v0;
	_ =	sdelay $0x1  }
0x302: {  	v1 =	vadd.s32 $0x8000, v2;
	v0 =	vadd.s32 $0x8000, v0  }
0x303: {  	v1 =	vshrl.u32 v1, $0x10;
	v0 =	vand.u32 $0xFFFF0000, v0  }
0x304: {  	v0 =	vor.u32 v0, v1  }
0x305: {  	[tilespmem:s25+$0x20] =	vst v0  }
0x306: {  	v0 =	vld [tilespmem:s28+$0x30]  }
0x307: {  	v1 =	vld [tilespmem:s31+$0x30];
	_ =	sdelay $0x3  }
0x308: {  	v2 =	vshll.u32 v0, $0x10  }
0x309: {  	v0 =	vand.u32 $0xFFFF0000, v0;
	v3 =	vshll.u32 v1, $0x10;
	v1 =	vand.u32 $0xFFFF0000, v1  }
0x30a: {  	v2 =	vmul.f32 v3, v2;
	v0 =	vmul.f32 v1, v0;
	_ =	sdelay $0x1  }
0x30b: {  	v1 =	vadd.s32 $0x8000, v2;
	v0 =	vadd.s32 $0x8000, v0  }
0x30c: {  	v1 =	vshrl.u32 v1, $0x10;
	v0 =	vand.u32 $0xFFFF0000, v0  }
0x30d: {  	v0 =	vor.u32 v0, v1  }
0x30e: {  	[tilespmem:s25+$0x30] =	vst v0  }
0x30f: {  	v0 =	vld [tilespmem:s28+$0x40]  }
0x310: {  	v1 =	vld [tilespmem:s31+$0x40];
	_ =	sdelay $0x3  }
0x311: {  	v2 =	vshll.u32 v0, $0x10  }
0x312: {  	v0 =	vand.u32 $0xFFFF0000, v0;
	v3 =	vshll.u32 v1, $0x10;
	v1 =	vand.u32 $0xFFFF0000, v1  }
0x313: {  	v2 =	vmul.f32 v3, v2;
	v0 =	vmul.f32 v1, v0;
	_ =	sdelay $0x1  }
0x314: {  	v1 =	vadd.s32 $0x8000, v2;
	v0 =	vadd.s32 $0x8000, v0  }
0x315: {  	v1 =	vshrl.u32 v1, $0x10;
	v0 =	vand.u32 $0xFFFF0000, v0  }
0x316: {  	v0 =	vor.u32 v0, v1  }
0x317: {  	[tilespmem:s25+$0x40] =	vst v0  }
0x318: {  	v0 =	vld [tilespmem:s28+$0x50]  }
0x319: {  	v1 =	vld [tilespmem:s31+$0x50];
	_ =	sdelay $0x3  }
0x31a: {  	v2 =	vshll.u32 v0, $0x10  }
0x31b: {  	v0 =	vand.u32 $0xFFFF0000, v0;
	v3 =	vshll.u32 v1, $0x10;
	v1 =	vand.u32 $0xFFFF0000, v1  }
0x31c: {  	v2 =	vmul.f32 v3, v2;
	v0 =	vmul.f32 v1, v0;
	_ =	sdelay $0x1  }
0x31d: {  	v1 =	vadd.s32 $0x8000, v2;
	v0 =	vadd.s32 $0x8000, v0  }
0x31e: {  	v1 =	vshrl.u32 v1, $0x10;
	v0 =	vand.u32 $0xFFFF0000, v0  }
0x31f: {  	v0 =	vor.u32 v0, v1  }
0x320: {  	[tilespmem:s25+$0x50] =	vst v0  }
0x321: {  	v0 =	vld [tilespmem:s28+$0x60]  }
0x322: {  	v1 =	vld [tilespmem:s31+$0x60];
	_ =	sdelay $0x3  }
0x323: {  	v2 =	vshll.u32 v0, $0x10  }
0x324: {  	v0 =	vand.u32 $0xFFFF0000, v0;
	v3 =	vshll.u32 v1, $0x10;
	v1 =	vand.u32 $0xFFFF0000, v1  }
0x325: {  	v2 =	vmul.f32 v3, v2;
	v1 =	vmul.f32 v1, v0  }
0x326: {  	s20 =	simm.s32 $0x13FA0  }
0x327: {  	s17 =	simm.s32 $0x0;
	s0 =	simm.s32 $0x76A0;
	s1 =	simm.s32 $0xDAA0;
	v0 =	vadd.s32 $0x8000, v2;
	v1 =	vadd.s32 $0x8000, v1  }
.LBB2_7:
0x328: {  	s17 =	sadd.s32 $0x2, s17;
	v0 =	vshrl.u32 v0, $0x10;
	v1 =	vand.u32 $0xFFFF0000, v1;
	s31 =	sadd.s32 $0x100, s31;
	s28 =	sadd.s32 $0x100, s28  }
0x329: {  	p1 =	slt.u32 s17, $0x26;
	v0 =	vor.u32 v1, v0  }
0x32a: {  	[tilespmem:s25+$0x60] =	vst v0  }
0x32b: {  	v0 =	vld [tilespmem:s0+$0x70];
	s0 =	smov.u32 s28  }
0x32c: {  	v1 =	vld [tilespmem:s1+$0x70];
	s1 =	smov.u32 s31;
	_ =	sdelay $0x3  }
0x32d: {  	v2 =	vshll.u32 v0, $0x10;
	v0 =	vand.u32 $0xFFFF0000, v0  }
0x32e: {  	v3 =	vshll.u32 v1, $0x10;
	v1 =	vand.u32 $0xFFFF0000, v1  }
0x32f: {  	v2 =	vmul.f32 v3, v2;
	v0 =	vmul.f32 v1, v0;
	_ =	sdelay $0x1  }
0x330: {  	v1 =	vadd.s32 $0x8000, v2;
	v0 =	vadd.s32 $0x8000, v0  }
0x331: {  	v1 =	vshrl.u32 v1, $0x10;
	v0 =	vand.u32 $0xFFFF0000, v0  }
0x332: {  	v0 =	vor.u32 v0, v1  }
0x333: {  	[tilespmem:s25+$0x70] =	vst v0;
	s25 =	smov.u32 s20  }
0x334: {  	v0 =	vld [tilespmem:s28+$0xFFFFFF80]  }
0x335: {  	v1 =	vld [tilespmem:s31+$0xFFFFFF80];
	_ =	sdelay $0x3  }
0x336: {  	v2 =	vand.u32 $0xFFFF0000, v0  }
0x337: {  	v0 =	vshll.u32 v0, $0x10;
	v3 =	vshll.u32 v1, $0x10;
	v1 =	vand.u32 $0xFFFF0000, v1  }
0x338: {  	v0 =	vmul.f32 v3, v0;
	v1 =	vmul.f32 v1, v2;
	_ =	sdelay $0x1  }
0x339: {  	v0 =	vadd.s32 $0x8000, v0;
	v1 =	vadd.s32 $0x8000, v1  }
0x33a: {  	v0 =	vshrl.u32 v0, $0x10;
	v1 =	vand.u32 $0xFFFF0000, v1  }
0x33b: {  	v0 =	vor.u32 v1, v0  }
0x33c: {  	[tilespmem:s20+$0xFFFFFF80] =	vst v0  }
0x33d: {  	v0 =	vld [tilespmem:s31+$0xFFFFFF90]  }
0x33e: {  	v1 =	vld [tilespmem:s28+$0xFFFFFF90];
	_ =	sdelay $0x3  }
0x33f: {  	v2 =	vshll.u32 v0, $0x10;
	v0 =	vand.u32 $0xFFFF0000, v0  }
0x340: {  	v3 =	vshll.u32 v1, $0x10;
	v1 =	vand.u32 $0xFFFF0000, v1  }
0x341: {  	v2 =	vmul.f32 v2, v3;
	v0 =	vmul.f32 v0, v1;
	_ =	sdelay $0x1  }
0x342: {  	v1 =	vadd.s32 $0x8000, v2;
	v0 =	vadd.s32 $0x8000, v0  }
0x343: {  	v1 =	vshrl.u32 v1, $0x10;
	v0 =	vand.u32 $0xFFFF0000, v0  }
0x344: {  	v0 =	vor.u32 v0, v1  }
0x345: {  	[tilespmem:s20+$0xFFFFFF90] =	vst v0  }
0x346: {  	v0 =	vld [tilespmem:s28+$0xFFFFFFA0]  }
0x347: {  	v1 =	vld [tilespmem:s31+$0xFFFFFFA0];
	_ =	sdelay $0x3  }
0x348: {  	v2 =	vshll.u32 v0, $0x10;
	v0 =	vand.u32 $0xFFFF0000, v0  }
0x349: {  	v3 =	vshll.u32 v1, $0x10;
	v1 =	vand.u32 $0xFFFF0000, v1  }
0x34a: {  	v2 =	vmul.f32 v3, v2;
	v0 =	vmul.f32 v1, v0;
	_ =	sdelay $0x1  }
0x34b: {  	v1 =	vadd.s32 $0x8000, v2;
	v0 =	vadd.s32 $0x8000, v0  }
0x34c: {  	v1 =	vshrl.u32 v1, $0x10;
	v0 =	vand.u32 $0xFFFF0000, v0  }
0x34d: {  	v0 =	vor.u32 v0, v1  }
0x34e: {  	[tilespmem:s20+$0xFFFFFFA0] =	vst v0  }
0x34f: {  	v0 =	vld [tilespmem:s28+$0xFFFFFFB0]  }
0x350: {  	v1 =	vld [tilespmem:s31+$0xFFFFFFB0];
	_ =	sdelay $0x3  }
0x351: {  	v2 =	vshll.u32 v0, $0x10;
	v0 =	vand.u32 $0xFFFF0000, v0  }
0x352: {  	v3 =	vshll.u32 v1, $0x10;
	v1 =	vand.u32 $0xFFFF0000, v1  }
0x353: {  	v2 =	vmul.f32 v3, v2;
	v0 =	vmul.f32 v1, v0;
	_ =	sdelay $0x1  }
0x354: {  	v1 =	vadd.s32 $0x8000, v2;
	v0 =	vadd.s32 $0x8000, v0  }
0x355: {  	v1 =	vshrl.u32 v1, $0x10;
	v0 =	vand.u32 $0xFFFF0000, v0  }
0x356: {  	v0 =	vor.u32 v0, v1  }
0x357: {  	[tilespmem:s20+$0xFFFFFFB0] =	vst v0  }
0x358: {  	v0 =	vld [tilespmem:s28+$0xFFFFFFC0]  }
0x359: {  	v1 =	vld [tilespmem:s31+$0xFFFFFFC0];
	_ =	sdelay $0x3  }
0x35a: {  	v2 =	vshll.u32 v0, $0x10;
	v0 =	vand.u32 $0xFFFF0000, v0  }
0x35b: {  	v3 =	vshll.u32 v1, $0x10;
	v1 =	vand.u32 $0xFFFF0000, v1  }
0x35c: {  	v2 =	vmul.f32 v3, v2;
	v0 =	vmul.f32 v1, v0;
	_ =	sdelay $0x1  }
0x35d: {  	v1 =	vadd.s32 $0x8000, v2;
	v0 =	vadd.s32 $0x8000, v0  }
0x35e: {  	v1 =	vshrl.u32 v1, $0x10;
	v0 =	vand.u32 $0xFFFF0000, v0  }
0x35f: {  	v0 =	vor.u32 v0, v1  }
0x360: {  	[tilespmem:s20+$0xFFFFFFC0] =	vst v0  }
0x361: {  	v0 =	vld [tilespmem:s28+$0xFFFFFFD0]  }
0x362: {  	v1 =	vld [tilespmem:s31+$0xFFFFFFD0];
	_ =	sdelay $0x3  }
0x363: {  	v2 =	vshll.u32 v0, $0x10;
	v0 =	vand.u32 $0xFFFF0000, v0  }
0x364: {  	v3 =	vshll.u32 v1, $0x10;
	v1 =	vand.u32 $0xFFFF0000, v1  }
0x365: {  	v2 =	vmul.f32 v3, v2;
	v0 =	vmul.f32 v1, v0;
	_ =	sdelay $0x1  }
0x366: {  	v1 =	vadd.s32 $0x8000, v2;
	v0 =	vadd.s32 $0x8000, v0  }
0x367: {  	v1 =	vshrl.u32 v1, $0x10;
	v0 =	vand.u32 $0xFFFF0000, v0  }
0x368: {  	v0 =	vor.u32 v0, v1  }
0x369: {  	[tilespmem:s20+$0xFFFFFFD0] =	vst v0  }
0x36a: {  	v0 =	vld [tilespmem:s28+$0xFFFFFFE0]  }
0x36b: {  	v1 =	vld [tilespmem:s31+$0xFFFFFFE0];
	_ =	sdelay $0x3  }
0x36c: {  	v2 =	vshll.u32 v0, $0x10;
	v0 =	vand.u32 $0xFFFF0000, v0  }
0x36d: {  	v3 =	vshll.u32 v1, $0x10;
	v1 =	vand.u32 $0xFFFF0000, v1  }
0x36e: {  	v2 =	vmul.f32 v3, v2;
	v0 =	vmul.f32 v1, v0;
	_ =	sdelay $0x1  }
0x36f: {  	v1 =	vadd.s32 $0x8000, v2;
	v0 =	vadd.s32 $0x8000, v0  }
0x370: {  	v1 =	vshrl.u32 v1, $0x10;
	v0 =	vand.u32 $0xFFFF0000, v0  }
0x371: {  	v0 =	vor.u32 v0, v1  }
0x372: {  	[tilespmem:s20+$0xFFFFFFE0] =	vst v0  }
0x373: {  	v0 =	vld [tilespmem:s28+$0xFFFFFFF0]  }
0x374: {  	v1 =	vld [tilespmem:s31+$0xFFFFFFF0];
	_ =	sdelay $0x3  }
0x375: {  	v2 =	vshll.u32 v0, $0x10;
	v0 =	vand.u32 $0xFFFF0000, v0  }
0x376: {  	v3 =	vshll.u32 v1, $0x10;
	v1 =	vand.u32 $0xFFFF0000, v1  }
0x377: {  	v2 =	vmul.f32 v3, v2;
	v0 =	vmul.f32 v1, v0;
	_ =	sdelay $0x1  }
0x378: {  	v1 =	vadd.s32 $0x8000, v2;
	v0 =	vadd.s32 $0x8000, v0  }
0x379: {  	v1 =	vshrl.u32 v1, $0x10;
	v0 =	vand.u32 $0xFFFF0000, v0  }
0x37a: {  	v0 =	vor.u32 v0, v1  }
0x37b: {  	[tilespmem:s20+$0xFFFFFFF0] =	vst v0  }
0x37c: {  	v0 =	vld [tilespmem:s28+$0x0]  }
0x37d: {  	v1 =	vld [tilespmem:s31+$0x0];
	_ =	sdelay $0x3  }
0x37e: {  	v2 =	vshll.u32 v0, $0x10;
	v0 =	vand.u32 $0xFFFF0000, v0  }
0x37f: {  	v3 =	vshll.u32 v1, $0x10;
	v1 =	vand.u32 $0xFFFF0000, v1  }
0x380: {  	v2 =	vmul.f32 v3, v2;
	v0 =	vmul.f32 v1, v0;
	_ =	sdelay $0x1  }
0x381: {  	v1 =	vadd.s32 $0x8000, v2;
	v0 =	vadd.s32 $0x8000, v0  }
0x382: {  	v1 =	vshrl.u32 v1, $0x10;
	v0 =	vand.u32 $0xFFFF0000, v0  }
0x383: {  	v0 =	vor.u32 v0, v1  }
0x384: {  	[tilespmem:s20+$0x0] =	vst v0  }
0x385: {  	v0 =	vld [tilespmem:s28+$0x10]  }
0x386: {  	v1 =	vld [tilespmem:s31+$0x10];
	_ =	sdelay $0x3  }
0x387: {  	v2 =	vshll.u32 v0, $0x10;
	v0 =	vand.u32 $0xFFFF0000, v0  }
0x388: {  	v3 =	vshll.u32 v1, $0x10;
	v1 =	vand.u32 $0xFFFF0000, v1  }
0x389: {  	v2 =	vmul.f32 v3, v2;
	v0 =	vmul.f32 v1, v0;
	_ =	sdelay $0x1  }
0x38a: {  	v1 =	vadd.s32 $0x8000, v2;
	v0 =	vadd.s32 $0x8000, v0  }
0x38b: {  	v1 =	vshrl.u32 v1, $0x10;
	v0 =	vand.u32 $0xFFFF0000, v0  }
0x38c: {  	v0 =	vor.u32 v0, v1  }
0x38d: {  	[tilespmem:s20+$0x10] =	vst v0  }
0x38e: {  	v0 =	vld [tilespmem:s28+$0x20]  }
0x38f: {  	v1 =	vld [tilespmem:s31+$0x20];
	_ =	sdelay $0x3  }
0x390: {  	v2 =	vshll.u32 v0, $0x10;
	v0 =	vand.u32 $0xFFFF0000, v0  }
0x391: {  	v3 =	vshll.u32 v1, $0x10;
	v1 =	vand.u32 $0xFFFF0000, v1  }
0x392: {  	v2 =	vmul.f32 v3, v2;
	v0 =	vmul.f32 v1, v0;
	_ =	sdelay $0x1  }
0x393: {  	v1 =	vadd.s32 $0x8000, v2;
	v0 =	vadd.s32 $0x8000, v0  }
0x394: {  	v1 =	vshrl.u32 v1, $0x10;
	v0 =	vand.u32 $0xFFFF0000, v0  }
0x395: {  	v0 =	vor.u32 v0, v1  }
0x396: {  	[tilespmem:s20+$0x20] =	vst v0  }
0x397: {  	v0 =	vld [tilespmem:s28+$0x30]  }
0x398: {  	v1 =	vld [tilespmem:s31+$0x30];
	_ =	sdelay $0x3  }
0x399: {  	v2 =	vshll.u32 v0, $0x10;
	v0 =	vand.u32 $0xFFFF0000, v0  }
0x39a: {  	v3 =	vshll.u32 v1, $0x10;
	v1 =	vand.u32 $0xFFFF0000, v1  }
0x39b: {  	v2 =	vmul.f32 v3, v2;
	v0 =	vmul.f32 v1, v0;
	_ =	sdelay $0x1  }
0x39c: {  	v1 =	vadd.s32 $0x8000, v2;
	v0 =	vadd.s32 $0x8000, v0  }
0x39d: {  	v1 =	vshrl.u32 v1, $0x10;
	v0 =	vand.u32 $0xFFFF0000, v0  }
0x39e: {  	v0 =	vor.u32 v0, v1  }
0x39f: {  	[tilespmem:s20+$0x30] =	vst v0  }
0x3a0: {  	v0 =	vld [tilespmem:s28+$0x40]  }
0x3a1: {  	v1 =	vld [tilespmem:s31+$0x40];
	_ =	sdelay $0x3  }
0x3a2: {  	v2 =	vshll.u32 v0, $0x10;
	v0 =	vand.u32 $0xFFFF0000, v0  }
0x3a3: {  	v3 =	vshll.u32 v1, $0x10;
	v1 =	vand.u32 $0xFFFF0000, v1  }
0x3a4: {  	v2 =	vmul.f32 v3, v2;
	v0 =	vmul.f32 v1, v0;
	_ =	sdelay $0x1  }
0x3a5: {  	v1 =	vadd.s32 $0x8000, v2;
	v0 =	vadd.s32 $0x8000, v0  }
0x3a6: {  	v1 =	vshrl.u32 v1, $0x10;
	v0 =	vand.u32 $0xFFFF0000, v0  }
0x3a7: {  	v0 =	vor.u32 v0, v1  }
0x3a8: {  	[tilespmem:s20+$0x40] =	vst v0  }
0x3a9: {  	v0 =	vld [tilespmem:s28+$0x50]  }
0x3aa: {  	v1 =	vld [tilespmem:s31+$0x50];
	_ =	sdelay $0x3  }
0x3ab: {  	v2 =	vshll.u32 v0, $0x10;
	v0 =	vand.u32 $0xFFFF0000, v0  }
0x3ac: {  	v3 =	vshll.u32 v1, $0x10;
	v1 =	vand.u32 $0xFFFF0000, v1  }
0x3ad: {  	v2 =	vmul.f32 v3, v2;
	v0 =	vmul.f32 v1, v0;
	_ =	sdelay $0x1  }
0x3ae: {  	v1 =	vadd.s32 $0x8000, v2;
	v0 =	vadd.s32 $0x8000, v0  }
0x3af: {  	v1 =	vshrl.u32 v1, $0x10;
	v0 =	vand.u32 $0xFFFF0000, v0  }
0x3b0: {  	v0 =	vor.u32 v0, v1  }
0x3b1: {  	[tilespmem:s20+$0x50] =	vst v0  }
0x3b2: {  	v0 =	vld [tilespmem:s28+$0x60]  }
0x3b3: {  	v1 =	vld [tilespmem:s31+$0x60];
	_ =	sdelay $0x3  }
.Ltmp4:
0x3b4: {  	v2 =	vshll.u32 v0, $0x10;
	v0 =	vand.u32 $0xFFFF0000, v0;
	(pc) =	sbr.rel @p1 .LBB2_7-.Ltmp4, $3  }
0x3b5: {  	v3 =	vshll.u32 v1, $0x10;
	v1 =	vand.u32 $0xFFFF0000, v1  }
0x3b6: {  	v2 =	vmul.f32 v3, v2;
	v1 =	vmul.f32 v1, v0;
	_ =	sdelay $0x1  }
0x3b7: {  	s20 =	sadd.s32 $0x100, s20;
	v0 =	vadd.s32 $0x8000, v2;
	v1 =	vadd.s32 $0x8000, v1  }
0x3b8: {  	v0 =	vshrl.u32 v0, $0x10;
	v1 =	vand.u32 $0xFFFF0000, v1  }
0x3b9: {  	v0 =	vor.u32 v1, v0  }
0x3ba: {  	[tilespmem:s25+$0x60] =	vst v0  }
0x3bb: {  	v0 =	vld [tilespmem:s0+$0x70]  }
0x3bc: {  	v1 =	vld [tilespmem:s1+$0x70];
	_ =	sdelay $0x3  }
0x3bd: {  	v2 =	vshll.u32 v0, $0x10  }
0x3be: {  	v0 =	vand.u32 $0xFFFF0000, v0;
	v3 =	vshll.u32 v1, $0x10;
	v1 =	vand.u32 $0xFFFF0000, v1  }
0x3bf: {  	v2 =	vmul.f32 v3, v2;
	v0 =	vmul.f32 v1, v0;
	_ =	sdelay $0x1  }
0x3c0: {  	s20 =	sadd.s32 s10, s12;
	v1 =	vadd.s32 $0x8000, v2;
	v0 =	vadd.s32 $0x8000, v0  }
0x3c1: {  	s0 =	sshll.u32 s20, $0x3;
	v1 =	vshrl.u32 v1, $0x10;
	v0 =	vand.u32 $0xFFFF0000, v0  }
0x3c2: {  	s0 =	sand.u32 $0x1FFFFF80, s0;
	v0 =	vor.u32 v0, v1  }
0x3c3: {  	s0 =	sadd.s32 s5, s0;
	[tilespmem:s25+$0x70] =	vst v0;
	s25 =	simm.s32 $0x13E20  }
0x3c4: {  	[hbm4b:s0+s2] =	stream.linear.scatter [tilespmem:s25], [sflag:$0xD], $0x1400, $0x38;
	[tilespmem:$0x17A20] =	vst v63  }
0x3c5: {  	s0 =	simm.s32 @!p0 $0xC  }
0x3c6: {  	_ =	swait.ge @!p0 [sflag:s0], $0x1400  }
0x3c7: {  	s17 =	simm.s32 @!p0 $0x6220;
	[sflag:s0] =	ssyncset.done @!p0 $0x0  }
0x3c8: {  	s1 =	simm.s32 @!p0 $0x50;
	[sflag:s0] =	ssyncadd.s32 @!p0 $0xFFFFEC00;
	s0 =	sadd.s32 @!p0 $0x1E0, s12  }
0x3c9: {  	[tilespmem:s17], [sflag:$0x2] =	stream.indirect.gather @!p0 [hbm4b:s4+s1], $0x40, s0, s1, $0xb8;
	[tilespmem:$0x17A20] =	vst v63  }
0x3ca: {  	s0 =	sadd.s32 @!p0 $0x28F0, s12;
	s17 =	simm.s32 @!p0 $0xC620  }
0x3cb: {  	[tilespmem:s17], [sflag:$0x7] =	stream.indirect.gather @!p0 [hbm4b:s4+s1], $0x40, s0, s1, $0xb8;
	[tilespmem:$0x17A20] =	vst v63  }
0x3cc: {  	_ =	swait.ge [sflag:s21], $0x1400  }
0x3cd: {  	[sflag:s21] =	ssyncset.done $0x0  }
0x3ce: {  	[sflag:s21] =	ssyncadd.s32 $0xFFFFEC00  }
0x3cf: {  	_ =	swait.ge [sflag:s22], $0x1400  }
0x3d0: {  	[sflag:s22] =	ssyncset.done $0x0  }
0x3d1: {  	s28 =	simm.s32 $0x8AA0;
	[sflag:s22] =	ssyncadd.s32 $0xFFFFEC00  }
0x3d2: {  	s31 =	simm.s32 $0xEEA0;
	v0 =	vld [tilespmem:s28+$0xFFFFFF80]  }
0x3d3: {  	v1 =	vld [tilespmem:s31+$0xFFFFFF80];
	_ =	sdelay $0x3  }
0x3d4: {  	v2 =	vand.u32 $0xFFFF0000, v0  }
0x3d5: {  	v0 =	vshll.u32 v0, $0x10;
	v3 =	vshll.u32 v1, $0x10;
	v1 =	vand.u32 $0xFFFF0000, v1  }
0x3d6: {  	v0 =	vmul.f32 v3, v0;
	v1 =	vmul.f32 v1, v2;
	_ =	sdelay $0x1  }
0x3d7: {  	v0 =	vadd.s32 $0x8000, v0;
	v1 =	vadd.s32 $0x8000, v1  }
0x3d8: {  	v0 =	vshrl.u32 v0, $0x10;
	v1 =	vand.u32 $0xFFFF0000, v1  }
0x3d9: {  	s25 =	simm.s32 $0x152A0;
	v0 =	vor.u32 v1, v0  }
0x3da: {  	[tilespmem:s25+$0xFFFFFF80] =	vst v0  }
0x3db: {  	v0 =	vld [tilespmem:s31+$0xFFFFFF90]  }
0x3dc: {  	v1 =	vld [tilespmem:s28+$0xFFFFFF90];
	_ =	sdelay $0x3  }
0x3dd: {  	v2 =	vshll.u32 v0, $0x10  }
0x3de: {  	v0 =	vand.u32 $0xFFFF0000, v0;
	v3 =	vshll.u32 v1, $0x10;
	v1 =	vand.u32 $0xFFFF0000, v1  }
0x3df: {  	v2 =	vmul.f32 v2, v3;
	v0 =	vmul.f32 v0, v1;
	_ =	sdelay $0x1  }
0x3e0: {  	v1 =	vadd.s32 $0x8000, v2;
	v0 =	vadd.s32 $0x8000, v0  }
0x3e1: {  	v1 =	vshrl.u32 v1, $0x10;
	v0 =	vand.u32 $0xFFFF0000, v0  }
0x3e2: {  	v0 =	vor.u32 v0, v1  }
0x3e3: {  	[tilespmem:s25+$0xFFFFFF90] =	vst v0  }
0x3e4: {  	v0 =	vld [tilespmem:s28+$0xFFFFFFA0]  }
0x3e5: {  	v1 =	vld [tilespmem:s31+$0xFFFFFFA0];
	_ =	sdelay $0x3  }
0x3e6: {  	v2 =	vshll.u32 v0, $0x10  }
0x3e7: {  	v0 =	vand.u32 $0xFFFF0000, v0;
	v3 =	vshll.u32 v1, $0x10;
	v1 =	vand.u32 $0xFFFF0000, v1  }
0x3e8: {  	v2 =	vmul.f32 v3, v2;
	v0 =	vmul.f32 v1, v0;
	_ =	sdelay $0x1  }
0x3e9: {  	v1 =	vadd.s32 $0x8000, v2;
	v0 =	vadd.s32 $0x8000, v0  }
0x3ea: {  	v1 =	vshrl.u32 v1, $0x10;
	v0 =	vand.u32 $0xFFFF0000, v0  }
0x3eb: {  	v0 =	vor.u32 v0, v1  }
0x3ec: {  	[tilespmem:s25+$0xFFFFFFA0] =	vst v0  }
0x3ed: {  	v0 =	vld [tilespmem:s28+$0xFFFFFFB0]  }
0x3ee: {  	v1 =	vld [tilespmem:s31+$0xFFFFFFB0];
	_ =	sdelay $0x3  }
0x3ef: {  	v2 =	vshll.u32 v0, $0x10  }
0x3f0: {  	v0 =	vand.u32 $0xFFFF0000, v0;
	v3 =	vshll.u32 v1, $0x10;
	v1 =	vand.u32 $0xFFFF0000, v1  }
0x3f1: {  	v2 =	vmul.f32 v3, v2;
	v0 =	vmul.f32 v1, v0;
	_ =	sdelay $0x1  }
0x3f2: {  	v1 =	vadd.s32 $0x8000, v2;
	v0 =	vadd.s32 $0x8000, v0  }
0x3f3: {  	v1 =	vshrl.u32 v1, $0x10;
	v0 =	vand.u32 $0xFFFF0000, v0  }
0x3f4: {  	v0 =	vor.u32 v0, v1  }
0x3f5: {  	[tilespmem:s25+$0xFFFFFFB0] =	vst v0  }
0x3f6: {  	v0 =	vld [tilespmem:s28+$0xFFFFFFC0]  }
0x3f7: {  	v1 =	vld [tilespmem:s31+$0xFFFFFFC0];
	_ =	sdelay $0x3  }
0x3f8: {  	v2 =	vshll.u32 v0, $0x10  }
0x3f9: {  	v0 =	vand.u32 $0xFFFF0000, v0;
	v3 =	vshll.u32 v1, $0x10;
	v1 =	vand.u32 $0xFFFF0000, v1  }
0x3fa: {  	v2 =	vmul.f32 v3, v2;
	v0 =	vmul.f32 v1, v0;
	_ =	sdelay $0x1  }
0x3fb: {  	v1 =	vadd.s32 $0x8000, v2;
	v0 =	vadd.s32 $0x8000, v0  }
0x3fc: {  	v1 =	vshrl.u32 v1, $0x10;
	v0 =	vand.u32 $0xFFFF0000, v0  }
0x3fd: {  	v0 =	vor.u32 v0, v1  }
0x3fe: {  	[tilespmem:s25+$0xFFFFFFC0] =	vst v0  }
0x3ff: {  	v0 =	vld [tilespmem:s28+$0xFFFFFFD0]  }
0x400: {  	v1 =	vld [tilespmem:s31+$0xFFFFFFD0];
	_ =	sdelay $0x3  }
0x401: {  	v2 =	vshll.u32 v0, $0x10  }
0x402: {  	v0 =	vand.u32 $0xFFFF0000, v0;
	v3 =	vshll.u32 v1, $0x10;
	v1 =	vand.u32 $0xFFFF0000, v1  }
0x403: {  	v2 =	vmul.f32 v3, v2;
	v0 =	vmul.f32 v1, v0;
	_ =	sdelay $0x1  }
0x404: {  	v1 =	vadd.s32 $0x8000, v2;
	v0 =	vadd.s32 $0x8000, v0  }
0x405: {  	v1 =	vshrl.u32 v1, $0x10;
	v0 =	vand.u32 $0xFFFF0000, v0  }
0x406: {  	v0 =	vor.u32 v0, v1  }
0x407: {  	[tilespmem:s25+$0xFFFFFFD0] =	vst v0  }
0x408: {  	v0 =	vld [tilespmem:s28+$0xFFFFFFE0]  }
0x409: {  	v1 =	vld [tilespmem:s31+$0xFFFFFFE0];
	_ =	sdelay $0x3  }
0x40a: {  	v2 =	vshll.u32 v0, $0x10  }
0x40b: {  	v0 =	vand.u32 $0xFFFF0000, v0;
	v3 =	vshll.u32 v1, $0x10;
	v1 =	vand.u32 $0xFFFF0000, v1  }
0x40c: {  	v2 =	vmul.f32 v3, v2;
	v0 =	vmul.f32 v1, v0;
	_ =	sdelay $0x1  }
0x40d: {  	v1 =	vadd.s32 $0x8000, v2;
	v0 =	vadd.s32 $0x8000, v0  }
0x40e: {  	v1 =	vshrl.u32 v1, $0x10;
	v0 =	vand.u32 $0xFFFF0000, v0  }
0x40f: {  	v0 =	vor.u32 v0, v1  }
0x410: {  	[tilespmem:s25+$0xFFFFFFE0] =	vst v0  }
0x411: {  	v0 =	vld [tilespmem:s28+$0xFFFFFFF0]  }
0x412: {  	v1 =	vld [tilespmem:s31+$0xFFFFFFF0];
	_ =	sdelay $0x3  }
0x413: {  	v2 =	vshll.u32 v0, $0x10  }
0x414: {  	v0 =	vand.u32 $0xFFFF0000, v0;
	v3 =	vshll.u32 v1, $0x10;
	v1 =	vand.u32 $0xFFFF0000, v1  }
0x415: {  	v2 =	vmul.f32 v3, v2;
	v0 =	vmul.f32 v1, v0;
	_ =	sdelay $0x1  }
0x416: {  	v1 =	vadd.s32 $0x8000, v2;
	v0 =	vadd.s32 $0x8000, v0  }
0x417: {  	v1 =	vshrl.u32 v1, $0x10;
	v0 =	vand.u32 $0xFFFF0000, v0  }
0x418: {  	v0 =	vor.u32 v0, v1  }
0x419: {  	[tilespmem:s25+$0xFFFFFFF0] =	vst v0  }
0x41a: {  	v0 =	vld [tilespmem:s28+$0x0]  }
0x41b: {  	v1 =	vld [tilespmem:s31+$0x0];
	_ =	sdelay $0x3  }
0x41c: {  	v2 =	vshll.u32 v0, $0x10  }
0x41d: {  	v0 =	vand.u32 $0xFFFF0000, v0;
	v3 =	vshll.u32 v1, $0x10;
	v1 =	vand.u32 $0xFFFF0000, v1  }
0x41e: {  	v2 =	vmul.f32 v3, v2;
	v0 =	vmul.f32 v1, v0;
	_ =	sdelay $0x1  }
0x41f: {  	v1 =	vadd.s32 $0x8000, v2;
	v0 =	vadd.s32 $0x8000, v0  }
0x420: {  	v1 =	vshrl.u32 v1, $0x10;
	v0 =	vand.u32 $0xFFFF0000, v0  }
0x421: {  	v0 =	vor.u32 v0, v1  }
0x422: {  	[tilespmem:s25+$0x0] =	vst v0  }
0x423: {  	v0 =	vld [tilespmem:s28+$0x10]  }
0x424: {  	v1 =	vld [tilespmem:s31+$0x10];
	_ =	sdelay $0x3  }
0x425: {  	v2 =	vshll.u32 v0, $0x10  }
0x426: {  	v0 =	vand.u32 $0xFFFF0000, v0;
	v3 =	vshll.u32 v1, $0x10;
	v1 =	vand.u32 $0xFFFF0000, v1  }
0x427: {  	v2 =	vmul.f32 v3, v2;
	v0 =	vmul.f32 v1, v0;
	_ =	sdelay $0x1  }
0x428: {  	v1 =	vadd.s32 $0x8000, v2;
	v0 =	vadd.s32 $0x8000, v0  }
0x429: {  	v1 =	vshrl.u32 v1, $0x10;
	v0 =	vand.u32 $0xFFFF0000, v0  }
0x42a: {  	v0 =	vor.u32 v0, v1  }
0x42b: {  	[tilespmem:s25+$0x10] =	vst v0  }
0x42c: {  	v0 =	vld [tilespmem:s28+$0x20]  }
0x42d: {  	v1 =	vld [tilespmem:s31+$0x20];
	_ =	sdelay $0x3  }
0x42e: {  	v2 =	vshll.u32 v0, $0x10  }
0x42f: {  	v0 =	vand.u32 $0xFFFF0000, v0;
	v3 =	vshll.u32 v1, $0x10;
	v1 =	vand.u32 $0xFFFF0000, v1  }
0x430: {  	v2 =	vmul.f32 v3, v2;
	v0 =	vmul.f32 v1, v0;
	_ =	sdelay $0x1  }
0x431: {  	v1 =	vadd.s32 $0x8000, v2;
	v0 =	vadd.s32 $0x8000, v0  }
0x432: {  	v1 =	vshrl.u32 v1, $0x10;
	v0 =	vand.u32 $0xFFFF0000, v0  }
0x433: {  	v0 =	vor.u32 v0, v1  }
0x434: {  	[tilespmem:s25+$0x20] =	vst v0  }
0x435: {  	v0 =	vld [tilespmem:s28+$0x30]  }
0x436: {  	v1 =	vld [tilespmem:s31+$0x30];
	_ =	sdelay $0x3  }
0x437: {  	v2 =	vshll.u32 v0, $0x10  }
0x438: {  	v0 =	vand.u32 $0xFFFF0000, v0;
	v3 =	vshll.u32 v1, $0x10;
	v1 =	vand.u32 $0xFFFF0000, v1  }
0x439: {  	v2 =	vmul.f32 v3, v2;
	v0 =	vmul.f32 v1, v0;
	_ =	sdelay $0x1  }
0x43a: {  	v1 =	vadd.s32 $0x8000, v2;
	v0 =	vadd.s32 $0x8000, v0  }
0x43b: {  	v1 =	vshrl.u32 v1, $0x10;
	v0 =	vand.u32 $0xFFFF0000, v0  }
0x43c: {  	v0 =	vor.u32 v0, v1  }
0x43d: {  	[tilespmem:s25+$0x30] =	vst v0  }
0x43e: {  	v0 =	vld [tilespmem:s28+$0x40]  }
0x43f: {  	v1 =	vld [tilespmem:s31+$0x40];
	_ =	sdelay $0x3  }
0x440: {  	v2 =	vshll.u32 v0, $0x10  }
0x441: {  	v0 =	vand.u32 $0xFFFF0000, v0;
	v3 =	vshll.u32 v1, $0x10;
	v1 =	vand.u32 $0xFFFF0000, v1  }
0x442: {  	v2 =	vmul.f32 v3, v2;
	v0 =	vmul.f32 v1, v0;
	_ =	sdelay $0x1  }
0x443: {  	v1 =	vadd.s32 $0x8000, v2;
	v0 =	vadd.s32 $0x8000, v0  }
0x444: {  	v1 =	vshrl.u32 v1, $0x10;
	v0 =	vand.u32 $0xFFFF0000, v0  }
0x445: {  	v0 =	vor.u32 v0, v1  }
0x446: {  	[tilespmem:s25+$0x40] =	vst v0  }
0x447: {  	v0 =	vld [tilespmem:s28+$0x50]  }
0x448: {  	v1 =	vld [tilespmem:s31+$0x50];
	_ =	sdelay $0x3  }
0x449: {  	v2 =	vshll.u32 v0, $0x10  }
0x44a: {  	v0 =	vand.u32 $0xFFFF0000, v0;
	v3 =	vshll.u32 v1, $0x10;
	v1 =	vand.u32 $0xFFFF0000, v1  }
0x44b: {  	v2 =	vmul.f32 v3, v2;
	v0 =	vmul.f32 v1, v0;
	_ =	sdelay $0x1  }
0x44c: {  	v1 =	vadd.s32 $0x8000, v2;
	v0 =	vadd.s32 $0x8000, v0  }
0x44d: {  	v1 =	vshrl.u32 v1, $0x10;
	v0 =	vand.u32 $0xFFFF0000, v0  }
0x44e: {  	v0 =	vor.u32 v0, v1  }
0x44f: {  	[tilespmem:s25+$0x50] =	vst v0  }
0x450: {  	v0 =	vld [tilespmem:s28+$0x60]  }
0x451: {  	v1 =	vld [tilespmem:s31+$0x60];
	_ =	sdelay $0x3  }
0x452: {  	v2 =	vshll.u32 v0, $0x10  }
0x453: {  	v0 =	vand.u32 $0xFFFF0000, v0;
	v3 =	vshll.u32 v1, $0x10;
	v1 =	vand.u32 $0xFFFF0000, v1  }
0x454: {  	v2 =	vmul.f32 v3, v2;
	v1 =	vmul.f32 v1, v0  }
0x455: {  	s20 =	simm.s32 $0x153A0  }
0x456: {  	s17 =	simm.s32 $0x0;
	s0 =	simm.s32 $0x8AA0;
	s1 =	simm.s32 $0xEEA0;
	v0 =	vadd.s32 $0x8000, v2;
	v1 =	vadd.s32 $0x8000, v1  }
.LBB2_9:
0x457: {  	s17 =	sadd.s32 $0x2, s17;
	v0 =	vshrl.u32 v0, $0x10;
	v1 =	vand.u32 $0xFFFF0000, v1;
	s31 =	sadd.s32 $0x100, s31;
	s28 =	sadd.s32 $0x100, s28  }
0x458: {  	p1 =	slt.u32 s17, $0x26;
	v0 =	vor.u32 v1, v0  }
0x459: {  	[tilespmem:s25+$0x60] =	vst v0  }
0x45a: {  	v0 =	vld [tilespmem:s0+$0x70];
	s0 =	smov.u32 s28  }
0x45b: {  	v1 =	vld [tilespmem:s1+$0x70];
	s1 =	smov.u32 s31;
	_ =	sdelay $0x3  }
0x45c: {  	v2 =	vshll.u32 v0, $0x10;
	v0 =	vand.u32 $0xFFFF0000, v0  }
0x45d: {  	v3 =	vshll.u32 v1, $0x10;
	v1 =	vand.u32 $0xFFFF0000, v1  }
0x45e: {  	v2 =	vmul.f32 v3, v2;
	v0 =	vmul.f32 v1, v0;
	_ =	sdelay $0x1  }
0x45f: {  	v1 =	vadd.s32 $0x8000, v2;
	v0 =	vadd.s32 $0x8000, v0  }
0x460: {  	v1 =	vshrl.u32 v1, $0x10;
	v0 =	vand.u32 $0xFFFF0000, v0  }
0x461: {  	v0 =	vor.u32 v0, v1  }
0x462: {  	[tilespmem:s25+$0x70] =	vst v0;
	s25 =	smov.u32 s20  }
0x463: {  	v0 =	vld [tilespmem:s28+$0xFFFFFF80]  }
0x464: {  	v1 =	vld [tilespmem:s31+$0xFFFFFF80];
	_ =	sdelay $0x3  }
0x465: {  	v2 =	vand.u32 $0xFFFF0000, v0  }
0x466: {  	v0 =	vshll.u32 v0, $0x10;
	v3 =	vshll.u32 v1, $0x10;
	v1 =	vand.u32 $0xFFFF0000, v1  }
0x467: {  	v0 =	vmul.f32 v3, v0;
	v1 =	vmul.f32 v1, v2;
	_ =	sdelay $0x1  }
0x468: {  	v0 =	vadd.s32 $0x8000, v0;
	v1 =	vadd.s32 $0x8000, v1  }
0x469: {  	v0 =	vshrl.u32 v0, $0x10;
	v1 =	vand.u32 $0xFFFF0000, v1  }
0x46a: {  	v0 =	vor.u32 v1, v0  }
0x46b: {  	[tilespmem:s20+$0xFFFFFF80] =	vst v0  }
0x46c: {  	v0 =	vld [tilespmem:s31+$0xFFFFFF90]  }
0x46d: {  	v1 =	vld [tilespmem:s28+$0xFFFFFF90];
	_ =	sdelay $0x3  }
0x46e: {  	v2 =	vshll.u32 v0, $0x10;
	v0 =	vand.u32 $0xFFFF0000, v0  }
0x46f: {  	v3 =	vshll.u32 v1, $0x10;
	v1 =	vand.u32 $0xFFFF0000, v1  }
0x470: {  	v2 =	vmul.f32 v2, v3;
	v0 =	vmul.f32 v0, v1;
	_ =	sdelay $0x1  }
0x471: {  	v1 =	vadd.s32 $0x8000, v2;
	v0 =	vadd.s32 $0x8000, v0  }
0x472: {  	v1 =	vshrl.u32 v1, $0x10;
	v0 =	vand.u32 $0xFFFF0000, v0  }
0x473: {  	v0 =	vor.u32 v0, v1  }
0x474: {  	[tilespmem:s20+$0xFFFFFF90] =	vst v0  }
0x475: {  	v0 =	vld [tilespmem:s28+$0xFFFFFFA0]  }
0x476: {  	v1 =	vld [tilespmem:s31+$0xFFFFFFA0];
	_ =	sdelay $0x3  }
0x477: {  	v2 =	vshll.u32 v0, $0x10;
	v0 =	vand.u32 $0xFFFF0000, v0  }
0x478: {  	v3 =	vshll.u32 v1, $0x10;
	v1 =	vand.u32 $0xFFFF0000, v1  }
0x479: {  	v2 =	vmul.f32 v3, v2;
	v0 =	vmul.f32 v1, v0;
	_ =	sdelay $0x1  }
0x47a: {  	v1 =	vadd.s32 $0x8000, v2;
	v0 =	vadd.s32 $0x8000, v0  }
0x47b: {  	v1 =	vshrl.u32 v1, $0x10;
	v0 =	vand.u32 $0xFFFF0000, v0  }
0x47c: {  	v0 =	vor.u32 v0, v1  }
0x47d: {  	[tilespmem:s20+$0xFFFFFFA0] =	vst v0  }
0x47e: {  	v0 =	vld [tilespmem:s28+$0xFFFFFFB0]  }
0x47f: {  	v1 =	vld [tilespmem:s31+$0xFFFFFFB0];
	_ =	sdelay $0x3  }
0x480: {  	v2 =	vshll.u32 v0, $0x10;
	v0 =	vand.u32 $0xFFFF0000, v0  }
0x481: {  	v3 =	vshll.u32 v1, $0x10;
	v1 =	vand.u32 $0xFFFF0000, v1  }
0x482: {  	v2 =	vmul.f32 v3, v2;
	v0 =	vmul.f32 v1, v0;
	_ =	sdelay $0x1  }
0x483: {  	v1 =	vadd.s32 $0x8000, v2;
	v0 =	vadd.s32 $0x8000, v0  }
0x484: {  	v1 =	vshrl.u32 v1, $0x10;
	v0 =	vand.u32 $0xFFFF0000, v0  }
0x485: {  	v0 =	vor.u32 v0, v1  }
0x486: {  	[tilespmem:s20+$0xFFFFFFB0] =	vst v0  }
0x487: {  	v0 =	vld [tilespmem:s28+$0xFFFFFFC0]  }
0x488: {  	v1 =	vld [tilespmem:s31+$0xFFFFFFC0];
	_ =	sdelay $0x3  }
0x489: {  	v2 =	vshll.u32 v0, $0x10;
	v0 =	vand.u32 $0xFFFF0000, v0  }
0x48a: {  	v3 =	vshll.u32 v1, $0x10;
	v1 =	vand.u32 $0xFFFF0000, v1  }
0x48b: {  	v2 =	vmul.f32 v3, v2;
	v0 =	vmul.f32 v1, v0;
	_ =	sdelay $0x1  }
0x48c: {  	v1 =	vadd.s32 $0x8000, v2;
	v0 =	vadd.s32 $0x8000, v0  }
0x48d: {  	v1 =	vshrl.u32 v1, $0x10;
	v0 =	vand.u32 $0xFFFF0000, v0  }
0x48e: {  	v0 =	vor.u32 v0, v1  }
0x48f: {  	[tilespmem:s20+$0xFFFFFFC0] =	vst v0  }
0x490: {  	v0 =	vld [tilespmem:s28+$0xFFFFFFD0]  }
0x491: {  	v1 =	vld [tilespmem:s31+$0xFFFFFFD0];
	_ =	sdelay $0x3  }
0x492: {  	v2 =	vshll.u32 v0, $0x10;
	v0 =	vand.u32 $0xFFFF0000, v0  }
0x493: {  	v3 =	vshll.u32 v1, $0x10;
	v1 =	vand.u32 $0xFFFF0000, v1  }
0x494: {  	v2 =	vmul.f32 v3, v2;
	v0 =	vmul.f32 v1, v0;
	_ =	sdelay $0x1  }
0x495: {  	v1 =	vadd.s32 $0x8000, v2;
	v0 =	vadd.s32 $0x8000, v0  }
0x496: {  	v1 =	vshrl.u32 v1, $0x10;
	v0 =	vand.u32 $0xFFFF0000, v0  }
0x497: {  	v0 =	vor.u32 v0, v1  }
0x498: {  	[tilespmem:s20+$0xFFFFFFD0] =	vst v0  }
0x499: {  	v0 =	vld [tilespmem:s28+$0xFFFFFFE0]  }
0x49a: {  	v1 =	vld [tilespmem:s31+$0xFFFFFFE0];
	_ =	sdelay $0x3  }
0x49b: {  	v2 =	vshll.u32 v0, $0x10;
	v0 =	vand.u32 $0xFFFF0000, v0  }
0x49c: {  	v3 =	vshll.u32 v1, $0x10;
	v1 =	vand.u32 $0xFFFF0000, v1  }
0x49d: {  	v2 =	vmul.f32 v3, v2;
	v0 =	vmul.f32 v1, v0;
	_ =	sdelay $0x1  }
0x49e: {  	v1 =	vadd.s32 $0x8000, v2;
	v0 =	vadd.s32 $0x8000, v0  }
0x49f: {  	v1 =	vshrl.u32 v1, $0x10;
	v0 =	vand.u32 $0xFFFF0000, v0  }
0x4a0: {  	v0 =	vor.u32 v0, v1  }
0x4a1: {  	[tilespmem:s20+$0xFFFFFFE0] =	vst v0  }
0x4a2: {  	v0 =	vld [tilespmem:s28+$0xFFFFFFF0]  }
0x4a3: {  	v1 =	vld [tilespmem:s31+$0xFFFFFFF0];
	_ =	sdelay $0x3  }
0x4a4: {  	v2 =	vshll.u32 v0, $0x10;
	v0 =	vand.u32 $0xFFFF0000, v0  }
0x4a5: {  	v3 =	vshll.u32 v1, $0x10;
	v1 =	vand.u32 $0xFFFF0000, v1  }
0x4a6: {  	v2 =	vmul.f32 v3, v2;
	v0 =	vmul.f32 v1, v0;
	_ =	sdelay $0x1  }
0x4a7: {  	v1 =	vadd.s32 $0x8000, v2;
	v0 =	vadd.s32 $0x8000, v0  }
0x4a8: {  	v1 =	vshrl.u32 v1, $0x10;
	v0 =	vand.u32 $0xFFFF0000, v0  }
0x4a9: {  	v0 =	vor.u32 v0, v1  }
0x4aa: {  	[tilespmem:s20+$0xFFFFFFF0] =	vst v0  }
0x4ab: {  	v0 =	vld [tilespmem:s28+$0x0]  }
0x4ac: {  	v1 =	vld [tilespmem:s31+$0x0];
	_ =	sdelay $0x3  }
0x4ad: {  	v2 =	vshll.u32 v0, $0x10;
	v0 =	vand.u32 $0xFFFF0000, v0  }
0x4ae: {  	v3 =	vshll.u32 v1, $0x10;
	v1 =	vand.u32 $0xFFFF0000, v1  }
0x4af: {  	v2 =	vmul.f32 v3, v2;
	v0 =	vmul.f32 v1, v0;
	_ =	sdelay $0x1  }
0x4b0: {  	v1 =	vadd.s32 $0x8000, v2;
	v0 =	vadd.s32 $0x8000, v0  }
0x4b1: {  	v1 =	vshrl.u32 v1, $0x10;
	v0 =	vand.u32 $0xFFFF0000, v0  }
0x4b2: {  	v0 =	vor.u32 v0, v1  }
0x4b3: {  	[tilespmem:s20+$0x0] =	vst v0  }
0x4b4: {  	v0 =	vld [tilespmem:s28+$0x10]  }
0x4b5: {  	v1 =	vld [tilespmem:s31+$0x10];
	_ =	sdelay $0x3  }
0x4b6: {  	v2 =	vshll.u32 v0, $0x10;
	v0 =	vand.u32 $0xFFFF0000, v0  }
0x4b7: {  	v3 =	vshll.u32 v1, $0x10;
	v1 =	vand.u32 $0xFFFF0000, v1  }
0x4b8: {  	v2 =	vmul.f32 v3, v2;
	v0 =	vmul.f32 v1, v0;
	_ =	sdelay $0x1  }
0x4b9: {  	v1 =	vadd.s32 $0x8000, v2;
	v0 =	vadd.s32 $0x8000, v0  }
0x4ba: {  	v1 =	vshrl.u32 v1, $0x10;
	v0 =	vand.u32 $0xFFFF0000, v0  }
0x4bb: {  	v0 =	vor.u32 v0, v1  }
0x4bc: {  	[tilespmem:s20+$0x10] =	vst v0  }
0x4bd: {  	v0 =	vld [tilespmem:s28+$0x20]  }
0x4be: {  	v1 =	vld [tilespmem:s31+$0x20];
	_ =	sdelay $0x3  }
0x4bf: {  	v2 =	vshll.u32 v0, $0x10;
	v0 =	vand.u32 $0xFFFF0000, v0  }
0x4c0: {  	v3 =	vshll.u32 v1, $0x10;
	v1 =	vand.u32 $0xFFFF0000, v1  }
0x4c1: {  	v2 =	vmul.f32 v3, v2;
	v0 =	vmul.f32 v1, v0;
	_ =	sdelay $0x1  }
0x4c2: {  	v1 =	vadd.s32 $0x8000, v2;
	v0 =	vadd.s32 $0x8000, v0  }
0x4c3: {  	v1 =	vshrl.u32 v1, $0x10;
	v0 =	vand.u32 $0xFFFF0000, v0  }
0x4c4: {  	v0 =	vor.u32 v0, v1  }
0x4c5: {  	[tilespmem:s20+$0x20] =	vst v0  }
0x4c6: {  	v0 =	vld [tilespmem:s28+$0x30]  }
0x4c7: {  	v1 =	vld [tilespmem:s31+$0x30];
	_ =	sdelay $0x3  }
0x4c8: {  	v2 =	vshll.u32 v0, $0x10;
	v0 =	vand.u32 $0xFFFF0000, v0  }
0x4c9: {  	v3 =	vshll.u32 v1, $0x10;
	v1 =	vand.u32 $0xFFFF0000, v1  }
0x4ca: {  	v2 =	vmul.f32 v3, v2;
	v0 =	vmul.f32 v1, v0;
	_ =	sdelay $0x1  }
0x4cb: {  	v1 =	vadd.s32 $0x8000, v2;
	v0 =	vadd.s32 $0x8000, v0  }
0x4cc: {  	v1 =	vshrl.u32 v1, $0x10;
	v0 =	vand.u32 $0xFFFF0000, v0  }
0x4cd: {  	v0 =	vor.u32 v0, v1  }
0x4ce: {  	[tilespmem:s20+$0x30] =	vst v0  }
0x4cf: {  	v0 =	vld [tilespmem:s28+$0x40]  }
0x4d0: {  	v1 =	vld [tilespmem:s31+$0x40];
	_ =	sdelay $0x3  }
0x4d1: {  	v2 =	vshll.u32 v0, $0x10;
	v0 =	vand.u32 $0xFFFF0000, v0  }
0x4d2: {  	v3 =	vshll.u32 v1, $0x10;
	v1 =	vand.u32 $0xFFFF0000, v1  }
0x4d3: {  	v2 =	vmul.f32 v3, v2;
	v0 =	vmul.f32 v1, v0;
	_ =	sdelay $0x1  }
0x4d4: {  	v1 =	vadd.s32 $0x8000, v2;
	v0 =	vadd.s32 $0x8000, v0  }
0x4d5: {  	v1 =	vshrl.u32 v1, $0x10;
	v0 =	vand.u32 $0xFFFF0000, v0  }
0x4d6: {  	v0 =	vor.u32 v0, v1  }
0x4d7: {  	[tilespmem:s20+$0x40] =	vst v0  }
0x4d8: {  	v0 =	vld [tilespmem:s28+$0x50]  }
0x4d9: {  	v1 =	vld [tilespmem:s31+$0x50];
	_ =	sdelay $0x3  }
0x4da: {  	v2 =	vshll.u32 v0, $0x10;
	v0 =	vand.u32 $0xFFFF0000, v0  }
0x4db: {  	v3 =	vshll.u32 v1, $0x10;
	v1 =	vand.u32 $0xFFFF0000, v1  }
0x4dc: {  	v2 =	vmul.f32 v3, v2;
	v0 =	vmul.f32 v1, v0;
	_ =	sdelay $0x1  }
0x4dd: {  	v1 =	vadd.s32 $0x8000, v2;
	v0 =	vadd.s32 $0x8000, v0  }
0x4de: {  	v1 =	vshrl.u32 v1, $0x10;
	v0 =	vand.u32 $0xFFFF0000, v0  }
0x4df: {  	v0 =	vor.u32 v0, v1  }
0x4e0: {  	[tilespmem:s20+$0x50] =	vst v0  }
0x4e1: {  	v0 =	vld [tilespmem:s28+$0x60]  }
0x4e2: {  	v1 =	vld [tilespmem:s31+$0x60];
	_ =	sdelay $0x3  }
.Ltmp5:
0x4e3: {  	v2 =	vshll.u32 v0, $0x10;
	v0 =	vand.u32 $0xFFFF0000, v0;
	(pc) =	sbr.rel @p1 .LBB2_9-.Ltmp5, $3  }
0x4e4: {  	v3 =	vshll.u32 v1, $0x10;
	v1 =	vand.u32 $0xFFFF0000, v1  }
0x4e5: {  	v2 =	vmul.f32 v3, v2;
	v1 =	vmul.f32 v1, v0;
	_ =	sdelay $0x1  }
0x4e6: {  	s20 =	sadd.s32 $0x100, s20;
	v0 =	vadd.s32 $0x8000, v2;
	v1 =	vadd.s32 $0x8000, v1  }
0x4e7: {  	v0 =	vshrl.u32 v0, $0x10;
	v1 =	vand.u32 $0xFFFF0000, v1  }
0x4e8: {  	v0 =	vor.u32 v1, v0  }
0x4e9: {  	[tilespmem:s25+$0x60] =	vst v0  }
0x4ea: {  	v0 =	vld [tilespmem:s0+$0x70]  }
0x4eb: {  	v1 =	vld [tilespmem:s1+$0x70];
	_ =	sdelay $0x3  }
0x4ec: {  	v2 =	vshll.u32 v0, $0x10  }
0x4ed: {  	v0 =	vand.u32 $0xFFFF0000, v0;
	v3 =	vshll.u32 v1, $0x10;
	v1 =	vand.u32 $0xFFFF0000, v1  }
0x4ee: {  	v2 =	vmul.f32 v3, v2;
	v0 =	vmul.f32 v1, v0;
	_ =	sdelay $0x1  }
0x4ef: {  	s20 =	sadd.s32 s11, s12;
	v1 =	vadd.s32 $0x8000, v2;
	v0 =	vadd.s32 $0x8000, v0  }
0x4f0: {  	s0 =	sshll.u32 s20, $0x3;
	v1 =	vshrl.u32 v1, $0x10;
	v0 =	vand.u32 $0xFFFF0000, v0  }
0x4f1: {  	s0 =	sand.u32 $0x1FFFFF80, s0;
	v0 =	vor.u32 v0, v1  }
0x4f2: {  	s0 =	sadd.s32 s5, s0;
	[tilespmem:s25+$0x70] =	vst v0  }
0x4f3: {  	[hbm4b:s0+s2] =	stream.linear.scatter [tilespmem:s23], [sflag:$0xE], $0x1400, $0x38;
	[tilespmem:$0x17A20] =	vst v63  }
0x4f4: {  	s0 =	simm.s32 @!p0 $0xD  }
0x4f5: {  	_ =	swait.ge @!p0 [sflag:s0], $0x1400  }
0x4f6: {  	s17 =	simm.s32 @!p0 $0x7620;
	[sflag:s0] =	ssyncset.done @!p0 $0x0  }
0x4f7: {  	s1 =	simm.s32 @!p0 $0x50;
	[sflag:s0] =	ssyncadd.s32 @!p0 $0xFFFFEC00;
	s0 =	sadd.s32 @!p0 $0x230, s12  }
0x4f8: {  	[tilespmem:s17], [sflag:$0x3] =	stream.indirect.gather @!p0 [hbm4b:s4+s1], $0x40, s0, s1, $0xb8;
	[tilespmem:$0x17A20] =	vst v63  }
0x4f9: {  	s0 =	sadd.s32 @!p0 $0x2940, s12;
	s17 =	simm.s32 @!p0 $0xDA20  }
0x4fa: {  	[tilespmem:s17], [sflag:$0x8] =	stream.indirect.gather @!p0 [hbm4b:s4+s1], $0x40, s0, s1, $0xb8;
	[tilespmem:$0x17A20] =	vst v63  }
0x4fb: {  	_ =	swait.ge [sflag:s24], $0x1400  }
0x4fc: {  	[sflag:s24] =	ssyncset.done $0x0  }
0x4fd: {  	[sflag:s24] =	ssyncadd.s32 $0xFFFFEC00  }
0x4fe: {  	_ =	swait.ge [sflag:s26], $0x1400  }
0x4ff: {  	[sflag:s26] =	ssyncset.done $0x0  }
0x500: {  	s28 =	simm.s32 $0x9EA0;
	[sflag:s26] =	ssyncadd.s32 $0xFFFFEC00  }
0x501: {  	s31 =	simm.s32 $0x102A0;
	v0 =	vld [tilespmem:s28+$0xFFFFFF80]  }
0x502: {  	v1 =	vld [tilespmem:s31+$0xFFFFFF80];
	_ =	sdelay $0x3  }
0x503: {  	v2 =	vand.u32 $0xFFFF0000, v0  }
0x504: {  	v0 =	vshll.u32 v0, $0x10;
	v3 =	vshll.u32 v1, $0x10;
	v1 =	vand.u32 $0xFFFF0000, v1  }
0x505: {  	v0 =	vmul.f32 v3, v0;
	v1 =	vmul.f32 v1, v2;
	_ =	sdelay $0x1  }
0x506: {  	v0 =	vadd.s32 $0x8000, v0;
	v1 =	vadd.s32 $0x8000, v1  }
0x507: {  	v0 =	vshrl.u32 v0, $0x10;
	v1 =	vand.u32 $0xFFFF0000, v1  }
0x508: {  	s25 =	simm.s32 $0x166A0;
	v0 =	vor.u32 v1, v0  }
0x509: {  	[tilespmem:s25+$0xFFFFFF80] =	vst v0  }
0x50a: {  	v0 =	vld [tilespmem:s31+$0xFFFFFF90]  }
0x50b: {  	v1 =	vld [tilespmem:s28+$0xFFFFFF90];
	_ =	sdelay $0x3  }
0x50c: {  	v2 =	vshll.u32 v0, $0x10  }
0x50d: {  	v0 =	vand.u32 $0xFFFF0000, v0;
	v3 =	vshll.u32 v1, $0x10;
	v1 =	vand.u32 $0xFFFF0000, v1  }
0x50e: {  	v2 =	vmul.f32 v2, v3;
	v0 =	vmul.f32 v0, v1;
	_ =	sdelay $0x1  }
0x50f: {  	v1 =	vadd.s32 $0x8000, v2;
	v0 =	vadd.s32 $0x8000, v0  }
0x510: {  	v1 =	vshrl.u32 v1, $0x10;
	v0 =	vand.u32 $0xFFFF0000, v0  }
0x511: {  	v0 =	vor.u32 v0, v1  }
0x512: {  	[tilespmem:s25+$0xFFFFFF90] =	vst v0  }
0x513: {  	v0 =	vld [tilespmem:s28+$0xFFFFFFA0]  }
0x514: {  	v1 =	vld [tilespmem:s31+$0xFFFFFFA0];
	_ =	sdelay $0x3  }
0x515: {  	v2 =	vshll.u32 v0, $0x10  }
0x516: {  	v0 =	vand.u32 $0xFFFF0000, v0;
	v3 =	vshll.u32 v1, $0x10;
	v1 =	vand.u32 $0xFFFF0000, v1  }
0x517: {  	v2 =	vmul.f32 v3, v2;
	v0 =	vmul.f32 v1, v0;
	_ =	sdelay $0x1  }
0x518: {  	v1 =	vadd.s32 $0x8000, v2;
	v0 =	vadd.s32 $0x8000, v0  }
0x519: {  	v1 =	vshrl.u32 v1, $0x10;
	v0 =	vand.u32 $0xFFFF0000, v0  }
0x51a: {  	v0 =	vor.u32 v0, v1  }
0x51b: {  	[tilespmem:s25+$0xFFFFFFA0] =	vst v0  }
0x51c: {  	v0 =	vld [tilespmem:s28+$0xFFFFFFB0]  }
0x51d: {  	v1 =	vld [tilespmem:s31+$0xFFFFFFB0];
	_ =	sdelay $0x3  }
0x51e: {  	v2 =	vshll.u32 v0, $0x10  }
0x51f: {  	v0 =	vand.u32 $0xFFFF0000, v0;
	v3 =	vshll.u32 v1, $0x10;
	v1 =	vand.u32 $0xFFFF0000, v1  }
0x520: {  	v2 =	vmul.f32 v3, v2;
	v0 =	vmul.f32 v1, v0;
	_ =	sdelay $0x1  }
0x521: {  	v1 =	vadd.s32 $0x8000, v2;
	v0 =	vadd.s32 $0x8000, v0  }
0x522: {  	v1 =	vshrl.u32 v1, $0x10;
	v0 =	vand.u32 $0xFFFF0000, v0  }
0x523: {  	v0 =	vor.u32 v0, v1  }
0x524: {  	[tilespmem:s25+$0xFFFFFFB0] =	vst v0  }
0x525: {  	v0 =	vld [tilespmem:s28+$0xFFFFFFC0]  }
0x526: {  	v1 =	vld [tilespmem:s31+$0xFFFFFFC0];
	_ =	sdelay $0x3  }
0x527: {  	v2 =	vshll.u32 v0, $0x10  }
0x528: {  	v0 =	vand.u32 $0xFFFF0000, v0;
	v3 =	vshll.u32 v1, $0x10;
	v1 =	vand.u32 $0xFFFF0000, v1  }
0x529: {  	v2 =	vmul.f32 v3, v2;
	v0 =	vmul.f32 v1, v0;
	_ =	sdelay $0x1  }
0x52a: {  	v1 =	vadd.s32 $0x8000, v2;
	v0 =	vadd.s32 $0x8000, v0  }
0x52b: {  	v1 =	vshrl.u32 v1, $0x10;
	v0 =	vand.u32 $0xFFFF0000, v0  }
0x52c: {  	v0 =	vor.u32 v0, v1  }
0x52d: {  	[tilespmem:s25+$0xFFFFFFC0] =	vst v0  }
0x52e: {  	v0 =	vld [tilespmem:s28+$0xFFFFFFD0]  }
0x52f: {  	v1 =	vld [tilespmem:s31+$0xFFFFFFD0];
	_ =	sdelay $0x3  }
0x530: {  	v2 =	vshll.u32 v0, $0x10  }
0x531: {  	v0 =	vand.u32 $0xFFFF0000, v0;
	v3 =	vshll.u32 v1, $0x10;
	v1 =	vand.u32 $0xFFFF0000, v1  }
0x532: {  	v2 =	vmul.f32 v3, v2;
	v0 =	vmul.f32 v1, v0;
	_ =	sdelay $0x1  }
0x533: {  	v1 =	vadd.s32 $0x8000, v2;
	v0 =	vadd.s32 $0x8000, v0  }
0x534: {  	v1 =	vshrl.u32 v1, $0x10;
	v0 =	vand.u32 $0xFFFF0000, v0  }
0x535: {  	v0 =	vor.u32 v0, v1  }
0x536: {  	[tilespmem:s25+$0xFFFFFFD0] =	vst v0  }
0x537: {  	v0 =	vld [tilespmem:s28+$0xFFFFFFE0]  }
0x538: {  	v1 =	vld [tilespmem:s31+$0xFFFFFFE0];
	_ =	sdelay $0x3  }
0x539: {  	v2 =	vshll.u32 v0, $0x10  }
0x53a: {  	v0 =	vand.u32 $0xFFFF0000, v0;
	v3 =	vshll.u32 v1, $0x10;
	v1 =	vand.u32 $0xFFFF0000, v1  }
0x53b: {  	v2 =	vmul.f32 v3, v2;
	v0 =	vmul.f32 v1, v0;
	_ =	sdelay $0x1  }
0x53c: {  	v1 =	vadd.s32 $0x8000, v2;
	v0 =	vadd.s32 $0x8000, v0  }
0x53d: {  	v1 =	vshrl.u32 v1, $0x10;
	v0 =	vand.u32 $0xFFFF0000, v0  }
0x53e: {  	v0 =	vor.u32 v0, v1  }
0x53f: {  	[tilespmem:s25+$0xFFFFFFE0] =	vst v0  }
0x540: {  	v0 =	vld [tilespmem:s28+$0xFFFFFFF0]  }
0x541: {  	v1 =	vld [tilespmem:s31+$0xFFFFFFF0];
	_ =	sdelay $0x3  }
0x542: {  	v2 =	vshll.u32 v0, $0x10  }
0x543: {  	v0 =	vand.u32 $0xFFFF0000, v0;
	v3 =	vshll.u32 v1, $0x10;
	v1 =	vand.u32 $0xFFFF0000, v1  }
0x544: {  	v2 =	vmul.f32 v3, v2;
	v0 =	vmul.f32 v1, v0;
	_ =	sdelay $0x1  }
0x545: {  	v1 =	vadd.s32 $0x8000, v2;
	v0 =	vadd.s32 $0x8000, v0  }
0x546: {  	v1 =	vshrl.u32 v1, $0x10;
	v0 =	vand.u32 $0xFFFF0000, v0  }
0x547: {  	v0 =	vor.u32 v0, v1  }
0x548: {  	[tilespmem:s25+$0xFFFFFFF0] =	vst v0  }
0x549: {  	v0 =	vld [tilespmem:s28+$0x0]  }
0x54a: {  	v1 =	vld [tilespmem:s31+$0x0];
	_ =	sdelay $0x3  }
0x54b: {  	v2 =	vshll.u32 v0, $0x10  }
0x54c: {  	v0 =	vand.u32 $0xFFFF0000, v0;
	v3 =	vshll.u32 v1, $0x10;
	v1 =	vand.u32 $0xFFFF0000, v1  }
0x54d: {  	v2 =	vmul.f32 v3, v2;
	v0 =	vmul.f32 v1, v0;
	_ =	sdelay $0x1  }
0x54e: {  	v1 =	vadd.s32 $0x8000, v2;
	v0 =	vadd.s32 $0x8000, v0  }
0x54f: {  	v1 =	vshrl.u32 v1, $0x10;
	v0 =	vand.u32 $0xFFFF0000, v0  }
0x550: {  	v0 =	vor.u32 v0, v1  }
0x551: {  	[tilespmem:s25+$0x0] =	vst v0  }
0x552: {  	v0 =	vld [tilespmem:s28+$0x10]  }
0x553: {  	v1 =	vld [tilespmem:s31+$0x10];
	_ =	sdelay $0x3  }
0x554: {  	v2 =	vshll.u32 v0, $0x10  }
0x555: {  	v0 =	vand.u32 $0xFFFF0000, v0;
	v3 =	vshll.u32 v1, $0x10;
	v1 =	vand.u32 $0xFFFF0000, v1  }
0x556: {  	v2 =	vmul.f32 v3, v2;
	v0 =	vmul.f32 v1, v0;
	_ =	sdelay $0x1  }
0x557: {  	v1 =	vadd.s32 $0x8000, v2;
	v0 =	vadd.s32 $0x8000, v0  }
0x558: {  	v1 =	vshrl.u32 v1, $0x10;
	v0 =	vand.u32 $0xFFFF0000, v0  }
0x559: {  	v0 =	vor.u32 v0, v1  }
0x55a: {  	[tilespmem:s25+$0x10] =	vst v0  }
0x55b: {  	v0 =	vld [tilespmem:s28+$0x20]  }
0x55c: {  	v1 =	vld [tilespmem:s31+$0x20];
	_ =	sdelay $0x3  }
0x55d: {  	v2 =	vshll.u32 v0, $0x10  }
0x55e: {  	v0 =	vand.u32 $0xFFFF0000, v0;
	v3 =	vshll.u32 v1, $0x10;
	v1 =	vand.u32 $0xFFFF0000, v1  }
0x55f: {  	v2 =	vmul.f32 v3, v2;
	v0 =	vmul.f32 v1, v0;
	_ =	sdelay $0x1  }
0x560: {  	v1 =	vadd.s32 $0x8000, v2;
	v0 =	vadd.s32 $0x8000, v0  }
0x561: {  	v1 =	vshrl.u32 v1, $0x10;
	v0 =	vand.u32 $0xFFFF0000, v0  }
0x562: {  	v0 =	vor.u32 v0, v1  }
0x563: {  	[tilespmem:s25+$0x20] =	vst v0  }
0x564: {  	v0 =	vld [tilespmem:s28+$0x30]  }
0x565: {  	v1 =	vld [tilespmem:s31+$0x30];
	_ =	sdelay $0x3  }
0x566: {  	v2 =	vshll.u32 v0, $0x10  }
0x567: {  	v0 =	vand.u32 $0xFFFF0000, v0;
	v3 =	vshll.u32 v1, $0x10;
	v1 =	vand.u32 $0xFFFF0000, v1  }
0x568: {  	v2 =	vmul.f32 v3, v2;
	v0 =	vmul.f32 v1, v0;
	_ =	sdelay $0x1  }
0x569: {  	v1 =	vadd.s32 $0x8000, v2;
	v0 =	vadd.s32 $0x8000, v0  }
0x56a: {  	v1 =	vshrl.u32 v1, $0x10;
	v0 =	vand.u32 $0xFFFF0000, v0  }
0x56b: {  	v0 =	vor.u32 v0, v1  }
0x56c: {  	[tilespmem:s25+$0x30] =	vst v0  }
0x56d: {  	v0 =	vld [tilespmem:s28+$0x40]  }
0x56e: {  	v1 =	vld [tilespmem:s31+$0x40];
	_ =	sdelay $0x3  }
0x56f: {  	v2 =	vshll.u32 v0, $0x10  }
0x570: {  	v0 =	vand.u32 $0xFFFF0000, v0;
	v3 =	vshll.u32 v1, $0x10;
	v1 =	vand.u32 $0xFFFF0000, v1  }
0x571: {  	v2 =	vmul.f32 v3, v2;
	v0 =	vmul.f32 v1, v0;
	_ =	sdelay $0x1  }
0x572: {  	v1 =	vadd.s32 $0x8000, v2;
	v0 =	vadd.s32 $0x8000, v0  }
0x573: {  	v1 =	vshrl.u32 v1, $0x10;
	v0 =	vand.u32 $0xFFFF0000, v0  }
0x574: {  	v0 =	vor.u32 v0, v1  }
0x575: {  	[tilespmem:s25+$0x40] =	vst v0  }
0x576: {  	v0 =	vld [tilespmem:s28+$0x50]  }
0x577: {  	v1 =	vld [tilespmem:s31+$0x50];
	_ =	sdelay $0x3  }
0x578: {  	v2 =	vshll.u32 v0, $0x10  }
0x579: {  	v0 =	vand.u32 $0xFFFF0000, v0;
	v3 =	vshll.u32 v1, $0x10;
	v1 =	vand.u32 $0xFFFF0000, v1  }
0x57a: {  	v2 =	vmul.f32 v3, v2;
	v0 =	vmul.f32 v1, v0;
	_ =	sdelay $0x1  }
0x57b: {  	v1 =	vadd.s32 $0x8000, v2;
	v0 =	vadd.s32 $0x8000, v0  }
0x57c: {  	v1 =	vshrl.u32 v1, $0x10;
	v0 =	vand.u32 $0xFFFF0000, v0  }
0x57d: {  	v0 =	vor.u32 v0, v1  }
0x57e: {  	[tilespmem:s25+$0x50] =	vst v0  }
0x57f: {  	v0 =	vld [tilespmem:s28+$0x60]  }
0x580: {  	v1 =	vld [tilespmem:s31+$0x60];
	_ =	sdelay $0x3  }
0x581: {  	v2 =	vshll.u32 v0, $0x10  }
0x582: {  	v0 =	vand.u32 $0xFFFF0000, v0;
	v3 =	vshll.u32 v1, $0x10;
	v1 =	vand.u32 $0xFFFF0000, v1  }
0x583: {  	v2 =	vmul.f32 v3, v2;
	v1 =	vmul.f32 v1, v0  }
0x584: {  	s20 =	simm.s32 $0x167A0  }
0x585: {  	s17 =	simm.s32 $0x0;
	s0 =	simm.s32 $0x9EA0;
	s1 =	simm.s32 $0x102A0;
	v0 =	vadd.s32 $0x8000, v2;
	v1 =	vadd.s32 $0x8000, v1  }
.LBB2_11:
0x586: {  	s17 =	sadd.s32 $0x2, s17;
	v0 =	vshrl.u32 v0, $0x10;
	v1 =	vand.u32 $0xFFFF0000, v1;
	s31 =	sadd.s32 $0x100, s31;
	s28 =	sadd.s32 $0x100, s28  }
0x587: {  	p1 =	slt.u32 s17, $0x26;
	v0 =	vor.u32 v1, v0  }
0x588: {  	[tilespmem:s25+$0x60] =	vst v0  }
0x589: {  	v0 =	vld [tilespmem:s0+$0x70];
	s0 =	smov.u32 s28  }
0x58a: {  	v1 =	vld [tilespmem:s1+$0x70];
	s1 =	smov.u32 s31;
	_ =	sdelay $0x3  }
0x58b: {  	v2 =	vshll.u32 v0, $0x10;
	v0 =	vand.u32 $0xFFFF0000, v0  }
0x58c: {  	v3 =	vshll.u32 v1, $0x10;
	v1 =	vand.u32 $0xFFFF0000, v1  }
0x58d: {  	v2 =	vmul.f32 v3, v2;
	v0 =	vmul.f32 v1, v0;
	_ =	sdelay $0x1  }
0x58e: {  	v1 =	vadd.s32 $0x8000, v2;
	v0 =	vadd.s32 $0x8000, v0  }
0x58f: {  	v1 =	vshrl.u32 v1, $0x10;
	v0 =	vand.u32 $0xFFFF0000, v0  }
0x590: {  	v0 =	vor.u32 v0, v1  }
0x591: {  	[tilespmem:s25+$0x70] =	vst v0;
	s25 =	smov.u32 s20  }
0x592: {  	v0 =	vld [tilespmem:s28+$0xFFFFFF80]  }
0x593: {  	v1 =	vld [tilespmem:s31+$0xFFFFFF80];
	_ =	sdelay $0x3  }
0x594: {  	v2 =	vand.u32 $0xFFFF0000, v0  }
0x595: {  	v0 =	vshll.u32 v0, $0x10;
	v3 =	vshll.u32 v1, $0x10;
	v1 =	vand.u32 $0xFFFF0000, v1  }
0x596: {  	v0 =	vmul.f32 v3, v0;
	v1 =	vmul.f32 v1, v2;
	_ =	sdelay $0x1  }
0x597: {  	v0 =	vadd.s32 $0x8000, v0;
	v1 =	vadd.s32 $0x8000, v1  }
0x598: {  	v0 =	vshrl.u32 v0, $0x10;
	v1 =	vand.u32 $0xFFFF0000, v1  }
0x599: {  	v0 =	vor.u32 v1, v0  }
0x59a: {  	[tilespmem:s20+$0xFFFFFF80] =	vst v0  }
0x59b: {  	v0 =	vld [tilespmem:s31+$0xFFFFFF90]  }
0x59c: {  	v1 =	vld [tilespmem:s28+$0xFFFFFF90];
	_ =	sdelay $0x3  }
0x59d: {  	v2 =	vshll.u32 v0, $0x10;
	v0 =	vand.u32 $0xFFFF0000, v0  }
0x59e: {  	v3 =	vshll.u32 v1, $0x10;
	v1 =	vand.u32 $0xFFFF0000, v1  }
0x59f: {  	v2 =	vmul.f32 v2, v3;
	v0 =	vmul.f32 v0, v1;
	_ =	sdelay $0x1  }
0x5a0: {  	v1 =	vadd.s32 $0x8000, v2;
	v0 =	vadd.s32 $0x8000, v0  }
0x5a1: {  	v1 =	vshrl.u32 v1, $0x10;
	v0 =	vand.u32 $0xFFFF0000, v0  }
0x5a2: {  	v0 =	vor.u32 v0, v1  }
0x5a3: {  	[tilespmem:s20+$0xFFFFFF90] =	vst v0  }
0x5a4: {  	v0 =	vld [tilespmem:s28+$0xFFFFFFA0]  }
0x5a5: {  	v1 =	vld [tilespmem:s31+$0xFFFFFFA0];
	_ =	sdelay $0x3  }
0x5a6: {  	v2 =	vshll.u32 v0, $0x10;
	v0 =	vand.u32 $0xFFFF0000, v0  }
0x5a7: {  	v3 =	vshll.u32 v1, $0x10;
	v1 =	vand.u32 $0xFFFF0000, v1  }
0x5a8: {  	v2 =	vmul.f32 v3, v2;
	v0 =	vmul.f32 v1, v0;
	_ =	sdelay $0x1  }
0x5a9: {  	v1 =	vadd.s32 $0x8000, v2;
	v0 =	vadd.s32 $0x8000, v0  }
0x5aa: {  	v1 =	vshrl.u32 v1, $0x10;
	v0 =	vand.u32 $0xFFFF0000, v0  }
0x5ab: {  	v0 =	vor.u32 v0, v1  }
0x5ac: {  	[tilespmem:s20+$0xFFFFFFA0] =	vst v0  }
0x5ad: {  	v0 =	vld [tilespmem:s28+$0xFFFFFFB0]  }
0x5ae: {  	v1 =	vld [tilespmem:s31+$0xFFFFFFB0];
	_ =	sdelay $0x3  }
0x5af: {  	v2 =	vshll.u32 v0, $0x10;
	v0 =	vand.u32 $0xFFFF0000, v0  }
0x5b0: {  	v3 =	vshll.u32 v1, $0x10;
	v1 =	vand.u32 $0xFFFF0000, v1  }
0x5b1: {  	v2 =	vmul.f32 v3, v2;
	v0 =	vmul.f32 v1, v0;
	_ =	sdelay $0x1  }
0x5b2: {  	v1 =	vadd.s32 $0x8000, v2;
	v0 =	vadd.s32 $0x8000, v0  }
0x5b3: {  	v1 =	vshrl.u32 v1, $0x10;
	v0 =	vand.u32 $0xFFFF0000, v0  }
0x5b4: {  	v0 =	vor.u32 v0, v1  }
0x5b5: {  	[tilespmem:s20+$0xFFFFFFB0] =	vst v0  }
0x5b6: {  	v0 =	vld [tilespmem:s28+$0xFFFFFFC0]  }
0x5b7: {  	v1 =	vld [tilespmem:s31+$0xFFFFFFC0];
	_ =	sdelay $0x3  }
0x5b8: {  	v2 =	vshll.u32 v0, $0x10;
	v0 =	vand.u32 $0xFFFF0000, v0  }
0x5b9: {  	v3 =	vshll.u32 v1, $0x10;
	v1 =	vand.u32 $0xFFFF0000, v1  }
0x5ba: {  	v2 =	vmul.f32 v3, v2;
	v0 =	vmul.f32 v1, v0;
	_ =	sdelay $0x1  }
0x5bb: {  	v1 =	vadd.s32 $0x8000, v2;
	v0 =	vadd.s32 $0x8000, v0  }
0x5bc: {  	v1 =	vshrl.u32 v1, $0x10;
	v0 =	vand.u32 $0xFFFF0000, v0  }
0x5bd: {  	v0 =	vor.u32 v0, v1  }
0x5be: {  	[tilespmem:s20+$0xFFFFFFC0] =	vst v0  }
0x5bf: {  	v0 =	vld [tilespmem:s28+$0xFFFFFFD0]  }
0x5c0: {  	v1 =	vld [tilespmem:s31+$0xFFFFFFD0];
	_ =	sdelay $0x3  }
0x5c1: {  	v2 =	vshll.u32 v0, $0x10;
	v0 =	vand.u32 $0xFFFF0000, v0  }
0x5c2: {  	v3 =	vshll.u32 v1, $0x10;
	v1 =	vand.u32 $0xFFFF0000, v1  }
0x5c3: {  	v2 =	vmul.f32 v3, v2;
	v0 =	vmul.f32 v1, v0;
	_ =	sdelay $0x1  }
0x5c4: {  	v1 =	vadd.s32 $0x8000, v2;
	v0 =	vadd.s32 $0x8000, v0  }
0x5c5: {  	v1 =	vshrl.u32 v1, $0x10;
	v0 =	vand.u32 $0xFFFF0000, v0  }
0x5c6: {  	v0 =	vor.u32 v0, v1  }
0x5c7: {  	[tilespmem:s20+$0xFFFFFFD0] =	vst v0  }
0x5c8: {  	v0 =	vld [tilespmem:s28+$0xFFFFFFE0]  }
0x5c9: {  	v1 =	vld [tilespmem:s31+$0xFFFFFFE0];
	_ =	sdelay $0x3  }
0x5ca: {  	v2 =	vshll.u32 v0, $0x10;
	v0 =	vand.u32 $0xFFFF0000, v0  }
0x5cb: {  	v3 =	vshll.u32 v1, $0x10;
	v1 =	vand.u32 $0xFFFF0000, v1  }
0x5cc: {  	v2 =	vmul.f32 v3, v2;
	v0 =	vmul.f32 v1, v0;
	_ =	sdelay $0x1  }
0x5cd: {  	v1 =	vadd.s32 $0x8000, v2;
	v0 =	vadd.s32 $0x8000, v0  }
0x5ce: {  	v1 =	vshrl.u32 v1, $0x10;
	v0 =	vand.u32 $0xFFFF0000, v0  }
0x5cf: {  	v0 =	vor.u32 v0, v1  }
0x5d0: {  	[tilespmem:s20+$0xFFFFFFE0] =	vst v0  }
0x5d1: {  	v0 =	vld [tilespmem:s28+$0xFFFFFFF0]  }
0x5d2: {  	v1 =	vld [tilespmem:s31+$0xFFFFFFF0];
	_ =	sdelay $0x3  }
0x5d3: {  	v2 =	vshll.u32 v0, $0x10;
	v0 =	vand.u32 $0xFFFF0000, v0  }
0x5d4: {  	v3 =	vshll.u32 v1, $0x10;
	v1 =	vand.u32 $0xFFFF0000, v1  }
0x5d5: {  	v2 =	vmul.f32 v3, v2;
	v0 =	vmul.f32 v1, v0;
	_ =	sdelay $0x1  }
0x5d6: {  	v1 =	vadd.s32 $0x8000, v2;
	v0 =	vadd.s32 $0x8000, v0  }
0x5d7: {  	v1 =	vshrl.u32 v1, $0x10;
	v0 =	vand.u32 $0xFFFF0000, v0  }
0x5d8: {  	v0 =	vor.u32 v0, v1  }
0x5d9: {  	[tilespmem:s20+$0xFFFFFFF0] =	vst v0  }
0x5da: {  	v0 =	vld [tilespmem:s28+$0x0]  }
0x5db: {  	v1 =	vld [tilespmem:s31+$0x0];
	_ =	sdelay $0x3  }
0x5dc: {  	v2 =	vshll.u32 v0, $0x10;
	v0 =	vand.u32 $0xFFFF0000, v0  }
0x5dd: {  	v3 =	vshll.u32 v1, $0x10;
	v1 =	vand.u32 $0xFFFF0000, v1  }
0x5de: {  	v2 =	vmul.f32 v3, v2;
	v0 =	vmul.f32 v1, v0;
	_ =	sdelay $0x1  }
0x5df: {  	v1 =	vadd.s32 $0x8000, v2;
	v0 =	vadd.s32 $0x8000, v0  }
0x5e0: {  	v1 =	vshrl.u32 v1, $0x10;
	v0 =	vand.u32 $0xFFFF0000, v0  }
0x5e1: {  	v0 =	vor.u32 v0, v1  }
0x5e2: {  	[tilespmem:s20+$0x0] =	vst v0  }
0x5e3: {  	v0 =	vld [tilespmem:s28+$0x10]  }
0x5e4: {  	v1 =	vld [tilespmem:s31+$0x10];
	_ =	sdelay $0x3  }
0x5e5: {  	v2 =	vshll.u32 v0, $0x10;
	v0 =	vand.u32 $0xFFFF0000, v0  }
0x5e6: {  	v3 =	vshll.u32 v1, $0x10;
	v1 =	vand.u32 $0xFFFF0000, v1  }
0x5e7: {  	v2 =	vmul.f32 v3, v2;
	v0 =	vmul.f32 v1, v0;
	_ =	sdelay $0x1  }
0x5e8: {  	v1 =	vadd.s32 $0x8000, v2;
	v0 =	vadd.s32 $0x8000, v0  }
0x5e9: {  	v1 =	vshrl.u32 v1, $0x10;
	v0 =	vand.u32 $0xFFFF0000, v0  }
0x5ea: {  	v0 =	vor.u32 v0, v1  }
0x5eb: {  	[tilespmem:s20+$0x10] =	vst v0  }
0x5ec: {  	v0 =	vld [tilespmem:s28+$0x20]  }
0x5ed: {  	v1 =	vld [tilespmem:s31+$0x20];
	_ =	sdelay $0x3  }
0x5ee: {  	v2 =	vshll.u32 v0, $0x10;
	v0 =	vand.u32 $0xFFFF0000, v0  }
0x5ef: {  	v3 =	vshll.u32 v1, $0x10;
	v1 =	vand.u32 $0xFFFF0000, v1  }
0x5f0: {  	v2 =	vmul.f32 v3, v2;
	v0 =	vmul.f32 v1, v0;
	_ =	sdelay $0x1  }
0x5f1: {  	v1 =	vadd.s32 $0x8000, v2;
	v0 =	vadd.s32 $0x8000, v0  }
0x5f2: {  	v1 =	vshrl.u32 v1, $0x10;
	v0 =	vand.u32 $0xFFFF0000, v0  }
0x5f3: {  	v0 =	vor.u32 v0, v1  }
0x5f4: {  	[tilespmem:s20+$0x20] =	vst v0  }
0x5f5: {  	v0 =	vld [tilespmem:s28+$0x30]  }
0x5f6: {  	v1 =	vld [tilespmem:s31+$0x30];
	_ =	sdelay $0x3  }
0x5f7: {  	v2 =	vshll.u32 v0, $0x10;
	v0 =	vand.u32 $0xFFFF0000, v0  }
0x5f8: {  	v3 =	vshll.u32 v1, $0x10;
	v1 =	vand.u32 $0xFFFF0000, v1  }
0x5f9: {  	v2 =	vmul.f32 v3, v2;
	v0 =	vmul.f32 v1, v0;
	_ =	sdelay $0x1  }
0x5fa: {  	v1 =	vadd.s32 $0x8000, v2;
	v0 =	vadd.s32 $0x8000, v0  }
0x5fb: {  	v1 =	vshrl.u32 v1, $0x10;
	v0 =	vand.u32 $0xFFFF0000, v0  }
0x5fc: {  	v0 =	vor.u32 v0, v1  }
0x5fd: {  	[tilespmem:s20+$0x30] =	vst v0  }
0x5fe: {  	v0 =	vld [tilespmem:s28+$0x40]  }
0x5ff: {  	v1 =	vld [tilespmem:s31+$0x40];
	_ =	sdelay $0x3  }
0x600: {  	v2 =	vshll.u32 v0, $0x10;
	v0 =	vand.u32 $0xFFFF0000, v0  }
0x601: {  	v3 =	vshll.u32 v1, $0x10;
	v1 =	vand.u32 $0xFFFF0000, v1  }
0x602: {  	v2 =	vmul.f32 v3, v2;
	v0 =	vmul.f32 v1, v0;
	_ =	sdelay $0x1  }
0x603: {  	v1 =	vadd.s32 $0x8000, v2;
	v0 =	vadd.s32 $0x8000, v0  }
0x604: {  	v1 =	vshrl.u32 v1, $0x10;
	v0 =	vand.u32 $0xFFFF0000, v0  }
0x605: {  	v0 =	vor.u32 v0, v1  }
0x606: {  	[tilespmem:s20+$0x40] =	vst v0  }
0x607: {  	v0 =	vld [tilespmem:s28+$0x50]  }
0x608: {  	v1 =	vld [tilespmem:s31+$0x50];
	_ =	sdelay $0x3  }
0x609: {  	v2 =	vshll.u32 v0, $0x10;
	v0 =	vand.u32 $0xFFFF0000, v0  }
0x60a: {  	v3 =	vshll.u32 v1, $0x10;
	v1 =	vand.u32 $0xFFFF0000, v1  }
0x60b: {  	v2 =	vmul.f32 v3, v2;
	v0 =	vmul.f32 v1, v0;
	_ =	sdelay $0x1  }
0x60c: {  	v1 =	vadd.s32 $0x8000, v2;
	v0 =	vadd.s32 $0x8000, v0  }
0x60d: {  	v1 =	vshrl.u32 v1, $0x10;
	v0 =	vand.u32 $0xFFFF0000, v0  }
0x60e: {  	v0 =	vor.u32 v0, v1  }
0x60f: {  	[tilespmem:s20+$0x50] =	vst v0  }
0x610: {  	v0 =	vld [tilespmem:s28+$0x60]  }
0x611: {  	v1 =	vld [tilespmem:s31+$0x60];
	_ =	sdelay $0x3  }
.Ltmp6:
0x612: {  	v2 =	vshll.u32 v0, $0x10;
	v0 =	vand.u32 $0xFFFF0000, v0;
	(pc) =	sbr.rel @p1 .LBB2_11-.Ltmp6, $3  }
0x613: {  	v3 =	vshll.u32 v1, $0x10;
	v1 =	vand.u32 $0xFFFF0000, v1  }
0x614: {  	v2 =	vmul.f32 v3, v2;
	v1 =	vmul.f32 v1, v0;
	_ =	sdelay $0x1  }
0x615: {  	s20 =	sadd.s32 $0x100, s20;
	v0 =	vadd.s32 $0x8000, v2;
	v1 =	vadd.s32 $0x8000, v1  }
0x616: {  	v0 =	vshrl.u32 v0, $0x10;
	v1 =	vand.u32 $0xFFFF0000, v1  }
0x617: {  	v0 =	vor.u32 v1, v0  }
0x618: {  	[tilespmem:s25+$0x60] =	vst v0  }
0x619: {  	v0 =	vld [tilespmem:s0+$0x70]  }
0x61a: {  	v62 =	vld [tilespmem:s1+$0x70];
	_ =	sdelay $0x3  }
0x61b: {  	v2 =	vshll.u32 v0, $0x10  }
0x61c: {  	v0 =	vand.u32 $0xFFFF0000, v0;
	v3 =	vshll.u32 v62, $0x10;
	v1 =	vand.u32 $0xFFFF0000, v62  }
0x61d: {  	v2 =	vmul.f32 v3, v2;
	v0 =	vmul.f32 v1, v0;
	_ =	sdelay $0x1  }
.Ltmp7:
0x61e: {  	s31 =	sadd.s32 s3, s8;
	v63 =	vadd.s32 $0x8000, v2;
	v0 =	vadd.s32 $0x8000, v0;
	(pc) =	sbr.rel @p0 .LBB2_14-.Ltmp7, $4  }
0x61f: {  	s0 =	sshll.u32 s31, $0x3;
	v1 =	vshrl.u32 v63, $0x10;
	v0 =	vand.u32 $0xFFFF0000, v0  }
0x620: {  	s0 =	sand.u32 $0x1FFFFF80, s0;
	v0 =	vor.u32 v0, v1  }
0x621: {  	s0 =	sadd.s32 s5, s0;
	[tilespmem:s25+$0x70] =	vst v0  }
0x622: {  	[hbm4b:s0+s2] =	stream.linear.scatter [tilespmem:s13], [sflag:$0xF], $0x1400, $0x38;
	[tilespmem:$0x17A20] =	vst v63  }
0x623: {  	_ =	swait.ge [sflag:s6], $0x1400  }
.Ltmp8:
0x624: {  	[sflag:s6] =	ssyncset.done $0x0;
	(pc) =	sbr.rel .LBB2_2-.Ltmp8, $4  }
0x625: {  	s0 =	sadd.s32 $0x280, s12;
	s1 =	simm.s32 $0x8A20;
	[sflag:s6] =	ssyncadd.s32 $0xFFFFEC00  }
0x626: {  	[tilespmem:s1], [sflag:$0x4] =	stream.indirect.gather [hbm4b:s4+s14], $0x40, s0, s14, $0xb8;
	[tilespmem:$0x17A20] =	vst v63  }
0x627: {  	s28 =	sadd.s32 $0x2990, s12;
	s31 =	simm.s32 $0xEE20;
	s7 =	sadd.s32 $0x1, s7  }
0x628: {  	[tilespmem:s31], [sflag:$0x9] =	stream.indirect.gather [hbm4b:s4+s14], $0x40, s28, s14, $0xb8;
	[tilespmem:$0x17A20] =	vst v63  }
.LBB2_15:
0x629: {  	_ =	sfence.sel $0x180000  }
0x62a: {  	[bflag:$0x0] =	sbarrier.arrive $0xFFFF  }
0x62b: {  	_ =	strace $0x90000047  }
0x62c: {  	s0 =	stileid.u32;
	[bflag:$0x2] =	sbarrier.arrive $0xFFFF  }
0x62d: {  	p0 =	sne.s32 s0, $0x0;
	s0 =	rddreg [dreg:$0x1]  }
0x62e: {  	s0 =	sadd.s32 @!p0 $0x100000, s0  }
0x62f: {  	[sflag:s0] =	ssyncadd.tile.s32 @!p0 $0x1;
	_ =	shalt  }
.Lfunc_end2:
_tile_overlayer_lowered:
.L_overlay_start_2:
0x630: {  	(tag) =	ssettag $0x2  }
0x631: {  	s0 =	rddreg [dreg:$0x0];
	s2 =	stileid.u32  }
0x632: {  	s1 =	rddreg [dreg:$0x1];
	p0 =	sne.s32 s2, $0x0  }
0x633: {  	s3 =	rddreg [dreg:$0x2];
	[bflag:$0x3] =	sbarrier.arrive $0xFFFF;
	s2 =	simm.s32 @!p0 $0x1C10  }
0x634: {  	[timem:s3], [sflag:s2] =	dma.local @!p0 [hbm:s0], s1  }
0x635: {  	s0 =	simm.s32 @!p0 $0x10  }
0x636: {  	_ =	swait.ge @!p0 [sflag:s0], s1  }
0x637: {  	s1 =	ssub.s32 @!p0 $0x0, s1;
	[sflag:s0] =	ssyncset.done @!p0 $0x0  }
0x638: {  	[sflag:s0] =	ssyncadd.s32 @!p0 s1  }
0x639: {  	[bflag:$0x3] =	sbarrier.arrive $0xFFFF  }
0x63a: {  	_ =	shalt  }

</sc_bundles>
